<compile_context>
chip_gen: v7x
topology: tpu7x:2x2x1
jax: 0.10.2.dev20260603
libtpu: 0.0.44.dev20260713+nightly
codegen_flags: <defaults>
</compile_context>

<pallas_src>
import functools

import jax
import jax.numpy as jnp
from jax import lax
from jax.experimental import pallas as pl
from jax.experimental.pallas import tpu as pltpu
from jax.experimental.pallas import tpu_sc as plsc

N = 10000
E = 320000
DIN = 128
OD = 64
H = 4

NACC = 10240
BN = 1000

C1 = 64
CHUNKS1 = 314
EP1 = 16 * CHUNKS1 * C1 + 2 * C1
C2 = 128
CHUNKS2 = 80
HALF2 = 16 * CHUNKS2 * C2
EP2 = 2 * HALF2 + 2 * C2

_f32 = jnp.float32
_i32 = jnp.int32


def _z(i):
    return i * 0



def _tc1_body(x_ref, w_ref, att_ref, hp_ref, al_ref):
    h = jnp.dot(x_ref[:], w_ref[:], preferred_element_type=_f32)
    h4 = h.reshape(BN, H, OD)
    att = att_ref[:]
    asrc = jnp.sum(h4 * att[:H][None], axis=-1)
    adst = jnp.sum(h4 * att[H:][None], axis=-1)
    hp_ref[0] = h[:, :DIN]
    hp_ref[1] = h[:, DIN:]
    al_ref[:] = jnp.concatenate([asrc, adst], axis=1)


def _tc2_body(acc_ref, b1_ref, w2_ref, att2_ref, h2_ref, a2_ref):
    acc = acc_ref[:]
    num = jnp.concatenate([acc[0][:, :DIN], acc[1][:, :DIN]], axis=1)
    den = jnp.concatenate([acc[0][:, DIN:DIN + 2], acc[1][:, DIN:DIN + 2]],
                          axis=1)
    den = jnp.broadcast_to(den[:, :, None], (BN, H, OD)).reshape(BN, H * OD)
    x1 = num / (den + 1e-16) + b1_ref[0][None]
    x1 = jnp.where(x1 > 0, x1, jnp.exp(x1) - 1.0)
    h2 = jnp.dot(x1, w2_ref[:], preferred_element_type=_f32)
    att2 = att2_ref[:]
    asrc2 = jnp.sum(h2 * att2[0][None], axis=-1)
    adst2 = jnp.sum(h2 * att2[1][None], axis=-1)
    h2_ref[:] = h2
    a2_ref[:] = jnp.concatenate(
        [asrc2[:, None], adst2[:, None], jnp.zeros((BN, 6), _f32)], axis=1)


def _tc3_body(acc_ref, b2_ref, out_ref):
    acc = acc_ref[:]
    num = acc[0][:, :OD] + acc[1][:, :OD]
    den = acc[0][:, OD:OD + 1] + acc[1][:, OD:OD + 1]
    out_ref[:] = num / (den + 1e-16) + b2_ref[0][None]


_tc1 = pl.pallas_call(
    _tc1_body,
    grid=(N // BN,),
    in_specs=[
        pl.BlockSpec((BN, DIN), lambda i: (i, _z(i))),
        pl.BlockSpec((DIN, H * OD), lambda i: (_z(i), _z(i))),
        pl.BlockSpec((2 * H, OD), lambda i: (_z(i), _z(i))),
    ],
    out_specs=[
        pl.BlockSpec((2, BN, DIN), lambda i: (_z(i), i, _z(i))),
        pl.BlockSpec((BN, 2 * H), lambda i: (i, _z(i))),
    ],
    out_shape=[
        jax.ShapeDtypeStruct((2, N, DIN), _f32),
        jax.ShapeDtypeStruct((N, 2 * H), _f32),
    ],
)

_tc2 = pl.pallas_call(
    _tc2_body,
    grid=(N // BN,),
    in_specs=[
        pl.BlockSpec((2, BN, 144), lambda i: (_z(i), i, _z(i))),
        pl.BlockSpec((1, H * OD), lambda i: (_z(i), _z(i))),
        pl.BlockSpec((H * OD, OD), lambda i: (_z(i), _z(i))),
        pl.BlockSpec((2, OD), lambda i: (_z(i), _z(i))),
    ],
    out_specs=[
        pl.BlockSpec((BN, OD), lambda i: (i, _z(i))),
        pl.BlockSpec((BN, 8), lambda i: (i, _z(i))),
    ],
    out_shape=[
        jax.ShapeDtypeStruct((N, OD), _f32),
        jax.ShapeDtypeStruct((N, 8), _f32),
    ],
)

_tc3 = pl.pallas_call(
    _tc3_body,
    grid=(N // BN,),
    in_specs=[
        pl.BlockSpec((2, BN, 80), lambda i: (_z(i), i, _z(i))),
        pl.BlockSpec((1, OD), lambda i: (_z(i), _z(i))),
    ],
    out_specs=pl.BlockSpec((BN, OD), lambda i: (i, _z(i))),
    out_shape=jax.ShapeDtypeStruct((N, OD), _f32),
)



def _make_edge_kernel(C, roww, heads, chunks, core_stride):
    accw = roww + 16
    mesh = plsc.VectorSubcoreMesh(core_axis_name="c", subcore_axis_name="s")

    @functools.partial(
        pl.kernel,
        out_type=jax.ShapeDtypeStruct((2, NACC, accw), _f32),
        mesh=mesh,
        scratch_types=[
            pltpu.VMEM((C,), _i32), pltpu.VMEM((C,), _i32),
            pltpu.VMEM((C,), _i32), pltpu.VMEM((C,), _i32),
            pltpu.VMEM((C,), _i32), pltpu.VMEM((C,), _i32),
            pltpu.VMEM((C, roww), _f32), pltpu.VMEM((C, roww), _f32),
            pltpu.VMEM((C, 16), _f32), pltpu.VMEM((C, 16), _f32),
            pltpu.VMEM((C, 16), _f32), pltpu.VMEM((C, 16), _f32),
            pltpu.VMEM((C, accw), _f32),
            pltpu.VMEM_SHARED((NACC, accw), _f32),
            pltpu.SemaphoreType.DMA, pltpu.SemaphoreType.DMA,
            pltpu.SemaphoreType.DMA, pltpu.SemaphoreType.DMA,
        ],
        compiler_params=pltpu.CompilerParams(needs_layout_passes=False,
                                             use_tc_tiling_on_sc=False),
    )
    def kern(gsrc_hbm, gdst_hbm, draw_hbm, h_hbm, tabs_hbm, tabd_hbm,
             out_hbm, ig0, ig1, ia0, ia1, ir0, ir1, rows0, rows1,
             as0, as1, ad0, ad1, msg, acc, is0, is1, gs0, gs1):
        cid = lax.axis_index("c")
        sid = lax.axis_index("s")
        idxg = [ig0, ig1]
        idxa = [ia0, ia1]
        idxr = [ir0, ir1]
        rows = [rows0, rows1]
        a_s = [as0, as1]
        a_d = [ad0, ad1]
        isem = [is0, is1]
        gsem = [gs0, gs1]

        z16 = jnp.zeros((16,), _f32)

        def zero_msg(e, _):
            for q in range(accw // 16):
                msg[e, pl.ds(q * 16, 16)] = z16
            return _i32(0)

        lax.fori_loop(_i32(0), _i32(C), zero_msg, _i32(0))

        rpt = NACC // 16
        for b in range(rpt // C):
            pltpu.sync_copy(msg, acc.at[pl.ds(sid * rpt + b * C, C)])
        plsc.subcore_barrier()

        def base_of(j):
            return cid * core_stride + (sid * chunks + j) * C

        def fire_idx(j, p):
            b = base_of(j)
            pltpu.async_copy(gsrc_hbm.at[cid, pl.ds(b, C)], idxg[p], isem[p])
            pltpu.async_copy(gdst_hbm.at[cid, pl.ds(b, C)], idxa[p], isem[p])
            pltpu.async_copy(draw_hbm.at[pl.ds(b, C)], idxr[p], isem[p])

        def wait_idx(p):
            pltpu.make_async_copy(gsrc_hbm.at[cid, pl.ds(0, C)], idxg[p],
                                  isem[p]).wait()
            pltpu.make_async_copy(gdst_hbm.at[cid, pl.ds(0, C)], idxa[p],
                                  isem[p]).wait()
            pltpu.make_async_copy(draw_hbm.at[pl.ds(0, C)], idxr[p],
                                  isem[p]).wait()

        def fire_gathers(p):
            pltpu.async_copy(h_hbm.at[idxg[p]], rows[p], gsem[p])
            pltpu.async_copy(tabs_hbm.at[idxg[p]], a_s[p], gsem[p])
            pltpu.async_copy(tabd_hbm.at[idxa[p]], a_d[p], gsem[p])

        def wait_gathers(p):
            pltpu.make_async_copy(h_hbm.at[pl.ds(0, C)], rows[p],
                                  gsem[p]).wait()
            pltpu.make_async_copy(tabs_hbm.at[pl.ds(0, C)], a_s[p],
                                  gsem[p]).wait()
            pltpu.make_async_copy(tabd_hbm.at[pl.ds(0, C)], a_d[p],
                                  gsem[p]).wait()

        iot = jnp.arange(16, dtype=_i32)
        qh = roww // (16 * heads)

        def compute(p):
            rp = rows[p]
            for k in range(C // 16):
                ev = iot + k * 16
                for h in range(heads):
                    hv = jnp.full((16,), h, _i32)
                    av = (plsc.load_gather(a_s[p], [ev, hv]) +
                          plsc.load_gather(a_d[p], [ev, hv]))
                    w = jnp.exp(jnp.maximum(av, 0.2 * av))
                    plsc.store_scatter(msg, [ev, jnp.full((16,), roww + h,
                                                          _i32)], w)

            @plsc.parallel_loop(_i32(0), _i32(C), _i32(1), unroll=8)
            def scale_row(e):
                wvec = msg[e, pl.ds(roww, 16)]
                wv = [jnp.full((16,), wvec[h], _f32) for h in range(heads)]
                for q in range(roww // 16):
                    sl = pl.ds(q * 16, 16)
                    msg[e, sl] = rp[e, sl] * wv[q // qh]

        fire_idx(_i32(0), 0)
        wait_idx(0)
        fire_gathers(0)
        fire_idx(_i32(1), 1)

        def do_pair(j2, _):
            j = j2 * 2
            for p in (0, 1):
                jj = j + p
                wait_gathers(p)
                wait_idx(1 - p)
                fire_gathers(1 - p)
                compute(p)
                pltpu.sync_copy(msg, acc.at[idxr[p]], add=True)
                fire_idx(jj + 2, p)
            return _i32(0)

        lax.fori_loop(_i32(0), _i32(chunks // 2), do_pair, _i32(0))
        wait_gathers(0)
        wait_idx(1)

        plsc.subcore_barrier()
        orow = NACC // 16
        pltpu.sync_copy(acc.at[pl.ds(sid * orow, orow)],
                        out_hbm.at[cid, pl.ds(sid * orow, orow)])

    return kern


_sc1 = _make_edge_kernel(C=C1, roww=DIN, heads=2, chunks=CHUNKS1,
                         core_stride=0)
_sc2 = _make_edge_kernel(C=C2, roww=OD, heads=1, chunks=CHUNKS2,
                         core_stride=HALF2)



def kernel(x, edge_index, W1, att_src1, att_dst1, b1, W2, att_src2,
           att_dst2, b2):
    x = x.astype(_f32)
    W1 = W1.astype(_f32)
    W2 = W2.astype(_f32)
    src = edge_index[0].astype(_i32)
    dst = edge_index[1].astype(_i32)

    src1 = jnp.concatenate([src, jnp.zeros((EP1 - E,), _i32)])
    dst1 = jnp.concatenate([dst, jnp.full((EP1 - E,), N, _i32)])
    gsrc1 = jnp.stack([src1, src1 + N])
    gdst1 = jnp.stack([dst1, dst1 + N])

    ph = HALF2 - E // 2
    src2 = jnp.concatenate([src[:E // 2], jnp.zeros((ph,), _i32),
                            src[E // 2:], jnp.zeros((ph + 2 * C2,), _i32)])
    dst2 = jnp.concatenate([dst[:E // 2], jnp.full((ph,), N, _i32),
                            dst[E // 2:], jnp.full((ph + 2 * C2,), N, _i32)])
    gsrc2 = jnp.stack([src2, src2])
    gdst2 = jnp.stack([dst2, dst2])

    att1 = jnp.concatenate([att_src1[0], att_dst1[0]], axis=0).astype(_f32)
    h_pair, al1 = _tc1(x, W1, att1)

    tabs1 = jnp.zeros((2 * N + 16, 16), _f32)
    tabs1 = tabs1.at[0:N, 0:2].set(al1[:, 0:2]).at[N:2 * N, 0:2].set(al1[:, 2:4])
    tabd1 = jnp.zeros((2 * N + 16, 16), _f32)
    tabd1 = tabd1.at[0:N, 0:2].set(al1[:, 4:6]).at[N:2 * N, 0:2].set(al1[:, 6:8])

    acc1 = _sc1(gsrc1, gdst1, dst1, h_pair.reshape(2 * N, DIN), tabs1, tabd1)

    att2 = jnp.concatenate([att_src2[0], att_dst2[0]], axis=0).astype(_f32)
    h2, al2 = _tc2(acc1, b1.astype(_f32).reshape(1, -1), W2, att2)

    tabs2 = jnp.zeros((N + 16, 16), _f32).at[0:N, 0].set(al2[:, 0])
    tabd2 = jnp.zeros((N + 16, 16), _f32).at[0:N, 0].set(al2[:, 1])

    acc2 = _sc2(gsrc2, gdst2, dst2, h2, tabs2, tabd2)

    out = _tc3(acc2, b2.astype(_f32).reshape(1, -1))
    return out.astype(jnp.float64)

# --- scband reference (transcript-rebuilt; emitter-appended) ---
"""Pipeline reference for scband-gatnet-2147483648575 (READ-ONLY COPY).

The authoritative reference and input builder live on the scoring server;
editing this copy changes nothing except your own understanding.
"""

import jax
jax.config.update('jax_enable_x64', True)
import jax.numpy as jnp
import numpy as np

N_NODES = 10000
N_EDGES = 320000
D_IN = 128
OUT_DIM = 64
HEADS = 4


def setup_inputs(seed: int = 0) -> dict:
    key = jax.random.key(seed)
    ks = jax.random.split(key, 12)
    x = jax.random.normal(ks[0], (N_NODES, D_IN), dtype=jnp.float32)
    edge_index = jax.random.randint(ks[1], (2, N_EDGES), 0, N_NODES, dtype=jnp.int64)
    # GATConv layer 1 params: in=128, out=64, heads=4, concat=True
    W1 = jax.random.normal(ks[2], (D_IN, HEADS * OUT_DIM), dtype=jnp.float32) * (1.0 / np.sqrt(D_IN))
    att_src1 = jax.random.normal(ks[3], (1, HEADS, OUT_DIM), dtype=jnp.float32) * 0.1
    att_dst1 = jax.random.normal(ks[4], (1, HEADS, OUT_DIM), dtype=jnp.float32) * 0.1
    b1 = jnp.zeros((HEADS * OUT_DIM,), dtype=jnp.float32)
    # GATConv layer 2 params: in=256, out=64, heads=1, concat=False
    W2 = jax.random.normal(ks[5], (HEADS * OUT_DIM, OUT_DIM), dtype=jnp.float32) * (1.0 / np.sqrt(HEADS * OUT_DIM))
    att_src2 = jax.random.normal(ks[6], (1, 1, OUT_DIM), dtype=jnp.float32) * 0.1
    att_dst2 = jax.random.normal(ks[7], (1, 1, OUT_DIM), dtype=jnp.float32) * 0.1
    b2 = jnp.zeros((OUT_DIM,), dtype=jnp.float32)
    return {"x": x, "edge_index": edge_index, "W1": W1, "att_src1": att_src1,
            "att_dst1": att_dst1, "b1": b1, "W2": W2, "att_src2": att_src2,
            "att_dst2": att_dst2, "b2": b2}


def _gat_conv(x, src, dst, W, att_src, att_dst, bias, heads, out_dim, concat, n_nodes):
    # Linear transform and reshape to [N, heads, out_dim]
    h = (x @ W).reshape(-1, heads, out_dim)
    # Per-node attention logits
    alpha_src = jnp.sum(h * att_src, axis=-1)  # [N, heads]
    alpha_dst = jnp.sum(h * att_dst, axis=-1)  # [N, heads]
    # Edge-level attention (PyG convention: message flows src -> dst)
    alpha = alpha_src[src] + alpha_dst[dst]  # [E, heads]
    alpha = jax.nn.leaky_relu(alpha, negative_slope=0.2)
    # Softmax over incoming edges of each dst node (segment softmax)
    amax = jax.ops.segment_max(alpha, dst, num_segments=n_nodes)  # [N, heads]
    alpha = jnp.exp(alpha - amax[dst])
    denom = jax.ops.segment_sum(alpha, dst, num_segments=n_nodes)  # [N, heads]
    alpha = alpha / (denom[dst] + 1e-16)
    # Weighted message aggregation (scatter-add over dst)
    msg = h[src] * alpha[:, :, None]  # [E, heads, out_dim]
    out = jax.ops.segment_sum(msg, dst, num_segments=n_nodes)  # [N, heads, out_dim]
    if concat:
        out = out.reshape(n_nodes, heads * out_dim)
    else:
        out = out.mean(axis=1)
    return out + bias


def reference(x, edge_index, W1, att_src1, att_dst1, b1, W2, att_src2, att_dst2, b2):
    # Eval mode: all dropout layers are identity
    src = edge_index[0]
    dst = edge_index[1]
    x1 = _gat_conv(x, src, dst, W1, att_src1, att_dst1, b1, HEADS, OUT_DIM, True, N_NODES)
    x1 = jax.nn.elu(x1)
    x2 = _gat_conv(x1, src, dst, W2, att_src2, att_dst2, b2, 1, OUT_DIM, False, N_NODES)
    return x2

if __name__ == "__main__":
    import jax
    _d = setup_inputs()
    print(jax.jit(kernel)(*tuple(_d.values())))

</pallas_src>

<mosaic_0001>
#map = affine_map<(d0, d1) -> (0, 0)>
#map1 = affine_map<(d0, d1) -> (0)>
#map2 = affine_map<(d0, d1) -> (0, 0, 0)>
module attributes {stable_mosaic.version = 14 : i64} {
  func.func @kern(%arg0: i32, %arg1: i32, %arg2: memref<2x327936xi32, #tpu.memory_space<hbm>>, %arg3: memref<2x327936xi32, #tpu.memory_space<hbm>>, %arg4: memref<327936xi32, #tpu.memory_space<hbm>>, %arg5: memref<10000x64xf32, #tpu.memory_space<hbm>>, %arg6: memref<10016x16xf32, #tpu.memory_space<hbm>>, %arg7: memref<10016x16xf32, #tpu.memory_space<hbm>>, %arg8: memref<2x10240x80xf32, #tpu.memory_space<hbm>>, %arg9: memref<128xi32, #tpu.memory_space<vmem>>, %arg10: memref<128xi32, #tpu.memory_space<vmem>>, %arg11: memref<128xi32, #tpu.memory_space<vmem>>, %arg12: memref<128xi32, #tpu.memory_space<vmem>>, %arg13: memref<128xi32, #tpu.memory_space<vmem>>, %arg14: memref<128xi32, #tpu.memory_space<vmem>>, %arg15: memref<128x64xf32, #tpu.memory_space<vmem>>, %arg16: memref<128x64xf32, #tpu.memory_space<vmem>>, %arg17: memref<128x16xf32, #tpu.memory_space<vmem>>, %arg18: memref<128x16xf32, #tpu.memory_space<vmem>>, %arg19: memref<128x16xf32, #tpu.memory_space<vmem>>, %arg20: memref<128x16xf32, #tpu.memory_space<vmem>>, %arg21: memref<128x80xf32, #tpu.memory_space<vmem>>, %arg22: memref<10240x80xf32, #tpu.memory_space<vmem_shared>>, %arg23: memref<!tpu.dma_semaphore, #tpu.memory_space<semaphore_mem>>, %arg24: memref<!tpu.dma_semaphore, #tpu.memory_space<semaphore_mem>>, %arg25: memref<!tpu.dma_semaphore, #tpu.memory_space<semaphore_mem>>, %arg26: memref<!tpu.dma_semaphore, #tpu.memory_space<semaphore_mem>>) attributes {dimension_semantics = [#tpu.dimension_semantics<core_parallel>, #tpu.dimension_semantics<subcore_parallel>], iteration_bounds = array<i64: 2, 16>, scalar_prefetch = 0 : i64, scratch_operands = 18 : i64, tpu.core_type = #tpu.core_type<sc_vector_subcore>, window_params = [{transform_indices = #map}, {transform_indices = #map}, {transform_indices = #map1}, {transform_indices = #map}, {transform_indices = #map}, {transform_indices = #map}, {transform_indices = #map2}]} {
    %broadcast_in_dim3A = arith.constant 0.000000e+00 : f32
    %broadcast_in_dim3A_0 = vector.broadcast %broadcast_in_dim3A : f32 to vector<16xf32>
    %while3A = arith.constant 0 : i32
    %while3A_1 = arith.constant 128 : i32
    %while3A_2 = arith.constant 0 : i32
    %while3A_3 = arith.subi %while3A_1, %while3A : i32
    %while3A_4 = arith.addi %while3A, %while3A_3 : i32
    %while3A_5 = arith.constant 1 : i32
    %while3A_6 = arith.divsi %while3A_3, %while3A_5 : i32
    %while3A_7 = arith.muli %while3A_6, %while3A_5 : i32
    %while3A_8 = arith.addi %while3A, %while3A_7 : i32
    %while3A_9 = arith.constant 1 : i32
    %while3A_10 = scf.for %while3A_144 = %while3A to %while3A_8 step %while3A_9 iter_args(%while3A_145 = %while3A_2) -> (i32)  : i32 {
      %swap3A = arith.index_cast %while3A_144 : i32 to index
      %swap3A_146 = arith.constant 0 : index
      %swap3A_147 = tpu.vector_load %arg21[%swap3A, %swap3A_146] {strides = array<i32>} : memref<128x80xf32, #tpu.memory_space<vmem>>, vector<16xf32>,
      tpu.vector_store %arg21[%swap3A, %swap3A_146], %broadcast_in_dim3A_0 {strides = array<i32>} : memref<128x80xf32, #tpu.memory_space<vmem>>, vector<16xf32>,
      %swap3A_148 = arith.index_cast %while3A_144 : i32 to index
      %swap3A_149 = arith.constant 16 : index
      %swap3A_150 = tpu.vector_load %arg21[%swap3A_148, %swap3A_149] {strides = array<i32>} : memref<128x80xf32, #tpu.memory_space<vmem>>, vector<16xf32>,
      tpu.vector_store %arg21[%swap3A_148, %swap3A_149], %broadcast_in_dim3A_0 {strides = array<i32>} : memref<128x80xf32, #tpu.memory_space<vmem>>, vector<16xf32>,
      %swap3A_151 = arith.index_cast %while3A_144 : i32 to index
      %swap3A_152 = arith.constant 32 : index
      %swap3A_153 = tpu.vector_load %arg21[%swap3A_151, %swap3A_152] {strides = array<i32>} : memref<128x80xf32, #tpu.memory_space<vmem>>, vector<16xf32>,
      tpu.vector_store %arg21[%swap3A_151, %swap3A_152], %broadcast_in_dim3A_0 {strides = array<i32>} : memref<128x80xf32, #tpu.memory_space<vmem>>, vector<16xf32>,
      %swap3A_154 = arith.index_cast %while3A_144 : i32 to index
      %swap3A_155 = arith.constant 48 : index
      %swap3A_156 = tpu.vector_load %arg21[%swap3A_154, %swap3A_155] {strides = array<i32>} : memref<128x80xf32, #tpu.memory_space<vmem>>, vector<16xf32>,
      tpu.vector_store %arg21[%swap3A_154, %swap3A_155], %broadcast_in_dim3A_0 {strides = array<i32>} : memref<128x80xf32, #tpu.memory_space<vmem>>, vector<16xf32>,
      %swap3A_157 = arith.index_cast %while3A_144 : i32 to index
      %swap3A_158 = arith.constant 64 : index
      %swap3A_159 = tpu.vector_load %arg21[%swap3A_157, %swap3A_158] {strides = array<i32>} : memref<128x80xf32, #tpu.memory_space<vmem>>, vector<16xf32>,
      tpu.vector_store %arg21[%swap3A_157, %swap3A_158], %broadcast_in_dim3A_0 {strides = array<i32>} : memref<128x80xf32, #tpu.memory_space<vmem>>, vector<16xf32>,
      %while3A_160 = arith.constant 0 : i32
      scf.yield %while3A_160 : i32
    }
    %while3A_11 = arith.constant 1 : i32
    %while3A_12 = scf.for %while3A_144 = %while3A_8 to %while3A_4 step %while3A_11 iter_args(%while3A_145 = %while3A_10) -> (i32)  : i32 {
      %swap3A = arith.index_cast %while3A_144 : i32 to index
      %swap3A_146 = arith.constant 0 : index
      %swap3A_147 = tpu.vector_load %arg21[%swap3A, %swap3A_146] {strides = array<i32>} : memref<128x80xf32, #tpu.memory_space<vmem>>, vector<16xf32>,
      tpu.vector_store %arg21[%swap3A, %swap3A_146], %broadcast_in_dim3A_0 {strides = array<i32>} : memref<128x80xf32, #tpu.memory_space<vmem>>, vector<16xf32>,
      %swap3A_148 = arith.index_cast %while3A_144 : i32 to index
      %swap3A_149 = arith.constant 16 : index
      %swap3A_150 = tpu.vector_load %arg21[%swap3A_148, %swap3A_149] {strides = array<i32>} : memref<128x80xf32, #tpu.memory_space<vmem>>, vector<16xf32>,
      tpu.vector_store %arg21[%swap3A_148, %swap3A_149], %broadcast_in_dim3A_0 {strides = array<i32>} : memref<128x80xf32, #tpu.memory_space<vmem>>, vector<16xf32>,
      %swap3A_151 = arith.index_cast %while3A_144 : i32 to index
      %swap3A_152 = arith.constant 32 : index
      %swap3A_153 = tpu.vector_load %arg21[%swap3A_151, %swap3A_152] {strides = array<i32>} : memref<128x80xf32, #tpu.memory_space<vmem>>, vector<16xf32>,
      tpu.vector_store %arg21[%swap3A_151, %swap3A_152], %broadcast_in_dim3A_0 {strides = array<i32>} : memref<128x80xf32, #tpu.memory_space<vmem>>, vector<16xf32>,
      %swap3A_154 = arith.index_cast %while3A_144 : i32 to index
      %swap3A_155 = arith.constant 48 : index
      %swap3A_156 = tpu.vector_load %arg21[%swap3A_154, %swap3A_155] {strides = array<i32>} : memref<128x80xf32, #tpu.memory_space<vmem>>, vector<16xf32>,
      tpu.vector_store %arg21[%swap3A_154, %swap3A_155], %broadcast_in_dim3A_0 {strides = array<i32>} : memref<128x80xf32, #tpu.memory_space<vmem>>, vector<16xf32>,
      %swap3A_157 = arith.index_cast %while3A_144 : i32 to index
      %swap3A_158 = arith.constant 64 : index
      %swap3A_159 = tpu.vector_load %arg21[%swap3A_157, %swap3A_158] {strides = array<i32>} : memref<128x80xf32, #tpu.memory_space<vmem>>, vector<16xf32>,
      tpu.vector_store %arg21[%swap3A_157, %swap3A_158], %broadcast_in_dim3A_0 {strides = array<i32>} : memref<128x80xf32, #tpu.memory_space<vmem>>, vector<16xf32>,
      %while3A_160 = arith.constant 0 : i32
      scf.yield %while3A_160 : i32
    }
    %mul3A = arith.constant 640 : i32
    %mul3A_13 = arith.muli %arg1, %mul3A : i32
    %add3A = arith.constant 0 : i32
    %add3A_14 = arith.addi %mul3A_13, %add3A : i32
    "tpu.region"() ({
      %run_scoped3A = tpu.sem_alloc : memref<!tpu.dma_semaphore, #tpu.memory_space<semaphore_mem>>
      %dma_start3A_144 = arith.constant 0 : i32
      %dma_start3A_145 = tpu.memref_slice %arg22[%add3A_14, %dma_start3A_144] : memref<10240x80xf32, #tpu.memory_space<vmem_shared>> -> memref<128x80xf32, #tpu.memory_space<vmem_shared>>
      %dma_start3A_146 = arith.constant 0 : i32
      %dma_start3A_147 = tpu.memref_slice %arg22[%add3A_14, %dma_start3A_146] : memref<10240x80xf32, #tpu.memory_space<vmem_shared>> -> memref<128x80xf32, #tpu.memory_space<vmem_shared>>
      tpu.enqueue_dma source(%arg21 : memref<128x80xf32, #tpu.memory_space<vmem>>) target(%dma_start3A_147 : memref<128x80xf32, #tpu.memory_space<vmem_shared>>) target_semaphore(%run_scoped3A : memref<!tpu.dma_semaphore, #tpu.memory_space<semaphore_mem>>)
      %dma_wait3A_148 = arith.constant 0 : i32
      %dma_wait3A_149 = tpu.memref_slice %arg22[%add3A_14, %dma_wait3A_148] : memref<10240x80xf32, #tpu.memory_space<vmem_shared>> -> memref<128x80xf32, #tpu.memory_space<vmem_shared>>
      %dma_wait3A_150 = arith.constant 0 : i32
      %dma_wait3A_151 = tpu.memref_slice %arg22[%add3A_14, %dma_wait3A_150] : memref<10240x80xf32, #tpu.memory_space<vmem_shared>> -> memref<128x80xf32, #tpu.memory_space<vmem_shared>>
      tpu.wait_dma2 semaphore(%run_scoped3A : memref<!tpu.dma_semaphore, #tpu.memory_space<semaphore_mem>>) src(%arg21 : memref<128x80xf32, #tpu.memory_space<vmem>>) dst(%dma_wait3A_151 : memref<128x80xf32, #tpu.memory_space<vmem_shared>>)
      tpu.yield
    }) : () -> ()
    %mul3A_15 = arith.constant 640 : i32
    %mul3A_16 = arith.muli %arg1, %mul3A_15 : i32
    %add3A_17 = arith.constant 128 : i32
    %add3A_18 = arith.addi %mul3A_16, %add3A_17 : i32
    "tpu.region"() ({
      %run_scoped3A = tpu.sem_alloc : memref<!tpu.dma_semaphore, #tpu.memory_space<semaphore_mem>>
      %dma_start3A_144 = arith.constant 0 : i32
      %dma_start3A_145 = tpu.memref_slice %arg22[%add3A_18, %dma_start3A_144] : memref<10240x80xf32, #tpu.memory_space<vmem_shared>> -> memref<128x80xf32, #tpu.memory_space<vmem_shared>>
      %dma_start3A_146 = arith.constant 0 : i32
      %dma_start3A_147 = tpu.memref_slice %arg22[%add3A_18, %dma_start3A_146] : memref<10240x80xf32, #tpu.memory_space<vmem_shared>> -> memref<128x80xf32, #tpu.memory_space<vmem_shared>>
      tpu.enqueue_dma source(%arg21 : memref<128x80xf32, #tpu.memory_space<vmem>>) target(%dma_start3A_147 : memref<128x80xf32, #tpu.memory_space<vmem_shared>>) target_semaphore(%run_scoped3A : memref<!tpu.dma_semaphore, #tpu.memory_space<semaphore_mem>>)
      %dma_wait3A_148 = arith.constant 0 : i32
      %dma_wait3A_149 = tpu.memref_slice %arg22[%add3A_18, %dma_wait3A_148] : memref<10240x80xf32, #tpu.memory_space<vmem_shared>> -> memref<128x80xf32, #tpu.memory_space<vmem_shared>>
      %dma_wait3A_150 = arith.constant 0 : i32
      %dma_wait3A_151 = tpu.memref_slice %arg22[%add3A_18, %dma_wait3A_150] : memref<10240x80xf32, #tpu.memory_space<vmem_shared>> -> memref<128x80xf32, #tpu.memory_space<vmem_shared>>
      tpu.wait_dma2 semaphore(%run_scoped3A : memref<!tpu.dma_semaphore, #tpu.memory_space<semaphore_mem>>) src(%arg21 : memref<128x80xf32, #tpu.memory_space<vmem>>) dst(%dma_wait3A_151 : memref<128x80xf32, #tpu.memory_space<vmem_shared>>)
      tpu.yield
    }) : () -> ()
    %mul3A_19 = arith.constant 640 : i32
    %mul3A_20 = arith.muli %arg1, %mul3A_19 : i32
    %add3A_21 = arith.constant 256 : i32
    %add3A_22 = arith.addi %mul3A_20, %add3A_21 : i32
    "tpu.region"() ({
      %run_scoped3A = tpu.sem_alloc : memref<!tpu.dma_semaphore, #tpu.memory_space<semaphore_mem>>
      %dma_start3A_144 = arith.constant 0 : i32
      %dma_start3A_145 = tpu.memref_slice %arg22[%add3A_22, %dma_start3A_144] : memref<10240x80xf32, #tpu.memory_space<vmem_shared>> -> memref<128x80xf32, #tpu.memory_space<vmem_shared>>
      %dma_start3A_146 = arith.constant 0 : i32
      %dma_start3A_147 = tpu.memref_slice %arg22[%add3A_22, %dma_start3A_146] : memref<10240x80xf32, #tpu.memory_space<vmem_shared>> -> memref<128x80xf32, #tpu.memory_space<vmem_shared>>
      tpu.enqueue_dma source(%arg21 : memref<128x80xf32, #tpu.memory_space<vmem>>) target(%dma_start3A_147 : memref<128x80xf32, #tpu.memory_space<vmem_shared>>) target_semaphore(%run_scoped3A : memref<!tpu.dma_semaphore, #tpu.memory_space<semaphore_mem>>)
      %dma_wait3A_148 = arith.constant 0 : i32
      %dma_wait3A_149 = tpu.memref_slice %arg22[%add3A_22, %dma_wait3A_148] : memref<10240x80xf32, #tpu.memory_space<vmem_shared>> -> memref<128x80xf32, #tpu.memory_space<vmem_shared>>
      %dma_wait3A_150 = arith.constant 0 : i32
      %dma_wait3A_151 = tpu.memref_slice %arg22[%add3A_22, %dma_wait3A_150] : memref<10240x80xf32, #tpu.memory_space<vmem_shared>> -> memref<128x80xf32, #tpu.memory_space<vmem_shared>>
      tpu.wait_dma2 semaphore(%run_scoped3A : memref<!tpu.dma_semaphore, #tpu.memory_space<semaphore_mem>>) src(%arg21 : memref<128x80xf32, #tpu.memory_space<vmem>>) dst(%dma_wait3A_151 : memref<128x80xf32, #tpu.memory_space<vmem_shared>>)
      tpu.yield
    }) : () -> ()
    %mul3A_23 = arith.constant 640 : i32
    %mul3A_24 = arith.muli %arg1, %mul3A_23 : i32
    %add3A_25 = arith.constant 384 : i32
    %add3A_26 = arith.addi %mul3A_24, %add3A_25 : i32
    "tpu.region"() ({
      %run_scoped3A = tpu.sem_alloc : memref<!tpu.dma_semaphore, #tpu.memory_space<semaphore_mem>>
      %dma_start3A_144 = arith.constant 0 : i32
      %dma_start3A_145 = tpu.memref_slice %arg22[%add3A_26, %dma_start3A_144] : memref<10240x80xf32, #tpu.memory_space<vmem_shared>> -> memref<128x80xf32, #tpu.memory_space<vmem_shared>>
      %dma_start3A_146 = arith.constant 0 : i32
      %dma_start3A_147 = tpu.memref_slice %arg22[%add3A_26, %dma_start3A_146] : memref<10240x80xf32, #tpu.memory_space<vmem_shared>> -> memref<128x80xf32, #tpu.memory_space<vmem_shared>>
      tpu.enqueue_dma source(%arg21 : memref<128x80xf32, #tpu.memory_space<vmem>>) target(%dma_start3A_147 : memref<128x80xf32, #tpu.memory_space<vmem_shared>>) target_semaphore(%run_scoped3A : memref<!tpu.dma_semaphore, #tpu.memory_space<semaphore_mem>>)
      %dma_wait3A_148 = arith.constant 0 : i32
      %dma_wait3A_149 = tpu.memref_slice %arg22[%add3A_26, %dma_wait3A_148] : memref<10240x80xf32, #tpu.memory_space<vmem_shared>> -> memref<128x80xf32, #tpu.memory_space<vmem_shared>>
      %dma_wait3A_150 = arith.constant 0 : i32
      %dma_wait3A_151 = tpu.memref_slice %arg22[%add3A_26, %dma_wait3A_150] : memref<10240x80xf32, #tpu.memory_space<vmem_shared>> -> memref<128x80xf32, #tpu.memory_space<vmem_shared>>
      tpu.wait_dma2 semaphore(%run_scoped3A : memref<!tpu.dma_semaphore, #tpu.memory_space<semaphore_mem>>) src(%arg21 : memref<128x80xf32, #tpu.memory_space<vmem>>) dst(%dma_wait3A_151 : memref<128x80xf32, #tpu.memory_space<vmem_shared>>)
      tpu.yield
    }) : () -> ()
    %mul3A_27 = arith.constant 640 : i32
    %mul3A_28 = arith.muli %arg1, %mul3A_27 : i32
    %add3A_29 = arith.constant 512 : i32
    %add3A_30 = arith.addi %mul3A_28, %add3A_29 : i32
    "tpu.region"() ({
      %run_scoped3A = tpu.sem_alloc : memref<!tpu.dma_semaphore, #tpu.memory_space<semaphore_mem>>
      %dma_start3A_144 = arith.constant 0 : i32
      %dma_start3A_145 = tpu.memref_slice %arg22[%add3A_30, %dma_start3A_144] : memref<10240x80xf32, #tpu.memory_space<vmem_shared>> -> memref<128x80xf32, #tpu.memory_space<vmem_shared>>
      %dma_start3A_146 = arith.constant 0 : i32
      %dma_start3A_147 = tpu.memref_slice %arg22[%add3A_30, %dma_start3A_146] : memref<10240x80xf32, #tpu.memory_space<vmem_shared>> -> memref<128x80xf32, #tpu.memory_space<vmem_shared>>
      tpu.enqueue_dma source(%arg21 : memref<128x80xf32, #tpu.memory_space<vmem>>) target(%dma_start3A_147 : memref<128x80xf32, #tpu.memory_space<vmem_shared>>) target_semaphore(%run_scoped3A : memref<!tpu.dma_semaphore, #tpu.memory_space<semaphore_mem>>)
      %dma_wait3A_148 = arith.constant 0 : i32
      %dma_wait3A_149 = tpu.memref_slice %arg22[%add3A_30, %dma_wait3A_148] : memref<10240x80xf32, #tpu.memory_space<vmem_shared>> -> memref<128x80xf32, #tpu.memory_space<vmem_shared>>
      %dma_wait3A_150 = arith.constant 0 : i32
      %dma_wait3A_151 = tpu.memref_slice %arg22[%add3A_30, %dma_wait3A_150] : memref<10240x80xf32, #tpu.memory_space<vmem_shared>> -> memref<128x80xf32, #tpu.memory_space<vmem_shared>>
      tpu.wait_dma2 semaphore(%run_scoped3A : memref<!tpu.dma_semaphore, #tpu.memory_space<semaphore_mem>>) src(%arg21 : memref<128x80xf32, #tpu.memory_space<vmem>>) dst(%dma_wait3A_151 : memref<128x80xf32, #tpu.memory_space<vmem_shared>>)
      tpu.yield
    }) : () -> ()
    %barrier3A = arith.constant 0 : index
    tpu.barrier barrier_id(%barrier3A)
    %iota3A = tpu.iota {dimensions = array<i32: 0>} : vector<16xi32>
    %mul3A_31 = arith.constant 163840 : i32
    %mul3A_32 = arith.muli %arg0, %mul3A_31 : i32
    %mul3A_33 = arith.constant 80 : i32
    %mul3A_34 = arith.muli %arg1, %mul3A_33 : i32
    %add3A_35 = arith.constant 0 : i32
    %add3A_36 = arith.addi %mul3A_34, %add3A_35 : i32
    %mul3A_37 = arith.constant 128 : i32
    %mul3A_38 = arith.muli %add3A_36, %mul3A_37 : i32
    %add3A_39 = arith.addi %mul3A_32, %mul3A_38 : i32
    %dma_start3A = tpu.memref_slice %arg2[%arg0, %add3A_39] : memref<2x327936xi32, #tpu.memory_space<hbm>> -> memref<1x128xi32, #tpu.memory_space<hbm>>
    %dma_start3A_40 = tpu.memref_squeeze %dma_start3A : memref<1x128xi32, #tpu.memory_space<hbm>> -> memref<128xi32, #tpu.memory_space<hbm>>
    %dma_start3A_41 = tpu.memref_slice %arg2[%arg0, %add3A_39] : memref<2x327936xi32, #tpu.memory_space<hbm>> -> memref<1x128xi32, #tpu.memory_space<hbm>>
    %dma_start3A_42 = tpu.memref_squeeze %dma_start3A_41 : memref<1x128xi32, #tpu.memory_space<hbm>> -> memref<128xi32, #tpu.memory_space<hbm>>
    tpu.enqueue_dma source(%dma_start3A_42 : memref<128xi32, #tpu.memory_space<hbm>>) target(%arg9 : memref<128xi32, #tpu.memory_space<vmem>>) target_semaphore(%arg23 : memref<!tpu.dma_semaphore, #tpu.memory_space<semaphore_mem>>)
    %dma_start3A_43 = tpu.memref_slice %arg3[%arg0, %add3A_39] : memref<2x327936xi32, #tpu.memory_space<hbm>> -> memref<1x128xi32, #tpu.memory_space<hbm>>
    %dma_start3A_44 = tpu.memref_squeeze %dma_start3A_43 : memref<1x128xi32, #tpu.memory_space<hbm>> -> memref<128xi32, #tpu.memory_space<hbm>>
    %dma_start3A_45 = tpu.memref_slice %arg3[%arg0, %add3A_39] : memref<2x327936xi32, #tpu.memory_space<hbm>> -> memref<1x128xi32, #tpu.memory_space<hbm>>
    %dma_start3A_46 = tpu.memref_squeeze %dma_start3A_45 : memref<1x128xi32, #tpu.memory_space<hbm>> -> memref<128xi32, #tpu.memory_space<hbm>>
    tpu.enqueue_dma source(%dma_start3A_46 : memref<128xi32, #tpu.memory_space<hbm>>) target(%arg11 : memref<128xi32, #tpu.memory_space<vmem>>) target_semaphore(%arg23 : memref<!tpu.dma_semaphore, #tpu.memory_space<semaphore_mem>>)
    %dma_start3A_47 = tpu.memref_slice %arg4[%add3A_39] : memref<327936xi32, #tpu.memory_space<hbm>> -> memref<128xi32, #tpu.memory_space<hbm>>
    %dma_start3A_48 = tpu.memref_slice %arg4[%add3A_39] : memref<327936xi32, #tpu.memory_space<hbm>> -> memref<128xi32, #tpu.memory_space<hbm>>
    tpu.enqueue_dma source(%dma_start3A_48 : memref<128xi32, #tpu.memory_space<hbm>>) target(%arg13 : memref<128xi32, #tpu.memory_space<vmem>>) target_semaphore(%arg23 : memref<!tpu.dma_semaphore, #tpu.memory_space<semaphore_mem>>)
    %dma_wait3A = arith.constant 0 : i32
    %dma_wait3A_49 = tpu.memref_slice %arg2[%arg0, %dma_wait3A] : memref<2x327936xi32, #tpu.memory_space<hbm>> -> memref<1x128xi32, #tpu.memory_space<hbm>>
    %dma_wait3A_50 = tpu.memref_squeeze %dma_wait3A_49 : memref<1x128xi32, #tpu.memory_space<hbm>> -> memref<128xi32, #tpu.memory_space<hbm>>
    %dma_wait3A_51 = arith.constant 0 : i32
    %dma_wait3A_52 = tpu.memref_slice %arg2[%arg0, %dma_wait3A_51] : memref<2x327936xi32, #tpu.memory_space<hbm>> -> memref<1x128xi32, #tpu.memory_space<hbm>>
    %dma_wait3A_53 = tpu.memref_squeeze %dma_wait3A_52 : memref<1x128xi32, #tpu.memory_space<hbm>> -> memref<128xi32, #tpu.memory_space<hbm>>
    tpu.wait_dma2 semaphore(%arg23 : memref<!tpu.dma_semaphore, #tpu.memory_space<semaphore_mem>>) src(%dma_wait3A_53 : memref<128xi32, #tpu.memory_space<hbm>>) dst(%arg9 : memref<128xi32, #tpu.memory_space<vmem>>)
    %dma_wait3A_54 = arith.constant 0 : i32
    %dma_wait3A_55 = tpu.memref_slice %arg3[%arg0, %dma_wait3A_54] : memref<2x327936xi32, #tpu.memory_space<hbm>> -> memref<1x128xi32, #tpu.memory_space<hbm>>
    %dma_wait3A_56 = tpu.memref_squeeze %dma_wait3A_55 : memref<1x128xi32, #tpu.memory_space<hbm>> -> memref<128xi32, #tpu.memory_space<hbm>>
    %dma_wait3A_57 = arith.constant 0 : i32
    %dma_wait3A_58 = tpu.memref_slice %arg3[%arg0, %dma_wait3A_57] : memref<2x327936xi32, #tpu.memory_space<hbm>> -> memref<1x128xi32, #tpu.memory_space<hbm>>
    %dma_wait3A_59 = tpu.memref_squeeze %dma_wait3A_58 : memref<1x128xi32, #tpu.memory_space<hbm>> -> memref<128xi32, #tpu.memory_space<hbm>>
    tpu.wait_dma2 semaphore(%arg23 : memref<!tpu.dma_semaphore, #tpu.memory_space<semaphore_mem>>) src(%dma_wait3A_59 : memref<128xi32, #tpu.memory_space<hbm>>) dst(%arg11 : memref<128xi32, #tpu.memory_space<vmem>>)
    %dma_wait3A_60 = arith.constant 0 : i32
    %dma_wait3A_61 = tpu.memref_slice %arg4[%dma_wait3A_60] : memref<327936xi32, #tpu.memory_space<hbm>> -> memref<128xi32, #tpu.memory_space<hbm>>
    %dma_wait3A_62 = arith.constant 0 : i32
    %dma_wait3A_63 = tpu.memref_slice %arg4[%dma_wait3A_62] : memref<327936xi32, #tpu.memory_space<hbm>> -> memref<128xi32, #tpu.memory_space<hbm>>
    tpu.wait_dma2 semaphore(%arg23 : memref<!tpu.dma_semaphore, #tpu.memory_space<semaphore_mem>>) src(%dma_wait3A_63 : memref<128xi32, #tpu.memory_space<hbm>>) dst(%arg13 : memref<128xi32, #tpu.memory_space<vmem>>)
    %dma_start3A_64 = arith.constant 0 : i32
    %dma_start3A_65 = arith.constant 0 : i32
    %dma_start3A_66 = tpu.memref_slice %arg5[%dma_start3A_64, %dma_start3A_65] : memref<10000x64xf32, #tpu.memory_space<hbm>> -> memref<10000x64xf32, #tpu.memory_space<hbm>>
    tpu.enqueue_indirect_dma source(%dma_start3A_66 : memref<10000x64xf32, #tpu.memory_space<hbm>>) target(%arg15 : memref<128x64xf32, #tpu.memory_space<vmem>>) offsets(%arg9 : memref<128xi32, #tpu.memory_space<vmem>>) semaphore(%arg25 : memref<!tpu.dma_semaphore, #tpu.memory_space<semaphore_mem>>)
    %dma_start3A_67 = arith.constant 0 : i32
    %dma_start3A_68 = arith.constant 0 : i32
    %dma_start3A_69 = tpu.memref_slice %arg6[%dma_start3A_67, %dma_start3A_68] : memref<10016x16xf32, #tpu.memory_space<hbm>> -> memref<10016x16xf32, #tpu.memory_space<hbm>>
    tpu.enqueue_indirect_dma source(%dma_start3A_69 : memref<10016x16xf32, #tpu.memory_space<hbm>>) target(%arg17 : memref<128x16xf32, #tpu.memory_space<vmem>>) offsets(%arg9 : memref<128xi32, #tpu.memory_space<vmem>>) semaphore(%arg25 : memref<!tpu.dma_semaphore, #tpu.memory_space<semaphore_mem>>)
    %dma_start3A_70 = arith.constant 0 : i32
    %dma_start3A_71 = arith.constant 0 : i32
    %dma_start3A_72 = tpu.memref_slice %arg7[%dma_start3A_70, %dma_start3A_71] : memref<10016x16xf32, #tpu.memory_space<hbm>> -> memref<10016x16xf32, #tpu.memory_space<hbm>>
    tpu.enqueue_indirect_dma source(%dma_start3A_72 : memref<10016x16xf32, #tpu.memory_space<hbm>>) target(%arg19 : memref<128x16xf32, #tpu.memory_space<vmem>>) offsets(%arg11 : memref<128xi32, #tpu.memory_space<vmem>>) semaphore(%arg25 : memref<!tpu.dma_semaphore, #tpu.memory_space<semaphore_mem>>)
    %mul3A_73 = arith.constant 163840 : i32
    %mul3A_74 = arith.muli %arg0, %mul3A_73 : i32
    %mul3A_75 = arith.constant 80 : i32
    %mul3A_76 = arith.muli %arg1, %mul3A_75 : i32
    %add3A_77 = arith.constant 1 : i32
    %add3A_78 = arith.addi %mul3A_76, %add3A_77 : i32
    %mul3A_79 = arith.constant 128 : i32
    %mul3A_80 = arith.muli %add3A_78, %mul3A_79 : i32
    %add3A_81 = arith.addi %mul3A_74, %mul3A_80 : i32
    %dma_start3A_82 = tpu.memref_slice %arg2[%arg0, %add3A_81] : memref<2x327936xi32, #tpu.memory_space<hbm>> -> memref<1x128xi32, #tpu.memory_space<hbm>>
    %dma_start3A_83 = tpu.memref_squeeze %dma_start3A_82 : memref<1x128xi32, #tpu.memory_space<hbm>> -> memref<128xi32, #tpu.memory_space<hbm>>
    %dma_start3A_84 = tpu.memref_slice %arg2[%arg0, %add3A_81] : memref<2x327936xi32, #tpu.memory_space<hbm>> -> memref<1x128xi32, #tpu.memory_space<hbm>>
    %dma_start3A_85 = tpu.memref_squeeze %dma_start3A_84 : memref<1x128xi32, #tpu.memory_space<hbm>> -> memref<128xi32, #tpu.memory_space<hbm>>
    tpu.enqueue_dma source(%dma_start3A_85 : memref<128xi32, #tpu.memory_space<hbm>>) target(%arg10 : memref<128xi32, #tpu.memory_space<vmem>>) target_semaphore(%arg24 : memref<!tpu.dma_semaphore, #tpu.memory_space<semaphore_mem>>)
    %dma_start3A_86 = tpu.memref_slice %arg3[%arg0, %add3A_81] : memref<2x327936xi32, #tpu.memory_space<hbm>> -> memref<1x128xi32, #tpu.memory_space<hbm>>
    %dma_start3A_87 = tpu.memref_squeeze %dma_start3A_86 : memref<1x128xi32, #tpu.memory_space<hbm>> -> memref<128xi32, #tpu.memory_space<hbm>>
    %dma_start3A_88 = tpu.memref_slice %arg3[%arg0, %add3A_81] : memref<2x327936xi32, #tpu.memory_space<hbm>> -> memref<1x128xi32, #tpu.memory_space<hbm>>
    %dma_start3A_89 = tpu.memref_squeeze %dma_start3A_88 : memref<1x128xi32, #tpu.memory_space<hbm>> -> memref<128xi32, #tpu.memory_space<hbm>>
    tpu.enqueue_dma source(%dma_start3A_89 : memref<128xi32, #tpu.memory_space<hbm>>) target(%arg12 : memref<128xi32, #tpu.memory_space<vmem>>) target_semaphore(%arg24 : memref<!tpu.dma_semaphore, #tpu.memory_space<semaphore_mem>>)
    %dma_start3A_90 = tpu.memref_slice %arg4[%add3A_81] : memref<327936xi32, #tpu.memory_space<hbm>> -> memref<128xi32, #tpu.memory_space<hbm>>
    %dma_start3A_91 = tpu.memref_slice %arg4[%add3A_81] : memref<327936xi32, #tpu.memory_space<hbm>> -> memref<128xi32, #tpu.memory_space<hbm>>
    tpu.enqueue_dma source(%dma_start3A_91 : memref<128xi32, #tpu.memory_space<hbm>>) target(%arg14 : memref<128xi32, #tpu.memory_space<vmem>>) target_semaphore(%arg24 : memref<!tpu.dma_semaphore, #tpu.memory_space<semaphore_mem>>)
    %while3A_92 = arith.constant 0 : i32
    %while3A_93 = arith.constant 40 : i32
    %while3A_94 = arith.constant 0 : i32
    %while3A_95 = arith.subi %while3A_93, %while3A_92 : i32
    %while3A_96 = arith.addi %while3A_92, %while3A_95 : i32
    %while3A_97 = arith.constant 1 : i32
    %while3A_98 = arith.divsi %while3A_95, %while3A_97 : i32
    %while3A_99 = arith.muli %while3A_98, %while3A_97 : i32
    %while3A_100 = arith.addi %while3A_92, %while3A_99 : i32
    %while3A_101 = arith.constant 1 : i32
    %while3A_102 = scf.for %while3A_144 = %while3A_92 to %while3A_100 step %while3A_101 iter_args(%while3A_145 = %while3A_94) -> (i32)  : i32 {
      %mul3A_146 = arith.constant 2 : i32
      %mul3A_147 = arith.muli %while3A_144, %mul3A_146 : i32
      %add3A_148 = arith.constant 0 : i32
      %add3A_149 = arith.addi %mul3A_147, %add3A_148 : i32
      %dma_wait3A_150 = arith.constant 0 : i32
      %dma_wait3A_151 = arith.constant 0 : i32
      %dma_wait3A_152 = tpu.memref_slice %arg5[%dma_wait3A_150, %dma_wait3A_151] : memref<10000x64xf32, #tpu.memory_space<hbm>> -> memref<128x64xf32, #tpu.memory_space<hbm>>
      %dma_wait3A_153 = arith.constant 0 : i32
      %dma_wait3A_154 = arith.constant 0 : i32
      %dma_wait3A_155 = tpu.memref_slice %arg5[%dma_wait3A_153, %dma_wait3A_154] : memref<10000x64xf32, #tpu.memory_space<hbm>> -> memref<128x64xf32, #tpu.memory_space<hbm>>
      tpu.wait_dma2 semaphore(%arg25 : memref<!tpu.dma_semaphore, #tpu.memory_space<semaphore_mem>>) src(%dma_wait3A_155 : memref<128x64xf32, #tpu.memory_space<hbm>>) dst(%arg15 : memref<128x64xf32, #tpu.memory_space<vmem>>)
      %dma_wait3A_156 = arith.constant 0 : i32
      %dma_wait3A_157 = arith.constant 0 : i32
      %dma_wait3A_158 = tpu.memref_slice %arg6[%dma_wait3A_156, %dma_wait3A_157] : memref<10016x16xf32, #tpu.memory_space<hbm>> -> memref<128x16xf32, #tpu.memory_space<hbm>>
      %dma_wait3A_159 = arith.constant 0 : i32
      %dma_wait3A_160 = arith.constant 0 : i32
      %dma_wait3A_161 = tpu.memref_slice %arg6[%dma_wait3A_159, %dma_wait3A_160] : memref<10016x16xf32, #tpu.memory_space<hbm>> -> memref<128x16xf32, #tpu.memory_space<hbm>>
      tpu.wait_dma2 semaphore(%arg25 : memref<!tpu.dma_semaphore, #tpu.memory_space<semaphore_mem>>) src(%dma_wait3A_161 : memref<128x16xf32, #tpu.memory_space<hbm>>) dst(%arg17 : memref<128x16xf32, #tpu.memory_space<vmem>>)
      %dma_wait3A_162 = arith.constant 0 : i32
      %dma_wait3A_163 = arith.constant 0 : i32
      %dma_wait3A_164 = tpu.memref_slice %arg7[%dma_wait3A_162, %dma_wait3A_163] : memref<10016x16xf32, #tpu.memory_space<hbm>> -> memref<128x16xf32, #tpu.memory_space<hbm>>
      %dma_wait3A_165 = arith.constant 0 : i32
      %dma_wait3A_166 = arith.constant 0 : i32
      %dma_wait3A_167 = tpu.memref_slice %arg7[%dma_wait3A_165, %dma_wait3A_166] : memref<10016x16xf32, #tpu.memory_space<hbm>> -> memref<128x16xf32, #tpu.memory_space<hbm>>
      tpu.wait_dma2 semaphore(%arg25 : memref<!tpu.dma_semaphore, #tpu.memory_space<semaphore_mem>>) src(%dma_wait3A_167 : memref<128x16xf32, #tpu.memory_space<hbm>>) dst(%arg19 : memref<128x16xf32, #tpu.memory_space<vmem>>)
      %dma_wait3A_168 = arith.constant 0 : i32
      %dma_wait3A_169 = tpu.memref_slice %arg2[%arg0, %dma_wait3A_168] : memref<2x327936xi32, #tpu.memory_space<hbm>> -> memref<1x128xi32, #tpu.memory_space<hbm>>
      %dma_wait3A_170 = tpu.memref_squeeze %dma_wait3A_169 : memref<1x128xi32, #tpu.memory_space<hbm>> -> memref<128xi32, #tpu.memory_space<hbm>>
      %dma_wait3A_171 = arith.constant 0 : i32
      %dma_wait3A_172 = tpu.memref_slice %arg2[%arg0, %dma_wait3A_171] : memref<2x327936xi32, #tpu.memory_space<hbm>> -> memref<1x128xi32, #tpu.memory_space<hbm>>
      %dma_wait3A_173 = tpu.memref_squeeze %dma_wait3A_172 : memref<1x128xi32, #tpu.memory_space<hbm>> -> memref<128xi32, #tpu.memory_space<hbm>>
      tpu.wait_dma2 semaphore(%arg24 : memref<!tpu.dma_semaphore, #tpu.memory_space<semaphore_mem>>) src(%dma_wait3A_173 : memref<128xi32, #tpu.memory_space<hbm>>) dst(%arg10 : memref<128xi32, #tpu.memory_space<vmem>>)
      %dma_wait3A_174 = arith.constant 0 : i32
      %dma_wait3A_175 = tpu.memref_slice %arg3[%arg0, %dma_wait3A_174] : memref<2x327936xi32, #tpu.memory_space<hbm>> -> memref<1x128xi32, #tpu.memory_space<hbm>>
      %dma_wait3A_176 = tpu.memref_squeeze %dma_wait3A_175 : memref<1x128xi32, #tpu.memory_space<hbm>> -> memref<128xi32, #tpu.memory_space<hbm>>
      %dma_wait3A_177 = arith.constant 0 : i32
      %dma_wait3A_178 = tpu.memref_slice %arg3[%arg0, %dma_wait3A_177] : memref<2x327936xi32, #tpu.memory_space<hbm>> -> memref<1x128xi32, #tpu.memory_space<hbm>>
      %dma_wait3A_179 = tpu.memref_squeeze %dma_wait3A_178 : memref<1x128xi32, #tpu.memory_space<hbm>> -> memref<128xi32, #tpu.memory_space<hbm>>
      tpu.wait_dma2 semaphore(%arg24 : memref<!tpu.dma_semaphore, #tpu.memory_space<semaphore_mem>>) src(%dma_wait3A_179 : memref<128xi32, #tpu.memory_space<hbm>>) dst(%arg12 : memref<128xi32, #tpu.memory_space<vmem>>)
      %dma_wait3A_180 = arith.constant 0 : i32
      %dma_wait3A_181 = tpu.memref_slice %arg4[%dma_wait3A_180] : memref<327936xi32, #tpu.memory_space<hbm>> -> memref<128xi32, #tpu.memory_space<hbm>>
      %dma_wait3A_182 = arith.constant 0 : i32
      %dma_wait3A_183 = tpu.memref_slice %arg4[%dma_wait3A_182] : memref<327936xi32, #tpu.memory_space<hbm>> -> memref<128xi32, #tpu.memory_space<hbm>>
      tpu.wait_dma2 semaphore(%arg24 : memref<!tpu.dma_semaphore, #tpu.memory_space<semaphore_mem>>) src(%dma_wait3A_183 : memref<128xi32, #tpu.memory_space<hbm>>) dst(%arg14 : memref<128xi32, #tpu.memory_space<vmem>>)
      %dma_start3A_184 = arith.constant 0 : i32
      %dma_start3A_185 = arith.constant 0 : i32
      %dma_start3A_186 = tpu.memref_slice %arg5[%dma_start3A_184, %dma_start3A_185] : memref<10000x64xf32, #tpu.memory_space<hbm>> -> memref<10000x64xf32, #tpu.memory_space<hbm>>
      tpu.enqueue_indirect_dma source(%dma_start3A_186 : memref<10000x64xf32, #tpu.memory_space<hbm>>) target(%arg16 : memref<128x64xf32, #tpu.memory_space<vmem>>) offsets(%arg10 : memref<128xi32, #tpu.memory_space<vmem>>) semaphore(%arg26 : memref<!tpu.dma_semaphore, #tpu.memory_space<semaphore_mem>>)
      %dma_start3A_187 = arith.constant 0 : i32
      %dma_start3A_188 = arith.constant 0 : i32
      %dma_start3A_189 = tpu.memref_slice %arg6[%dma_start3A_187, %dma_start3A_188] : memref<10016x16xf32, #tpu.memory_space<hbm>> -> memref<10016x16xf32, #tpu.memory_space<hbm>>
      tpu.enqueue_indirect_dma source(%dma_start3A_189 : memref<10016x16xf32, #tpu.memory_space<hbm>>) target(%arg18 : memref<128x16xf32, #tpu.memory_space<vmem>>) offsets(%arg10 : memref<128xi32, #tpu.memory_space<vmem>>) semaphore(%arg26 : memref<!tpu.dma_semaphore, #tpu.memory_space<semaphore_mem>>)
      %dma_start3A_190 = arith.constant 0 : i32
      %dma_start3A_191 = arith.constant 0 : i32
      %dma_start3A_192 = tpu.memref_slice %arg7[%dma_start3A_190, %dma_start3A_191] : memref<10016x16xf32, #tpu.memory_space<hbm>> -> memref<10016x16xf32, #tpu.memory_space<hbm>>
      tpu.enqueue_indirect_dma source(%dma_start3A_192 : memref<10016x16xf32, #tpu.memory_space<hbm>>) target(%arg20 : memref<128x16xf32, #tpu.memory_space<vmem>>) offsets(%arg12 : memref<128xi32, #tpu.memory_space<vmem>>) semaphore(%arg26 : memref<!tpu.dma_semaphore, #tpu.memory_space<semaphore_mem>>)
      %add3A_193 = arith.constant 0 : i32
      %add3A_194 = vector.broadcast %add3A_193 : i32 to vector<16xi32>
      %add3A_195 = arith.addi %iota3A, %add3A_194 : vector<16xi32>
      %broadcast_in_dim3A_196 = arith.constant 0 : i32
      %broadcast_in_dim3A_197 = vector.broadcast %broadcast_in_dim3A_196 : i32 to vector<16xi32>
      %gather3A = tpu.vector_load_idx %arg17[%add3A_195, %broadcast_in_dim3A_197] : memref<128x16xf32, #tpu.memory_space<vmem>>[vector<16xi32>, vector<16xi32>], vector<16xf32>,
      %gather3A_198 = tpu.vector_load_idx %arg19[%add3A_195, %broadcast_in_dim3A_197] : memref<128x16xf32, #tpu.memory_space<vmem>>[vector<16xi32>, vector<16xi32>], vector<16xf32>,
      %add3A_199 = arith.addf %gather3A, %gather3A_198 : vector<16xf32>
      %mul3A_200 = arith.constant 2.000000e-01 : f32
      %mul3A_201 = vector.broadcast %mul3A_200 : f32 to vector<16xf32>
      %mul3A_202 = arith.mulf %mul3A_201, %add3A_199 : vector<16xf32>
      %max3A = arith.maximumf %add3A_199, %mul3A_202 : vector<16xf32>
      %exp3A = math.exp %max3A : vector<16xf32>
      %broadcast_in_dim3A_203 = arith.constant 64 : i32
      %broadcast_in_dim3A_204 = vector.broadcast %broadcast_in_dim3A_203 : i32 to vector<16xi32>
      tpu.vector_store_idx %arg21[%add3A_195, %broadcast_in_dim3A_204], %exp3A : memref<128x80xf32, #tpu.memory_space<vmem>>[vector<16xi32>, vector<16xi32>], vector<16xf32>,
      %add3A_205 = arith.constant 16 : i32
      %add3A_206 = vector.broadcast %add3A_205 : i32 to vector<16xi32>
      %add3A_207 = arith.addi %iota3A, %add3A_206 : vector<16xi32>
      %broadcast_in_dim3A_208 = arith.constant 0 : i32
      %broadcast_in_dim3A_209 = vector.broadcast %broadcast_in_dim3A_208 : i32 to vector<16xi32>
      %gather3A_210 = tpu.vector_load_idx %arg17[%add3A_207, %broadcast_in_dim3A_209] : memref<128x16xf32, #tpu.memory_space<vmem>>[vector<16xi32>, vector<16xi32>], vector<16xf32>,
      %gather3A_211 = tpu.vector_load_idx %arg19[%add3A_207, %broadcast_in_dim3A_209] : memref<128x16xf32, #tpu.memory_space<vmem>>[vector<16xi32>, vector<16xi32>], vector<16xf32>,
      %add3A_212 = arith.addf %gather3A_210, %gather3A_211 : vector<16xf32>
      %mul3A_213 = arith.constant 2.000000e-01 : f32
      %mul3A_214 = vector.broadcast %mul3A_213 : f32 to vector<16xf32>
      %mul3A_215 = arith.mulf %mul3A_214, %add3A_212 : vector<16xf32>
      %max3A_216 = arith.maximumf %add3A_212, %mul3A_215 : vector<16xf32>
      %exp3A_217 = math.exp %max3A_216 : vector<16xf32>
      %broadcast_in_dim3A_218 = arith.constant 64 : i32
      %broadcast_in_dim3A_219 = vector.broadcast %broadcast_in_dim3A_218 : i32 to vector<16xi32>
      tpu.vector_store_idx %arg21[%add3A_207, %broadcast_in_dim3A_219], %exp3A_217 : memref<128x80xf32, #tpu.memory_space<vmem>>[vector<16xi32>, vector<16xi32>], vector<16xf32>,
      %add3A_220 = arith.constant 32 : i32
      %add3A_221 = vector.broadcast %add3A_220 : i32 to vector<16xi32>
      %add3A_222 = arith.addi %iota3A, %add3A_221 : vector<16xi32>
      %broadcast_in_dim3A_223 = arith.constant 0 : i32
      %broadcast_in_dim3A_224 = vector.broadcast %broadcast_in_dim3A_223 : i32 to vector<16xi32>
      %gather3A_225 = tpu.vector_load_idx %arg17[%add3A_222, %broadcast_in_dim3A_224] : memref<128x16xf32, #tpu.memory_space<vmem>>[vector<16xi32>, vector<16xi32>], vector<16xf32>,
      %gather3A_226 = tpu.vector_load_idx %arg19[%add3A_222, %broadcast_in_dim3A_224] : memref<128x16xf32, #tpu.memory_space<vmem>>[vector<16xi32>, vector<16xi32>], vector<16xf32>,
      %add3A_227 = arith.addf %gather3A_225, %gather3A_226 : vector<16xf32>
      %mul3A_228 = arith.constant 2.000000e-01 : f32
      %mul3A_229 = vector.broadcast %mul3A_228 : f32 to vector<16xf32>
      %mul3A_230 = arith.mulf %mul3A_229, %add3A_227 : vector<16xf32>
      %max3A_231 = arith.maximumf %add3A_227, %mul3A_230 : vector<16xf32>
      %exp3A_232 = math.exp %max3A_231 : vector<16xf32>
      %broadcast_in_dim3A_233 = arith.constant 64 : i32
      %broadcast_in_dim3A_234 = vector.broadcast %broadcast_in_dim3A_233 : i32 to vector<16xi32>
      tpu.vector_store_idx %arg21[%add3A_222, %broadcast_in_dim3A_234], %exp3A_232 : memref<128x80xf32, #tpu.memory_space<vmem>>[vector<16xi32>, vector<16xi32>], vector<16xf32>,
      %add3A_235 = arith.constant 48 : i32
      %add3A_236 = vector.broadcast %add3A_235 : i32 to vector<16xi32>
      %add3A_237 = arith.addi %iota3A, %add3A_236 : vector<16xi32>
      %broadcast_in_dim3A_238 = arith.constant 0 : i32
      %broadcast_in_dim3A_239 = vector.broadcast %broadcast_in_dim3A_238 : i32 to vector<16xi32>
      %gather3A_240 = tpu.vector_load_idx %arg17[%add3A_237, %broadcast_in_dim3A_239] : memref<128x16xf32, #tpu.memory_space<vmem>>[vector<16xi32>, vector<16xi32>], vector<16xf32>,
      %gather3A_241 = tpu.vector_load_idx %arg19[%add3A_237, %broadcast_in_dim3A_239] : memref<128x16xf32, #tpu.memory_space<vmem>>[vector<16xi32>, vector<16xi32>], vector<16xf32>,
      %add3A_242 = arith.addf %gather3A_240, %gather3A_241 : vector<16xf32>
      %mul3A_243 = arith.constant 2.000000e-01 : f32
      %mul3A_244 = vector.broadcast %mul3A_243 : f32 to vector<16xf32>
      %mul3A_245 = arith.mulf %mul3A_244, %add3A_242 : vector<16xf32>
      %max3A_246 = arith.maximumf %add3A_242, %mul3A_245 : vector<16xf32>
      %exp3A_247 = math.exp %max3A_246 : vector<16xf32>
      %broadcast_in_dim3A_248 = arith.constant 64 : i32
      %broadcast_in_dim3A_249 = vector.broadcast %broadcast_in_dim3A_248 : i32 to vector<16xi32>
      tpu.vector_store_idx %arg21[%add3A_237, %broadcast_in_dim3A_249], %exp3A_247 : memref<128x80xf32, #tpu.memory_space<vmem>>[vector<16xi32>, vector<16xi32>], vector<16xf32>,
      %add3A_250 = arith.constant 64 : i32
      %add3A_251 = vector.broadcast %add3A_250 : i32 to vector<16xi32>
      %add3A_252 = arith.addi %iota3A, %add3A_251 : vector<16xi32>
      %broadcast_in_dim3A_253 = arith.constant 0 : i32
      %broadcast_in_dim3A_254 = vector.broadcast %broadcast_in_dim3A_253 : i32 to vector<16xi32>
      %gather3A_255 = tpu.vector_load_idx %arg17[%add3A_252, %broadcast_in_dim3A_254] : memref<128x16xf32, #tpu.memory_space<vmem>>[vector<16xi32>, vector<16xi32>], vector<16xf32>,
      %gather3A_256 = tpu.vector_load_idx %arg19[%add3A_252, %broadcast_in_dim3A_254] : memref<128x16xf32, #tpu.memory_space<vmem>>[vector<16xi32>, vector<16xi32>], vector<16xf32>,
      %add3A_257 = arith.addf %gather3A_255, %gather3A_256 : vector<16xf32>
      %mul3A_258 = arith.constant 2.000000e-01 : f32
      %mul3A_259 = vector.broadcast %mul3A_258 : f32 to vector<16xf32>
      %mul3A_260 = arith.mulf %mul3A_259, %add3A_257 : vector<16xf32>
      %max3A_261 = arith.maximumf %add3A_257, %mul3A_260 : vector<16xf32>
      %exp3A_262 = math.exp %max3A_261 : vector<16xf32>
      %broadcast_in_dim3A_263 = arith.constant 64 : i32
      %broadcast_in_dim3A_264 = vector.broadcast %broadcast_in_dim3A_263 : i32 to vector<16xi32>
      tpu.vector_store_idx %arg21[%add3A_252, %broadcast_in_dim3A_264], %exp3A_262 : memref<128x80xf32, #tpu.memory_space<vmem>>[vector<16xi32>, vector<16xi32>], vector<16xf32>,
      %add3A_265 = arith.constant 80 : i32
      %add3A_266 = vector.broadcast %add3A_265 : i32 to vector<16xi32>
      %add3A_267 = arith.addi %iota3A, %add3A_266 : vector<16xi32>
      %broadcast_in_dim3A_268 = arith.constant 0 : i32
      %broadcast_in_dim3A_269 = vector.broadcast %broadcast_in_dim3A_268 : i32 to vector<16xi32>
      %gather3A_270 = tpu.vector_load_idx %arg17[%add3A_267, %broadcast_in_dim3A_269] : memref<128x16xf32, #tpu.memory_space<vmem>>[vector<16xi32>, vector<16xi32>], vector<16xf32>,
      %gather3A_271 = tpu.vector_load_idx %arg19[%add3A_267, %broadcast_in_dim3A_269] : memref<128x16xf32, #tpu.memory_space<vmem>>[vector<16xi32>, vector<16xi32>], vector<16xf32>,
      %add3A_272 = arith.addf %gather3A_270, %gather3A_271 : vector<16xf32>
      %mul3A_273 = arith.constant 2.000000e-01 : f32
      %mul3A_274 = vector.broadcast %mul3A_273 : f32 to vector<16xf32>
      %mul3A_275 = arith.mulf %mul3A_274, %add3A_272 : vector<16xf32>
      %max3A_276 = arith.maximumf %add3A_272, %mul3A_275 : vector<16xf32>
      %exp3A_277 = math.exp %max3A_276 : vector<16xf32>
      %broadcast_in_dim3A_278 = arith.constant 64 : i32
      %broadcast_in_dim3A_279 = vector.broadcast %broadcast_in_dim3A_278 : i32 to vector<16xi32>
      tpu.vector_store_idx %arg21[%add3A_267, %broadcast_in_dim3A_279], %exp3A_277 : memref<128x80xf32, #tpu.memory_space<vmem>>[vector<16xi32>, vector<16xi32>], vector<16xf32>,
      %add3A_280 = arith.constant 96 : i32
      %add3A_281 = vector.broadcast %add3A_280 : i32 to vector<16xi32>
      %add3A_282 = arith.addi %iota3A, %add3A_281 : vector<16xi32>
      %broadcast_in_dim3A_283 = arith.constant 0 : i32
      %broadcast_in_dim3A_284 = vector.broadcast %broadcast_in_dim3A_283 : i32 to vector<16xi32>
      %gather3A_285 = tpu.vector_load_idx %arg17[%add3A_282, %broadcast_in_dim3A_284] : memref<128x16xf32, #tpu.memory_space<vmem>>[vector<16xi32>, vector<16xi32>], vector<16xf32>,
      %gather3A_286 = tpu.vector_load_idx %arg19[%add3A_282, %broadcast_in_dim3A_284] : memref<128x16xf32, #tpu.memory_space<vmem>>[vector<16xi32>, vector<16xi32>], vector<16xf32>,
      %add3A_287 = arith.addf %gather3A_285, %gather3A_286 : vector<16xf32>
      %mul3A_288 = arith.constant 2.000000e-01 : f32
      %mul3A_289 = vector.broadcast %mul3A_288 : f32 to vector<16xf32>
      %mul3A_290 = arith.mulf %mul3A_289, %add3A_287 : vector<16xf32>
      %max3A_291 = arith.maximumf %add3A_287, %mul3A_290 : vector<16xf32>
      %exp3A_292 = math.exp %max3A_291 : vector<16xf32>
      %broadcast_in_dim3A_293 = arith.constant 64 : i32
      %broadcast_in_dim3A_294 = vector.broadcast %broadcast_in_dim3A_293 : i32 to vector<16xi32>
      tpu.vector_store_idx %arg21[%add3A_282, %broadcast_in_dim3A_294], %exp3A_292 : memref<128x80xf32, #tpu.memory_space<vmem>>[vector<16xi32>, vector<16xi32>], vector<16xf32>,
      %add3A_295 = arith.constant 112 : i32
      %add3A_296 = vector.broadcast %add3A_295 : i32 to vector<16xi32>
      %add3A_297 = arith.addi %iota3A, %add3A_296 : vector<16xi32>
      %broadcast_in_dim3A_298 = arith.constant 0 : i32
      %broadcast_in_dim3A_299 = vector.broadcast %broadcast_in_dim3A_298 : i32 to vector<16xi32>
      %gather3A_300 = tpu.vector_load_idx %arg17[%add3A_297, %broadcast_in_dim3A_299] : memref<128x16xf32, #tpu.memory_space<vmem>>[vector<16xi32>, vector<16xi32>], vector<16xf32>,
      %gather3A_301 = tpu.vector_load_idx %arg19[%add3A_297, %broadcast_in_dim3A_299] : memref<128x16xf32, #tpu.memory_space<vmem>>[vector<16xi32>, vector<16xi32>], vector<16xf32>,
      %add3A_302 = arith.addf %gather3A_300, %gather3A_301 : vector<16xf32>
      %mul3A_303 = arith.constant 2.000000e-01 : f32
      %mul3A_304 = vector.broadcast %mul3A_303 : f32 to vector<16xf32>
      %mul3A_305 = arith.mulf %mul3A_304, %add3A_302 : vector<16xf32>
      %max3A_306 = arith.maximumf %add3A_302, %mul3A_305 : vector<16xf32>
      %exp3A_307 = math.exp %max3A_306 : vector<16xf32>
      %broadcast_in_dim3A_308 = arith.constant 64 : i32
      %broadcast_in_dim3A_309 = vector.broadcast %broadcast_in_dim3A_308 : i32 to vector<16xi32>
      tpu.vector_store_idx %arg21[%add3A_297, %broadcast_in_dim3A_309], %exp3A_307 : memref<128x80xf32, #tpu.memory_space<vmem>>[vector<16xi32>, vector<16xi32>], vector<16xf32>,
      %parallel_loop3A = arith.constant 0 : i32
      %parallel_loop3A_310 = arith.constant 128 : i32
      %parallel_loop3A_311 = arith.constant 1 : i32
      scf.for %parallel_loop3A_521 = %parallel_loop3A to %parallel_loop3A_310 step %parallel_loop3A_311  : i32 {
        %parallel_loop3A_522 = arith.index_cast %parallel_loop3A_521 : i32 to index
        %parallel_loop3A_523 = arith.constant 64 : index
        %parallel_loop3A_524 = tpu.vector_load %arg21[%parallel_loop3A_522, %parallel_loop3A_523] {strides = array<i32>} : memref<128x80xf32, #tpu.memory_space<vmem>>, vector<16xf32>,
        %parallel_loop3A_525 = vector.extract_strided_slice %parallel_loop3A_524 {offsets = [0], sizes = [1], strides = [1]} : vector<16xf32> to vector<1xf32>
        %parallel_loop3A_526 = vector.extract %parallel_loop3A_525[0] : f32 from vector<1xf32>
        %parallel_loop3A_527 = vector.broadcast %parallel_loop3A_526 : f32 to vector<16xf32>
        %parallel_loop3A_528 = arith.index_cast %parallel_loop3A_521 : i32 to index
        %parallel_loop3A_529 = arith.constant 0 : index
        %parallel_loop3A_530 = tpu.vector_load %arg15[%parallel_loop3A_528, %parallel_loop3A_529] {strides = array<i32>} : memref<128x64xf32, #tpu.memory_space<vmem>>, vector<16xf32>,
        %parallel_loop3A_531 = arith.mulf %parallel_loop3A_530, %parallel_loop3A_527 : vector<16xf32>
        %parallel_loop3A_532 = arith.index_cast %parallel_loop3A_521 : i32 to index
        %parallel_loop3A_533 = arith.constant 0 : index
        %parallel_loop3A_534 = tpu.vector_load %arg21[%parallel_loop3A_532, %parallel_loop3A_533] {strides = array<i32>} : memref<128x80xf32, #tpu.memory_space<vmem>>, vector<16xf32>,
        tpu.vector_store %arg21[%parallel_loop3A_532, %parallel_loop3A_533], %parallel_loop3A_531 {strides = array<i32>} : memref<128x80xf32, #tpu.memory_space<vmem>>, vector<16xf32>,
        %parallel_loop3A_535 = arith.index_cast %parallel_loop3A_521 : i32 to index
        %parallel_loop3A_536 = arith.constant 16 : index
        %parallel_loop3A_537 = tpu.vector_load %arg15[%parallel_loop3A_535, %parallel_loop3A_536] {strides = array<i32>} : memref<128x64xf32, #tpu.memory_space<vmem>>, vector<16xf32>,
        %parallel_loop3A_538 = arith.mulf %parallel_loop3A_537, %parallel_loop3A_527 : vector<16xf32>
        %parallel_loop3A_539 = arith.index_cast %parallel_loop3A_521 : i32 to index
        %parallel_loop3A_540 = arith.constant 16 : index
        %parallel_loop3A_541 = tpu.vector_load %arg21[%parallel_loop3A_539, %parallel_loop3A_540] {strides = array<i32>} : memref<128x80xf32, #tpu.memory_space<vmem>>, vector<16xf32>,
        tpu.vector_store %arg21[%parallel_loop3A_539, %parallel_loop3A_540], %parallel_loop3A_538 {strides = array<i32>} : memref<128x80xf32, #tpu.memory_space<vmem>>, vector<16xf32>,
        %parallel_loop3A_542 = arith.index_cast %parallel_loop3A_521 : i32 to index
        %parallel_loop3A_543 = arith.constant 32 : index
        %parallel_loop3A_544 = tpu.vector_load %arg15[%parallel_loop3A_542, %parallel_loop3A_543] {strides = array<i32>} : memref<128x64xf32, #tpu.memory_space<vmem>>, vector<16xf32>,
        %parallel_loop3A_545 = arith.mulf %parallel_loop3A_544, %parallel_loop3A_527 : vector<16xf32>
        %parallel_loop3A_546 = arith.index_cast %parallel_loop3A_521 : i32 to index
        %parallel_loop3A_547 = arith.constant 32 : index
        %parallel_loop3A_548 = tpu.vector_load %arg21[%parallel_loop3A_546, %parallel_loop3A_547] {strides = array<i32>} : memref<128x80xf32, #tpu.memory_space<vmem>>, vector<16xf32>,
        tpu.vector_store %arg21[%parallel_loop3A_546, %parallel_loop3A_547], %parallel_loop3A_545 {strides = array<i32>} : memref<128x80xf32, #tpu.memory_space<vmem>>, vector<16xf32>,
        %parallel_loop3A_549 = arith.index_cast %parallel_loop3A_521 : i32 to index
        %parallel_loop3A_550 = arith.constant 48 : index
        %parallel_loop3A_551 = tpu.vector_load %arg15[%parallel_loop3A_549, %parallel_loop3A_550] {strides = array<i32>} : memref<128x64xf32, #tpu.memory_space<vmem>>, vector<16xf32>,
        %parallel_loop3A_552 = arith.mulf %parallel_loop3A_551, %parallel_loop3A_527 : vector<16xf32>
        %parallel_loop3A_553 = arith.index_cast %parallel_loop3A_521 : i32 to index
        %parallel_loop3A_554 = arith.constant 48 : index
        %parallel_loop3A_555 = tpu.vector_load %arg21[%parallel_loop3A_553, %parallel_loop3A_554] {strides = array<i32>} : memref<128x80xf32, #tpu.memory_space<vmem>>, vector<16xf32>,
        tpu.vector_store %arg21[%parallel_loop3A_553, %parallel_loop3A_554], %parallel_loop3A_552 {strides = array<i32>} : memref<128x80xf32, #tpu.memory_space<vmem>>, vector<16xf32>,
      } {sc.loop_unroll_factor = 8 : i64, sc.parallel_access}
      "tpu.region"() ({
        %run_scoped3A = tpu.sem_alloc : memref<!tpu.dma_semaphore, #tpu.memory_space<semaphore_mem>>
        %dma_start3A_521 = arith.constant 0 : i32
        %dma_start3A_522 = arith.constant 0 : i32
        %dma_start3A_523 = tpu.memref_slice %arg22[%dma_start3A_521, %dma_start3A_522] : memref<10240x80xf32, #tpu.memory_space<vmem_shared>> -> memref<10240x80xf32, #tpu.memory_space<vmem_shared>>
        tpu.enqueue_indirect_dma source(%arg21 : memref<128x80xf32, #tpu.memory_space<vmem>>) target(%dma_start3A_523 : memref<10240x80xf32, #tpu.memory_space<vmem_shared>>) offsets(%arg13 : memref<128xi32, #tpu.memory_space<vmem>>) semaphore(%run_scoped3A : memref<!tpu.dma_semaphore, #tpu.memory_space<semaphore_mem>>) {add = true}
        %dma_wait3A_524 = arith.constant 0 : i32
        %dma_wait3A_525 = arith.constant 0 : i32
        %dma_wait3A_526 = tpu.memref_slice %arg22[%dma_wait3A_524, %dma_wait3A_525] : memref<10240x80xf32, #tpu.memory_space<vmem_shared>> -> memref<10240x80xf32, #tpu.memory_space<vmem_shared>>
        tpu.wait_indirect_dma semaphore(%run_scoped3A : memref<!tpu.dma_semaphore, #tpu.memory_space<semaphore_mem>>) src(%arg21 : memref<128x80xf32, #tpu.memory_space<vmem>>) dst(%dma_wait3A_526 : memref<10240x80xf32, #tpu.memory_space<vmem_shared>>)
        tpu.yield
      }) : () -> ()
      %add3A_312 = arith.constant 2 : i32
      %add3A_313 = arith.addi %add3A_149, %add3A_312 : i32
      %mul3A_314 = arith.constant 163840 : i32
      %mul3A_315 = arith.muli %arg0, %mul3A_314 : i32
      %mul3A_316 = arith.constant 80 : i32
      %mul3A_317 = arith.muli %arg1, %mul3A_316 : i32
      %add3A_318 = arith.addi %mul3A_317, %add3A_313 : i32
      %mul3A_319 = arith.constant 128 : i32
      %mul3A_320 = arith.muli %add3A_318, %mul3A_319 : i32
      %add3A_321 = arith.addi %mul3A_315, %mul3A_320 : i32
      %dma_start3A_322 = tpu.memref_slice %arg2[%arg0, %add3A_321] : memref<2x327936xi32, #tpu.memory_space<hbm>> -> memref<1x128xi32, #tpu.memory_space<hbm>>
      %dma_start3A_323 = tpu.memref_squeeze %dma_start3A_322 : memref<1x128xi32, #tpu.memory_space<hbm>> -> memref<128xi32, #tpu.memory_space<hbm>>
      %dma_start3A_324 = tpu.memref_slice %arg2[%arg0, %add3A_321] : memref<2x327936xi32, #tpu.memory_space<hbm>> -> memref<1x128xi32, #tpu.memory_space<hbm>>
      %dma_start3A_325 = tpu.memref_squeeze %dma_start3A_324 : memref<1x128xi32, #tpu.memory_space<hbm>> -> memref<128xi32, #tpu.memory_space<hbm>>
      tpu.enqueue_dma source(%dma_start3A_325 : memref<128xi32, #tpu.memory_space<hbm>>) target(%arg9 : memref<128xi32, #tpu.memory_space<vmem>>) target_semaphore(%arg23 : memref<!tpu.dma_semaphore, #tpu.memory_space<semaphore_mem>>)
      %dma_start3A_326 = tpu.memref_slice %arg3[%arg0, %add3A_321] : memref<2x327936xi32, #tpu.memory_space<hbm>> -> memref<1x128xi32, #tpu.memory_space<hbm>>
      %dma_start3A_327 = tpu.memref_squeeze %dma_start3A_326 : memref<1x128xi32, #tpu.memory_space<hbm>> -> memref<128xi32, #tpu.memory_space<hbm>>
      %dma_start3A_328 = tpu.memref_slice %arg3[%arg0, %add3A_321] : memref<2x327936xi32, #tpu.memory_space<hbm>> -> memref<1x128xi32, #tpu.memory_space<hbm>>
      %dma_start3A_329 = tpu.memref_squeeze %dma_start3A_328 : memref<1x128xi32, #tpu.memory_space<hbm>> -> memref<128xi32, #tpu.memory_space<hbm>>
      tpu.enqueue_dma source(%dma_start3A_329 : memref<128xi32, #tpu.memory_space<hbm>>) target(%arg11 : memref<128xi32, #tpu.memory_space<vmem>>) target_semaphore(%arg23 : memref<!tpu.dma_semaphore, #tpu.memory_space<semaphore_mem>>)
      %dma_start3A_330 = tpu.memref_slice %arg4[%add3A_321] : memref<327936xi32, #tpu.memory_space<hbm>> -> memref<128xi32, #tpu.memory_space<hbm>>
      %dma_start3A_331 = tpu.memref_slice %arg4[%add3A_321] : memref<327936xi32, #tpu.memory_space<hbm>> -> memref<128xi32, #tpu.memory_space<hbm>>
      tpu.enqueue_dma source(%dma_start3A_331 : memref<128xi32, #tpu.memory_space<hbm>>) target(%arg13 : memref<128xi32, #tpu.memory_space<vmem>>) target_semaphore(%arg23 : memref<!tpu.dma_semaphore, #tpu.memory_space<semaphore_mem>>)
      %add3A_332 = arith.constant 1 : i32
      %add3A_333 = arith.addi %mul3A_147, %add3A_332 : i32
      %dma_wait3A_334 = arith.constant 0 : i32
      %dma_wait3A_335 = arith.constant 0 : i32
      %dma_wait3A_336 = tpu.memref_slice %arg5[%dma_wait3A_334, %dma_wait3A_335] : memref<10000x64xf32, #tpu.memory_space<hbm>> -> memref<128x64xf32, #tpu.memory_space<hbm>>
      %dma_wait3A_337 = arith.constant 0 : i32
      %dma_wait3A_338 = arith.constant 0 : i32
      %dma_wait3A_339 = tpu.memref_slice %arg5[%dma_wait3A_337, %dma_wait3A_338] : memref<10000x64xf32, #tpu.memory_space<hbm>> -> memref<128x64xf32, #tpu.memory_space<hbm>>
      tpu.wait_dma2 semaphore(%arg26 : memref<!tpu.dma_semaphore, #tpu.memory_space<semaphore_mem>>) src(%dma_wait3A_339 : memref<128x64xf32, #tpu.memory_space<hbm>>) dst(%arg16 : memref<128x64xf32, #tpu.memory_space<vmem>>)
      %dma_wait3A_340 = arith.constant 0 : i32
      %dma_wait3A_341 = arith.constant 0 : i32
      %dma_wait3A_342 = tpu.memref_slice %arg6[%dma_wait3A_340, %dma_wait3A_341] : memref<10016x16xf32, #tpu.memory_space<hbm>> -> memref<128x16xf32, #tpu.memory_space<hbm>>
      %dma_wait3A_343 = arith.constant 0 : i32
      %dma_wait3A_344 = arith.constant 0 : i32
      %dma_wait3A_345 = tpu.memref_slice %arg6[%dma_wait3A_343, %dma_wait3A_344] : memref<10016x16xf32, #tpu.memory_space<hbm>> -> memref<128x16xf32, #tpu.memory_space<hbm>>
      tpu.wait_dma2 semaphore(%arg26 : memref<!tpu.dma_semaphore, #tpu.memory_space<semaphore_mem>>) src(%dma_wait3A_345 : memref<128x16xf32, #tpu.memory_space<hbm>>) dst(%arg18 : memref<128x16xf32, #tpu.memory_space<vmem>>)
      %dma_wait3A_346 = arith.constant 0 : i32
      %dma_wait3A_347 = arith.constant 0 : i32
      %dma_wait3A_348 = tpu.memref_slice %arg7[%dma_wait3A_346, %dma_wait3A_347] : memref<10016x16xf32, #tpu.memory_space<hbm>> -> memref<128x16xf32, #tpu.memory_space<hbm>>
      %dma_wait3A_349 = arith.constant 0 : i32
      %dma_wait3A_350 = arith.constant 0 : i32
      %dma_wait3A_351 = tpu.memref_slice %arg7[%dma_wait3A_349, %dma_wait3A_350] : memref<10016x16xf32, #tpu.memory_space<hbm>> -> memref<128x16xf32, #tpu.memory_space<hbm>>
      tpu.wait_dma2 semaphore(%arg26 : memref<!tpu.dma_semaphore, #tpu.memory_space<semaphore_mem>>) src(%dma_wait3A_351 : memref<128x16xf32, #tpu.memory_space<hbm>>) dst(%arg20 : memref<128x16xf32, #tpu.memory_space<vmem>>)
      %dma_wait3A_352 = arith.constant 0 : i32
      %dma_wait3A_353 = tpu.memref_slice %arg2[%arg0, %dma_wait3A_352] : memref<2x327936xi32, #tpu.memory_space<hbm>> -> memref<1x128xi32, #tpu.memory_space<hbm>>
      %dma_wait3A_354 = tpu.memref_squeeze %dma_wait3A_353 : memref<1x128xi32, #tpu.memory_space<hbm>> -> memref<128xi32, #tpu.memory_space<hbm>>
      %dma_wait3A_355 = arith.constant 0 : i32
      %dma_wait3A_356 = tpu.memref_slice %arg2[%arg0, %dma_wait3A_355] : memref<2x327936xi32, #tpu.memory_space<hbm>> -> memref<1x128xi32, #tpu.memory_space<hbm>>
      %dma_wait3A_357 = tpu.memref_squeeze %dma_wait3A_356 : memref<1x128xi32, #tpu.memory_space<hbm>> -> memref<128xi32, #tpu.memory_space<hbm>>
      tpu.wait_dma2 semaphore(%arg23 : memref<!tpu.dma_semaphore, #tpu.memory_space<semaphore_mem>>) src(%dma_wait3A_357 : memref<128xi32, #tpu.memory_space<hbm>>) dst(%arg9 : memref<128xi32, #tpu.memory_space<vmem>>)
      %dma_wait3A_358 = arith.constant 0 : i32
      %dma_wait3A_359 = tpu.memref_slice %arg3[%arg0, %dma_wait3A_358] : memref<2x327936xi32, #tpu.memory_space<hbm>> -> memref<1x128xi32, #tpu.memory_space<hbm>>
      %dma_wait3A_360 = tpu.memref_squeeze %dma_wait3A_359 : memref<1x128xi32, #tpu.memory_space<hbm>> -> memref<128xi32, #tpu.memory_space<hbm>>
      %dma_wait3A_361 = arith.constant 0 : i32
      %dma_wait3A_362 = tpu.memref_slice %arg3[%arg0, %dma_wait3A_361] : memref<2x327936xi32, #tpu.memory_space<hbm>> -> memref<1x128xi32, #tpu.memory_space<hbm>>
      %dma_wait3A_363 = tpu.memref_squeeze %dma_wait3A_362 : memref<1x128xi32, #tpu.memory_space<hbm>> -> memref<128xi32, #tpu.memory_space<hbm>>
      tpu.wait_dma2 semaphore(%arg23 : memref<!tpu.dma_semaphore, #tpu.memory_space<semaphore_mem>>) src(%dma_wait3A_363 : memref<128xi32, #tpu.memory_space<hbm>>) dst(%arg11 : memref<128xi32, #tpu.memory_space<vmem>>)
      %dma_wait3A_364 = arith.constant 0 : i32
      %dma_wait3A_365 = tpu.memref_slice %arg4[%dma_wait3A_364] : memref<327936xi32, #tpu.memory_space<hbm>> -> memref<128xi32, #tpu.memory_space<hbm>>
      %dma_wait3A_366 = arith.constant 0 : i32
      %dma_wait3A_367 = tpu.memref_slice %arg4[%dma_wait3A_366] : memref<327936xi32, #tpu.memory_space<hbm>> -> memref<128xi32, #tpu.memory_space<hbm>>
      tpu.wait_dma2 semaphore(%arg23 : memref<!tpu.dma_semaphore, #tpu.memory_space<semaphore_mem>>) src(%dma_wait3A_367 : memref<128xi32, #tpu.memory_space<hbm>>) dst(%arg13 : memref<128xi32, #tpu.memory_space<vmem>>)
      %dma_start3A_368 = arith.constant 0 : i32
      %dma_start3A_369 = arith.constant 0 : i32
      %dma_start3A_370 = tpu.memref_slice %arg5[%dma_start3A_368, %dma_start3A_369] : memref<10000x64xf32, #tpu.memory_space<hbm>> -> memref<10000x64xf32, #tpu.memory_space<hbm>>
      tpu.enqueue_indirect_dma source(%dma_start3A_370 : memref<10000x64xf32, #tpu.memory_space<hbm>>) target(%arg15 : memref<128x64xf32, #tpu.memory_space<vmem>>) offsets(%arg9 : memref<128xi32, #tpu.memory_space<vmem>>) semaphore(%arg25 : memref<!tpu.dma_semaphore, #tpu.memory_space<semaphore_mem>>)
      %dma_start3A_371 = arith.constant 0 : i32
      %dma_start3A_372 = arith.constant 0 : i32
      %dma_start3A_373 = tpu.memref_slice %arg6[%dma_start3A_371, %dma_start3A_372] : memref<10016x16xf32, #tpu.memory_space<hbm>> -> memref<10016x16xf32, #tpu.memory_space<hbm>>
      tpu.enqueue_indirect_dma source(%dma_start3A_373 : memref<10016x16xf32, #tpu.memory_space<hbm>>) target(%arg17 : memref<128x16xf32, #tpu.memory_space<vmem>>) offsets(%arg9 : memref<128xi32, #tpu.memory_space<vmem>>) semaphore(%arg25 : memref<!tpu.dma_semaphore, #tpu.memory_space<semaphore_mem>>)
      %dma_start3A_374 = arith.constant 0 : i32
      %dma_start3A_375 = arith.constant 0 : i32
      %dma_start3A_376 = tpu.memref_slice %arg7[%dma_start3A_374, %dma_start3A_375] : memref<10016x16xf32, #tpu.memory_space<hbm>> -> memref<10016x16xf32, #tpu.memory_space<hbm>>
      tpu.enqueue_indirect_dma source(%dma_start3A_376 : memref<10016x16xf32, #tpu.memory_space<hbm>>) target(%arg19 : memref<128x16xf32, #tpu.memory_space<vmem>>) offsets(%arg11 : memref<128xi32, #tpu.memory_space<vmem>>) semaphore(%arg25 : memref<!tpu.dma_semaphore, #tpu.memory_space<semaphore_mem>>)
      %add3A_377 = arith.constant 0 : i32
      %add3A_378 = vector.broadcast %add3A_377 : i32 to vector<16xi32>
      %add3A_379 = arith.addi %iota3A, %add3A_378 : vector<16xi32>
      %broadcast_in_dim3A_380 = arith.constant 0 : i32
      %broadcast_in_dim3A_381 = vector.broadcast %broadcast_in_dim3A_380 : i32 to vector<16xi32>
      %gather3A_382 = tpu.vector_load_idx %arg18[%add3A_379, %broadcast_in_dim3A_381] : memref<128x16xf32, #tpu.memory_space<vmem>>[vector<16xi32>, vector<16xi32>], vector<16xf32>,
      %gather3A_383 = tpu.vector_load_idx %arg20[%add3A_379, %broadcast_in_dim3A_381] : memref<128x16xf32, #tpu.memory_space<vmem>>[vector<16xi32>, vector<16xi32>], vector<16xf32>,
      %add3A_384 = arith.addf %gather3A_382, %gather3A_383 : vector<16xf32>
      %mul3A_385 = arith.constant 2.000000e-01 : f32
      %mul3A_386 = vector.broadcast %mul3A_385 : f32 to vector<16xf32>
      %mul3A_387 = arith.mulf %mul3A_386, %add3A_384 : vector<16xf32>
      %max3A_388 = arith.maximumf %add3A_384, %mul3A_387 : vector<16xf32>
      %exp3A_389 = math.exp %max3A_388 : vector<16xf32>
      %broadcast_in_dim3A_390 = arith.constant 64 : i32
      %broadcast_in_dim3A_391 = vector.broadcast %broadcast_in_dim3A_390 : i32 to vector<16xi32>
      tpu.vector_store_idx %arg21[%add3A_379, %broadcast_in_dim3A_391], %exp3A_389 : memref<128x80xf32, #tpu.memory_space<vmem>>[vector<16xi32>, vector<16xi32>], vector<16xf32>,
      %add3A_392 = arith.constant 16 : i32
      %add3A_393 = vector.broadcast %add3A_392 : i32 to vector<16xi32>
      %add3A_394 = arith.addi %iota3A, %add3A_393 : vector<16xi32>
      %broadcast_in_dim3A_395 = arith.constant 0 : i32
      %broadcast_in_dim3A_396 = vector.broadcast %broadcast_in_dim3A_395 : i32 to vector<16xi32>
      %gather3A_397 = tpu.vector_load_idx %arg18[%add3A_394, %broadcast_in_dim3A_396] : memref<128x16xf32, #tpu.memory_space<vmem>>[vector<16xi32>, vector<16xi32>], vector<16xf32>,
      %gather3A_398 = tpu.vector_load_idx %arg20[%add3A_394, %broadcast_in_dim3A_396] : memref<128x16xf32, #tpu.memory_space<vmem>>[vector<16xi32>, vector<16xi32>], vector<16xf32>,
      %add3A_399 = arith.addf %gather3A_397, %gather3A_398 : vector<16xf32>
      %mul3A_400 = arith.constant 2.000000e-01 : f32
      %mul3A_401 = vector.broadcast %mul3A_400 : f32 to vector<16xf32>
      %mul3A_402 = arith.mulf %mul3A_401, %add3A_399 : vector<16xf32>
      %max3A_403 = arith.maximumf %add3A_399, %mul3A_402 : vector<16xf32>
      %exp3A_404 = math.exp %max3A_403 : vector<16xf32>
      %broadcast_in_dim3A_405 = arith.constant 64 : i32
      %broadcast_in_dim3A_406 = vector.broadcast %broadcast_in_dim3A_405 : i32 to vector<16xi32>
      tpu.vector_store_idx %arg21[%add3A_394, %broadcast_in_dim3A_406], %exp3A_404 : memref<128x80xf32, #tpu.memory_space<vmem>>[vector<16xi32>, vector<16xi32>], vector<16xf32>,
      %add3A_407 = arith.constant 32 : i32
      %add3A_408 = vector.broadcast %add3A_407 : i32 to vector<16xi32>
      %add3A_409 = arith.addi %iota3A, %add3A_408 : vector<16xi32>
      %broadcast_in_dim3A_410 = arith.constant 0 : i32
      %broadcast_in_dim3A_411 = vector.broadcast %broadcast_in_dim3A_410 : i32 to vector<16xi32>
      %gather3A_412 = tpu.vector_load_idx %arg18[%add3A_409, %broadcast_in_dim3A_411] : memref<128x16xf32, #tpu.memory_space<vmem>>[vector<16xi32>, vector<16xi32>], vector<16xf32>,
      %gather3A_413 = tpu.vector_load_idx %arg20[%add3A_409, %broadcast_in_dim3A_411] : memref<128x16xf32, #tpu.memory_space<vmem>>[vector<16xi32>, vector<16xi32>], vector<16xf32>,
      %add3A_414 = arith.addf %gather3A_412, %gather3A_413 : vector<16xf32>
      %mul3A_415 = arith.constant 2.000000e-01 : f32
      %mul3A_416 = vector.broadcast %mul3A_415 : f32 to vector<16xf32>
      %mul3A_417 = arith.mulf %mul3A_416, %add3A_414 : vector<16xf32>
      %max3A_418 = arith.maximumf %add3A_414, %mul3A_417 : vector<16xf32>
      %exp3A_419 = math.exp %max3A_418 : vector<16xf32>
      %broadcast_in_dim3A_420 = arith.constant 64 : i32
      %broadcast_in_dim3A_421 = vector.broadcast %broadcast_in_dim3A_420 : i32 to vector<16xi32>
      tpu.vector_store_idx %arg21[%add3A_409, %broadcast_in_dim3A_421], %exp3A_419 : memref<128x80xf32, #tpu.memory_space<vmem>>[vector<16xi32>, vector<16xi32>], vector<16xf32>,
      %add3A_422 = arith.constant 48 : i32
      %add3A_423 = vector.broadcast %add3A_422 : i32 to vector<16xi32>
      %add3A_424 = arith.addi %iota3A, %add3A_423 : vector<16xi32>
      %broadcast_in_dim3A_425 = arith.constant 0 : i32
      %broadcast_in_dim3A_426 = vector.broadcast %broadcast_in_dim3A_425 : i32 to vector<16xi32>
      %gather3A_427 = tpu.vector_load_idx %arg18[%add3A_424, %broadcast_in_dim3A_426] : memref<128x16xf32, #tpu.memory_space<vmem>>[vector<16xi32>, vector<16xi32>], vector<16xf32>,
      %gather3A_428 = tpu.vector_load_idx %arg20[%add3A_424, %broadcast_in_dim3A_426] : memref<128x16xf32, #tpu.memory_space<vmem>>[vector<16xi32>, vector<16xi32>], vector<16xf32>,
      %add3A_429 = arith.addf %gather3A_427, %gather3A_428 : vector<16xf32>
      %mul3A_430 = arith.constant 2.000000e-01 : f32
      %mul3A_431 = vector.broadcast %mul3A_430 : f32 to vector<16xf32>
      %mul3A_432 = arith.mulf %mul3A_431, %add3A_429 : vector<16xf32>
      %max3A_433 = arith.maximumf %add3A_429, %mul3A_432 : vector<16xf32>
      %exp3A_434 = math.exp %max3A_433 : vector<16xf32>
      %broadcast_in_dim3A_435 = arith.constant 64 : i32
      %broadcast_in_dim3A_436 = vector.broadcast %broadcast_in_dim3A_435 : i32 to vector<16xi32>
      tpu.vector_store_idx %arg21[%add3A_424, %broadcast_in_dim3A_436], %exp3A_434 : memref<128x80xf32, #tpu.memory_space<vmem>>[vector<16xi32>, vector<16xi32>], vector<16xf32>,
      %add3A_437 = arith.constant 64 : i32
      %add3A_438 = vector.broadcast %add3A_437 : i32 to vector<16xi32>
      %add3A_439 = arith.addi %iota3A, %add3A_438 : vector<16xi32>
      %broadcast_in_dim3A_440 = arith.constant 0 : i32
      %broadcast_in_dim3A_441 = vector.broadcast %broadcast_in_dim3A_440 : i32 to vector<16xi32>
      %gather3A_442 = tpu.vector_load_idx %arg18[%add3A_439, %broadcast_in_dim3A_441] : memref<128x16xf32, #tpu.memory_space<vmem>>[vector<16xi32>, vector<16xi32>], vector<16xf32>,
      %gather3A_443 = tpu.vector_load_idx %arg20[%add3A_439, %broadcast_in_dim3A_441] : memref<128x16xf32, #tpu.memory_space<vmem>>[vector<16xi32>, vector<16xi32>], vector<16xf32>,
      %add3A_444 = arith.addf %gather3A_442, %gather3A_443 : vector<16xf32>
      %mul3A_445 = arith.constant 2.000000e-01 : f32
      %mul3A_446 = vector.broadcast %mul3A_445 : f32 to vector<16xf32>
      %mul3A_447 = arith.mulf %mul3A_446, %add3A_444 : vector<16xf32>
      %max3A_448 = arith.maximumf %add3A_444, %mul3A_447 : vector<16xf32>
      %exp3A_449 = math.exp %max3A_448 : vector<16xf32>
      %broadcast_in_dim3A_450 = arith.constant 64 : i32
      %broadcast_in_dim3A_451 = vector.broadcast %broadcast_in_dim3A_450 : i32 to vector<16xi32>
      tpu.vector_store_idx %arg21[%add3A_439, %broadcast_in_dim3A_451], %exp3A_449 : memref<128x80xf32, #tpu.memory_space<vmem>>[vector<16xi32>, vector<16xi32>], vector<16xf32>,
      %add3A_452 = arith.constant 80 : i32
      %add3A_453 = vector.broadcast %add3A_452 : i32 to vector<16xi32>
      %add3A_454 = arith.addi %iota3A, %add3A_453 : vector<16xi32>
      %broadcast_in_dim3A_455 = arith.constant 0 : i32
      %broadcast_in_dim3A_456 = vector.broadcast %broadcast_in_dim3A_455 : i32 to vector<16xi32>
      %gather3A_457 = tpu.vector_load_idx %arg18[%add3A_454, %broadcast_in_dim3A_456] : memref<128x16xf32, #tpu.memory_space<vmem>>[vector<16xi32>, vector<16xi32>], vector<16xf32>,
      %gather3A_458 = tpu.vector_load_idx %arg20[%add3A_454, %broadcast_in_dim3A_456] : memref<128x16xf32, #tpu.memory_space<vmem>>[vector<16xi32>, vector<16xi32>], vector<16xf32>,
      %add3A_459 = arith.addf %gather3A_457, %gather3A_458 : vector<16xf32>
      %mul3A_460 = arith.constant 2.000000e-01 : f32
      %mul3A_461 = vector.broadcast %mul3A_460 : f32 to vector<16xf32>
      %mul3A_462 = arith.mulf %mul3A_461, %add3A_459 : vector<16xf32>
      %max3A_463 = arith.maximumf %add3A_459, %mul3A_462 : vector<16xf32>
      %exp3A_464 = math.exp %max3A_463 : vector<16xf32>
      %broadcast_in_dim3A_465 = arith.constant 64 : i32
      %broadcast_in_dim3A_466 = vector.broadcast %broadcast_in_dim3A_465 : i32 to vector<16xi32>
      tpu.vector_store_idx %arg21[%add3A_454, %broadcast_in_dim3A_466], %exp3A_464 : memref<128x80xf32, #tpu.memory_space<vmem>>[vector<16xi32>, vector<16xi32>], vector<16xf32>,
      %add3A_467 = arith.constant 96 : i32
      %add3A_468 = vector.broadcast %add3A_467 : i32 to vector<16xi32>
      %add3A_469 = arith.addi %iota3A, %add3A_468 : vector<16xi32>
      %broadcast_in_dim3A_470 = arith.constant 0 : i32
      %broadcast_in_dim3A_471 = vector.broadcast %broadcast_in_dim3A_470 : i32 to vector<16xi32>
      %gather3A_472 = tpu.vector_load_idx %arg18[%add3A_469, %broadcast_in_dim3A_471] : memref<128x16xf32, #tpu.memory_space<vmem>>[vector<16xi32>, vector<16xi32>], vector<16xf32>,
      %gather3A_473 = tpu.vector_load_idx %arg20[%add3A_469, %broadcast_in_dim3A_471] : memref<128x16xf32, #tpu.memory_space<vmem>>[vector<16xi32>, vector<16xi32>], vector<16xf32>,
      %add3A_474 = arith.addf %gather3A_472, %gather3A_473 : vector<16xf32>
      %mul3A_475 = arith.constant 2.000000e-01 : f32
      %mul3A_476 = vector.broadcast %mul3A_475 : f32 to vector<16xf32>
      %mul3A_477 = arith.mulf %mul3A_476, %add3A_474 : vector<16xf32>
      %max3A_478 = arith.maximumf %add3A_474, %mul3A_477 : vector<16xf32>
      %exp3A_479 = math.exp %max3A_478 : vector<16xf32>
      %broadcast_in_dim3A_480 = arith.constant 64 : i32
      %broadcast_in_dim3A_481 = vector.broadcast %broadcast_in_dim3A_480 : i32 to vector<16xi32>
      tpu.vector_store_idx %arg21[%add3A_469, %broadcast_in_dim3A_481], %exp3A_479 : memref<128x80xf32, #tpu.memory_space<vmem>>[vector<16xi32>, vector<16xi32>], vector<16xf32>,
      %add3A_482 = arith.constant 112 : i32
      %add3A_483 = vector.broadcast %add3A_482 : i32 to vector<16xi32>
      %add3A_484 = arith.addi %iota3A, %add3A_483 : vector<16xi32>
      %broadcast_in_dim3A_485 = arith.constant 0 : i32
      %broadcast_in_dim3A_486 = vector.broadcast %broadcast_in_dim3A_485 : i32 to vector<16xi32>
      %gather3A_487 = tpu.vector_load_idx %arg18[%add3A_484, %broadcast_in_dim3A_486] : memref<128x16xf32, #tpu.memory_space<vmem>>[vector<16xi32>, vector<16xi32>], vector<16xf32>,
      %gather3A_488 = tpu.vector_load_idx %arg20[%add3A_484, %broadcast_in_dim3A_486] : memref<128x16xf32, #tpu.memory_space<vmem>>[vector<16xi32>, vector<16xi32>], vector<16xf32>,
      %add3A_489 = arith.addf %gather3A_487, %gather3A_488 : vector<16xf32>
      %mul3A_490 = arith.constant 2.000000e-01 : f32
      %mul3A_491 = vector.broadcast %mul3A_490 : f32 to vector<16xf32>
      %mul3A_492 = arith.mulf %mul3A_491, %add3A_489 : vector<16xf32>
      %max3A_493 = arith.maximumf %add3A_489, %mul3A_492 : vector<16xf32>
      %exp3A_494 = math.exp %max3A_493 : vector<16xf32>
      %broadcast_in_dim3A_495 = arith.constant 64 : i32
      %broadcast_in_dim3A_496 = vector.broadcast %broadcast_in_dim3A_495 : i32 to vector<16xi32>
      tpu.vector_store_idx %arg21[%add3A_484, %broadcast_in_dim3A_496], %exp3A_494 : memref<128x80xf32, #tpu.memory_space<vmem>>[vector<16xi32>, vector<16xi32>], vector<16xf32>,
      %parallel_loop3A_497 = arith.constant 0 : i32
      %parallel_loop3A_498 = arith.constant 128 : i32
      %parallel_loop3A_499 = arith.constant 1 : i32
      scf.for %parallel_loop3A_521 = %parallel_loop3A_497 to %parallel_loop3A_498 step %parallel_loop3A_499  : i32 {
        %parallel_loop3A_522 = arith.index_cast %parallel_loop3A_521 : i32 to index
        %parallel_loop3A_523 = arith.constant 64 : index
        %parallel_loop3A_524 = tpu.vector_load %arg21[%parallel_loop3A_522, %parallel_loop3A_523] {strides = array<i32>} : memref<128x80xf32, #tpu.memory_space<vmem>>, vector<16xf32>,
        %parallel_loop3A_525 = vector.extract_strided_slice %parallel_loop3A_524 {offsets = [0], sizes = [1], strides = [1]} : vector<16xf32> to vector<1xf32>
        %parallel_loop3A_526 = vector.extract %parallel_loop3A_525[0] : f32 from vector<1xf32>
        %parallel_loop3A_527 = vector.broadcast %parallel_loop3A_526 : f32 to vector<16xf32>
        %parallel_loop3A_528 = arith.index_cast %parallel_loop3A_521 : i32 to index
        %parallel_loop3A_529 = arith.constant 0 : index
        %parallel_loop3A_530 = tpu.vector_load %arg16[%parallel_loop3A_528, %parallel_loop3A_529] {strides = array<i32>} : memref<128x64xf32, #tpu.memory_space<vmem>>, vector<16xf32>,
        %parallel_loop3A_531 = arith.mulf %parallel_loop3A_530, %parallel_loop3A_527 : vector<16xf32>
        %parallel_loop3A_532 = arith.index_cast %parallel_loop3A_521 : i32 to index
        %parallel_loop3A_533 = arith.constant 0 : index
        %parallel_loop3A_534 = tpu.vector_load %arg21[%parallel_loop3A_532, %parallel_loop3A_533] {strides = array<i32>} : memref<128x80xf32, #tpu.memory_space<vmem>>, vector<16xf32>,
        tpu.vector_store %arg21[%parallel_loop3A_532, %parallel_loop3A_533], %parallel_loop3A_531 {strides = array<i32>} : memref<128x80xf32, #tpu.memory_space<vmem>>, vector<16xf32>,
        %parallel_loop3A_535 = arith.index_cast %parallel_loop3A_521 : i32 to index
        %parallel_loop3A_536 = arith.constant 16 : index
        %parallel_loop3A_537 = tpu.vector_load %arg16[%parallel_loop3A_535, %parallel_loop3A_536] {strides = array<i32>} : memref<128x64xf32, #tpu.memory_space<vmem>>, vector<16xf32>,
        %parallel_loop3A_538 = arith.mulf %parallel_loop3A_537, %parallel_loop3A_527 : vector<16xf32>
        %parallel_loop3A_539 = arith.index_cast %parallel_loop3A_521 : i32 to index
        %parallel_loop3A_540 = arith.constant 16 : index
        %parallel_loop3A_541 = tpu.vector_load %arg21[%parallel_loop3A_539, %parallel_loop3A_540] {strides = array<i32>} : memref<128x80xf32, #tpu.memory_space<vmem>>, vector<16xf32>,
        tpu.vector_store %arg21[%parallel_loop3A_539, %parallel_loop3A_540], %parallel_loop3A_538 {strides = array<i32>} : memref<128x80xf32, #tpu.memory_space<vmem>>, vector<16xf32>,
        %parallel_loop3A_542 = arith.index_cast %parallel_loop3A_521 : i32 to index
        %parallel_loop3A_543 = arith.constant 32 : index
        %parallel_loop3A_544 = tpu.vector_load %arg16[%parallel_loop3A_542, %parallel_loop3A_543] {strides = array<i32>} : memref<128x64xf32, #tpu.memory_space<vmem>>, vector<16xf32>,
        %parallel_loop3A_545 = arith.mulf %parallel_loop3A_544, %parallel_loop3A_527 : vector<16xf32>
        %parallel_loop3A_546 = arith.index_cast %parallel_loop3A_521 : i32 to index
        %parallel_loop3A_547 = arith.constant 32 : index
        %parallel_loop3A_548 = tpu.vector_load %arg21[%parallel_loop3A_546, %parallel_loop3A_547] {strides = array<i32>} : memref<128x80xf32, #tpu.memory_space<vmem>>, vector<16xf32>,
        tpu.vector_store %arg21[%parallel_loop3A_546, %parallel_loop3A_547], %parallel_loop3A_545 {strides = array<i32>} : memref<128x80xf32, #tpu.memory_space<vmem>>, vector<16xf32>,
        %parallel_loop3A_549 = arith.index_cast %parallel_loop3A_521 : i32 to index
        %parallel_loop3A_550 = arith.constant 48 : index
        %parallel_loop3A_551 = tpu.vector_load %arg16[%parallel_loop3A_549, %parallel_loop3A_550] {strides = array<i32>} : memref<128x64xf32, #tpu.memory_space<vmem>>, vector<16xf32>,
        %parallel_loop3A_552 = arith.mulf %parallel_loop3A_551, %parallel_loop3A_527 : vector<16xf32>
        %parallel_loop3A_553 = arith.index_cast %parallel_loop3A_521 : i32 to index
        %parallel_loop3A_554 = arith.constant 48 : index
        %parallel_loop3A_555 = tpu.vector_load %arg21[%parallel_loop3A_553, %parallel_loop3A_554] {strides = array<i32>} : memref<128x80xf32, #tpu.memory_space<vmem>>, vector<16xf32>,
        tpu.vector_store %arg21[%parallel_loop3A_553, %parallel_loop3A_554], %parallel_loop3A_552 {strides = array<i32>} : memref<128x80xf32, #tpu.memory_space<vmem>>, vector<16xf32>,
      } {sc.loop_unroll_factor = 8 : i64, sc.parallel_access}
      "tpu.region"() ({
        %run_scoped3A = tpu.sem_alloc : memref<!tpu.dma_semaphore, #tpu.memory_space<semaphore_mem>>
        %dma_start3A_521 = arith.constant 0 : i32
        %dma_start3A_522 = arith.constant 0 : i32
        %dma_start3A_523 = tpu.memref_slice %arg22[%dma_start3A_521, %dma_start3A_522] : memref<10240x80xf32, #tpu.memory_space<vmem_shared>> -> memref<10240x80xf32, #tpu.memory_space<vmem_shared>>
        tpu.enqueue_indirect_dma source(%arg21 : memref<128x80xf32, #tpu.memory_space<vmem>>) target(%dma_start3A_523 : memref<10240x80xf32, #tpu.memory_space<vmem_shared>>) offsets(%arg14 : memref<128xi32, #tpu.memory_space<vmem>>) semaphore(%run_scoped3A : memref<!tpu.dma_semaphore, #tpu.memory_space<semaphore_mem>>) {add = true}
        %dma_wait3A_524 = arith.constant 0 : i32
        %dma_wait3A_525 = arith.constant 0 : i32
        %dma_wait3A_526 = tpu.memref_slice %arg22[%dma_wait3A_524, %dma_wait3A_525] : memref<10240x80xf32, #tpu.memory_space<vmem_shared>> -> memref<10240x80xf32, #tpu.memory_space<vmem_shared>>
        tpu.wait_indirect_dma semaphore(%run_scoped3A : memref<!tpu.dma_semaphore, #tpu.memory_space<semaphore_mem>>) src(%arg21 : memref<128x80xf32, #tpu.memory_space<vmem>>) dst(%dma_wait3A_526 : memref<10240x80xf32, #tpu.memory_space<vmem_shared>>)
        tpu.yield
      }) : () -> ()
      %add3A_500 = arith.constant 2 : i32
      %add3A_501 = arith.addi %add3A_333, %add3A_500 : i32
      %mul3A_502 = arith.constant 163840 : i32
      %mul3A_503 = arith.muli %arg0, %mul3A_502 : i32
      %mul3A_504 = arith.constant 80 : i32
      %mul3A_505 = arith.muli %arg1, %mul3A_504 : i32
      %add3A_506 = arith.addi %mul3A_505, %add3A_501 : i32
      %mul3A_507 = arith.constant 128 : i32
      %mul3A_508 = arith.muli %add3A_506, %mul3A_507 : i32
      %add3A_509 = arith.addi %mul3A_503, %mul3A_508 : i32
      %dma_start3A_510 = tpu.memref_slice %arg2[%arg0, %add3A_509] : memref<2x327936xi32, #tpu.memory_space<hbm>> -> memref<1x128xi32, #tpu.memory_space<hbm>>
      %dma_start3A_511 = tpu.memref_squeeze %dma_start3A_510 : memref<1x128xi32, #tpu.memory_space<hbm>> -> memref<128xi32, #tpu.memory_space<hbm>>
      %dma_start3A_512 = tpu.memref_slice %arg2[%arg0, %add3A_509] : memref<2x327936xi32, #tpu.memory_space<hbm>> -> memref<1x128xi32, #tpu.memory_space<hbm>>
      %dma_start3A_513 = tpu.memref_squeeze %dma_start3A_512 : memref<1x128xi32, #tpu.memory_space<hbm>> -> memref<128xi32, #tpu.memory_space<hbm>>
      tpu.enqueue_dma source(%dma_start3A_513 : memref<128xi32, #tpu.memory_space<hbm>>) target(%arg10 : memref<128xi32, #tpu.memory_space<vmem>>) target_semaphore(%arg24 : memref<!tpu.dma_semaphore, #tpu.memory_space<semaphore_mem>>)
      %dma_start3A_514 = tpu.memref_slice %arg3[%arg0, %add3A_509] : memref<2x327936xi32, #tpu.memory_space<hbm>> -> memref<1x128xi32, #tpu.memory_space<hbm>>
      %dma_start3A_515 = tpu.memref_squeeze %dma_start3A_514 : memref<1x128xi32, #tpu.memory_space<hbm>> -> memref<128xi32, #tpu.memory_space<hbm>>
      %dma_start3A_516 = tpu.memref_slice %arg3[%arg0, %add3A_509] : memref<2x327936xi32, #tpu.memory_space<hbm>> -> memref<1x128xi32, #tpu.memory_space<hbm>>
      %dma_start3A_517 = tpu.memref_squeeze %dma_start3A_516 : memref<1x128xi32, #tpu.memory_space<hbm>> -> memref<128xi32, #tpu.memory_space<hbm>>
      tpu.enqueue_dma source(%dma_start3A_517 : memref<128xi32, #tpu.memory_space<hbm>>) target(%arg12 : memref<128xi32, #tpu.memory_space<vmem>>) target_semaphore(%arg24 : memref<!tpu.dma_semaphore, #tpu.memory_space<semaphore_mem>>)
      %dma_start3A_518 = tpu.memref_slice %arg4[%add3A_509] : memref<327936xi32, #tpu.memory_space<hbm>> -> memref<128xi32, #tpu.memory_space<hbm>>
      %dma_start3A_519 = tpu.memref_slice %arg4[%add3A_509] : memref<327936xi32, #tpu.memory_space<hbm>> -> memref<128xi32, #tpu.memory_space<hbm>>
      tpu.enqueue_dma source(%dma_start3A_519 : memref<128xi32, #tpu.memory_space<hbm>>) target(%arg14 : memref<128xi32, #tpu.memory_space<vmem>>) target_semaphore(%arg24 : memref<!tpu.dma_semaphore, #tpu.memory_space<semaphore_mem>>)
      %while3A_520 = arith.constant 0 : i32
      scf.yield %while3A_520 : i32
    }
    %while3A_103 = arith.constant 1 : i32
    %while3A_104 = scf.for %while3A_144 = %while3A_100 to %while3A_96 step %while3A_103 iter_args(%while3A_145 = %while3A_102) -> (i32)  : i32 {
      %mul3A_146 = arith.constant 2 : i32
      %mul3A_147 = arith.muli %while3A_144, %mul3A_146 : i32
      %add3A_148 = arith.constant 0 : i32
      %add3A_149 = arith.addi %mul3A_147, %add3A_148 : i32
      %dma_wait3A_150 = arith.constant 0 : i32
      %dma_wait3A_151 = arith.constant 0 : i32
      %dma_wait3A_152 = tpu.memref_slice %arg5[%dma_wait3A_150, %dma_wait3A_151] : memref<10000x64xf32, #tpu.memory_space<hbm>> -> memref<128x64xf32, #tpu.memory_space<hbm>>
      %dma_wait3A_153 = arith.constant 0 : i32
      %dma_wait3A_154 = arith.constant 0 : i32
      %dma_wait3A_155 = tpu.memref_slice %arg5[%dma_wait3A_153, %dma_wait3A_154] : memref<10000x64xf32, #tpu.memory_space<hbm>> -> memref<128x64xf32, #tpu.memory_space<hbm>>
      tpu.wait_dma2 semaphore(%arg25 : memref<!tpu.dma_semaphore, #tpu.memory_space<semaphore_mem>>) src(%dma_wait3A_155 : memref<128x64xf32, #tpu.memory_space<hbm>>) dst(%arg15 : memref<128x64xf32, #tpu.memory_space<vmem>>)
      %dma_wait3A_156 = arith.constant 0 : i32
      %dma_wait3A_157 = arith.constant 0 : i32
      %dma_wait3A_158 = tpu.memref_slice %arg6[%dma_wait3A_156, %dma_wait3A_157] : memref<10016x16xf32, #tpu.memory_space<hbm>> -> memref<128x16xf32, #tpu.memory_space<hbm>>
      %dma_wait3A_159 = arith.constant 0 : i32
      %dma_wait3A_160 = arith.constant 0 : i32
      %dma_wait3A_161 = tpu.memref_slice %arg6[%dma_wait3A_159, %dma_wait3A_160] : memref<10016x16xf32, #tpu.memory_space<hbm>> -> memref<128x16xf32, #tpu.memory_space<hbm>>
      tpu.wait_dma2 semaphore(%arg25 : memref<!tpu.dma_semaphore, #tpu.memory_space<semaphore_mem>>) src(%dma_wait3A_161 : memref<128x16xf32, #tpu.memory_space<hbm>>) dst(%arg17 : memref<128x16xf32, #tpu.memory_space<vmem>>)
      %dma_wait3A_162 = arith.constant 0 : i32
      %dma_wait3A_163 = arith.constant 0 : i32
      %dma_wait3A_164 = tpu.memref_slice %arg7[%dma_wait3A_162, %dma_wait3A_163] : memref<10016x16xf32, #tpu.memory_space<hbm>> -> memref<128x16xf32, #tpu.memory_space<hbm>>
      %dma_wait3A_165 = arith.constant 0 : i32
      %dma_wait3A_166 = arith.constant 0 : i32
      %dma_wait3A_167 = tpu.memref_slice %arg7[%dma_wait3A_165, %dma_wait3A_166] : memref<10016x16xf32, #tpu.memory_space<hbm>> -> memref<128x16xf32, #tpu.memory_space<hbm>>
      tpu.wait_dma2 semaphore(%arg25 : memref<!tpu.dma_semaphore, #tpu.memory_space<semaphore_mem>>) src(%dma_wait3A_167 : memref<128x16xf32, #tpu.memory_space<hbm>>) dst(%arg19 : memref<128x16xf32, #tpu.memory_space<vmem>>)
      %dma_wait3A_168 = arith.constant 0 : i32
      %dma_wait3A_169 = tpu.memref_slice %arg2[%arg0, %dma_wait3A_168] : memref<2x327936xi32, #tpu.memory_space<hbm>> -> memref<1x128xi32, #tpu.memory_space<hbm>>
      %dma_wait3A_170 = tpu.memref_squeeze %dma_wait3A_169 : memref<1x128xi32, #tpu.memory_space<hbm>> -> memref<128xi32, #tpu.memory_space<hbm>>
      %dma_wait3A_171 = arith.constant 0 : i32
      %dma_wait3A_172 = tpu.memref_slice %arg2[%arg0, %dma_wait3A_171] : memref<2x327936xi32, #tpu.memory_space<hbm>> -> memref<1x128xi32, #tpu.memory_space<hbm>>
      %dma_wait3A_173 = tpu.memref_squeeze %dma_wait3A_172 : memref<1x128xi32, #tpu.memory_space<hbm>> -> memref<128xi32, #tpu.memory_space<hbm>>
      tpu.wait_dma2 semaphore(%arg24 : memref<!tpu.dma_semaphore, #tpu.memory_space<semaphore_mem>>) src(%dma_wait3A_173 : memref<128xi32, #tpu.memory_space<hbm>>) dst(%arg10 : memref<128xi32, #tpu.memory_space<vmem>>)
      %dma_wait3A_174 = arith.constant 0 : i32
      %dma_wait3A_175 = tpu.memref_slice %arg3[%arg0, %dma_wait3A_174] : memref<2x327936xi32, #tpu.memory_space<hbm>> -> memref<1x128xi32, #tpu.memory_space<hbm>>
      %dma_wait3A_176 = tpu.memref_squeeze %dma_wait3A_175 : memref<1x128xi32, #tpu.memory_space<hbm>> -> memref<128xi32, #tpu.memory_space<hbm>>
      %dma_wait3A_177 = arith.constant 0 : i32
      %dma_wait3A_178 = tpu.memref_slice %arg3[%arg0, %dma_wait3A_177] : memref<2x327936xi32, #tpu.memory_space<hbm>> -> memref<1x128xi32, #tpu.memory_space<hbm>>
      %dma_wait3A_179 = tpu.memref_squeeze %dma_wait3A_178 : memref<1x128xi32, #tpu.memory_space<hbm>> -> memref<128xi32, #tpu.memory_space<hbm>>
      tpu.wait_dma2 semaphore(%arg24 : memref<!tpu.dma_semaphore, #tpu.memory_space<semaphore_mem>>) src(%dma_wait3A_179 : memref<128xi32, #tpu.memory_space<hbm>>) dst(%arg12 : memref<128xi32, #tpu.memory_space<vmem>>)
      %dma_wait3A_180 = arith.constant 0 : i32
      %dma_wait3A_181 = tpu.memref_slice %arg4[%dma_wait3A_180] : memref<327936xi32, #tpu.memory_space<hbm>> -> memref<128xi32, #tpu.memory_space<hbm>>
      %dma_wait3A_182 = arith.constant 0 : i32
      %dma_wait3A_183 = tpu.memref_slice %arg4[%dma_wait3A_182] : memref<327936xi32, #tpu.memory_space<hbm>> -> memref<128xi32, #tpu.memory_space<hbm>>
      tpu.wait_dma2 semaphore(%arg24 : memref<!tpu.dma_semaphore, #tpu.memory_space<semaphore_mem>>) src(%dma_wait3A_183 : memref<128xi32, #tpu.memory_space<hbm>>) dst(%arg14 : memref<128xi32, #tpu.memory_space<vmem>>)
      %dma_start3A_184 = arith.constant 0 : i32
      %dma_start3A_185 = arith.constant 0 : i32
      %dma_start3A_186 = tpu.memref_slice %arg5[%dma_start3A_184, %dma_start3A_185] : memref<10000x64xf32, #tpu.memory_space<hbm>> -> memref<10000x64xf32, #tpu.memory_space<hbm>>
      tpu.enqueue_indirect_dma source(%dma_start3A_186 : memref<10000x64xf32, #tpu.memory_space<hbm>>) target(%arg16 : memref<128x64xf32, #tpu.memory_space<vmem>>) offsets(%arg10 : memref<128xi32, #tpu.memory_space<vmem>>) semaphore(%arg26 : memref<!tpu.dma_semaphore, #tpu.memory_space<semaphore_mem>>)
      %dma_start3A_187 = arith.constant 0 : i32
      %dma_start3A_188 = arith.constant 0 : i32
      %dma_start3A_189 = tpu.memref_slice %arg6[%dma_start3A_187, %dma_start3A_188] : memref<10016x16xf32, #tpu.memory_space<hbm>> -> memref<10016x16xf32, #tpu.memory_space<hbm>>
      tpu.enqueue_indirect_dma source(%dma_start3A_189 : memref<10016x16xf32, #tpu.memory_space<hbm>>) target(%arg18 : memref<128x16xf32, #tpu.memory_space<vmem>>) offsets(%arg10 : memref<128xi32, #tpu.memory_space<vmem>>) semaphore(%arg26 : memref<!tpu.dma_semaphore, #tpu.memory_space<semaphore_mem>>)
      %dma_start3A_190 = arith.constant 0 : i32
      %dma_start3A_191 = arith.constant 0 : i32
      %dma_start3A_192 = tpu.memref_slice %arg7[%dma_start3A_190, %dma_start3A_191] : memref<10016x16xf32, #tpu.memory_space<hbm>> -> memref<10016x16xf32, #tpu.memory_space<hbm>>
      tpu.enqueue_indirect_dma source(%dma_start3A_192 : memref<10016x16xf32, #tpu.memory_space<hbm>>) target(%arg20 : memref<128x16xf32, #tpu.memory_space<vmem>>) offsets(%arg12 : memref<128xi32, #tpu.memory_space<vmem>>) semaphore(%arg26 : memref<!tpu.dma_semaphore, #tpu.memory_space<semaphore_mem>>)
      %add3A_193 = arith.constant 0 : i32
      %add3A_194 = vector.broadcast %add3A_193 : i32 to vector<16xi32>
      %add3A_195 = arith.addi %iota3A, %add3A_194 : vector<16xi32>
      %broadcast_in_dim3A_196 = arith.constant 0 : i32
      %broadcast_in_dim3A_197 = vector.broadcast %broadcast_in_dim3A_196 : i32 to vector<16xi32>
      %gather3A = tpu.vector_load_idx %arg17[%add3A_195, %broadcast_in_dim3A_197] : memref<128x16xf32, #tpu.memory_space<vmem>>[vector<16xi32>, vector<16xi32>], vector<16xf32>,
      %gather3A_198 = tpu.vector_load_idx %arg19[%add3A_195, %broadcast_in_dim3A_197] : memref<128x16xf32, #tpu.memory_space<vmem>>[vector<16xi32>, vector<16xi32>], vector<16xf32>,
      %add3A_199 = arith.addf %gather3A, %gather3A_198 : vector<16xf32>
      %mul3A_200 = arith.constant 2.000000e-01 : f32
      %mul3A_201 = vector.broadcast %mul3A_200 : f32 to vector<16xf32>
      %mul3A_202 = arith.mulf %mul3A_201, %add3A_199 : vector<16xf32>
      %max3A = arith.maximumf %add3A_199, %mul3A_202 : vector<16xf32>
      %exp3A = math.exp %max3A : vector<16xf32>
      %broadcast_in_dim3A_203 = arith.constant 64 : i32
      %broadcast_in_dim3A_204 = vector.broadcast %broadcast_in_dim3A_203 : i32 to vector<16xi32>
      tpu.vector_store_idx %arg21[%add3A_195, %broadcast_in_dim3A_204], %exp3A : memref<128x80xf32, #tpu.memory_space<vmem>>[vector<16xi32>, vector<16xi32>], vector<16xf32>,
      %add3A_205 = arith.constant 16 : i32
      %add3A_206 = vector.broadcast %add3A_205 : i32 to vector<16xi32>
      %add3A_207 = arith.addi %iota3A, %add3A_206 : vector<16xi32>
      %broadcast_in_dim3A_208 = arith.constant 0 : i32
      %broadcast_in_dim3A_209 = vector.broadcast %broadcast_in_dim3A_208 : i32 to vector<16xi32>
      %gather3A_210 = tpu.vector_load_idx %arg17[%add3A_207, %broadcast_in_dim3A_209] : memref<128x16xf32, #tpu.memory_space<vmem>>[vector<16xi32>, vector<16xi32>], vector<16xf32>,
      %gather3A_211 = tpu.vector_load_idx %arg19[%add3A_207, %broadcast_in_dim3A_209] : memref<128x16xf32, #tpu.memory_space<vmem>>[vector<16xi32>, vector<16xi32>], vector<16xf32>,
      %add3A_212 = arith.addf %gather3A_210, %gather3A_211 : vector<16xf32>
      %mul3A_213 = arith.constant 2.000000e-01 : f32
      %mul3A_214 = vector.broadcast %mul3A_213 : f32 to vector<16xf32>
      %mul3A_215 = arith.mulf %mul3A_214, %add3A_212 : vector<16xf32>
      %max3A_216 = arith.maximumf %add3A_212, %mul3A_215 : vector<16xf32>
      %exp3A_217 = math.exp %max3A_216 : vector<16xf32>
      %broadcast_in_dim3A_218 = arith.constant 64 : i32
      %broadcast_in_dim3A_219 = vector.broadcast %broadcast_in_dim3A_218 : i32 to vector<16xi32>
      tpu.vector_store_idx %arg21[%add3A_207, %broadcast_in_dim3A_219], %exp3A_217 : memref<128x80xf32, #tpu.memory_space<vmem>>[vector<16xi32>, vector<16xi32>], vector<16xf32>,
      %add3A_220 = arith.constant 32 : i32
      %add3A_221 = vector.broadcast %add3A_220 : i32 to vector<16xi32>
      %add3A_222 = arith.addi %iota3A, %add3A_221 : vector<16xi32>
      %broadcast_in_dim3A_223 = arith.constant 0 : i32
      %broadcast_in_dim3A_224 = vector.broadcast %broadcast_in_dim3A_223 : i32 to vector<16xi32>
      %gather3A_225 = tpu.vector_load_idx %arg17[%add3A_222, %broadcast_in_dim3A_224] : memref<128x16xf32, #tpu.memory_space<vmem>>[vector<16xi32>, vector<16xi32>], vector<16xf32>,
      %gather3A_226 = tpu.vector_load_idx %arg19[%add3A_222, %broadcast_in_dim3A_224] : memref<128x16xf32, #tpu.memory_space<vmem>>[vector<16xi32>, vector<16xi32>], vector<16xf32>,
      %add3A_227 = arith.addf %gather3A_225, %gather3A_226 : vector<16xf32>
      %mul3A_228 = arith.constant 2.000000e-01 : f32
      %mul3A_229 = vector.broadcast %mul3A_228 : f32 to vector<16xf32>
      %mul3A_230 = arith.mulf %mul3A_229, %add3A_227 : vector<16xf32>
      %max3A_231 = arith.maximumf %add3A_227, %mul3A_230 : vector<16xf32>
      %exp3A_232 = math.exp %max3A_231 : vector<16xf32>
      %broadcast_in_dim3A_233 = arith.constant 64 : i32
      %broadcast_in_dim3A_234 = vector.broadcast %broadcast_in_dim3A_233 : i32 to vector<16xi32>
      tpu.vector_store_idx %arg21[%add3A_222, %broadcast_in_dim3A_234], %exp3A_232 : memref<128x80xf32, #tpu.memory_space<vmem>>[vector<16xi32>, vector<16xi32>], vector<16xf32>,
      %add3A_235 = arith.constant 48 : i32
      %add3A_236 = vector.broadcast %add3A_235 : i32 to vector<16xi32>
      %add3A_237 = arith.addi %iota3A, %add3A_236 : vector<16xi32>
      %broadcast_in_dim3A_238 = arith.constant 0 : i32
      %broadcast_in_dim3A_239 = vector.broadcast %broadcast_in_dim3A_238 : i32 to vector<16xi32>
      %gather3A_240 = tpu.vector_load_idx %arg17[%add3A_237, %broadcast_in_dim3A_239] : memref<128x16xf32, #tpu.memory_space<vmem>>[vector<16xi32>, vector<16xi32>], vector<16xf32>,
      %gather3A_241 = tpu.vector_load_idx %arg19[%add3A_237, %broadcast_in_dim3A_239] : memref<128x16xf32, #tpu.memory_space<vmem>>[vector<16xi32>, vector<16xi32>], vector<16xf32>,
      %add3A_242 = arith.addf %gather3A_240, %gather3A_241 : vector<16xf32>
      %mul3A_243 = arith.constant 2.000000e-01 : f32
      %mul3A_244 = vector.broadcast %mul3A_243 : f32 to vector<16xf32>
      %mul3A_245 = arith.mulf %mul3A_244, %add3A_242 : vector<16xf32>
      %max3A_246 = arith.maximumf %add3A_242, %mul3A_245 : vector<16xf32>
      %exp3A_247 = math.exp %max3A_246 : vector<16xf32>
      %broadcast_in_dim3A_248 = arith.constant 64 : i32
      %broadcast_in_dim3A_249 = vector.broadcast %broadcast_in_dim3A_248 : i32 to vector<16xi32>
      tpu.vector_store_idx %arg21[%add3A_237, %broadcast_in_dim3A_249], %exp3A_247 : memref<128x80xf32, #tpu.memory_space<vmem>>[vector<16xi32>, vector<16xi32>], vector<16xf32>,
      %add3A_250 = arith.constant 64 : i32
      %add3A_251 = vector.broadcast %add3A_250 : i32 to vector<16xi32>
      %add3A_252 = arith.addi %iota3A, %add3A_251 : vector<16xi32>
      %broadcast_in_dim3A_253 = arith.constant 0 : i32
      %broadcast_in_dim3A_254 = vector.broadcast %broadcast_in_dim3A_253 : i32 to vector<16xi32>
      %gather3A_255 = tpu.vector_load_idx %arg17[%add3A_252, %broadcast_in_dim3A_254] : memref<128x16xf32, #tpu.memory_space<vmem>>[vector<16xi32>, vector<16xi32>], vector<16xf32>,
      %gather3A_256 = tpu.vector_load_idx %arg19[%add3A_252, %broadcast_in_dim3A_254] : memref<128x16xf32, #tpu.memory_space<vmem>>[vector<16xi32>, vector<16xi32>], vector<16xf32>,
      %add3A_257 = arith.addf %gather3A_255, %gather3A_256 : vector<16xf32>
      %mul3A_258 = arith.constant 2.000000e-01 : f32
      %mul3A_259 = vector.broadcast %mul3A_258 : f32 to vector<16xf32>
      %mul3A_260 = arith.mulf %mul3A_259, %add3A_257 : vector<16xf32>
      %max3A_261 = arith.maximumf %add3A_257, %mul3A_260 : vector<16xf32>
      %exp3A_262 = math.exp %max3A_261 : vector<16xf32>
      %broadcast_in_dim3A_263 = arith.constant 64 : i32
      %broadcast_in_dim3A_264 = vector.broadcast %broadcast_in_dim3A_263 : i32 to vector<16xi32>
      tpu.vector_store_idx %arg21[%add3A_252, %broadcast_in_dim3A_264], %exp3A_262 : memref<128x80xf32, #tpu.memory_space<vmem>>[vector<16xi32>, vector<16xi32>], vector<16xf32>,
      %add3A_265 = arith.constant 80 : i32
      %add3A_266 = vector.broadcast %add3A_265 : i32 to vector<16xi32>
      %add3A_267 = arith.addi %iota3A, %add3A_266 : vector<16xi32>
      %broadcast_in_dim3A_268 = arith.constant 0 : i32
      %broadcast_in_dim3A_269 = vector.broadcast %broadcast_in_dim3A_268 : i32 to vector<16xi32>
      %gather3A_270 = tpu.vector_load_idx %arg17[%add3A_267, %broadcast_in_dim3A_269] : memref<128x16xf32, #tpu.memory_space<vmem>>[vector<16xi32>, vector<16xi32>], vector<16xf32>,
      %gather3A_271 = tpu.vector_load_idx %arg19[%add3A_267, %broadcast_in_dim3A_269] : memref<128x16xf32, #tpu.memory_space<vmem>>[vector<16xi32>, vector<16xi32>], vector<16xf32>,
      %add3A_272 = arith.addf %gather3A_270, %gather3A_271 : vector<16xf32>
      %mul3A_273 = arith.constant 2.000000e-01 : f32
      %mul3A_274 = vector.broadcast %mul3A_273 : f32 to vector<16xf32>
      %mul3A_275 = arith.mulf %mul3A_274, %add3A_272 : vector<16xf32>
      %max3A_276 = arith.maximumf %add3A_272, %mul3A_275 : vector<16xf32>
      %exp3A_277 = math.exp %max3A_276 : vector<16xf32>
      %broadcast_in_dim3A_278 = arith.constant 64 : i32
      %broadcast_in_dim3A_279 = vector.broadcast %broadcast_in_dim3A_278 : i32 to vector<16xi32>
      tpu.vector_store_idx %arg21[%add3A_267, %broadcast_in_dim3A_279], %exp3A_277 : memref<128x80xf32, #tpu.memory_space<vmem>>[vector<16xi32>, vector<16xi32>], vector<16xf32>,
      %add3A_280 = arith.constant 96 : i32
      %add3A_281 = vector.broadcast %add3A_280 : i32 to vector<16xi32>
      %add3A_282 = arith.addi %iota3A, %add3A_281 : vector<16xi32>
      %broadcast_in_dim3A_283 = arith.constant 0 : i32
      %broadcast_in_dim3A_284 = vector.broadcast %broadcast_in_dim3A_283 : i32 to vector<16xi32>
      %gather3A_285 = tpu.vector_load_idx %arg17[%add3A_282, %broadcast_in_dim3A_284] : memref<128x16xf32, #tpu.memory_space<vmem>>[vector<16xi32>, vector<16xi32>], vector<16xf32>,
      %gather3A_286 = tpu.vector_load_idx %arg19[%add3A_282, %broadcast_in_dim3A_284] : memref<128x16xf32, #tpu.memory_space<vmem>>[vector<16xi32>, vector<16xi32>], vector<16xf32>,
      %add3A_287 = arith.addf %gather3A_285, %gather3A_286 : vector<16xf32>
      %mul3A_288 = arith.constant 2.000000e-01 : f32
      %mul3A_289 = vector.broadcast %mul3A_288 : f32 to vector<16xf32>
      %mul3A_290 = arith.mulf %mul3A_289, %add3A_287 : vector<16xf32>
      %max3A_291 = arith.maximumf %add3A_287, %mul3A_290 : vector<16xf32>
      %exp3A_292 = math.exp %max3A_291 : vector<16xf32>
      %broadcast_in_dim3A_293 = arith.constant 64 : i32
      %broadcast_in_dim3A_294 = vector.broadcast %broadcast_in_dim3A_293 : i32 to vector<16xi32>
      tpu.vector_store_idx %arg21[%add3A_282, %broadcast_in_dim3A_294], %exp3A_292 : memref<128x80xf32, #tpu.memory_space<vmem>>[vector<16xi32>, vector<16xi32>], vector<16xf32>,
      %add3A_295 = arith.constant 112 : i32
      %add3A_296 = vector.broadcast %add3A_295 : i32 to vector<16xi32>
      %add3A_297 = arith.addi %iota3A, %add3A_296 : vector<16xi32>
      %broadcast_in_dim3A_298 = arith.constant 0 : i32
      %broadcast_in_dim3A_299 = vector.broadcast %broadcast_in_dim3A_298 : i32 to vector<16xi32>
      %gather3A_300 = tpu.vector_load_idx %arg17[%add3A_297, %broadcast_in_dim3A_299] : memref<128x16xf32, #tpu.memory_space<vmem>>[vector<16xi32>, vector<16xi32>], vector<16xf32>,
      %gather3A_301 = tpu.vector_load_idx %arg19[%add3A_297, %broadcast_in_dim3A_299] : memref<128x16xf32, #tpu.memory_space<vmem>>[vector<16xi32>, vector<16xi32>], vector<16xf32>,
      %add3A_302 = arith.addf %gather3A_300, %gather3A_301 : vector<16xf32>
      %mul3A_303 = arith.constant 2.000000e-01 : f32
      %mul3A_304 = vector.broadcast %mul3A_303 : f32 to vector<16xf32>
      %mul3A_305 = arith.mulf %mul3A_304, %add3A_302 : vector<16xf32>
      %max3A_306 = arith.maximumf %add3A_302, %mul3A_305 : vector<16xf32>
      %exp3A_307 = math.exp %max3A_306 : vector<16xf32>
      %broadcast_in_dim3A_308 = arith.constant 64 : i32
      %broadcast_in_dim3A_309 = vector.broadcast %broadcast_in_dim3A_308 : i32 to vector<16xi32>
      tpu.vector_store_idx %arg21[%add3A_297, %broadcast_in_dim3A_309], %exp3A_307 : memref<128x80xf32, #tpu.memory_space<vmem>>[vector<16xi32>, vector<16xi32>], vector<16xf32>,
      %parallel_loop3A = arith.constant 0 : i32
      %parallel_loop3A_310 = arith.constant 128 : i32
      %parallel_loop3A_311 = arith.constant 1 : i32
      scf.for %parallel_loop3A_521 = %parallel_loop3A to %parallel_loop3A_310 step %parallel_loop3A_311  : i32 {
        %parallel_loop3A_522 = arith.index_cast %parallel_loop3A_521 : i32 to index
        %parallel_loop3A_523 = arith.constant 64 : index
        %parallel_loop3A_524 = tpu.vector_load %arg21[%parallel_loop3A_522, %parallel_loop3A_523] {strides = array<i32>} : memref<128x80xf32, #tpu.memory_space<vmem>>, vector<16xf32>,
        %parallel_loop3A_525 = vector.extract_strided_slice %parallel_loop3A_524 {offsets = [0], sizes = [1], strides = [1]} : vector<16xf32> to vector<1xf32>
        %parallel_loop3A_526 = vector.extract %parallel_loop3A_525[0] : f32 from vector<1xf32>
        %parallel_loop3A_527 = vector.broadcast %parallel_loop3A_526 : f32 to vector<16xf32>
        %parallel_loop3A_528 = arith.index_cast %parallel_loop3A_521 : i32 to index
        %parallel_loop3A_529 = arith.constant 0 : index
        %parallel_loop3A_530 = tpu.vector_load %arg15[%parallel_loop3A_528, %parallel_loop3A_529] {strides = array<i32>} : memref<128x64xf32, #tpu.memory_space<vmem>>, vector<16xf32>,
        %parallel_loop3A_531 = arith.mulf %parallel_loop3A_530, %parallel_loop3A_527 : vector<16xf32>
        %parallel_loop3A_532 = arith.index_cast %parallel_loop3A_521 : i32 to index
        %parallel_loop3A_533 = arith.constant 0 : index
        %parallel_loop3A_534 = tpu.vector_load %arg21[%parallel_loop3A_532, %parallel_loop3A_533] {strides = array<i32>} : memref<128x80xf32, #tpu.memory_space<vmem>>, vector<16xf32>,
        tpu.vector_store %arg21[%parallel_loop3A_532, %parallel_loop3A_533], %parallel_loop3A_531 {strides = array<i32>} : memref<128x80xf32, #tpu.memory_space<vmem>>, vector<16xf32>,
        %parallel_loop3A_535 = arith.index_cast %parallel_loop3A_521 : i32 to index
        %parallel_loop3A_536 = arith.constant 16 : index
        %parallel_loop3A_537 = tpu.vector_load %arg15[%parallel_loop3A_535, %parallel_loop3A_536] {strides = array<i32>} : memref<128x64xf32, #tpu.memory_space<vmem>>, vector<16xf32>,
        %parallel_loop3A_538 = arith.mulf %parallel_loop3A_537, %parallel_loop3A_527 : vector<16xf32>
        %parallel_loop3A_539 = arith.index_cast %parallel_loop3A_521 : i32 to index
        %parallel_loop3A_540 = arith.constant 16 : index
        %parallel_loop3A_541 = tpu.vector_load %arg21[%parallel_loop3A_539, %parallel_loop3A_540] {strides = array<i32>} : memref<128x80xf32, #tpu.memory_space<vmem>>, vector<16xf32>,
        tpu.vector_store %arg21[%parallel_loop3A_539, %parallel_loop3A_540], %parallel_loop3A_538 {strides = array<i32>} : memref<128x80xf32, #tpu.memory_space<vmem>>, vector<16xf32>,
        %parallel_loop3A_542 = arith.index_cast %parallel_loop3A_521 : i32 to index
        %parallel_loop3A_543 = arith.constant 32 : index
        %parallel_loop3A_544 = tpu.vector_load %arg15[%parallel_loop3A_542, %parallel_loop3A_543] {strides = array<i32>} : memref<128x64xf32, #tpu.memory_space<vmem>>, vector<16xf32>,
        %parallel_loop3A_545 = arith.mulf %parallel_loop3A_544, %parallel_loop3A_527 : vector<16xf32>
        %parallel_loop3A_546 = arith.index_cast %parallel_loop3A_521 : i32 to index
        %parallel_loop3A_547 = arith.constant 32 : index
        %parallel_loop3A_548 = tpu.vector_load %arg21[%parallel_loop3A_546, %parallel_loop3A_547] {strides = array<i32>} : memref<128x80xf32, #tpu.memory_space<vmem>>, vector<16xf32>,
        tpu.vector_store %arg21[%parallel_loop3A_546, %parallel_loop3A_547], %parallel_loop3A_545 {strides = array<i32>} : memref<128x80xf32, #tpu.memory_space<vmem>>, vector<16xf32>,
        %parallel_loop3A_549 = arith.index_cast %parallel_loop3A_521 : i32 to index
        %parallel_loop3A_550 = arith.constant 48 : index
        %parallel_loop3A_551 = tpu.vector_load %arg15[%parallel_loop3A_549, %parallel_loop3A_550] {strides = array<i32>} : memref<128x64xf32, #tpu.memory_space<vmem>>, vector<16xf32>,
        %parallel_loop3A_552 = arith.mulf %parallel_loop3A_551, %parallel_loop3A_527 : vector<16xf32>
        %parallel_loop3A_553 = arith.index_cast %parallel_loop3A_521 : i32 to index
        %parallel_loop3A_554 = arith.constant 48 : index
        %parallel_loop3A_555 = tpu.vector_load %arg21[%parallel_loop3A_553, %parallel_loop3A_554] {strides = array<i32>} : memref<128x80xf32, #tpu.memory_space<vmem>>, vector<16xf32>,
        tpu.vector_store %arg21[%parallel_loop3A_553, %parallel_loop3A_554], %parallel_loop3A_552 {strides = array<i32>} : memref<128x80xf32, #tpu.memory_space<vmem>>, vector<16xf32>,
      } {sc.loop_unroll_factor = 8 : i64, sc.parallel_access}
      "tpu.region"() ({
        %run_scoped3A = tpu.sem_alloc : memref<!tpu.dma_semaphore, #tpu.memory_space<semaphore_mem>>
        %dma_start3A_521 = arith.constant 0 : i32
        %dma_start3A_522 = arith.constant 0 : i32
        %dma_start3A_523 = tpu.memref_slice %arg22[%dma_start3A_521, %dma_start3A_522] : memref<10240x80xf32, #tpu.memory_space<vmem_shared>> -> memref<10240x80xf32, #tpu.memory_space<vmem_shared>>
        tpu.enqueue_indirect_dma source(%arg21 : memref<128x80xf32, #tpu.memory_space<vmem>>) target(%dma_start3A_523 : memref<10240x80xf32, #tpu.memory_space<vmem_shared>>) offsets(%arg13 : memref<128xi32, #tpu.memory_space<vmem>>) semaphore(%run_scoped3A : memref<!tpu.dma_semaphore, #tpu.memory_space<semaphore_mem>>) {add = true}
        %dma_wait3A_524 = arith.constant 0 : i32
        %dma_wait3A_525 = arith.constant 0 : i32
        %dma_wait3A_526 = tpu.memref_slice %arg22[%dma_wait3A_524, %dma_wait3A_525] : memref<10240x80xf32, #tpu.memory_space<vmem_shared>> -> memref<10240x80xf32, #tpu.memory_space<vmem_shared>>
        tpu.wait_indirect_dma semaphore(%run_scoped3A : memref<!tpu.dma_semaphore, #tpu.memory_space<semaphore_mem>>) src(%arg21 : memref<128x80xf32, #tpu.memory_space<vmem>>) dst(%dma_wait3A_526 : memref<10240x80xf32, #tpu.memory_space<vmem_shared>>)
        tpu.yield
      }) : () -> ()
      %add3A_312 = arith.constant 2 : i32
      %add3A_313 = arith.addi %add3A_149, %add3A_312 : i32
      %mul3A_314 = arith.constant 163840 : i32
      %mul3A_315 = arith.muli %arg0, %mul3A_314 : i32
      %mul3A_316 = arith.constant 80 : i32
      %mul3A_317 = arith.muli %arg1, %mul3A_316 : i32
      %add3A_318 = arith.addi %mul3A_317, %add3A_313 : i32
      %mul3A_319 = arith.constant 128 : i32
      %mul3A_320 = arith.muli %add3A_318, %mul3A_319 : i32
      %add3A_321 = arith.addi %mul3A_315, %mul3A_320 : i32
      %dma_start3A_322 = tpu.memref_slice %arg2[%arg0, %add3A_321] : memref<2x327936xi32, #tpu.memory_space<hbm>> -> memref<1x128xi32, #tpu.memory_space<hbm>>
      %dma_start3A_323 = tpu.memref_squeeze %dma_start3A_322 : memref<1x128xi32, #tpu.memory_space<hbm>> -> memref<128xi32, #tpu.memory_space<hbm>>
      %dma_start3A_324 = tpu.memref_slice %arg2[%arg0, %add3A_321] : memref<2x327936xi32, #tpu.memory_space<hbm>> -> memref<1x128xi32, #tpu.memory_space<hbm>>
      %dma_start3A_325 = tpu.memref_squeeze %dma_start3A_324 : memref<1x128xi32, #tpu.memory_space<hbm>> -> memref<128xi32, #tpu.memory_space<hbm>>
      tpu.enqueue_dma source(%dma_start3A_325 : memref<128xi32, #tpu.memory_space<hbm>>) target(%arg9 : memref<128xi32, #tpu.memory_space<vmem>>) target_semaphore(%arg23 : memref<!tpu.dma_semaphore, #tpu.memory_space<semaphore_mem>>)
      %dma_start3A_326 = tpu.memref_slice %arg3[%arg0, %add3A_321] : memref<2x327936xi32, #tpu.memory_space<hbm>> -> memref<1x128xi32, #tpu.memory_space<hbm>>
      %dma_start3A_327 = tpu.memref_squeeze %dma_start3A_326 : memref<1x128xi32, #tpu.memory_space<hbm>> -> memref<128xi32, #tpu.memory_space<hbm>>
      %dma_start3A_328 = tpu.memref_slice %arg3[%arg0, %add3A_321] : memref<2x327936xi32, #tpu.memory_space<hbm>> -> memref<1x128xi32, #tpu.memory_space<hbm>>
      %dma_start3A_329 = tpu.memref_squeeze %dma_start3A_328 : memref<1x128xi32, #tpu.memory_space<hbm>> -> memref<128xi32, #tpu.memory_space<hbm>>
      tpu.enqueue_dma source(%dma_start3A_329 : memref<128xi32, #tpu.memory_space<hbm>>) target(%arg11 : memref<128xi32, #tpu.memory_space<vmem>>) target_semaphore(%arg23 : memref<!tpu.dma_semaphore, #tpu.memory_space<semaphore_mem>>)
      %dma_start3A_330 = tpu.memref_slice %arg4[%add3A_321] : memref<327936xi32, #tpu.memory_space<hbm>> -> memref<128xi32, #tpu.memory_space<hbm>>
      %dma_start3A_331 = tpu.memref_slice %arg4[%add3A_321] : memref<327936xi32, #tpu.memory_space<hbm>> -> memref<128xi32, #tpu.memory_space<hbm>>
      tpu.enqueue_dma source(%dma_start3A_331 : memref<128xi32, #tpu.memory_space<hbm>>) target(%arg13 : memref<128xi32, #tpu.memory_space<vmem>>) target_semaphore(%arg23 : memref<!tpu.dma_semaphore, #tpu.memory_space<semaphore_mem>>)
      %add3A_332 = arith.constant 1 : i32
      %add3A_333 = arith.addi %mul3A_147, %add3A_332 : i32
      %dma_wait3A_334 = arith.constant 0 : i32
      %dma_wait3A_335 = arith.constant 0 : i32
      %dma_wait3A_336 = tpu.memref_slice %arg5[%dma_wait3A_334, %dma_wait3A_335] : memref<10000x64xf32, #tpu.memory_space<hbm>> -> memref<128x64xf32, #tpu.memory_space<hbm>>
      %dma_wait3A_337 = arith.constant 0 : i32
      %dma_wait3A_338 = arith.constant 0 : i32
      %dma_wait3A_339 = tpu.memref_slice %arg5[%dma_wait3A_337, %dma_wait3A_338] : memref<10000x64xf32, #tpu.memory_space<hbm>> -> memref<128x64xf32, #tpu.memory_space<hbm>>
      tpu.wait_dma2 semaphore(%arg26 : memref<!tpu.dma_semaphore, #tpu.memory_space<semaphore_mem>>) src(%dma_wait3A_339 : memref<128x64xf32, #tpu.memory_space<hbm>>) dst(%arg16 : memref<128x64xf32, #tpu.memory_space<vmem>>)
      %dma_wait3A_340 = arith.constant 0 : i32
      %dma_wait3A_341 = arith.constant 0 : i32
      %dma_wait3A_342 = tpu.memref_slice %arg6[%dma_wait3A_340, %dma_wait3A_341] : memref<10016x16xf32, #tpu.memory_space<hbm>> -> memref<128x16xf32, #tpu.memory_space<hbm>>
      %dma_wait3A_343 = arith.constant 0 : i32
      %dma_wait3A_344 = arith.constant 0 : i32
      %dma_wait3A_345 = tpu.memref_slice %arg6[%dma_wait3A_343, %dma_wait3A_344] : memref<10016x16xf32, #tpu.memory_space<hbm>> -> memref<128x16xf32, #tpu.memory_space<hbm>>
      tpu.wait_dma2 semaphore(%arg26 : memref<!tpu.dma_semaphore, #tpu.memory_space<semaphore_mem>>) src(%dma_wait3A_345 : memref<128x16xf32, #tpu.memory_space<hbm>>) dst(%arg18 : memref<128x16xf32, #tpu.memory_space<vmem>>)
      %dma_wait3A_346 = arith.constant 0 : i32
      %dma_wait3A_347 = arith.constant 0 : i32
      %dma_wait3A_348 = tpu.memref_slice %arg7[%dma_wait3A_346, %dma_wait3A_347] : memref<10016x16xf32, #tpu.memory_space<hbm>> -> memref<128x16xf32, #tpu.memory_space<hbm>>
      %dma_wait3A_349 = arith.constant 0 : i32
      %dma_wait3A_350 = arith.constant 0 : i32
      %dma_wait3A_351 = tpu.memref_slice %arg7[%dma_wait3A_349, %dma_wait3A_350] : memref<10016x16xf32, #tpu.memory_space<hbm>> -> memref<128x16xf32, #tpu.memory_space<hbm>>
      tpu.wait_dma2 semaphore(%arg26 : memref<!tpu.dma_semaphore, #tpu.memory_space<semaphore_mem>>) src(%dma_wait3A_351 : memref<128x16xf32, #tpu.memory_space<hbm>>) dst(%arg20 : memref<128x16xf32, #tpu.memory_space<vmem>>)
      %dma_wait3A_352 = arith.constant 0 : i32
      %dma_wait3A_353 = tpu.memref_slice %arg2[%arg0, %dma_wait3A_352] : memref<2x327936xi32, #tpu.memory_space<hbm>> -> memref<1x128xi32, #tpu.memory_space<hbm>>
      %dma_wait3A_354 = tpu.memref_squeeze %dma_wait3A_353 : memref<1x128xi32, #tpu.memory_space<hbm>> -> memref<128xi32, #tpu.memory_space<hbm>>
      %dma_wait3A_355 = arith.constant 0 : i32
      %dma_wait3A_356 = tpu.memref_slice %arg2[%arg0, %dma_wait3A_355] : memref<2x327936xi32, #tpu.memory_space<hbm>> -> memref<1x128xi32, #tpu.memory_space<hbm>>
      %dma_wait3A_357 = tpu.memref_squeeze %dma_wait3A_356 : memref<1x128xi32, #tpu.memory_space<hbm>> -> memref<128xi32, #tpu.memory_space<hbm>>
      tpu.wait_dma2 semaphore(%arg23 : memref<!tpu.dma_semaphore, #tpu.memory_space<semaphore_mem>>) src(%dma_wait3A_357 : memref<128xi32, #tpu.memory_space<hbm>>) dst(%arg9 : memref<128xi32, #tpu.memory_space<vmem>>)
      %dma_wait3A_358 = arith.constant 0 : i32
      %dma_wait3A_359 = tpu.memref_slice %arg3[%arg0, %dma_wait3A_358] : memref<2x327936xi32, #tpu.memory_space<hbm>> -> memref<1x128xi32, #tpu.memory_space<hbm>>
      %dma_wait3A_360 = tpu.memref_squeeze %dma_wait3A_359 : memref<1x128xi32, #tpu.memory_space<hbm>> -> memref<128xi32, #tpu.memory_space<hbm>>
      %dma_wait3A_361 = arith.constant 0 : i32
      %dma_wait3A_362 = tpu.memref_slice %arg3[%arg0, %dma_wait3A_361] : memref<2x327936xi32, #tpu.memory_space<hbm>> -> memref<1x128xi32, #tpu.memory_space<hbm>>
      %dma_wait3A_363 = tpu.memref_squeeze %dma_wait3A_362 : memref<1x128xi32, #tpu.memory_space<hbm>> -> memref<128xi32, #tpu.memory_space<hbm>>
      tpu.wait_dma2 semaphore(%arg23 : memref<!tpu.dma_semaphore, #tpu.memory_space<semaphore_mem>>) src(%dma_wait3A_363 : memref<128xi32, #tpu.memory_space<hbm>>) dst(%arg11 : memref<128xi32, #tpu.memory_space<vmem>>)
      %dma_wait3A_364 = arith.constant 0 : i32
      %dma_wait3A_365 = tpu.memref_slice %arg4[%dma_wait3A_364] : memref<327936xi32, #tpu.memory_space<hbm>> -> memref<128xi32, #tpu.memory_space<hbm>>
      %dma_wait3A_366 = arith.constant 0 : i32
      %dma_wait3A_367 = tpu.memref_slice %arg4[%dma_wait3A_366] : memref<327936xi32, #tpu.memory_space<hbm>> -> memref<128xi32, #tpu.memory_space<hbm>>
      tpu.wait_dma2 semaphore(%arg23 : memref<!tpu.dma_semaphore, #tpu.memory_space<semaphore_mem>>) src(%dma_wait3A_367 : memref<128xi32, #tpu.memory_space<hbm>>) dst(%arg13 : memref<128xi32, #tpu.memory_space<vmem>>)
      %dma_start3A_368 = arith.constant 0 : i32
      %dma_start3A_369 = arith.constant 0 : i32
      %dma_start3A_370 = tpu.memref_slice %arg5[%dma_start3A_368, %dma_start3A_369] : memref<10000x64xf32, #tpu.memory_space<hbm>> -> memref<10000x64xf32, #tpu.memory_space<hbm>>
      tpu.enqueue_indirect_dma source(%dma_start3A_370 : memref<10000x64xf32, #tpu.memory_space<hbm>>) target(%arg15 : memref<128x64xf32, #tpu.memory_space<vmem>>) offsets(%arg9 : memref<128xi32, #tpu.memory_space<vmem>>) semaphore(%arg25 : memref<!tpu.dma_semaphore, #tpu.memory_space<semaphore_mem>>)
      %dma_start3A_371 = arith.constant 0 : i32
      %dma_start3A_372 = arith.constant 0 : i32
      %dma_start3A_373 = tpu.memref_slice %arg6[%dma_start3A_371, %dma_start3A_372] : memref<10016x16xf32, #tpu.memory_space<hbm>> -> memref<10016x16xf32, #tpu.memory_space<hbm>>
      tpu.enqueue_indirect_dma source(%dma_start3A_373 : memref<10016x16xf32, #tpu.memory_space<hbm>>) target(%arg17 : memref<128x16xf32, #tpu.memory_space<vmem>>) offsets(%arg9 : memref<128xi32, #tpu.memory_space<vmem>>) semaphore(%arg25 : memref<!tpu.dma_semaphore, #tpu.memory_space<semaphore_mem>>)
      %dma_start3A_374 = arith.constant 0 : i32
      %dma_start3A_375 = arith.constant 0 : i32
      %dma_start3A_376 = tpu.memref_slice %arg7[%dma_start3A_374, %dma_start3A_375] : memref<10016x16xf32, #tpu.memory_space<hbm>> -> memref<10016x16xf32, #tpu.memory_space<hbm>>
      tpu.enqueue_indirect_dma source(%dma_start3A_376 : memref<10016x16xf32, #tpu.memory_space<hbm>>) target(%arg19 : memref<128x16xf32, #tpu.memory_space<vmem>>) offsets(%arg11 : memref<128xi32, #tpu.memory_space<vmem>>) semaphore(%arg25 : memref<!tpu.dma_semaphore, #tpu.memory_space<semaphore_mem>>)
      %add3A_377 = arith.constant 0 : i32
      %add3A_378 = vector.broadcast %add3A_377 : i32 to vector<16xi32>
      %add3A_379 = arith.addi %iota3A, %add3A_378 : vector<16xi32>
      %broadcast_in_dim3A_380 = arith.constant 0 : i32
      %broadcast_in_dim3A_381 = vector.broadcast %broadcast_in_dim3A_380 : i32 to vector<16xi32>
      %gather3A_382 = tpu.vector_load_idx %arg18[%add3A_379, %broadcast_in_dim3A_381] : memref<128x16xf32, #tpu.memory_space<vmem>>[vector<16xi32>, vector<16xi32>], vector<16xf32>,
      %gather3A_383 = tpu.vector_load_idx %arg20[%add3A_379, %broadcast_in_dim3A_381] : memref<128x16xf32, #tpu.memory_space<vmem>>[vector<16xi32>, vector<16xi32>], vector<16xf32>,
      %add3A_384 = arith.addf %gather3A_382, %gather3A_383 : vector<16xf32>
      %mul3A_385 = arith.constant 2.000000e-01 : f32
      %mul3A_386 = vector.broadcast %mul3A_385 : f32 to vector<16xf32>
      %mul3A_387 = arith.mulf %mul3A_386, %add3A_384 : vector<16xf32>
      %max3A_388 = arith.maximumf %add3A_384, %mul3A_387 : vector<16xf32>
      %exp3A_389 = math.exp %max3A_388 : vector<16xf32>
      %broadcast_in_dim3A_390 = arith.constant 64 : i32
      %broadcast_in_dim3A_391 = vector.broadcast %broadcast_in_dim3A_390 : i32 to vector<16xi32>
      tpu.vector_store_idx %arg21[%add3A_379, %broadcast_in_dim3A_391], %exp3A_389 : memref<128x80xf32, #tpu.memory_space<vmem>>[vector<16xi32>, vector<16xi32>], vector<16xf32>,
      %add3A_392 = arith.constant 16 : i32
      %add3A_393 = vector.broadcast %add3A_392 : i32 to vector<16xi32>
      %add3A_394 = arith.addi %iota3A, %add3A_393 : vector<16xi32>
      %broadcast_in_dim3A_395 = arith.constant 0 : i32
      %broadcast_in_dim3A_396 = vector.broadcast %broadcast_in_dim3A_395 : i32 to vector<16xi32>
      %gather3A_397 = tpu.vector_load_idx %arg18[%add3A_394, %broadcast_in_dim3A_396] : memref<128x16xf32, #tpu.memory_space<vmem>>[vector<16xi32>, vector<16xi32>], vector<16xf32>,
      %gather3A_398 = tpu.vector_load_idx %arg20[%add3A_394, %broadcast_in_dim3A_396] : memref<128x16xf32, #tpu.memory_space<vmem>>[vector<16xi32>, vector<16xi32>], vector<16xf32>,
      %add3A_399 = arith.addf %gather3A_397, %gather3A_398 : vector<16xf32>
      %mul3A_400 = arith.constant 2.000000e-01 : f32
      %mul3A_401 = vector.broadcast %mul3A_400 : f32 to vector<16xf32>
      %mul3A_402 = arith.mulf %mul3A_401, %add3A_399 : vector<16xf32>
      %max3A_403 = arith.maximumf %add3A_399, %mul3A_402 : vector<16xf32>
      %exp3A_404 = math.exp %max3A_403 : vector<16xf32>
      %broadcast_in_dim3A_405 = arith.constant 64 : i32
      %broadcast_in_dim3A_406 = vector.broadcast %broadcast_in_dim3A_405 : i32 to vector<16xi32>
      tpu.vector_store_idx %arg21[%add3A_394, %broadcast_in_dim3A_406], %exp3A_404 : memref<128x80xf32, #tpu.memory_space<vmem>>[vector<16xi32>, vector<16xi32>], vector<16xf32>,
      %add3A_407 = arith.constant 32 : i32
      %add3A_408 = vector.broadcast %add3A_407 : i32 to vector<16xi32>
      %add3A_409 = arith.addi %iota3A, %add3A_408 : vector<16xi32>
      %broadcast_in_dim3A_410 = arith.constant 0 : i32
      %broadcast_in_dim3A_411 = vector.broadcast %broadcast_in_dim3A_410 : i32 to vector<16xi32>
      %gather3A_412 = tpu.vector_load_idx %arg18[%add3A_409, %broadcast_in_dim3A_411] : memref<128x16xf32, #tpu.memory_space<vmem>>[vector<16xi32>, vector<16xi32>], vector<16xf32>,
      %gather3A_413 = tpu.vector_load_idx %arg20[%add3A_409, %broadcast_in_dim3A_411] : memref<128x16xf32, #tpu.memory_space<vmem>>[vector<16xi32>, vector<16xi32>], vector<16xf32>,
      %add3A_414 = arith.addf %gather3A_412, %gather3A_413 : vector<16xf32>
      %mul3A_415 = arith.constant 2.000000e-01 : f32
      %mul3A_416 = vector.broadcast %mul3A_415 : f32 to vector<16xf32>
      %mul3A_417 = arith.mulf %mul3A_416, %add3A_414 : vector<16xf32>
      %max3A_418 = arith.maximumf %add3A_414, %mul3A_417 : vector<16xf32>
      %exp3A_419 = math.exp %max3A_418 : vector<16xf32>
      %broadcast_in_dim3A_420 = arith.constant 64 : i32
      %broadcast_in_dim3A_421 = vector.broadcast %broadcast_in_dim3A_420 : i32 to vector<16xi32>
      tpu.vector_store_idx %arg21[%add3A_409, %broadcast_in_dim3A_421], %exp3A_419 : memref<128x80xf32, #tpu.memory_space<vmem>>[vector<16xi32>, vector<16xi32>], vector<16xf32>,
      %add3A_422 = arith.constant 48 : i32
      %add3A_423 = vector.broadcast %add3A_422 : i32 to vector<16xi32>
      %add3A_424 = arith.addi %iota3A, %add3A_423 : vector<16xi32>
      %broadcast_in_dim3A_425 = arith.constant 0 : i32
      %broadcast_in_dim3A_426 = vector.broadcast %broadcast_in_dim3A_425 : i32 to vector<16xi32>
      %gather3A_427 = tpu.vector_load_idx %arg18[%add3A_424, %broadcast_in_dim3A_426] : memref<128x16xf32, #tpu.memory_space<vmem>>[vector<16xi32>, vector<16xi32>], vector<16xf32>,
      %gather3A_428 = tpu.vector_load_idx %arg20[%add3A_424, %broadcast_in_dim3A_426] : memref<128x16xf32, #tpu.memory_space<vmem>>[vector<16xi32>, vector<16xi32>], vector<16xf32>,
      %add3A_429 = arith.addf %gather3A_427, %gather3A_428 : vector<16xf32>
      %mul3A_430 = arith.constant 2.000000e-01 : f32
      %mul3A_431 = vector.broadcast %mul3A_430 : f32 to vector<16xf32>
      %mul3A_432 = arith.mulf %mul3A_431, %add3A_429 : vector<16xf32>
      %max3A_433 = arith.maximumf %add3A_429, %mul3A_432 : vector<16xf32>
      %exp3A_434 = math.exp %max3A_433 : vector<16xf32>
      %broadcast_in_dim3A_435 = arith.constant 64 : i32
      %broadcast_in_dim3A_436 = vector.broadcast %broadcast_in_dim3A_435 : i32 to vector<16xi32>
      tpu.vector_store_idx %arg21[%add3A_424, %broadcast_in_dim3A_436], %exp3A_434 : memref<128x80xf32, #tpu.memory_space<vmem>>[vector<16xi32>, vector<16xi32>], vector<16xf32>,
      %add3A_437 = arith.constant 64 : i32
      %add3A_438 = vector.broadcast %add3A_437 : i32 to vector<16xi32>
      %add3A_439 = arith.addi %iota3A, %add3A_438 : vector<16xi32>
      %broadcast_in_dim3A_440 = arith.constant 0 : i32
      %broadcast_in_dim3A_441 = vector.broadcast %broadcast_in_dim3A_440 : i32 to vector<16xi32>
      %gather3A_442 = tpu.vector_load_idx %arg18[%add3A_439, %broadcast_in_dim3A_441] : memref<128x16xf32, #tpu.memory_space<vmem>>[vector<16xi32>, vector<16xi32>], vector<16xf32>,
      %gather3A_443 = tpu.vector_load_idx %arg20[%add3A_439, %broadcast_in_dim3A_441] : memref<128x16xf32, #tpu.memory_space<vmem>>[vector<16xi32>, vector<16xi32>], vector<16xf32>,
      %add3A_444 = arith.addf %gather3A_442, %gather3A_443 : vector<16xf32>
      %mul3A_445 = arith.constant 2.000000e-01 : f32
      %mul3A_446 = vector.broadcast %mul3A_445 : f32 to vector<16xf32>
      %mul3A_447 = arith.mulf %mul3A_446, %add3A_444 : vector<16xf32>
      %max3A_448 = arith.maximumf %add3A_444, %mul3A_447 : vector<16xf32>
      %exp3A_449 = math.exp %max3A_448 : vector<16xf32>
      %broadcast_in_dim3A_450 = arith.constant 64 : i32
      %broadcast_in_dim3A_451 = vector.broadcast %broadcast_in_dim3A_450 : i32 to vector<16xi32>
      tpu.vector_store_idx %arg21[%add3A_439, %broadcast_in_dim3A_451], %exp3A_449 : memref<128x80xf32, #tpu.memory_space<vmem>>[vector<16xi32>, vector<16xi32>], vector<16xf32>,
      %add3A_452 = arith.constant 80 : i32
      %add3A_453 = vector.broadcast %add3A_452 : i32 to vector<16xi32>
      %add3A_454 = arith.addi %iota3A, %add3A_453 : vector<16xi32>
      %broadcast_in_dim3A_455 = arith.constant 0 : i32
      %broadcast_in_dim3A_456 = vector.broadcast %broadcast_in_dim3A_455 : i32 to vector<16xi32>
      %gather3A_457 = tpu.vector_load_idx %arg18[%add3A_454, %broadcast_in_dim3A_456] : memref<128x16xf32, #tpu.memory_space<vmem>>[vector<16xi32>, vector<16xi32>], vector<16xf32>,
      %gather3A_458 = tpu.vector_load_idx %arg20[%add3A_454, %broadcast_in_dim3A_456] : memref<128x16xf32, #tpu.memory_space<vmem>>[vector<16xi32>, vector<16xi32>], vector<16xf32>,
      %add3A_459 = arith.addf %gather3A_457, %gather3A_458 : vector<16xf32>
      %mul3A_460 = arith.constant 2.000000e-01 : f32
      %mul3A_461 = vector.broadcast %mul3A_460 : f32 to vector<16xf32>
      %mul3A_462 = arith.mulf %mul3A_461, %add3A_459 : vector<16xf32>
      %max3A_463 = arith.maximumf %add3A_459, %mul3A_462 : vector<16xf32>
      %exp3A_464 = math.exp %max3A_463 : vector<16xf32>
      %broadcast_in_dim3A_465 = arith.constant 64 : i32
      %broadcast_in_dim3A_466 = vector.broadcast %broadcast_in_dim3A_465 : i32 to vector<16xi32>
      tpu.vector_store_idx %arg21[%add3A_454, %broadcast_in_dim3A_466], %exp3A_464 : memref<128x80xf32, #tpu.memory_space<vmem>>[vector<16xi32>, vector<16xi32>], vector<16xf32>,
      %add3A_467 = arith.constant 96 : i32
      %add3A_468 = vector.broadcast %add3A_467 : i32 to vector<16xi32>
      %add3A_469 = arith.addi %iota3A, %add3A_468 : vector<16xi32>
      %broadcast_in_dim3A_470 = arith.constant 0 : i32
      %broadcast_in_dim3A_471 = vector.broadcast %broadcast_in_dim3A_470 : i32 to vector<16xi32>
      %gather3A_472 = tpu.vector_load_idx %arg18[%add3A_469, %broadcast_in_dim3A_471] : memref<128x16xf32, #tpu.memory_space<vmem>>[vector<16xi32>, vector<16xi32>], vector<16xf32>,
      %gather3A_473 = tpu.vector_load_idx %arg20[%add3A_469, %broadcast_in_dim3A_471] : memref<128x16xf32, #tpu.memory_space<vmem>>[vector<16xi32>, vector<16xi32>], vector<16xf32>,
      %add3A_474 = arith.addf %gather3A_472, %gather3A_473 : vector<16xf32>
      %mul3A_475 = arith.constant 2.000000e-01 : f32
      %mul3A_476 = vector.broadcast %mul3A_475 : f32 to vector<16xf32>
      %mul3A_477 = arith.mulf %mul3A_476, %add3A_474 : vector<16xf32>
      %max3A_478 = arith.maximumf %add3A_474, %mul3A_477 : vector<16xf32>
      %exp3A_479 = math.exp %max3A_478 : vector<16xf32>
      %broadcast_in_dim3A_480 = arith.constant 64 : i32
      %broadcast_in_dim3A_481 = vector.broadcast %broadcast_in_dim3A_480 : i32 to vector<16xi32>
      tpu.vector_store_idx %arg21[%add3A_469, %broadcast_in_dim3A_481], %exp3A_479 : memref<128x80xf32, #tpu.memory_space<vmem>>[vector<16xi32>, vector<16xi32>], vector<16xf32>,
      %add3A_482 = arith.constant 112 : i32
      %add3A_483 = vector.broadcast %add3A_482 : i32 to vector<16xi32>
      %add3A_484 = arith.addi %iota3A, %add3A_483 : vector<16xi32>
      %broadcast_in_dim3A_485 = arith.constant 0 : i32
      %broadcast_in_dim3A_486 = vector.broadcast %broadcast_in_dim3A_485 : i32 to vector<16xi32>
      %gather3A_487 = tpu.vector_load_idx %arg18[%add3A_484, %broadcast_in_dim3A_486] : memref<128x16xf32, #tpu.memory_space<vmem>>[vector<16xi32>, vector<16xi32>], vector<16xf32>,
      %gather3A_488 = tpu.vector_load_idx %arg20[%add3A_484, %broadcast_in_dim3A_486] : memref<128x16xf32, #tpu.memory_space<vmem>>[vector<16xi32>, vector<16xi32>], vector<16xf32>,
      %add3A_489 = arith.addf %gather3A_487, %gather3A_488 : vector<16xf32>
      %mul3A_490 = arith.constant 2.000000e-01 : f32
      %mul3A_491 = vector.broadcast %mul3A_490 : f32 to vector<16xf32>
      %mul3A_492 = arith.mulf %mul3A_491, %add3A_489 : vector<16xf32>
      %max3A_493 = arith.maximumf %add3A_489, %mul3A_492 : vector<16xf32>
      %exp3A_494 = math.exp %max3A_493 : vector<16xf32>
      %broadcast_in_dim3A_495 = arith.constant 64 : i32
      %broadcast_in_dim3A_496 = vector.broadcast %broadcast_in_dim3A_495 : i32 to vector<16xi32>
      tpu.vector_store_idx %arg21[%add3A_484, %broadcast_in_dim3A_496], %exp3A_494 : memref<128x80xf32, #tpu.memory_space<vmem>>[vector<16xi32>, vector<16xi32>], vector<16xf32>,
      %parallel_loop3A_497 = arith.constant 0 : i32
      %parallel_loop3A_498 = arith.constant 128 : i32
      %parallel_loop3A_499 = arith.constant 1 : i32
      scf.for %parallel_loop3A_521 = %parallel_loop3A_497 to %parallel_loop3A_498 step %parallel_loop3A_499  : i32 {
        %parallel_loop3A_522 = arith.index_cast %parallel_loop3A_521 : i32 to index
        %parallel_loop3A_523 = arith.constant 64 : index
        %parallel_loop3A_524 = tpu.vector_load %arg21[%parallel_loop3A_522, %parallel_loop3A_523] {strides = array<i32>} : memref<128x80xf32, #tpu.memory_space<vmem>>, vector<16xf32>,
        %parallel_loop3A_525 = vector.extract_strided_slice %parallel_loop3A_524 {offsets = [0], sizes = [1], strides = [1]} : vector<16xf32> to vector<1xf32>
        %parallel_loop3A_526 = vector.extract %parallel_loop3A_525[0] : f32 from vector<1xf32>
        %parallel_loop3A_527 = vector.broadcast %parallel_loop3A_526 : f32 to vector<16xf32>
        %parallel_loop3A_528 = arith.index_cast %parallel_loop3A_521 : i32 to index
        %parallel_loop3A_529 = arith.constant 0 : index
        %parallel_loop3A_530 = tpu.vector_load %arg16[%parallel_loop3A_528, %parallel_loop3A_529] {strides = array<i32>} : memref<128x64xf32, #tpu.memory_space<vmem>>, vector<16xf32>,
        %parallel_loop3A_531 = arith.mulf %parallel_loop3A_530, %parallel_loop3A_527 : vector<16xf32>
        %parallel_loop3A_532 = arith.index_cast %parallel_loop3A_521 : i32 to index
        %parallel_loop3A_533 = arith.constant 0 : index
        %parallel_loop3A_534 = tpu.vector_load %arg21[%parallel_loop3A_532, %parallel_loop3A_533] {strides = array<i32>} : memref<128x80xf32, #tpu.memory_space<vmem>>, vector<16xf32>,
        tpu.vector_store %arg21[%parallel_loop3A_532, %parallel_loop3A_533], %parallel_loop3A_531 {strides = array<i32>} : memref<128x80xf32, #tpu.memory_space<vmem>>, vector<16xf32>,
        %parallel_loop3A_535 = arith.index_cast %parallel_loop3A_521 : i32 to index
        %parallel_loop3A_536 = arith.constant 16 : index
        %parallel_loop3A_537 = tpu.vector_load %arg16[%parallel_loop3A_535, %parallel_loop3A_536] {strides = array<i32>} : memref<128x64xf32, #tpu.memory_space<vmem>>, vector<16xf32>,
        %parallel_loop3A_538 = arith.mulf %parallel_loop3A_537, %parallel_loop3A_527 : vector<16xf32>
        %parallel_loop3A_539 = arith.index_cast %parallel_loop3A_521 : i32 to index
        %parallel_loop3A_540 = arith.constant 16 : index
        %parallel_loop3A_541 = tpu.vector_load %arg21[%parallel_loop3A_539, %parallel_loop3A_540] {strides = array<i32>} : memref<128x80xf32, #tpu.memory_space<vmem>>, vector<16xf32>,
        tpu.vector_store %arg21[%parallel_loop3A_539, %parallel_loop3A_540], %parallel_loop3A_538 {strides = array<i32>} : memref<128x80xf32, #tpu.memory_space<vmem>>, vector<16xf32>,
        %parallel_loop3A_542 = arith.index_cast %parallel_loop3A_521 : i32 to index
        %parallel_loop3A_543 = arith.constant 32 : index
        %parallel_loop3A_544 = tpu.vector_load %arg16[%parallel_loop3A_542, %parallel_loop3A_543] {strides = array<i32>} : memref<128x64xf32, #tpu.memory_space<vmem>>, vector<16xf32>,
        %parallel_loop3A_545 = arith.mulf %parallel_loop3A_544, %parallel_loop3A_527 : vector<16xf32>
        %parallel_loop3A_546 = arith.index_cast %parallel_loop3A_521 : i32 to index
        %parallel_loop3A_547 = arith.constant 32 : index
        %parallel_loop3A_548 = tpu.vector_load %arg21[%parallel_loop3A_546, %parallel_loop3A_547] {strides = array<i32>} : memref<128x80xf32, #tpu.memory_space<vmem>>, vector<16xf32>,
        tpu.vector_store %arg21[%parallel_loop3A_546, %parallel_loop3A_547], %parallel_loop3A_545 {strides = array<i32>} : memref<128x80xf32, #tpu.memory_space<vmem>>, vector<16xf32>,
        %parallel_loop3A_549 = arith.index_cast %parallel_loop3A_521 : i32 to index
        %parallel_loop3A_550 = arith.constant 48 : index
        %parallel_loop3A_551 = tpu.vector_load %arg16[%parallel_loop3A_549, %parallel_loop3A_550] {strides = array<i32>} : memref<128x64xf32, #tpu.memory_space<vmem>>, vector<16xf32>,
        %parallel_loop3A_552 = arith.mulf %parallel_loop3A_551, %parallel_loop3A_527 : vector<16xf32>
        %parallel_loop3A_553 = arith.index_cast %parallel_loop3A_521 : i32 to index
        %parallel_loop3A_554 = arith.constant 48 : index
        %parallel_loop3A_555 = tpu.vector_load %arg21[%parallel_loop3A_553, %parallel_loop3A_554] {strides = array<i32>} : memref<128x80xf32, #tpu.memory_space<vmem>>, vector<16xf32>,
        tpu.vector_store %arg21[%parallel_loop3A_553, %parallel_loop3A_554], %parallel_loop3A_552 {strides = array<i32>} : memref<128x80xf32, #tpu.memory_space<vmem>>, vector<16xf32>,
      } {sc.loop_unroll_factor = 8 : i64, sc.parallel_access}
      "tpu.region"() ({
        %run_scoped3A = tpu.sem_alloc : memref<!tpu.dma_semaphore, #tpu.memory_space<semaphore_mem>>
        %dma_start3A_521 = arith.constant 0 : i32
        %dma_start3A_522 = arith.constant 0 : i32
        %dma_start3A_523 = tpu.memref_slice %arg22[%dma_start3A_521, %dma_start3A_522] : memref<10240x80xf32, #tpu.memory_space<vmem_shared>> -> memref<10240x80xf32, #tpu.memory_space<vmem_shared>>
        tpu.enqueue_indirect_dma source(%arg21 : memref<128x80xf32, #tpu.memory_space<vmem>>) target(%dma_start3A_523 : memref<10240x80xf32, #tpu.memory_space<vmem_shared>>) offsets(%arg14 : memref<128xi32, #tpu.memory_space<vmem>>) semaphore(%run_scoped3A : memref<!tpu.dma_semaphore, #tpu.memory_space<semaphore_mem>>) {add = true}
        %dma_wait3A_524 = arith.constant 0 : i32
        %dma_wait3A_525 = arith.constant 0 : i32
        %dma_wait3A_526 = tpu.memref_slice %arg22[%dma_wait3A_524, %dma_wait3A_525] : memref<10240x80xf32, #tpu.memory_space<vmem_shared>> -> memref<10240x80xf32, #tpu.memory_space<vmem_shared>>
        tpu.wait_indirect_dma semaphore(%run_scoped3A : memref<!tpu.dma_semaphore, #tpu.memory_space<semaphore_mem>>) src(%arg21 : memref<128x80xf32, #tpu.memory_space<vmem>>) dst(%dma_wait3A_526 : memref<10240x80xf32, #tpu.memory_space<vmem_shared>>)
        tpu.yield
      }) : () -> ()
      %add3A_500 = arith.constant 2 : i32
      %add3A_501 = arith.addi %add3A_333, %add3A_500 : i32
      %mul3A_502 = arith.constant 163840 : i32
      %mul3A_503 = arith.muli %arg0, %mul3A_502 : i32
      %mul3A_504 = arith.constant 80 : i32
      %mul3A_505 = arith.muli %arg1, %mul3A_504 : i32
      %add3A_506 = arith.addi %mul3A_505, %add3A_501 : i32
      %mul3A_507 = arith.constant 128 : i32
      %mul3A_508 = arith.muli %add3A_506, %mul3A_507 : i32
      %add3A_509 = arith.addi %mul3A_503, %mul3A_508 : i32
      %dma_start3A_510 = tpu.memref_slice %arg2[%arg0, %add3A_509] : memref<2x327936xi32, #tpu.memory_space<hbm>> -> memref<1x128xi32, #tpu.memory_space<hbm>>
      %dma_start3A_511 = tpu.memref_squeeze %dma_start3A_510 : memref<1x128xi32, #tpu.memory_space<hbm>> -> memref<128xi32, #tpu.memory_space<hbm>>
      %dma_start3A_512 = tpu.memref_slice %arg2[%arg0, %add3A_509] : memref<2x327936xi32, #tpu.memory_space<hbm>> -> memref<1x128xi32, #tpu.memory_space<hbm>>
      %dma_start3A_513 = tpu.memref_squeeze %dma_start3A_512 : memref<1x128xi32, #tpu.memory_space<hbm>> -> memref<128xi32, #tpu.memory_space<hbm>>
      tpu.enqueue_dma source(%dma_start3A_513 : memref<128xi32, #tpu.memory_space<hbm>>) target(%arg10 : memref<128xi32, #tpu.memory_space<vmem>>) target_semaphore(%arg24 : memref<!tpu.dma_semaphore, #tpu.memory_space<semaphore_mem>>)
      %dma_start3A_514 = tpu.memref_slice %arg3[%arg0, %add3A_509] : memref<2x327936xi32, #tpu.memory_space<hbm>> -> memref<1x128xi32, #tpu.memory_space<hbm>>
      %dma_start3A_515 = tpu.memref_squeeze %dma_start3A_514 : memref<1x128xi32, #tpu.memory_space<hbm>> -> memref<128xi32, #tpu.memory_space<hbm>>
      %dma_start3A_516 = tpu.memref_slice %arg3[%arg0, %add3A_509] : memref<2x327936xi32, #tpu.memory_space<hbm>> -> memref<1x128xi32, #tpu.memory_space<hbm>>
      %dma_start3A_517 = tpu.memref_squeeze %dma_start3A_516 : memref<1x128xi32, #tpu.memory_space<hbm>> -> memref<128xi32, #tpu.memory_space<hbm>>
      tpu.enqueue_dma source(%dma_start3A_517 : memref<128xi32, #tpu.memory_space<hbm>>) target(%arg12 : memref<128xi32, #tpu.memory_space<vmem>>) target_semaphore(%arg24 : memref<!tpu.dma_semaphore, #tpu.memory_space<semaphore_mem>>)
      %dma_start3A_518 = tpu.memref_slice %arg4[%add3A_509] : memref<327936xi32, #tpu.memory_space<hbm>> -> memref<128xi32, #tpu.memory_space<hbm>>
      %dma_start3A_519 = tpu.memref_slice %arg4[%add3A_509] : memref<327936xi32, #tpu.memory_space<hbm>> -> memref<128xi32, #tpu.memory_space<hbm>>
      tpu.enqueue_dma source(%dma_start3A_519 : memref<128xi32, #tpu.memory_space<hbm>>) target(%arg14 : memref<128xi32, #tpu.memory_space<vmem>>) target_semaphore(%arg24 : memref<!tpu.dma_semaphore, #tpu.memory_space<semaphore_mem>>)
      %while3A_520 = arith.constant 0 : i32
      scf.yield %while3A_520 : i32
    }
    %dma_wait3A_105 = arith.constant 0 : i32
    %dma_wait3A_106 = arith.constant 0 : i32
    %dma_wait3A_107 = tpu.memref_slice %arg5[%dma_wait3A_105, %dma_wait3A_106] : memref<10000x64xf32, #tpu.memory_space<hbm>> -> memref<128x64xf32, #tpu.memory_space<hbm>>
    %dma_wait3A_108 = arith.constant 0 : i32
    %dma_wait3A_109 = arith.constant 0 : i32
    %dma_wait3A_110 = tpu.memref_slice %arg5[%dma_wait3A_108, %dma_wait3A_109] : memref<10000x64xf32, #tpu.memory_space<hbm>> -> memref<128x64xf32, #tpu.memory_space<hbm>>
    tpu.wait_dma2 semaphore(%arg25 : memref<!tpu.dma_semaphore, #tpu.memory_space<semaphore_mem>>) src(%dma_wait3A_110 : memref<128x64xf32, #tpu.memory_space<hbm>>) dst(%arg15 : memref<128x64xf32, #tpu.memory_space<vmem>>)
    %dma_wait3A_111 = arith.constant 0 : i32
    %dma_wait3A_112 = arith.constant 0 : i32
    %dma_wait3A_113 = tpu.memref_slice %arg6[%dma_wait3A_111, %dma_wait3A_112] : memref<10016x16xf32, #tpu.memory_space<hbm>> -> memref<128x16xf32, #tpu.memory_space<hbm>>
    %dma_wait3A_114 = arith.constant 0 : i32
    %dma_wait3A_115 = arith.constant 0 : i32
    %dma_wait3A_116 = tpu.memref_slice %arg6[%dma_wait3A_114, %dma_wait3A_115] : memref<10016x16xf32, #tpu.memory_space<hbm>> -> memref<128x16xf32, #tpu.memory_space<hbm>>
    tpu.wait_dma2 semaphore(%arg25 : memref<!tpu.dma_semaphore, #tpu.memory_space<semaphore_mem>>) src(%dma_wait3A_116 : memref<128x16xf32, #tpu.memory_space<hbm>>) dst(%arg17 : memref<128x16xf32, #tpu.memory_space<vmem>>)
    %dma_wait3A_117 = arith.constant 0 : i32
    %dma_wait3A_118 = arith.constant 0 : i32
    %dma_wait3A_119 = tpu.memref_slice %arg7[%dma_wait3A_117, %dma_wait3A_118] : memref<10016x16xf32, #tpu.memory_space<hbm>> -> memref<128x16xf32, #tpu.memory_space<hbm>>
    %dma_wait3A_120 = arith.constant 0 : i32
    %dma_wait3A_121 = arith.constant 0 : i32
    %dma_wait3A_122 = tpu.memref_slice %arg7[%dma_wait3A_120, %dma_wait3A_121] : memref<10016x16xf32, #tpu.memory_space<hbm>> -> memref<128x16xf32, #tpu.memory_space<hbm>>
    tpu.wait_dma2 semaphore(%arg25 : memref<!tpu.dma_semaphore, #tpu.memory_space<semaphore_mem>>) src(%dma_wait3A_122 : memref<128x16xf32, #tpu.memory_space<hbm>>) dst(%arg19 : memref<128x16xf32, #tpu.memory_space<vmem>>)
    %dma_wait3A_123 = arith.constant 0 : i32
    %dma_wait3A_124 = tpu.memref_slice %arg2[%arg0, %dma_wait3A_123] : memref<2x327936xi32, #tpu.memory_space<hbm>> -> memref<1x128xi32, #tpu.memory_space<hbm>>
    %dma_wait3A_125 = tpu.memref_squeeze %dma_wait3A_124 : memref<1x128xi32, #tpu.memory_space<hbm>> -> memref<128xi32, #tpu.memory_space<hbm>>
    %dma_wait3A_126 = arith.constant 0 : i32
    %dma_wait3A_127 = tpu.memref_slice %arg2[%arg0, %dma_wait3A_126] : memref<2x327936xi32, #tpu.memory_space<hbm>> -> memref<1x128xi32, #tpu.memory_space<hbm>>
    %dma_wait3A_128 = tpu.memref_squeeze %dma_wait3A_127 : memref<1x128xi32, #tpu.memory_space<hbm>> -> memref<128xi32, #tpu.memory_space<hbm>>
    tpu.wait_dma2 semaphore(%arg24 : memref<!tpu.dma_semaphore, #tpu.memory_space<semaphore_mem>>) src(%dma_wait3A_128 : memref<128xi32, #tpu.memory_space<hbm>>) dst(%arg10 : memref<128xi32, #tpu.memory_space<vmem>>)
    %dma_wait3A_129 = arith.constant 0 : i32
    %dma_wait3A_130 = tpu.memref_slice %arg3[%arg0, %dma_wait3A_129] : memref<2x327936xi32, #tpu.memory_space<hbm>> -> memref<1x128xi32, #tpu.memory_space<hbm>>
    %dma_wait3A_131 = tpu.memref_squeeze %dma_wait3A_130 : memref<1x128xi32, #tpu.memory_space<hbm>> -> memref<128xi32, #tpu.memory_space<hbm>>
    %dma_wait3A_132 = arith.constant 0 : i32
    %dma_wait3A_133 = tpu.memref_slice %arg3[%arg0, %dma_wait3A_132] : memref<2x327936xi32, #tpu.memory_space<hbm>> -> memref<1x128xi32, #tpu.memory_space<hbm>>
    %dma_wait3A_134 = tpu.memref_squeeze %dma_wait3A_133 : memref<1x128xi32, #tpu.memory_space<hbm>> -> memref<128xi32, #tpu.memory_space<hbm>>
    tpu.wait_dma2 semaphore(%arg24 : memref<!tpu.dma_semaphore, #tpu.memory_space<semaphore_mem>>) src(%dma_wait3A_134 : memref<128xi32, #tpu.memory_space<hbm>>) dst(%arg12 : memref<128xi32, #tpu.memory_space<vmem>>)
    %dma_wait3A_135 = arith.constant 0 : i32
    %dma_wait3A_136 = tpu.memref_slice %arg4[%dma_wait3A_135] : memref<327936xi32, #tpu.memory_space<hbm>> -> memref<128xi32, #tpu.memory_space<hbm>>
    %dma_wait3A_137 = arith.constant 0 : i32
    %dma_wait3A_138 = tpu.memref_slice %arg4[%dma_wait3A_137] : memref<327936xi32, #tpu.memory_space<hbm>> -> memref<128xi32, #tpu.memory_space<hbm>>
    tpu.wait_dma2 semaphore(%arg24 : memref<!tpu.dma_semaphore, #tpu.memory_space<semaphore_mem>>) src(%dma_wait3A_138 : memref<128xi32, #tpu.memory_space<hbm>>) dst(%arg14 : memref<128xi32, #tpu.memory_space<vmem>>)
    %barrier3A_139 = arith.constant 0 : index
    tpu.barrier barrier_id(%barrier3A_139)
    %mul3A_140 = arith.constant 640 : i32
    %mul3A_141 = arith.muli %arg1, %mul3A_140 : i32
    %mul3A_142 = arith.constant 640 : i32
    %mul3A_143 = arith.muli %arg1, %mul3A_142 : i32
    "tpu.region"() ({
      %run_scoped3A = tpu.sem_alloc : memref<!tpu.dma_semaphore, #tpu.memory_space<semaphore_mem>>
      %dma_start3A_144 = arith.constant 0 : i32
      %dma_start3A_145 = tpu.memref_slice %arg8[%arg0, %mul3A_143, %dma_start3A_144] : memref<2x10240x80xf32, #tpu.memory_space<hbm>> -> memref<1x640x80xf32, #tpu.memory_space<hbm>>
      %dma_start3A_146 = tpu.memref_squeeze %dma_start3A_145 : memref<1x640x80xf32, #tpu.memory_space<hbm>> -> memref<640x80xf32, #tpu.memory_space<hbm>>
      %dma_start3A_147 = arith.constant 0 : i32
      %dma_start3A_148 = tpu.memref_slice %arg22[%mul3A_141, %dma_start3A_147] : memref<10240x80xf32, #tpu.memory_space<vmem_shared>> -> memref<640x80xf32, #tpu.memory_space<vmem_shared>>
      tpu.enqueue_dma source(%dma_start3A_148 : memref<640x80xf32, #tpu.memory_space<vmem_shared>>) target(%dma_start3A_146 : memref<640x80xf32, #tpu.memory_space<hbm>>) target_semaphore(%run_scoped3A : memref<!tpu.dma_semaphore, #tpu.memory_space<semaphore_mem>>)
      %dma_wait3A_149 = arith.constant 0 : i32
      %dma_wait3A_150 = tpu.memref_slice %arg8[%arg0, %mul3A_143, %dma_wait3A_149] : memref<2x10240x80xf32, #tpu.memory_space<hbm>> -> memref<1x640x80xf32, #tpu.memory_space<hbm>>
      %dma_wait3A_151 = tpu.memref_squeeze %dma_wait3A_150 : memref<1x640x80xf32, #tpu.memory_space<hbm>> -> memref<640x80xf32, #tpu.memory_space<hbm>>
      %dma_wait3A_152 = arith.constant 0 : i32
      %dma_wait3A_153 = tpu.memref_slice %arg22[%mul3A_141, %dma_wait3A_152] : memref<10240x80xf32, #tpu.memory_space<vmem_shared>> -> memref<640x80xf32, #tpu.memory_space<vmem_shared>>
      tpu.wait_dma2 semaphore(%run_scoped3A : memref<!tpu.dma_semaphore, #tpu.memory_space<semaphore_mem>>) src(%dma_wait3A_153 : memref<640x80xf32, #tpu.memory_space<vmem_shared>>) dst(%dma_wait3A_151 : memref<640x80xf32, #tpu.memory_space<hbm>>)
      tpu.yield
    }) : () -> ()
    return
  }
}

#map = affine_map<(d0, d1) -> (0, 0)>
#map1 = affine_map<(d0, d1) -> (0)>
#map2 = affine_map<(d0, d1) -> (0, 0, 0)>
module attributes {stable_mosaic.version = 14 : i64} {
  func.func @kern(%arg0: i32, %arg1: i32, %arg2: memref<2x321664xi32, #tpu.memory_space<hbm>>, %arg3: memref<2x321664xi32, #tpu.memory_space<hbm>>, %arg4: memref<321664xi32, #tpu.memory_space<hbm>>, %arg5: memref<20000x128xf32, #tpu.memory_space<hbm>>, %arg6: memref<20016x16xf32, #tpu.memory_space<hbm>>, %arg7: memref<20016x16xf32, #tpu.memory_space<hbm>>, %arg8: memref<2x10240x144xf32, #tpu.memory_space<hbm>>, %arg9: memref<64xi32, #tpu.memory_space<vmem>>, %arg10: memref<64xi32, #tpu.memory_space<vmem>>, %arg11: memref<64xi32, #tpu.memory_space<vmem>>, %arg12: memref<64xi32, #tpu.memory_space<vmem>>, %arg13: memref<64xi32, #tpu.memory_space<vmem>>, %arg14: memref<64xi32, #tpu.memory_space<vmem>>, %arg15: memref<64x128xf32, #tpu.memory_space<vmem>>, %arg16: memref<64x128xf32, #tpu.memory_space<vmem>>, %arg17: memref<64x16xf32, #tpu.memory_space<vmem>>, %arg18: memref<64x16xf32, #tpu.memory_space<vmem>>, %arg19: memref<64x16xf32, #tpu.memory_space<vmem>>, %arg20: memref<64x16xf32, #tpu.memory_space<vmem>>, %arg21: memref<64x144xf32, #tpu.memory_space<vmem>>, %arg22: memref<10240x144xf32, #tpu.memory_space<vmem_shared>>, %arg23: memref<!tpu.dma_semaphore, #tpu.memory_space<semaphore_mem>>, %arg24: memref<!tpu.dma_semaphore, #tpu.memory_space<semaphore_mem>>, %arg25: memref<!tpu.dma_semaphore, #tpu.memory_space<semaphore_mem>>, %arg26: memref<!tpu.dma_semaphore, #tpu.memory_space<semaphore_mem>>) attributes {dimension_semantics = [#tpu.dimension_semantics<core_parallel>, #tpu.dimension_semantics<subcore_parallel>], iteration_bounds = array<i64: 2, 16>, scalar_prefetch = 0 : i64, scratch_operands = 18 : i64, tpu.core_type = #tpu.core_type<sc_vector_subcore>, window_params = [{transform_indices = #map}, {transform_indices = #map}, {transform_indices = #map1}, {transform_indices = #map}, {transform_indices = #map}, {transform_indices = #map}, {transform_indices = #map2}]} {
    %broadcast_in_dim3A = arith.constant 0.000000e+00 : f32
    %broadcast_in_dim3A_0 = vector.broadcast %broadcast_in_dim3A : f32 to vector<16xf32>
    %while3A = arith.constant 0 : i32
    %while3A_1 = arith.constant 64 : i32
    %while3A_2 = arith.constant 0 : i32
    %while3A_3 = arith.subi %while3A_1, %while3A : i32
    %while3A_4 = arith.addi %while3A, %while3A_3 : i32
    %while3A_5 = arith.constant 1 : i32
    %while3A_6 = arith.divsi %while3A_3, %while3A_5 : i32
    %while3A_7 = arith.muli %while3A_6, %while3A_5 : i32
    %while3A_8 = arith.addi %while3A, %while3A_7 : i32
    %while3A_9 = arith.constant 1 : i32
    %while3A_10 = scf.for %while3A_164 = %while3A to %while3A_8 step %while3A_9 iter_args(%while3A_165 = %while3A_2) -> (i32)  : i32 {
      %swap3A = arith.index_cast %while3A_164 : i32 to index
      %swap3A_166 = arith.constant 0 : index
      %swap3A_167 = tpu.vector_load %arg21[%swap3A, %swap3A_166] {strides = array<i32>} : memref<64x144xf32, #tpu.memory_space<vmem>>, vector<16xf32>,
      tpu.vector_store %arg21[%swap3A, %swap3A_166], %broadcast_in_dim3A_0 {strides = array<i32>} : memref<64x144xf32, #tpu.memory_space<vmem>>, vector<16xf32>,
      %swap3A_168 = arith.index_cast %while3A_164 : i32 to index
      %swap3A_169 = arith.constant 16 : index
      %swap3A_170 = tpu.vector_load %arg21[%swap3A_168, %swap3A_169] {strides = array<i32>} : memref<64x144xf32, #tpu.memory_space<vmem>>, vector<16xf32>,
      tpu.vector_store %arg21[%swap3A_168, %swap3A_169], %broadcast_in_dim3A_0 {strides = array<i32>} : memref<64x144xf32, #tpu.memory_space<vmem>>, vector<16xf32>,
      %swap3A_171 = arith.index_cast %while3A_164 : i32 to index
      %swap3A_172 = arith.constant 32 : index
      %swap3A_173 = tpu.vector_load %arg21[%swap3A_171, %swap3A_172] {strides = array<i32>} : memref<64x144xf32, #tpu.memory_space<vmem>>, vector<16xf32>,
      tpu.vector_store %arg21[%swap3A_171, %swap3A_172], %broadcast_in_dim3A_0 {strides = array<i32>} : memref<64x144xf32, #tpu.memory_space<vmem>>, vector<16xf32>,
      %swap3A_174 = arith.index_cast %while3A_164 : i32 to index
      %swap3A_175 = arith.constant 48 : index
      %swap3A_176 = tpu.vector_load %arg21[%swap3A_174, %swap3A_175] {strides = array<i32>} : memref<64x144xf32, #tpu.memory_space<vmem>>, vector<16xf32>,
      tpu.vector_store %arg21[%swap3A_174, %swap3A_175], %broadcast_in_dim3A_0 {strides = array<i32>} : memref<64x144xf32, #tpu.memory_space<vmem>>, vector<16xf32>,
      %swap3A_177 = arith.index_cast %while3A_164 : i32 to index
      %swap3A_178 = arith.constant 64 : index
      %swap3A_179 = tpu.vector_load %arg21[%swap3A_177, %swap3A_178] {strides = array<i32>} : memref<64x144xf32, #tpu.memory_space<vmem>>, vector<16xf32>,
      tpu.vector_store %arg21[%swap3A_177, %swap3A_178], %broadcast_in_dim3A_0 {strides = array<i32>} : memref<64x144xf32, #tpu.memory_space<vmem>>, vector<16xf32>,
      %swap3A_180 = arith.index_cast %while3A_164 : i32 to index
      %swap3A_181 = arith.constant 80 : index
      %swap3A_182 = tpu.vector_load %arg21[%swap3A_180, %swap3A_181] {strides = array<i32>} : memref<64x144xf32, #tpu.memory_space<vmem>>, vector<16xf32>,
      tpu.vector_store %arg21[%swap3A_180, %swap3A_181], %broadcast_in_dim3A_0 {strides = array<i32>} : memref<64x144xf32, #tpu.memory_space<vmem>>, vector<16xf32>,
      %swap3A_183 = arith.index_cast %while3A_164 : i32 to index
      %swap3A_184 = arith.constant 96 : index
      %swap3A_185 = tpu.vector_load %arg21[%swap3A_183, %swap3A_184] {strides = array<i32>} : memref<64x144xf32, #tpu.memory_space<vmem>>, vector<16xf32>,
      tpu.vector_store %arg21[%swap3A_183, %swap3A_184], %broadcast_in_dim3A_0 {strides = array<i32>} : memref<64x144xf32, #tpu.memory_space<vmem>>, vector<16xf32>,
      %swap3A_186 = arith.index_cast %while3A_164 : i32 to index
      %swap3A_187 = arith.constant 112 : index
      %swap3A_188 = tpu.vector_load %arg21[%swap3A_186, %swap3A_187] {strides = array<i32>} : memref<64x144xf32, #tpu.memory_space<vmem>>, vector<16xf32>,
      tpu.vector_store %arg21[%swap3A_186, %swap3A_187], %broadcast_in_dim3A_0 {strides = array<i32>} : memref<64x144xf32, #tpu.memory_space<vmem>>, vector<16xf32>,
      %swap3A_189 = arith.index_cast %while3A_164 : i32 to index
      %swap3A_190 = arith.constant 128 : index
      %swap3A_191 = tpu.vector_load %arg21[%swap3A_189, %swap3A_190] {strides = array<i32>} : memref<64x144xf32, #tpu.memory_space<vmem>>, vector<16xf32>,
      tpu.vector_store %arg21[%swap3A_189, %swap3A_190], %broadcast_in_dim3A_0 {strides = array<i32>} : memref<64x144xf32, #tpu.memory_space<vmem>>, vector<16xf32>,
      %while3A_192 = arith.constant 0 : i32
      scf.yield %while3A_192 : i32
    }
    %while3A_11 = arith.constant 1 : i32
    %while3A_12 = scf.for %while3A_164 = %while3A_8 to %while3A_4 step %while3A_11 iter_args(%while3A_165 = %while3A_10) -> (i32)  : i32 {
      %swap3A = arith.index_cast %while3A_164 : i32 to index
      %swap3A_166 = arith.constant 0 : index
      %swap3A_167 = tpu.vector_load %arg21[%swap3A, %swap3A_166] {strides = array<i32>} : memref<64x144xf32, #tpu.memory_space<vmem>>, vector<16xf32>,
      tpu.vector_store %arg21[%swap3A, %swap3A_166], %broadcast_in_dim3A_0 {strides = array<i32>} : memref<64x144xf32, #tpu.memory_space<vmem>>, vector<16xf32>,
      %swap3A_168 = arith.index_cast %while3A_164 : i32 to index
      %swap3A_169 = arith.constant 16 : index
      %swap3A_170 = tpu.vector_load %arg21[%swap3A_168, %swap3A_169] {strides = array<i32>} : memref<64x144xf32, #tpu.memory_space<vmem>>, vector<16xf32>,
      tpu.vector_store %arg21[%swap3A_168, %swap3A_169], %broadcast_in_dim3A_0 {strides = array<i32>} : memref<64x144xf32, #tpu.memory_space<vmem>>, vector<16xf32>,
      %swap3A_171 = arith.index_cast %while3A_164 : i32 to index
      %swap3A_172 = arith.constant 32 : index
      %swap3A_173 = tpu.vector_load %arg21[%swap3A_171, %swap3A_172] {strides = array<i32>} : memref<64x144xf32, #tpu.memory_space<vmem>>, vector<16xf32>,
      tpu.vector_store %arg21[%swap3A_171, %swap3A_172], %broadcast_in_dim3A_0 {strides = array<i32>} : memref<64x144xf32, #tpu.memory_space<vmem>>, vector<16xf32>,
      %swap3A_174 = arith.index_cast %while3A_164 : i32 to index
      %swap3A_175 = arith.constant 48 : index
      %swap3A_176 = tpu.vector_load %arg21[%swap3A_174, %swap3A_175] {strides = array<i32>} : memref<64x144xf32, #tpu.memory_space<vmem>>, vector<16xf32>,
      tpu.vector_store %arg21[%swap3A_174, %swap3A_175], %broadcast_in_dim3A_0 {strides = array<i32>} : memref<64x144xf32, #tpu.memory_space<vmem>>, vector<16xf32>,
      %swap3A_177 = arith.index_cast %while3A_164 : i32 to index
      %swap3A_178 = arith.constant 64 : index
      %swap3A_179 = tpu.vector_load %arg21[%swap3A_177, %swap3A_178] {strides = array<i32>} : memref<64x144xf32, #tpu.memory_space<vmem>>, vector<16xf32>,
      tpu.vector_store %arg21[%swap3A_177, %swap3A_178], %broadcast_in_dim3A_0 {strides = array<i32>} : memref<64x144xf32, #tpu.memory_space<vmem>>, vector<16xf32>,
      %swap3A_180 = arith.index_cast %while3A_164 : i32 to index
      %swap3A_181 = arith.constant 80 : index
      %swap3A_182 = tpu.vector_load %arg21[%swap3A_180, %swap3A_181] {strides = array<i32>} : memref<64x144xf32, #tpu.memory_space<vmem>>, vector<16xf32>,
      tpu.vector_store %arg21[%swap3A_180, %swap3A_181], %broadcast_in_dim3A_0 {strides = array<i32>} : memref<64x144xf32, #tpu.memory_space<vmem>>, vector<16xf32>,
      %swap3A_183 = arith.index_cast %while3A_164 : i32 to index
      %swap3A_184 = arith.constant 96 : index
      %swap3A_185 = tpu.vector_load %arg21[%swap3A_183, %swap3A_184] {strides = array<i32>} : memref<64x144xf32, #tpu.memory_space<vmem>>, vector<16xf32>,
      tpu.vector_store %arg21[%swap3A_183, %swap3A_184], %broadcast_in_dim3A_0 {strides = array<i32>} : memref<64x144xf32, #tpu.memory_space<vmem>>, vector<16xf32>,
      %swap3A_186 = arith.index_cast %while3A_164 : i32 to index
      %swap3A_187 = arith.constant 112 : index
      %swap3A_188 = tpu.vector_load %arg21[%swap3A_186, %swap3A_187] {strides = array<i32>} : memref<64x144xf32, #tpu.memory_space<vmem>>, vector<16xf32>,
      tpu.vector_store %arg21[%swap3A_186, %swap3A_187], %broadcast_in_dim3A_0 {strides = array<i32>} : memref<64x144xf32, #tpu.memory_space<vmem>>, vector<16xf32>,
      %swap3A_189 = arith.index_cast %while3A_164 : i32 to index
      %swap3A_190 = arith.constant 128 : index
      %swap3A_191 = tpu.vector_load %arg21[%swap3A_189, %swap3A_190] {strides = array<i32>} : memref<64x144xf32, #tpu.memory_space<vmem>>, vector<16xf32>,
      tpu.vector_store %arg21[%swap3A_189, %swap3A_190], %broadcast_in_dim3A_0 {strides = array<i32>} : memref<64x144xf32, #tpu.memory_space<vmem>>, vector<16xf32>,
      %while3A_192 = arith.constant 0 : i32
      scf.yield %while3A_192 : i32
    }
    %mul3A = arith.constant 640 : i32
    %mul3A_13 = arith.muli %arg1, %mul3A : i32
    %add3A = arith.constant 0 : i32
    %add3A_14 = arith.addi %mul3A_13, %add3A : i32
    "tpu.region"() ({
      %run_scoped3A = tpu.sem_alloc : memref<!tpu.dma_semaphore, #tpu.memory_space<semaphore_mem>>
      %dma_start3A_164 = arith.constant 0 : i32
      %dma_start3A_165 = tpu.memref_slice %arg22[%add3A_14, %dma_start3A_164] : memref<10240x144xf32, #tpu.memory_space<vmem_shared>> -> memref<64x144xf32, #tpu.memory_space<vmem_shared>>
      %dma_start3A_166 = arith.constant 0 : i32
      %dma_start3A_167 = tpu.memref_slice %arg22[%add3A_14, %dma_start3A_166] : memref<10240x144xf32, #tpu.memory_space<vmem_shared>> -> memref<64x144xf32, #tpu.memory_space<vmem_shared>>
      tpu.enqueue_dma source(%arg21 : memref<64x144xf32, #tpu.memory_space<vmem>>) target(%dma_start3A_167 : memref<64x144xf32, #tpu.memory_space<vmem_shared>>) target_semaphore(%run_scoped3A : memref<!tpu.dma_semaphore, #tpu.memory_space<semaphore_mem>>)
      %dma_wait3A_168 = arith.constant 0 : i32
      %dma_wait3A_169 = tpu.memref_slice %arg22[%add3A_14, %dma_wait3A_168] : memref<10240x144xf32, #tpu.memory_space<vmem_shared>> -> memref<64x144xf32, #tpu.memory_space<vmem_shared>>
      %dma_wait3A_170 = arith.constant 0 : i32
      %dma_wait3A_171 = tpu.memref_slice %arg22[%add3A_14, %dma_wait3A_170] : memref<10240x144xf32, #tpu.memory_space<vmem_shared>> -> memref<64x144xf32, #tpu.memory_space<vmem_shared>>
      tpu.wait_dma2 semaphore(%run_scoped3A : memref<!tpu.dma_semaphore, #tpu.memory_space<semaphore_mem>>) src(%arg21 : memref<64x144xf32, #tpu.memory_space<vmem>>) dst(%dma_wait3A_171 : memref<64x144xf32, #tpu.memory_space<vmem_shared>>)
      tpu.yield
    }) : () -> ()
    %mul3A_15 = arith.constant 640 : i32
    %mul3A_16 = arith.muli %arg1, %mul3A_15 : i32
    %add3A_17 = arith.constant 64 : i32
    %add3A_18 = arith.addi %mul3A_16, %add3A_17 : i32
    "tpu.region"() ({
      %run_scoped3A = tpu.sem_alloc : memref<!tpu.dma_semaphore, #tpu.memory_space<semaphore_mem>>
      %dma_start3A_164 = arith.constant 0 : i32
      %dma_start3A_165 = tpu.memref_slice %arg22[%add3A_18, %dma_start3A_164] : memref<10240x144xf32, #tpu.memory_space<vmem_shared>> -> memref<64x144xf32, #tpu.memory_space<vmem_shared>>
      %dma_start3A_166 = arith.constant 0 : i32
      %dma_start3A_167 = tpu.memref_slice %arg22[%add3A_18, %dma_start3A_166] : memref<10240x144xf32, #tpu.memory_space<vmem_shared>> -> memref<64x144xf32, #tpu.memory_space<vmem_shared>>
      tpu.enqueue_dma source(%arg21 : memref<64x144xf32, #tpu.memory_space<vmem>>) target(%dma_start3A_167 : memref<64x144xf32, #tpu.memory_space<vmem_shared>>) target_semaphore(%run_scoped3A : memref<!tpu.dma_semaphore, #tpu.memory_space<semaphore_mem>>)
      %dma_wait3A_168 = arith.constant 0 : i32
      %dma_wait3A_169 = tpu.memref_slice %arg22[%add3A_18, %dma_wait3A_168] : memref<10240x144xf32, #tpu.memory_space<vmem_shared>> -> memref<64x144xf32, #tpu.memory_space<vmem_shared>>
      %dma_wait3A_170 = arith.constant 0 : i32
      %dma_wait3A_171 = tpu.memref_slice %arg22[%add3A_18, %dma_wait3A_170] : memref<10240x144xf32, #tpu.memory_space<vmem_shared>> -> memref<64x144xf32, #tpu.memory_space<vmem_shared>>
      tpu.wait_dma2 semaphore(%run_scoped3A : memref<!tpu.dma_semaphore, #tpu.memory_space<semaphore_mem>>) src(%arg21 : memref<64x144xf32, #tpu.memory_space<vmem>>) dst(%dma_wait3A_171 : memref<64x144xf32, #tpu.memory_space<vmem_shared>>)
      tpu.yield
    }) : () -> ()
    %mul3A_19 = arith.constant 640 : i32
    %mul3A_20 = arith.muli %arg1, %mul3A_19 : i32
    %add3A_21 = arith.constant 128 : i32
    %add3A_22 = arith.addi %mul3A_20, %add3A_21 : i32
    "tpu.region"() ({
      %run_scoped3A = tpu.sem_alloc : memref<!tpu.dma_semaphore, #tpu.memory_space<semaphore_mem>>
      %dma_start3A_164 = arith.constant 0 : i32
      %dma_start3A_165 = tpu.memref_slice %arg22[%add3A_22, %dma_start3A_164] : memref<10240x144xf32, #tpu.memory_space<vmem_shared>> -> memref<64x144xf32, #tpu.memory_space<vmem_shared>>
      %dma_start3A_166 = arith.constant 0 : i32
      %dma_start3A_167 = tpu.memref_slice %arg22[%add3A_22, %dma_start3A_166] : memref<10240x144xf32, #tpu.memory_space<vmem_shared>> -> memref<64x144xf32, #tpu.memory_space<vmem_shared>>
      tpu.enqueue_dma source(%arg21 : memref<64x144xf32, #tpu.memory_space<vmem>>) target(%dma_start3A_167 : memref<64x144xf32, #tpu.memory_space<vmem_shared>>) target_semaphore(%run_scoped3A : memref<!tpu.dma_semaphore, #tpu.memory_space<semaphore_mem>>)
      %dma_wait3A_168 = arith.constant 0 : i32
      %dma_wait3A_169 = tpu.memref_slice %arg22[%add3A_22, %dma_wait3A_168] : memref<10240x144xf32, #tpu.memory_space<vmem_shared>> -> memref<64x144xf32, #tpu.memory_space<vmem_shared>>
      %dma_wait3A_170 = arith.constant 0 : i32
      %dma_wait3A_171 = tpu.memref_slice %arg22[%add3A_22, %dma_wait3A_170] : memref<10240x144xf32, #tpu.memory_space<vmem_shared>> -> memref<64x144xf32, #tpu.memory_space<vmem_shared>>
      tpu.wait_dma2 semaphore(%run_scoped3A : memref<!tpu.dma_semaphore, #tpu.memory_space<semaphore_mem>>) src(%arg21 : memref<64x144xf32, #tpu.memory_space<vmem>>) dst(%dma_wait3A_171 : memref<64x144xf32, #tpu.memory_space<vmem_shared>>)
      tpu.yield
    }) : () -> ()
    %mul3A_23 = arith.constant 640 : i32
    %mul3A_24 = arith.muli %arg1, %mul3A_23 : i32
    %add3A_25 = arith.constant 192 : i32
    %add3A_26 = arith.addi %mul3A_24, %add3A_25 : i32
    "tpu.region"() ({
      %run_scoped3A = tpu.sem_alloc : memref<!tpu.dma_semaphore, #tpu.memory_space<semaphore_mem>>
      %dma_start3A_164 = arith.constant 0 : i32
      %dma_start3A_165 = tpu.memref_slice %arg22[%add3A_26, %dma_start3A_164] : memref<10240x144xf32, #tpu.memory_space<vmem_shared>> -> memref<64x144xf32, #tpu.memory_space<vmem_shared>>
      %dma_start3A_166 = arith.constant 0 : i32
      %dma_start3A_167 = tpu.memref_slice %arg22[%add3A_26, %dma_start3A_166] : memref<10240x144xf32, #tpu.memory_space<vmem_shared>> -> memref<64x144xf32, #tpu.memory_space<vmem_shared>>
      tpu.enqueue_dma source(%arg21 : memref<64x144xf32, #tpu.memory_space<vmem>>) target(%dma_start3A_167 : memref<64x144xf32, #tpu.memory_space<vmem_shared>>) target_semaphore(%run_scoped3A : memref<!tpu.dma_semaphore, #tpu.memory_space<semaphore_mem>>)
      %dma_wait3A_168 = arith.constant 0 : i32
      %dma_wait3A_169 = tpu.memref_slice %arg22[%add3A_26, %dma_wait3A_168] : memref<10240x144xf32, #tpu.memory_space<vmem_shared>> -> memref<64x144xf32, #tpu.memory_space<vmem_shared>>
      %dma_wait3A_170 = arith.constant 0 : i32
      %dma_wait3A_171 = tpu.memref_slice %arg22[%add3A_26, %dma_wait3A_170] : memref<10240x144xf32, #tpu.memory_space<vmem_shared>> -> memref<64x144xf32, #tpu.memory_space<vmem_shared>>
      tpu.wait_dma2 semaphore(%run_scoped3A : memref<!tpu.dma_semaphore, #tpu.memory_space<semaphore_mem>>) src(%arg21 : memref<64x144xf32, #tpu.memory_space<vmem>>) dst(%dma_wait3A_171 : memref<64x144xf32, #tpu.memory_space<vmem_shared>>)
      tpu.yield
    }) : () -> ()
    %mul3A_27 = arith.constant 640 : i32
    %mul3A_28 = arith.muli %arg1, %mul3A_27 : i32
    %add3A_29 = arith.constant 256 : i32
    %add3A_30 = arith.addi %mul3A_28, %add3A_29 : i32
    "tpu.region"() ({
      %run_scoped3A = tpu.sem_alloc : memref<!tpu.dma_semaphore, #tpu.memory_space<semaphore_mem>>
      %dma_start3A_164 = arith.constant 0 : i32
      %dma_start3A_165 = tpu.memref_slice %arg22[%add3A_30, %dma_start3A_164] : memref<10240x144xf32, #tpu.memory_space<vmem_shared>> -> memref<64x144xf32, #tpu.memory_space<vmem_shared>>
      %dma_start3A_166 = arith.constant 0 : i32
      %dma_start3A_167 = tpu.memref_slice %arg22[%add3A_30, %dma_start3A_166] : memref<10240x144xf32, #tpu.memory_space<vmem_shared>> -> memref<64x144xf32, #tpu.memory_space<vmem_shared>>
      tpu.enqueue_dma source(%arg21 : memref<64x144xf32, #tpu.memory_space<vmem>>) target(%dma_start3A_167 : memref<64x144xf32, #tpu.memory_space<vmem_shared>>) target_semaphore(%run_scoped3A : memref<!tpu.dma_semaphore, #tpu.memory_space<semaphore_mem>>)
      %dma_wait3A_168 = arith.constant 0 : i32
      %dma_wait3A_169 = tpu.memref_slice %arg22[%add3A_30, %dma_wait3A_168] : memref<10240x144xf32, #tpu.memory_space<vmem_shared>> -> memref<64x144xf32, #tpu.memory_space<vmem_shared>>
      %dma_wait3A_170 = arith.constant 0 : i32
      %dma_wait3A_171 = tpu.memref_slice %arg22[%add3A_30, %dma_wait3A_170] : memref<10240x144xf32, #tpu.memory_space<vmem_shared>> -> memref<64x144xf32, #tpu.memory_space<vmem_shared>>
      tpu.wait_dma2 semaphore(%run_scoped3A : memref<!tpu.dma_semaphore, #tpu.memory_space<semaphore_mem>>) src(%arg21 : memref<64x144xf32, #tpu.memory_space<vmem>>) dst(%dma_wait3A_171 : memref<64x144xf32, #tpu.memory_space<vmem_shared>>)
      tpu.yield
    }) : () -> ()
    %mul3A_31 = arith.constant 640 : i32
    %mul3A_32 = arith.muli %arg1, %mul3A_31 : i32
    %add3A_33 = arith.constant 320 : i32
    %add3A_34 = arith.addi %mul3A_32, %add3A_33 : i32
    "tpu.region"() ({
      %run_scoped3A = tpu.sem_alloc : memref<!tpu.dma_semaphore, #tpu.memory_space<semaphore_mem>>
      %dma_start3A_164 = arith.constant 0 : i32
      %dma_start3A_165 = tpu.memref_slice %arg22[%add3A_34, %dma_start3A_164] : memref<10240x144xf32, #tpu.memory_space<vmem_shared>> -> memref<64x144xf32, #tpu.memory_space<vmem_shared>>
      %dma_start3A_166 = arith.constant 0 : i32
      %dma_start3A_167 = tpu.memref_slice %arg22[%add3A_34, %dma_start3A_166] : memref<10240x144xf32, #tpu.memory_space<vmem_shared>> -> memref<64x144xf32, #tpu.memory_space<vmem_shared>>
      tpu.enqueue_dma source(%arg21 : memref<64x144xf32, #tpu.memory_space<vmem>>) target(%dma_start3A_167 : memref<64x144xf32, #tpu.memory_space<vmem_shared>>) target_semaphore(%run_scoped3A : memref<!tpu.dma_semaphore, #tpu.memory_space<semaphore_mem>>)
      %dma_wait3A_168 = arith.constant 0 : i32
      %dma_wait3A_169 = tpu.memref_slice %arg22[%add3A_34, %dma_wait3A_168] : memref<10240x144xf32, #tpu.memory_space<vmem_shared>> -> memref<64x144xf32, #tpu.memory_space<vmem_shared>>
      %dma_wait3A_170 = arith.constant 0 : i32
      %dma_wait3A_171 = tpu.memref_slice %arg22[%add3A_34, %dma_wait3A_170] : memref<10240x144xf32, #tpu.memory_space<vmem_shared>> -> memref<64x144xf32, #tpu.memory_space<vmem_shared>>
      tpu.wait_dma2 semaphore(%run_scoped3A : memref<!tpu.dma_semaphore, #tpu.memory_space<semaphore_mem>>) src(%arg21 : memref<64x144xf32, #tpu.memory_space<vmem>>) dst(%dma_wait3A_171 : memref<64x144xf32, #tpu.memory_space<vmem_shared>>)
      tpu.yield
    }) : () -> ()
    %mul3A_35 = arith.constant 640 : i32
    %mul3A_36 = arith.muli %arg1, %mul3A_35 : i32
    %add3A_37 = arith.constant 384 : i32
    %add3A_38 = arith.addi %mul3A_36, %add3A_37 : i32
    "tpu.region"() ({
      %run_scoped3A = tpu.sem_alloc : memref<!tpu.dma_semaphore, #tpu.memory_space<semaphore_mem>>
      %dma_start3A_164 = arith.constant 0 : i32
      %dma_start3A_165 = tpu.memref_slice %arg22[%add3A_38, %dma_start3A_164] : memref<10240x144xf32, #tpu.memory_space<vmem_shared>> -> memref<64x144xf32, #tpu.memory_space<vmem_shared>>
      %dma_start3A_166 = arith.constant 0 : i32
      %dma_start3A_167 = tpu.memref_slice %arg22[%add3A_38, %dma_start3A_166] : memref<10240x144xf32, #tpu.memory_space<vmem_shared>> -> memref<64x144xf32, #tpu.memory_space<vmem_shared>>
      tpu.enqueue_dma source(%arg21 : memref<64x144xf32, #tpu.memory_space<vmem>>) target(%dma_start3A_167 : memref<64x144xf32, #tpu.memory_space<vmem_shared>>) target_semaphore(%run_scoped3A : memref<!tpu.dma_semaphore, #tpu.memory_space<semaphore_mem>>)
      %dma_wait3A_168 = arith.constant 0 : i32
      %dma_wait3A_169 = tpu.memref_slice %arg22[%add3A_38, %dma_wait3A_168] : memref<10240x144xf32, #tpu.memory_space<vmem_shared>> -> memref<64x144xf32, #tpu.memory_space<vmem_shared>>
      %dma_wait3A_170 = arith.constant 0 : i32
      %dma_wait3A_171 = tpu.memref_slice %arg22[%add3A_38, %dma_wait3A_170] : memref<10240x144xf32, #tpu.memory_space<vmem_shared>> -> memref<64x144xf32, #tpu.memory_space<vmem_shared>>
      tpu.wait_dma2 semaphore(%run_scoped3A : memref<!tpu.dma_semaphore, #tpu.memory_space<semaphore_mem>>) src(%arg21 : memref<64x144xf32, #tpu.memory_space<vmem>>) dst(%dma_wait3A_171 : memref<64x144xf32, #tpu.memory_space<vmem_shared>>)
      tpu.yield
    }) : () -> ()
    %mul3A_39 = arith.constant 640 : i32
    %mul3A_40 = arith.muli %arg1, %mul3A_39 : i32
    %add3A_41 = arith.constant 448 : i32
    %add3A_42 = arith.addi %mul3A_40, %add3A_41 : i32
    "tpu.region"() ({
      %run_scoped3A = tpu.sem_alloc : memref<!tpu.dma_semaphore, #tpu.memory_space<semaphore_mem>>
      %dma_start3A_164 = arith.constant 0 : i32
      %dma_start3A_165 = tpu.memref_slice %arg22[%add3A_42, %dma_start3A_164] : memref<10240x144xf32, #tpu.memory_space<vmem_shared>> -> memref<64x144xf32, #tpu.memory_space<vmem_shared>>
      %dma_start3A_166 = arith.constant 0 : i32
      %dma_start3A_167 = tpu.memref_slice %arg22[%add3A_42, %dma_start3A_166] : memref<10240x144xf32, #tpu.memory_space<vmem_shared>> -> memref<64x144xf32, #tpu.memory_space<vmem_shared>>
      tpu.enqueue_dma source(%arg21 : memref<64x144xf32, #tpu.memory_space<vmem>>) target(%dma_start3A_167 : memref<64x144xf32, #tpu.memory_space<vmem_shared>>) target_semaphore(%run_scoped3A : memref<!tpu.dma_semaphore, #tpu.memory_space<semaphore_mem>>)
      %dma_wait3A_168 = arith.constant 0 : i32
      %dma_wait3A_169 = tpu.memref_slice %arg22[%add3A_42, %dma_wait3A_168] : memref<10240x144xf32, #tpu.memory_space<vmem_shared>> -> memref<64x144xf32, #tpu.memory_space<vmem_shared>>
      %dma_wait3A_170 = arith.constant 0 : i32
      %dma_wait3A_171 = tpu.memref_slice %arg22[%add3A_42, %dma_wait3A_170] : memref<10240x144xf32, #tpu.memory_space<vmem_shared>> -> memref<64x144xf32, #tpu.memory_space<vmem_shared>>
      tpu.wait_dma2 semaphore(%run_scoped3A : memref<!tpu.dma_semaphore, #tpu.memory_space<semaphore_mem>>) src(%arg21 : memref<64x144xf32, #tpu.memory_space<vmem>>) dst(%dma_wait3A_171 : memref<64x144xf32, #tpu.memory_space<vmem_shared>>)
      tpu.yield
    }) : () -> ()
    %mul3A_43 = arith.constant 640 : i32
    %mul3A_44 = arith.muli %arg1, %mul3A_43 : i32
    %add3A_45 = arith.constant 512 : i32
    %add3A_46 = arith.addi %mul3A_44, %add3A_45 : i32
    "tpu.region"() ({
      %run_scoped3A = tpu.sem_alloc : memref<!tpu.dma_semaphore, #tpu.memory_space<semaphore_mem>>
      %dma_start3A_164 = arith.constant 0 : i32
      %dma_start3A_165 = tpu.memref_slice %arg22[%add3A_46, %dma_start3A_164] : memref<10240x144xf32, #tpu.memory_space<vmem_shared>> -> memref<64x144xf32, #tpu.memory_space<vmem_shared>>
      %dma_start3A_166 = arith.constant 0 : i32
      %dma_start3A_167 = tpu.memref_slice %arg22[%add3A_46, %dma_start3A_166] : memref<10240x144xf32, #tpu.memory_space<vmem_shared>> -> memref<64x144xf32, #tpu.memory_space<vmem_shared>>
      tpu.enqueue_dma source(%arg21 : memref<64x144xf32, #tpu.memory_space<vmem>>) target(%dma_start3A_167 : memref<64x144xf32, #tpu.memory_space<vmem_shared>>) target_semaphore(%run_scoped3A : memref<!tpu.dma_semaphore, #tpu.memory_space<semaphore_mem>>)
      %dma_wait3A_168 = arith.constant 0 : i32
      %dma_wait3A_169 = tpu.memref_slice %arg22[%add3A_46, %dma_wait3A_168] : memref<10240x144xf32, #tpu.memory_space<vmem_shared>> -> memref<64x144xf32, #tpu.memory_space<vmem_shared>>
      %dma_wait3A_170 = arith.constant 0 : i32
      %dma_wait3A_171 = tpu.memref_slice %arg22[%add3A_46, %dma_wait3A_170] : memref<10240x144xf32, #tpu.memory_space<vmem_shared>> -> memref<64x144xf32, #tpu.memory_space<vmem_shared>>
      tpu.wait_dma2 semaphore(%run_scoped3A : memref<!tpu.dma_semaphore, #tpu.memory_space<semaphore_mem>>) src(%arg21 : memref<64x144xf32, #tpu.memory_space<vmem>>) dst(%dma_wait3A_171 : memref<64x144xf32, #tpu.memory_space<vmem_shared>>)
      tpu.yield
    }) : () -> ()
    %mul3A_47 = arith.constant 640 : i32
    %mul3A_48 = arith.muli %arg1, %mul3A_47 : i32
    %add3A_49 = arith.constant 576 : i32
    %add3A_50 = arith.addi %mul3A_48, %add3A_49 : i32
    "tpu.region"() ({
      %run_scoped3A = tpu.sem_alloc : memref<!tpu.dma_semaphore, #tpu.memory_space<semaphore_mem>>
      %dma_start3A_164 = arith.constant 0 : i32
      %dma_start3A_165 = tpu.memref_slice %arg22[%add3A_50, %dma_start3A_164] : memref<10240x144xf32, #tpu.memory_space<vmem_shared>> -> memref<64x144xf32, #tpu.memory_space<vmem_shared>>
      %dma_start3A_166 = arith.constant 0 : i32
      %dma_start3A_167 = tpu.memref_slice %arg22[%add3A_50, %dma_start3A_166] : memref<10240x144xf32, #tpu.memory_space<vmem_shared>> -> memref<64x144xf32, #tpu.memory_space<vmem_shared>>
      tpu.enqueue_dma source(%arg21 : memref<64x144xf32, #tpu.memory_space<vmem>>) target(%dma_start3A_167 : memref<64x144xf32, #tpu.memory_space<vmem_shared>>) target_semaphore(%run_scoped3A : memref<!tpu.dma_semaphore, #tpu.memory_space<semaphore_mem>>)
      %dma_wait3A_168 = arith.constant 0 : i32
      %dma_wait3A_169 = tpu.memref_slice %arg22[%add3A_50, %dma_wait3A_168] : memref<10240x144xf32, #tpu.memory_space<vmem_shared>> -> memref<64x144xf32, #tpu.memory_space<vmem_shared>>
      %dma_wait3A_170 = arith.constant 0 : i32
      %dma_wait3A_171 = tpu.memref_slice %arg22[%add3A_50, %dma_wait3A_170] : memref<10240x144xf32, #tpu.memory_space<vmem_shared>> -> memref<64x144xf32, #tpu.memory_space<vmem_shared>>
      tpu.wait_dma2 semaphore(%run_scoped3A : memref<!tpu.dma_semaphore, #tpu.memory_space<semaphore_mem>>) src(%arg21 : memref<64x144xf32, #tpu.memory_space<vmem>>) dst(%dma_wait3A_171 : memref<64x144xf32, #tpu.memory_space<vmem_shared>>)
      tpu.yield
    }) : () -> ()
    %barrier3A = arith.constant 0 : index
    tpu.barrier barrier_id(%barrier3A)
    %iota3A = tpu.iota {dimensions = array<i32: 0>} : vector<16xi32>
    %mul3A_51 = arith.constant 0 : i32
    %mul3A_52 = arith.muli %arg0, %mul3A_51 : i32
    %mul3A_53 = arith.constant 314 : i32
    %mul3A_54 = arith.muli %arg1, %mul3A_53 : i32
    %add3A_55 = arith.constant 0 : i32
    %add3A_56 = arith.addi %mul3A_54, %add3A_55 : i32
    %mul3A_57 = arith.constant 64 : i32
    %mul3A_58 = arith.muli %add3A_56, %mul3A_57 : i32
    %add3A_59 = arith.addi %mul3A_52, %mul3A_58 : i32
    %dma_start3A = tpu.memref_slice %arg2[%arg0, %add3A_59] : memref<2x321664xi32, #tpu.memory_space<hbm>> -> memref<1x64xi32, #tpu.memory_space<hbm>>
    %dma_start3A_60 = tpu.memref_squeeze %dma_start3A : memref<1x64xi32, #tpu.memory_space<hbm>> -> memref<64xi32, #tpu.memory_space<hbm>>
    %dma_start3A_61 = tpu.memref_slice %arg2[%arg0, %add3A_59] : memref<2x321664xi32, #tpu.memory_space<hbm>> -> memref<1x64xi32, #tpu.memory_space<hbm>>
    %dma_start3A_62 = tpu.memref_squeeze %dma_start3A_61 : memref<1x64xi32, #tpu.memory_space<hbm>> -> memref<64xi32, #tpu.memory_space<hbm>>
    tpu.enqueue_dma source(%dma_start3A_62 : memref<64xi32, #tpu.memory_space<hbm>>) target(%arg9 : memref<64xi32, #tpu.memory_space<vmem>>) target_semaphore(%arg23 : memref<!tpu.dma_semaphore, #tpu.memory_space<semaphore_mem>>)
    %dma_start3A_63 = tpu.memref_slice %arg3[%arg0, %add3A_59] : memref<2x321664xi32, #tpu.memory_space<hbm>> -> memref<1x64xi32, #tpu.memory_space<hbm>>
    %dma_start3A_64 = tpu.memref_squeeze %dma_start3A_63 : memref<1x64xi32, #tpu.memory_space<hbm>> -> memref<64xi32, #tpu.memory_space<hbm>>
    %dma_start3A_65 = tpu.memref_slice %arg3[%arg0, %add3A_59] : memref<2x321664xi32, #tpu.memory_space<hbm>> -> memref<1x64xi32, #tpu.memory_space<hbm>>
    %dma_start3A_66 = tpu.memref_squeeze %dma_start3A_65 : memref<1x64xi32, #tpu.memory_space<hbm>> -> memref<64xi32, #tpu.memory_space<hbm>>
    tpu.enqueue_dma source(%dma_start3A_66 : memref<64xi32, #tpu.memory_space<hbm>>) target(%arg11 : memref<64xi32, #tpu.memory_space<vmem>>) target_semaphore(%arg23 : memref<!tpu.dma_semaphore, #tpu.memory_space<semaphore_mem>>)
    %dma_start3A_67 = tpu.memref_slice %arg4[%add3A_59] : memref<321664xi32, #tpu.memory_space<hbm>> -> memref<64xi32, #tpu.memory_space<hbm>>
    %dma_start3A_68 = tpu.memref_slice %arg4[%add3A_59] : memref<321664xi32, #tpu.memory_space<hbm>> -> memref<64xi32, #tpu.memory_space<hbm>>
    tpu.enqueue_dma source(%dma_start3A_68 : memref<64xi32, #tpu.memory_space<hbm>>) target(%arg13 : memref<64xi32, #tpu.memory_space<vmem>>) target_semaphore(%arg23 : memref<!tpu.dma_semaphore, #tpu.memory_space<semaphore_mem>>)
    %dma_wait3A = arith.constant 0 : i32
    %dma_wait3A_69 = tpu.memref_slice %arg2[%arg0, %dma_wait3A] : memref<2x321664xi32, #tpu.memory_space<hbm>> -> memref<1x64xi32, #tpu.memory_space<hbm>>
    %dma_wait3A_70 = tpu.memref_squeeze %dma_wait3A_69 : memref<1x64xi32, #tpu.memory_space<hbm>> -> memref<64xi32, #tpu.memory_space<hbm>>
    %dma_wait3A_71 = arith.constant 0 : i32
    %dma_wait3A_72 = tpu.memref_slice %arg2[%arg0, %dma_wait3A_71] : memref<2x321664xi32, #tpu.memory_space<hbm>> -> memref<1x64xi32, #tpu.memory_space<hbm>>
    %dma_wait3A_73 = tpu.memref_squeeze %dma_wait3A_72 : memref<1x64xi32, #tpu.memory_space<hbm>> -> memref<64xi32, #tpu.memory_space<hbm>>
    tpu.wait_dma2 semaphore(%arg23 : memref<!tpu.dma_semaphore, #tpu.memory_space<semaphore_mem>>) src(%dma_wait3A_73 : memref<64xi32, #tpu.memory_space<hbm>>) dst(%arg9 : memref<64xi32, #tpu.memory_space<vmem>>)
    %dma_wait3A_74 = arith.constant 0 : i32
    %dma_wait3A_75 = tpu.memref_slice %arg3[%arg0, %dma_wait3A_74] : memref<2x321664xi32, #tpu.memory_space<hbm>> -> memref<1x64xi32, #tpu.memory_space<hbm>>
    %dma_wait3A_76 = tpu.memref_squeeze %dma_wait3A_75 : memref<1x64xi32, #tpu.memory_space<hbm>> -> memref<64xi32, #tpu.memory_space<hbm>>
    %dma_wait3A_77 = arith.constant 0 : i32
    %dma_wait3A_78 = tpu.memref_slice %arg3[%arg0, %dma_wait3A_77] : memref<2x321664xi32, #tpu.memory_space<hbm>> -> memref<1x64xi32, #tpu.memory_space<hbm>>
    %dma_wait3A_79 = tpu.memref_squeeze %dma_wait3A_78 : memref<1x64xi32, #tpu.memory_space<hbm>> -> memref<64xi32, #tpu.memory_space<hbm>>
    tpu.wait_dma2 semaphore(%arg23 : memref<!tpu.dma_semaphore, #tpu.memory_space<semaphore_mem>>) src(%dma_wait3A_79 : memref<64xi32, #tpu.memory_space<hbm>>) dst(%arg11 : memref<64xi32, #tpu.memory_space<vmem>>)
    %dma_wait3A_80 = arith.constant 0 : i32
    %dma_wait3A_81 = tpu.memref_slice %arg4[%dma_wait3A_80] : memref<321664xi32, #tpu.memory_space<hbm>> -> memref<64xi32, #tpu.memory_space<hbm>>
    %dma_wait3A_82 = arith.constant 0 : i32
    %dma_wait3A_83 = tpu.memref_slice %arg4[%dma_wait3A_82] : memref<321664xi32, #tpu.memory_space<hbm>> -> memref<64xi32, #tpu.memory_space<hbm>>
    tpu.wait_dma2 semaphore(%arg23 : memref<!tpu.dma_semaphore, #tpu.memory_space<semaphore_mem>>) src(%dma_wait3A_83 : memref<64xi32, #tpu.memory_space<hbm>>) dst(%arg13 : memref<64xi32, #tpu.memory_space<vmem>>)
    %dma_start3A_84 = arith.constant 0 : i32
    %dma_start3A_85 = arith.constant 0 : i32
    %dma_start3A_86 = tpu.memref_slice %arg5[%dma_start3A_84, %dma_start3A_85] : memref<20000x128xf32, #tpu.memory_space<hbm>> -> memref<20000x128xf32, #tpu.memory_space<hbm>>
    tpu.enqueue_indirect_dma source(%dma_start3A_86 : memref<20000x128xf32, #tpu.memory_space<hbm>>) target(%arg15 : memref<64x128xf32, #tpu.memory_space<vmem>>) offsets(%arg9 : memref<64xi32, #tpu.memory_space<vmem>>) semaphore(%arg25 : memref<!tpu.dma_semaphore, #tpu.memory_space<semaphore_mem>>)
    %dma_start3A_87 = arith.constant 0 : i32
    %dma_start3A_88 = arith.constant 0 : i32
    %dma_start3A_89 = tpu.memref_slice %arg6[%dma_start3A_87, %dma_start3A_88] : memref<20016x16xf32, #tpu.memory_space<hbm>> -> memref<20016x16xf32, #tpu.memory_space<hbm>>
    tpu.enqueue_indirect_dma source(%dma_start3A_89 : memref<20016x16xf32, #tpu.memory_space<hbm>>) target(%arg17 : memref<64x16xf32, #tpu.memory_space<vmem>>) offsets(%arg9 : memref<64xi32, #tpu.memory_space<vmem>>) semaphore(%arg25 : memref<!tpu.dma_semaphore, #tpu.memory_space<semaphore_mem>>)
    %dma_start3A_90 = arith.constant 0 : i32
    %dma_start3A_91 = arith.constant 0 : i32
    %dma_start3A_92 = tpu.memref_slice %arg7[%dma_start3A_90, %dma_start3A_91] : memref<20016x16xf32, #tpu.memory_space<hbm>> -> memref<20016x16xf32, #tpu.memory_space<hbm>>
    tpu.enqueue_indirect_dma source(%dma_start3A_92 : memref<20016x16xf32, #tpu.memory_space<hbm>>) target(%arg19 : memref<64x16xf32, #tpu.memory_space<vmem>>) offsets(%arg11 : memref<64xi32, #tpu.memory_space<vmem>>) semaphore(%arg25 : memref<!tpu.dma_semaphore, #tpu.memory_space<semaphore_mem>>)
    %mul3A_93 = arith.constant 0 : i32
    %mul3A_94 = arith.muli %arg0, %mul3A_93 : i32
    %mul3A_95 = arith.constant 314 : i32
    %mul3A_96 = arith.muli %arg1, %mul3A_95 : i32
    %add3A_97 = arith.constant 1 : i32
    %add3A_98 = arith.addi %mul3A_96, %add3A_97 : i32
    %mul3A_99 = arith.constant 64 : i32
    %mul3A_100 = arith.muli %add3A_98, %mul3A_99 : i32
    %add3A_101 = arith.addi %mul3A_94, %mul3A_100 : i32
    %dma_start3A_102 = tpu.memref_slice %arg2[%arg0, %add3A_101] : memref<2x321664xi32, #tpu.memory_space<hbm>> -> memref<1x64xi32, #tpu.memory_space<hbm>>
    %dma_start3A_103 = tpu.memref_squeeze %dma_start3A_102 : memref<1x64xi32, #tpu.memory_space<hbm>> -> memref<64xi32, #tpu.memory_space<hbm>>
    %dma_start3A_104 = tpu.memref_slice %arg2[%arg0, %add3A_101] : memref<2x321664xi32, #tpu.memory_space<hbm>> -> memref<1x64xi32, #tpu.memory_space<hbm>>
    %dma_start3A_105 = tpu.memref_squeeze %dma_start3A_104 : memref<1x64xi32, #tpu.memory_space<hbm>> -> memref<64xi32, #tpu.memory_space<hbm>>
    tpu.enqueue_dma source(%dma_start3A_105 : memref<64xi32, #tpu.memory_space<hbm>>) target(%arg10 : memref<64xi32, #tpu.memory_space<vmem>>) target_semaphore(%arg24 : memref<!tpu.dma_semaphore, #tpu.memory_space<semaphore_mem>>)
    %dma_start3A_106 = tpu.memref_slice %arg3[%arg0, %add3A_101] : memref<2x321664xi32, #tpu.memory_space<hbm>> -> memref<1x64xi32, #tpu.memory_space<hbm>>
    %dma_start3A_107 = tpu.memref_squeeze %dma_start3A_106 : memref<1x64xi32, #tpu.memory_space<hbm>> -> memref<64xi32, #tpu.memory_space<hbm>>
    %dma_start3A_108 = tpu.memref_slice %arg3[%arg0, %add3A_101] : memref<2x321664xi32, #tpu.memory_space<hbm>> -> memref<1x64xi32, #tpu.memory_space<hbm>>
    %dma_start3A_109 = tpu.memref_squeeze %dma_start3A_108 : memref<1x64xi32, #tpu.memory_space<hbm>> -> memref<64xi32, #tpu.memory_space<hbm>>
    tpu.enqueue_dma source(%dma_start3A_109 : memref<64xi32, #tpu.memory_space<hbm>>) target(%arg12 : memref<64xi32, #tpu.memory_space<vmem>>) target_semaphore(%arg24 : memref<!tpu.dma_semaphore, #tpu.memory_space<semaphore_mem>>)
    %dma_start3A_110 = tpu.memref_slice %arg4[%add3A_101] : memref<321664xi32, #tpu.memory_space<hbm>> -> memref<64xi32, #tpu.memory_space<hbm>>
    %dma_start3A_111 = tpu.memref_slice %arg4[%add3A_101] : memref<321664xi32, #tpu.memory_space<hbm>> -> memref<64xi32, #tpu.memory_space<hbm>>
    tpu.enqueue_dma source(%dma_start3A_111 : memref<64xi32, #tpu.memory_space<hbm>>) target(%arg14 : memref<64xi32, #tpu.memory_space<vmem>>) target_semaphore(%arg24 : memref<!tpu.dma_semaphore, #tpu.memory_space<semaphore_mem>>)
    %while3A_112 = arith.constant 0 : i32
    %while3A_113 = arith.constant 157 : i32
    %while3A_114 = arith.constant 0 : i32
    %while3A_115 = arith.subi %while3A_113, %while3A_112 : i32
    %while3A_116 = arith.addi %while3A_112, %while3A_115 : i32
    %while3A_117 = arith.constant 1 : i32
    %while3A_118 = arith.divsi %while3A_115, %while3A_117 : i32
    %while3A_119 = arith.muli %while3A_118, %while3A_117 : i32
    %while3A_120 = arith.addi %while3A_112, %while3A_119 : i32
    %while3A_121 = arith.constant 1 : i32
    %while3A_122 = scf.for %while3A_164 = %while3A_112 to %while3A_120 step %while3A_121 iter_args(%while3A_165 = %while3A_114) -> (i32)  : i32 {
      %mul3A_166 = arith.constant 2 : i32
      %mul3A_167 = arith.muli %while3A_164, %mul3A_166 : i32
      %add3A_168 = arith.constant 0 : i32
      %add3A_169 = arith.addi %mul3A_167, %add3A_168 : i32
      %dma_wait3A_170 = arith.constant 0 : i32
      %dma_wait3A_171 = arith.constant 0 : i32
      %dma_wait3A_172 = tpu.memref_slice %arg5[%dma_wait3A_170, %dma_wait3A_171] : memref<20000x128xf32, #tpu.memory_space<hbm>> -> memref<64x128xf32, #tpu.memory_space<hbm>>
      %dma_wait3A_173 = arith.constant 0 : i32
      %dma_wait3A_174 = arith.constant 0 : i32
      %dma_wait3A_175 = tpu.memref_slice %arg5[%dma_wait3A_173, %dma_wait3A_174] : memref<20000x128xf32, #tpu.memory_space<hbm>> -> memref<64x128xf32, #tpu.memory_space<hbm>>
      tpu.wait_dma2 semaphore(%arg25 : memref<!tpu.dma_semaphore, #tpu.memory_space<semaphore_mem>>) src(%dma_wait3A_175 : memref<64x128xf32, #tpu.memory_space<hbm>>) dst(%arg15 : memref<64x128xf32, #tpu.memory_space<vmem>>)
      %dma_wait3A_176 = arith.constant 0 : i32
      %dma_wait3A_177 = arith.constant 0 : i32
      %dma_wait3A_178 = tpu.memref_slice %arg6[%dma_wait3A_176, %dma_wait3A_177] : memref<20016x16xf32, #tpu.memory_space<hbm>> -> memref<64x16xf32, #tpu.memory_space<hbm>>
      %dma_wait3A_179 = arith.constant 0 : i32
      %dma_wait3A_180 = arith.constant 0 : i32
      %dma_wait3A_181 = tpu.memref_slice %arg6[%dma_wait3A_179, %dma_wait3A_180] : memref<20016x16xf32, #tpu.memory_space<hbm>> -> memref<64x16xf32, #tpu.memory_space<hbm>>
      tpu.wait_dma2 semaphore(%arg25 : memref<!tpu.dma_semaphore, #tpu.memory_space<semaphore_mem>>) src(%dma_wait3A_181 : memref<64x16xf32, #tpu.memory_space<hbm>>) dst(%arg17 : memref<64x16xf32, #tpu.memory_space<vmem>>)
      %dma_wait3A_182 = arith.constant 0 : i32
      %dma_wait3A_183 = arith.constant 0 : i32
      %dma_wait3A_184 = tpu.memref_slice %arg7[%dma_wait3A_182, %dma_wait3A_183] : memref<20016x16xf32, #tpu.memory_space<hbm>> -> memref<64x16xf32, #tpu.memory_space<hbm>>
      %dma_wait3A_185 = arith.constant 0 : i32
      %dma_wait3A_186 = arith.constant 0 : i32
      %dma_wait3A_187 = tpu.memref_slice %arg7[%dma_wait3A_185, %dma_wait3A_186] : memref<20016x16xf32, #tpu.memory_space<hbm>> -> memref<64x16xf32, #tpu.memory_space<hbm>>
      tpu.wait_dma2 semaphore(%arg25 : memref<!tpu.dma_semaphore, #tpu.memory_space<semaphore_mem>>) src(%dma_wait3A_187 : memref<64x16xf32, #tpu.memory_space<hbm>>) dst(%arg19 : memref<64x16xf32, #tpu.memory_space<vmem>>)
      %dma_wait3A_188 = arith.constant 0 : i32
      %dma_wait3A_189 = tpu.memref_slice %arg2[%arg0, %dma_wait3A_188] : memref<2x321664xi32, #tpu.memory_space<hbm>> -> memref<1x64xi32, #tpu.memory_space<hbm>>
      %dma_wait3A_190 = tpu.memref_squeeze %dma_wait3A_189 : memref<1x64xi32, #tpu.memory_space<hbm>> -> memref<64xi32, #tpu.memory_space<hbm>>
      %dma_wait3A_191 = arith.constant 0 : i32
      %dma_wait3A_192 = tpu.memref_slice %arg2[%arg0, %dma_wait3A_191] : memref<2x321664xi32, #tpu.memory_space<hbm>> -> memref<1x64xi32, #tpu.memory_space<hbm>>
      %dma_wait3A_193 = tpu.memref_squeeze %dma_wait3A_192 : memref<1x64xi32, #tpu.memory_space<hbm>> -> memref<64xi32, #tpu.memory_space<hbm>>
      tpu.wait_dma2 semaphore(%arg24 : memref<!tpu.dma_semaphore, #tpu.memory_space<semaphore_mem>>) src(%dma_wait3A_193 : memref<64xi32, #tpu.memory_space<hbm>>) dst(%arg10 : memref<64xi32, #tpu.memory_space<vmem>>)
      %dma_wait3A_194 = arith.constant 0 : i32
      %dma_wait3A_195 = tpu.memref_slice %arg3[%arg0, %dma_wait3A_194] : memref<2x321664xi32, #tpu.memory_space<hbm>> -> memref<1x64xi32, #tpu.memory_space<hbm>>
      %dma_wait3A_196 = tpu.memref_squeeze %dma_wait3A_195 : memref<1x64xi32, #tpu.memory_space<hbm>> -> memref<64xi32, #tpu.memory_space<hbm>>
      %dma_wait3A_197 = arith.constant 0 : i32
      %dma_wait3A_198 = tpu.memref_slice %arg3[%arg0, %dma_wait3A_197] : memref<2x321664xi32, #tpu.memory_space<hbm>> -> memref<1x64xi32, #tpu.memory_space<hbm>>
      %dma_wait3A_199 = tpu.memref_squeeze %dma_wait3A_198 : memref<1x64xi32, #tpu.memory_space<hbm>> -> memref<64xi32, #tpu.memory_space<hbm>>
      tpu.wait_dma2 semaphore(%arg24 : memref<!tpu.dma_semaphore, #tpu.memory_space<semaphore_mem>>) src(%dma_wait3A_199 : memref<64xi32, #tpu.memory_space<hbm>>) dst(%arg12 : memref<64xi32, #tpu.memory_space<vmem>>)
      %dma_wait3A_200 = arith.constant 0 : i32
      %dma_wait3A_201 = tpu.memref_slice %arg4[%dma_wait3A_200] : memref<321664xi32, #tpu.memory_space<hbm>> -> memref<64xi32, #tpu.memory_space<hbm>>
      %dma_wait3A_202 = arith.constant 0 : i32
      %dma_wait3A_203 = tpu.memref_slice %arg4[%dma_wait3A_202] : memref<321664xi32, #tpu.memory_space<hbm>> -> memref<64xi32, #tpu.memory_space<hbm>>
      tpu.wait_dma2 semaphore(%arg24 : memref<!tpu.dma_semaphore, #tpu.memory_space<semaphore_mem>>) src(%dma_wait3A_203 : memref<64xi32, #tpu.memory_space<hbm>>) dst(%arg14 : memref<64xi32, #tpu.memory_space<vmem>>)
      %dma_start3A_204 = arith.constant 0 : i32
      %dma_start3A_205 = arith.constant 0 : i32
      %dma_start3A_206 = tpu.memref_slice %arg5[%dma_start3A_204, %dma_start3A_205] : memref<20000x128xf32, #tpu.memory_space<hbm>> -> memref<20000x128xf32, #tpu.memory_space<hbm>>
      tpu.enqueue_indirect_dma source(%dma_start3A_206 : memref<20000x128xf32, #tpu.memory_space<hbm>>) target(%arg16 : memref<64x128xf32, #tpu.memory_space<vmem>>) offsets(%arg10 : memref<64xi32, #tpu.memory_space<vmem>>) semaphore(%arg26 : memref<!tpu.dma_semaphore, #tpu.memory_space<semaphore_mem>>)
      %dma_start3A_207 = arith.constant 0 : i32
      %dma_start3A_208 = arith.constant 0 : i32
      %dma_start3A_209 = tpu.memref_slice %arg6[%dma_start3A_207, %dma_start3A_208] : memref<20016x16xf32, #tpu.memory_space<hbm>> -> memref<20016x16xf32, #tpu.memory_space<hbm>>
      tpu.enqueue_indirect_dma source(%dma_start3A_209 : memref<20016x16xf32, #tpu.memory_space<hbm>>) target(%arg18 : memref<64x16xf32, #tpu.memory_space<vmem>>) offsets(%arg10 : memref<64xi32, #tpu.memory_space<vmem>>) semaphore(%arg26 : memref<!tpu.dma_semaphore, #tpu.memory_space<semaphore_mem>>)
      %dma_start3A_210 = arith.constant 0 : i32
      %dma_start3A_211 = arith.constant 0 : i32
      %dma_start3A_212 = tpu.memref_slice %arg7[%dma_start3A_210, %dma_start3A_211] : memref<20016x16xf32, #tpu.memory_space<hbm>> -> memref<20016x16xf32, #tpu.memory_space<hbm>>
      tpu.enqueue_indirect_dma source(%dma_start3A_212 : memref<20016x16xf32, #tpu.memory_space<hbm>>) target(%arg20 : memref<64x16xf32, #tpu.memory_space<vmem>>) offsets(%arg12 : memref<64xi32, #tpu.memory_space<vmem>>) semaphore(%arg26 : memref<!tpu.dma_semaphore, #tpu.memory_space<semaphore_mem>>)
      %add3A_213 = arith.constant 0 : i32
      %add3A_214 = vector.broadcast %add3A_213 : i32 to vector<16xi32>
      %add3A_215 = arith.addi %iota3A, %add3A_214 : vector<16xi32>
      %broadcast_in_dim3A_216 = arith.constant 0 : i32
      %broadcast_in_dim3A_217 = vector.broadcast %broadcast_in_dim3A_216 : i32 to vector<16xi32>
      %gather3A = tpu.vector_load_idx %arg17[%add3A_215, %broadcast_in_dim3A_217] : memref<64x16xf32, #tpu.memory_space<vmem>>[vector<16xi32>, vector<16xi32>], vector<16xf32>,
      %gather3A_218 = tpu.vector_load_idx %arg19[%add3A_215, %broadcast_in_dim3A_217] : memref<64x16xf32, #tpu.memory_space<vmem>>[vector<16xi32>, vector<16xi32>], vector<16xf32>,
      %add3A_219 = arith.addf %gather3A, %gather3A_218 : vector<16xf32>
      %mul3A_220 = arith.constant 2.000000e-01 : f32
      %mul3A_221 = vector.broadcast %mul3A_220 : f32 to vector<16xf32>
      %mul3A_222 = arith.mulf %mul3A_221, %add3A_219 : vector<16xf32>
      %max3A = arith.maximumf %add3A_219, %mul3A_222 : vector<16xf32>
      %exp3A = math.exp %max3A : vector<16xf32>
      %broadcast_in_dim3A_223 = arith.constant 128 : i32
      %broadcast_in_dim3A_224 = vector.broadcast %broadcast_in_dim3A_223 : i32 to vector<16xi32>
      tpu.vector_store_idx %arg21[%add3A_215, %broadcast_in_dim3A_224], %exp3A : memref<64x144xf32, #tpu.memory_space<vmem>>[vector<16xi32>, vector<16xi32>], vector<16xf32>,
      %broadcast_in_dim3A_225 = arith.constant 1 : i32
      %broadcast_in_dim3A_226 = vector.broadcast %broadcast_in_dim3A_225 : i32 to vector<16xi32>
      %gather3A_227 = tpu.vector_load_idx %arg17[%add3A_215, %broadcast_in_dim3A_226] : memref<64x16xf32, #tpu.memory_space<vmem>>[vector<16xi32>, vector<16xi32>], vector<16xf32>,
      %gather3A_228 = tpu.vector_load_idx %arg19[%add3A_215, %broadcast_in_dim3A_226] : memref<64x16xf32, #tpu.memory_space<vmem>>[vector<16xi32>, vector<16xi32>], vector<16xf32>,
      %add3A_229 = arith.addf %gather3A_227, %gather3A_228 : vector<16xf32>
      %mul3A_230 = arith.constant 2.000000e-01 : f32
      %mul3A_231 = vector.broadcast %mul3A_230 : f32 to vector<16xf32>
      %mul3A_232 = arith.mulf %mul3A_231, %add3A_229 : vector<16xf32>
      %max3A_233 = arith.maximumf %add3A_229, %mul3A_232 : vector<16xf32>
      %exp3A_234 = math.exp %max3A_233 : vector<16xf32>
      %broadcast_in_dim3A_235 = arith.constant 129 : i32
      %broadcast_in_dim3A_236 = vector.broadcast %broadcast_in_dim3A_235 : i32 to vector<16xi32>
      tpu.vector_store_idx %arg21[%add3A_215, %broadcast_in_dim3A_236], %exp3A_234 : memref<64x144xf32, #tpu.memory_space<vmem>>[vector<16xi32>, vector<16xi32>], vector<16xf32>,
      %add3A_237 = arith.constant 16 : i32
      %add3A_238 = vector.broadcast %add3A_237 : i32 to vector<16xi32>
      %add3A_239 = arith.addi %iota3A, %add3A_238 : vector<16xi32>
      %broadcast_in_dim3A_240 = arith.constant 0 : i32
      %broadcast_in_dim3A_241 = vector.broadcast %broadcast_in_dim3A_240 : i32 to vector<16xi32>
      %gather3A_242 = tpu.vector_load_idx %arg17[%add3A_239, %broadcast_in_dim3A_241] : memref<64x16xf32, #tpu.memory_space<vmem>>[vector<16xi32>, vector<16xi32>], vector<16xf32>,
      %gather3A_243 = tpu.vector_load_idx %arg19[%add3A_239, %broadcast_in_dim3A_241] : memref<64x16xf32, #tpu.memory_space<vmem>>[vector<16xi32>, vector<16xi32>], vector<16xf32>,
      %add3A_244 = arith.addf %gather3A_242, %gather3A_243 : vector<16xf32>
      %mul3A_245 = arith.constant 2.000000e-01 : f32
      %mul3A_246 = vector.broadcast %mul3A_245 : f32 to vector<16xf32>
      %mul3A_247 = arith.mulf %mul3A_246, %add3A_244 : vector<16xf32>
      %max3A_248 = arith.maximumf %add3A_244, %mul3A_247 : vector<16xf32>
      %exp3A_249 = math.exp %max3A_248 : vector<16xf32>
      %broadcast_in_dim3A_250 = arith.constant 128 : i32
      %broadcast_in_dim3A_251 = vector.broadcast %broadcast_in_dim3A_250 : i32 to vector<16xi32>
      tpu.vector_store_idx %arg21[%add3A_239, %broadcast_in_dim3A_251], %exp3A_249 : memref<64x144xf32, #tpu.memory_space<vmem>>[vector<16xi32>, vector<16xi32>], vector<16xf32>,
      %broadcast_in_dim3A_252 = arith.constant 1 : i32
      %broadcast_in_dim3A_253 = vector.broadcast %broadcast_in_dim3A_252 : i32 to vector<16xi32>
      %gather3A_254 = tpu.vector_load_idx %arg17[%add3A_239, %broadcast_in_dim3A_253] : memref<64x16xf32, #tpu.memory_space<vmem>>[vector<16xi32>, vector<16xi32>], vector<16xf32>,
      %gather3A_255 = tpu.vector_load_idx %arg19[%add3A_239, %broadcast_in_dim3A_253] : memref<64x16xf32, #tpu.memory_space<vmem>>[vector<16xi32>, vector<16xi32>], vector<16xf32>,
      %add3A_256 = arith.addf %gather3A_254, %gather3A_255 : vector<16xf32>
      %mul3A_257 = arith.constant 2.000000e-01 : f32
      %mul3A_258 = vector.broadcast %mul3A_257 : f32 to vector<16xf32>
      %mul3A_259 = arith.mulf %mul3A_258, %add3A_256 : vector<16xf32>
      %max3A_260 = arith.maximumf %add3A_256, %mul3A_259 : vector<16xf32>
      %exp3A_261 = math.exp %max3A_260 : vector<16xf32>
      %broadcast_in_dim3A_262 = arith.constant 129 : i32
      %broadcast_in_dim3A_263 = vector.broadcast %broadcast_in_dim3A_262 : i32 to vector<16xi32>
      tpu.vector_store_idx %arg21[%add3A_239, %broadcast_in_dim3A_263], %exp3A_261 : memref<64x144xf32, #tpu.memory_space<vmem>>[vector<16xi32>, vector<16xi32>], vector<16xf32>,
      %add3A_264 = arith.constant 32 : i32
      %add3A_265 = vector.broadcast %add3A_264 : i32 to vector<16xi32>
      %add3A_266 = arith.addi %iota3A, %add3A_265 : vector<16xi32>
      %broadcast_in_dim3A_267 = arith.constant 0 : i32
      %broadcast_in_dim3A_268 = vector.broadcast %broadcast_in_dim3A_267 : i32 to vector<16xi32>
      %gather3A_269 = tpu.vector_load_idx %arg17[%add3A_266, %broadcast_in_dim3A_268] : memref<64x16xf32, #tpu.memory_space<vmem>>[vector<16xi32>, vector<16xi32>], vector<16xf32>,
      %gather3A_270 = tpu.vector_load_idx %arg19[%add3A_266, %broadcast_in_dim3A_268] : memref<64x16xf32, #tpu.memory_space<vmem>>[vector<16xi32>, vector<16xi32>], vector<16xf32>,
      %add3A_271 = arith.addf %gather3A_269, %gather3A_270 : vector<16xf32>
      %mul3A_272 = arith.constant 2.000000e-01 : f32
      %mul3A_273 = vector.broadcast %mul3A_272 : f32 to vector<16xf32>
      %mul3A_274 = arith.mulf %mul3A_273, %add3A_271 : vector<16xf32>
      %max3A_275 = arith.maximumf %add3A_271, %mul3A_274 : vector<16xf32>
      %exp3A_276 = math.exp %max3A_275 : vector<16xf32>
      %broadcast_in_dim3A_277 = arith.constant 128 : i32
      %broadcast_in_dim3A_278 = vector.broadcast %broadcast_in_dim3A_277 : i32 to vector<16xi32>
      tpu.vector_store_idx %arg21[%add3A_266, %broadcast_in_dim3A_278], %exp3A_276 : memref<64x144xf32, #tpu.memory_space<vmem>>[vector<16xi32>, vector<16xi32>], vector<16xf32>,
      %broadcast_in_dim3A_279 = arith.constant 1 : i32
      %broadcast_in_dim3A_280 = vector.broadcast %broadcast_in_dim3A_279 : i32 to vector<16xi32>
      %gather3A_281 = tpu.vector_load_idx %arg17[%add3A_266, %broadcast_in_dim3A_280] : memref<64x16xf32, #tpu.memory_space<vmem>>[vector<16xi32>, vector<16xi32>], vector<16xf32>,
      %gather3A_282 = tpu.vector_load_idx %arg19[%add3A_266, %broadcast_in_dim3A_280] : memref<64x16xf32, #tpu.memory_space<vmem>>[vector<16xi32>, vector<16xi32>], vector<16xf32>,
      %add3A_283 = arith.addf %gather3A_281, %gather3A_282 : vector<16xf32>
      %mul3A_284 = arith.constant 2.000000e-01 : f32
      %mul3A_285 = vector.broadcast %mul3A_284 : f32 to vector<16xf32>
      %mul3A_286 = arith.mulf %mul3A_285, %add3A_283 : vector<16xf32>
      %max3A_287 = arith.maximumf %add3A_283, %mul3A_286 : vector<16xf32>
      %exp3A_288 = math.exp %max3A_287 : vector<16xf32>
      %broadcast_in_dim3A_289 = arith.constant 129 : i32
      %broadcast_in_dim3A_290 = vector.broadcast %broadcast_in_dim3A_289 : i32 to vector<16xi32>
      tpu.vector_store_idx %arg21[%add3A_266, %broadcast_in_dim3A_290], %exp3A_288 : memref<64x144xf32, #tpu.memory_space<vmem>>[vector<16xi32>, vector<16xi32>], vector<16xf32>,
      %add3A_291 = arith.constant 48 : i32
      %add3A_292 = vector.broadcast %add3A_291 : i32 to vector<16xi32>
      %add3A_293 = arith.addi %iota3A, %add3A_292 : vector<16xi32>
      %broadcast_in_dim3A_294 = arith.constant 0 : i32
      %broadcast_in_dim3A_295 = vector.broadcast %broadcast_in_dim3A_294 : i32 to vector<16xi32>
      %gather3A_296 = tpu.vector_load_idx %arg17[%add3A_293, %broadcast_in_dim3A_295] : memref<64x16xf32, #tpu.memory_space<vmem>>[vector<16xi32>, vector<16xi32>], vector<16xf32>,
      %gather3A_297 = tpu.vector_load_idx %arg19[%add3A_293, %broadcast_in_dim3A_295] : memref<64x16xf32, #tpu.memory_space<vmem>>[vector<16xi32>, vector<16xi32>], vector<16xf32>,
      %add3A_298 = arith.addf %gather3A_296, %gather3A_297 : vector<16xf32>
      %mul3A_299 = arith.constant 2.000000e-01 : f32
      %mul3A_300 = vector.broadcast %mul3A_299 : f32 to vector<16xf32>
      %mul3A_301 = arith.mulf %mul3A_300, %add3A_298 : vector<16xf32>
      %max3A_302 = arith.maximumf %add3A_298, %mul3A_301 : vector<16xf32>
      %exp3A_303 = math.exp %max3A_302 : vector<16xf32>
      %broadcast_in_dim3A_304 = arith.constant 128 : i32
      %broadcast_in_dim3A_305 = vector.broadcast %broadcast_in_dim3A_304 : i32 to vector<16xi32>
      tpu.vector_store_idx %arg21[%add3A_293, %broadcast_in_dim3A_305], %exp3A_303 : memref<64x144xf32, #tpu.memory_space<vmem>>[vector<16xi32>, vector<16xi32>], vector<16xf32>,
      %broadcast_in_dim3A_306 = arith.constant 1 : i32
      %broadcast_in_dim3A_307 = vector.broadcast %broadcast_in_dim3A_306 : i32 to vector<16xi32>
      %gather3A_308 = tpu.vector_load_idx %arg17[%add3A_293, %broadcast_in_dim3A_307] : memref<64x16xf32, #tpu.memory_space<vmem>>[vector<16xi32>, vector<16xi32>], vector<16xf32>,
      %gather3A_309 = tpu.vector_load_idx %arg19[%add3A_293, %broadcast_in_dim3A_307] : memref<64x16xf32, #tpu.memory_space<vmem>>[vector<16xi32>, vector<16xi32>], vector<16xf32>,
      %add3A_310 = arith.addf %gather3A_308, %gather3A_309 : vector<16xf32>
      %mul3A_311 = arith.constant 2.000000e-01 : f32
      %mul3A_312 = vector.broadcast %mul3A_311 : f32 to vector<16xf32>
      %mul3A_313 = arith.mulf %mul3A_312, %add3A_310 : vector<16xf32>
      %max3A_314 = arith.maximumf %add3A_310, %mul3A_313 : vector<16xf32>
      %exp3A_315 = math.exp %max3A_314 : vector<16xf32>
      %broadcast_in_dim3A_316 = arith.constant 129 : i32
      %broadcast_in_dim3A_317 = vector.broadcast %broadcast_in_dim3A_316 : i32 to vector<16xi32>
      tpu.vector_store_idx %arg21[%add3A_293, %broadcast_in_dim3A_317], %exp3A_315 : memref<64x144xf32, #tpu.memory_space<vmem>>[vector<16xi32>, vector<16xi32>], vector<16xf32>,
      %parallel_loop3A = arith.constant 0 : i32
      %parallel_loop3A_318 = arith.constant 64 : i32
      %parallel_loop3A_319 = arith.constant 1 : i32
      scf.for %parallel_loop3A_517 = %parallel_loop3A to %parallel_loop3A_318 step %parallel_loop3A_319  : i32 {
        %parallel_loop3A_518 = arith.index_cast %parallel_loop3A_517 : i32 to index
        %parallel_loop3A_519 = arith.constant 128 : index
        %parallel_loop3A_520 = tpu.vector_load %arg21[%parallel_loop3A_518, %parallel_loop3A_519] {strides = array<i32>} : memref<64x144xf32, #tpu.memory_space<vmem>>, vector<16xf32>,
        %parallel_loop3A_521 = vector.extract_strided_slice %parallel_loop3A_520 {offsets = [0], sizes = [1], strides = [1]} : vector<16xf32> to vector<1xf32>
        %parallel_loop3A_522 = vector.extract %parallel_loop3A_521[0] : f32 from vector<1xf32>
        %parallel_loop3A_523 = vector.broadcast %parallel_loop3A_522 : f32 to vector<16xf32>
        %parallel_loop3A_524 = vector.extract_strided_slice %parallel_loop3A_520 {offsets = [1], sizes = [1], strides = [1]} : vector<16xf32> to vector<1xf32>
        %parallel_loop3A_525 = vector.extract %parallel_loop3A_524[0] : f32 from vector<1xf32>
        %parallel_loop3A_526 = vector.broadcast %parallel_loop3A_525 : f32 to vector<16xf32>
        %parallel_loop3A_527 = arith.index_cast %parallel_loop3A_517 : i32 to index
        %parallel_loop3A_528 = arith.constant 0 : index
        %parallel_loop3A_529 = tpu.vector_load %arg15[%parallel_loop3A_527, %parallel_loop3A_528] {strides = array<i32>} : memref<64x128xf32, #tpu.memory_space<vmem>>, vector<16xf32>,
        %parallel_loop3A_530 = arith.mulf %parallel_loop3A_529, %parallel_loop3A_523 : vector<16xf32>
        %parallel_loop3A_531 = arith.index_cast %parallel_loop3A_517 : i32 to index
        %parallel_loop3A_532 = arith.constant 0 : index
        %parallel_loop3A_533 = tpu.vector_load %arg21[%parallel_loop3A_531, %parallel_loop3A_532] {strides = array<i32>} : memref<64x144xf32, #tpu.memory_space<vmem>>, vector<16xf32>,
        tpu.vector_store %arg21[%parallel_loop3A_531, %parallel_loop3A_532], %parallel_loop3A_530 {strides = array<i32>} : memref<64x144xf32, #tpu.memory_space<vmem>>, vector<16xf32>,
        %parallel_loop3A_534 = arith.index_cast %parallel_loop3A_517 : i32 to index
        %parallel_loop3A_535 = arith.constant 16 : index
        %parallel_loop3A_536 = tpu.vector_load %arg15[%parallel_loop3A_534, %parallel_loop3A_535] {strides = array<i32>} : memref<64x128xf32, #tpu.memory_space<vmem>>, vector<16xf32>,
        %parallel_loop3A_537 = arith.mulf %parallel_loop3A_536, %parallel_loop3A_523 : vector<16xf32>
        %parallel_loop3A_538 = arith.index_cast %parallel_loop3A_517 : i32 to index
        %parallel_loop3A_539 = arith.constant 16 : index
        %parallel_loop3A_540 = tpu.vector_load %arg21[%parallel_loop3A_538, %parallel_loop3A_539] {strides = array<i32>} : memref<64x144xf32, #tpu.memory_space<vmem>>, vector<16xf32>,
        tpu.vector_store %arg21[%parallel_loop3A_538, %parallel_loop3A_539], %parallel_loop3A_537 {strides = array<i32>} : memref<64x144xf32, #tpu.memory_space<vmem>>, vector<16xf32>,
        %parallel_loop3A_541 = arith.index_cast %parallel_loop3A_517 : i32 to index
        %parallel_loop3A_542 = arith.constant 32 : index
        %parallel_loop3A_543 = tpu.vector_load %arg15[%parallel_loop3A_541, %parallel_loop3A_542] {strides = array<i32>} : memref<64x128xf32, #tpu.memory_space<vmem>>, vector<16xf32>,
        %parallel_loop3A_544 = arith.mulf %parallel_loop3A_543, %parallel_loop3A_523 : vector<16xf32>
        %parallel_loop3A_545 = arith.index_cast %parallel_loop3A_517 : i32 to index
        %parallel_loop3A_546 = arith.constant 32 : index
        %parallel_loop3A_547 = tpu.vector_load %arg21[%parallel_loop3A_545, %parallel_loop3A_546] {strides = array<i32>} : memref<64x144xf32, #tpu.memory_space<vmem>>, vector<16xf32>,
        tpu.vector_store %arg21[%parallel_loop3A_545, %parallel_loop3A_546], %parallel_loop3A_544 {strides = array<i32>} : memref<64x144xf32, #tpu.memory_space<vmem>>, vector<16xf32>,
        %parallel_loop3A_548 = arith.index_cast %parallel_loop3A_517 : i32 to index
        %parallel_loop3A_549 = arith.constant 48 : index
        %parallel_loop3A_550 = tpu.vector_load %arg15[%parallel_loop3A_548, %parallel_loop3A_549] {strides = array<i32>} : memref<64x128xf32, #tpu.memory_space<vmem>>, vector<16xf32>,
        %parallel_loop3A_551 = arith.mulf %parallel_loop3A_550, %parallel_loop3A_523 : vector<16xf32>
        %parallel_loop3A_552 = arith.index_cast %parallel_loop3A_517 : i32 to index
        %parallel_loop3A_553 = arith.constant 48 : index
        %parallel_loop3A_554 = tpu.vector_load %arg21[%parallel_loop3A_552, %parallel_loop3A_553] {strides = array<i32>} : memref<64x144xf32, #tpu.memory_space<vmem>>, vector<16xf32>,
        tpu.vector_store %arg21[%parallel_loop3A_552, %parallel_loop3A_553], %parallel_loop3A_551 {strides = array<i32>} : memref<64x144xf32, #tpu.memory_space<vmem>>, vector<16xf32>,
        %parallel_loop3A_555 = arith.index_cast %parallel_loop3A_517 : i32 to index
        %parallel_loop3A_556 = arith.constant 64 : index
        %parallel_loop3A_557 = tpu.vector_load %arg15[%parallel_loop3A_555, %parallel_loop3A_556] {strides = array<i32>} : memref<64x128xf32, #tpu.memory_space<vmem>>, vector<16xf32>,
        %parallel_loop3A_558 = arith.mulf %parallel_loop3A_557, %parallel_loop3A_526 : vector<16xf32>
        %parallel_loop3A_559 = arith.index_cast %parallel_loop3A_517 : i32 to index
        %parallel_loop3A_560 = arith.constant 64 : index
        %parallel_loop3A_561 = tpu.vector_load %arg21[%parallel_loop3A_559, %parallel_loop3A_560] {strides = array<i32>} : memref<64x144xf32, #tpu.memory_space<vmem>>, vector<16xf32>,
        tpu.vector_store %arg21[%parallel_loop3A_559, %parallel_loop3A_560], %parallel_loop3A_558 {strides = array<i32>} : memref<64x144xf32, #tpu.memory_space<vmem>>, vector<16xf32>,
        %parallel_loop3A_562 = arith.index_cast %parallel_loop3A_517 : i32 to index
        %parallel_loop3A_563 = arith.constant 80 : index
        %parallel_loop3A_564 = tpu.vector_load %arg15[%parallel_loop3A_562, %parallel_loop3A_563] {strides = array<i32>} : memref<64x128xf32, #tpu.memory_space<vmem>>, vector<16xf32>,
        %parallel_loop3A_565 = arith.mulf %parallel_loop3A_564, %parallel_loop3A_526 : vector<16xf32>
        %parallel_loop3A_566 = arith.index_cast %parallel_loop3A_517 : i32 to index
        %parallel_loop3A_567 = arith.constant 80 : index
        %parallel_loop3A_568 = tpu.vector_load %arg21[%parallel_loop3A_566, %parallel_loop3A_567] {strides = array<i32>} : memref<64x144xf32, #tpu.memory_space<vmem>>, vector<16xf32>,
        tpu.vector_store %arg21[%parallel_loop3A_566, %parallel_loop3A_567], %parallel_loop3A_565 {strides = array<i32>} : memref<64x144xf32, #tpu.memory_space<vmem>>, vector<16xf32>,
        %parallel_loop3A_569 = arith.index_cast %parallel_loop3A_517 : i32 to index
        %parallel_loop3A_570 = arith.constant 96 : index
        %parallel_loop3A_571 = tpu.vector_load %arg15[%parallel_loop3A_569, %parallel_loop3A_570] {strides = array<i32>} : memref<64x128xf32, #tpu.memory_space<vmem>>, vector<16xf32>,
        %parallel_loop3A_572 = arith.mulf %parallel_loop3A_571, %parallel_loop3A_526 : vector<16xf32>
        %parallel_loop3A_573 = arith.index_cast %parallel_loop3A_517 : i32 to index
        %parallel_loop3A_574 = arith.constant 96 : index
        %parallel_loop3A_575 = tpu.vector_load %arg21[%parallel_loop3A_573, %parallel_loop3A_574] {strides = array<i32>} : memref<64x144xf32, #tpu.memory_space<vmem>>, vector<16xf32>,
        tpu.vector_store %arg21[%parallel_loop3A_573, %parallel_loop3A_574], %parallel_loop3A_572 {strides = array<i32>} : memref<64x144xf32, #tpu.memory_space<vmem>>, vector<16xf32>,
        %parallel_loop3A_576 = arith.index_cast %parallel_loop3A_517 : i32 to index
        %parallel_loop3A_577 = arith.constant 112 : index
        %parallel_loop3A_578 = tpu.vector_load %arg15[%parallel_loop3A_576, %parallel_loop3A_577] {strides = array<i32>} : memref<64x128xf32, #tpu.memory_space<vmem>>, vector<16xf32>,
        %parallel_loop3A_579 = arith.mulf %parallel_loop3A_578, %parallel_loop3A_526 : vector<16xf32>
        %parallel_loop3A_580 = arith.index_cast %parallel_loop3A_517 : i32 to index
        %parallel_loop3A_581 = arith.constant 112 : index
        %parallel_loop3A_582 = tpu.vector_load %arg21[%parallel_loop3A_580, %parallel_loop3A_581] {strides = array<i32>} : memref<64x144xf32, #tpu.memory_space<vmem>>, vector<16xf32>,
        tpu.vector_store %arg21[%parallel_loop3A_580, %parallel_loop3A_581], %parallel_loop3A_579 {strides = array<i32>} : memref<64x144xf32, #tpu.memory_space<vmem>>, vector<16xf32>,
      } {sc.loop_unroll_factor = 8 : i64, sc.parallel_access}
      "tpu.region"() ({
        %run_scoped3A = tpu.sem_alloc : memref<!tpu.dma_semaphore, #tpu.memory_space<semaphore_mem>>
        %dma_start3A_517 = arith.constant 0 : i32
        %dma_start3A_518 = arith.constant 0 : i32
        %dma_start3A_519 = tpu.memref_slice %arg22[%dma_start3A_517, %dma_start3A_518] : memref<10240x144xf32, #tpu.memory_space<vmem_shared>> -> memref<10240x144xf32, #tpu.memory_space<vmem_shared>>
        tpu.enqueue_indirect_dma source(%arg21 : memref<64x144xf32, #tpu.memory_space<vmem>>) target(%dma_start3A_519 : memref<10240x144xf32, #tpu.memory_space<vmem_shared>>) offsets(%arg13 : memref<64xi32, #tpu.memory_space<vmem>>) semaphore(%run_scoped3A : memref<!tpu.dma_semaphore, #tpu.memory_space<semaphore_mem>>) {add = true}
        %dma_wait3A_520 = arith.constant 0 : i32
        %dma_wait3A_521 = arith.constant 0 : i32
        %dma_wait3A_522 = tpu.memref_slice %arg22[%dma_wait3A_520, %dma_wait3A_521] : memref<10240x144xf32, #tpu.memory_space<vmem_shared>> -> memref<10240x144xf32, #tpu.memory_space<vmem_shared>>
        tpu.wait_indirect_dma semaphore(%run_scoped3A : memref<!tpu.dma_semaphore, #tpu.memory_space<semaphore_mem>>) src(%arg21 : memref<64x144xf32, #tpu.memory_space<vmem>>) dst(%dma_wait3A_522 : memref<10240x144xf32, #tpu.memory_space<vmem_shared>>)
        tpu.yield
      }) : () -> ()
      %add3A_320 = arith.constant 2 : i32
      %add3A_321 = arith.addi %add3A_169, %add3A_320 : i32
      %mul3A_322 = arith.constant 0 : i32
      %mul3A_323 = arith.muli %arg0, %mul3A_322 : i32
      %mul3A_324 = arith.constant 314 : i32
      %mul3A_325 = arith.muli %arg1, %mul3A_324 : i32
      %add3A_326 = arith.addi %mul3A_325, %add3A_321 : i32
      %mul3A_327 = arith.constant 64 : i32
      %mul3A_328 = arith.muli %add3A_326, %mul3A_327 : i32
      %add3A_329 = arith.addi %mul3A_323, %mul3A_328 : i32
      %dma_start3A_330 = tpu.memref_slice %arg2[%arg0, %add3A_329] : memref<2x321664xi32, #tpu.memory_space<hbm>> -> memref<1x64xi32, #tpu.memory_space<hbm>>
      %dma_start3A_331 = tpu.memref_squeeze %dma_start3A_330 : memref<1x64xi32, #tpu.memory_space<hbm>> -> memref<64xi32, #tpu.memory_space<hbm>>
      %dma_start3A_332 = tpu.memref_slice %arg2[%arg0, %add3A_329] : memref<2x321664xi32, #tpu.memory_space<hbm>> -> memref<1x64xi32, #tpu.memory_space<hbm>>
      %dma_start3A_333 = tpu.memref_squeeze %dma_start3A_332 : memref<1x64xi32, #tpu.memory_space<hbm>> -> memref<64xi32, #tpu.memory_space<hbm>>
      tpu.enqueue_dma source(%dma_start3A_333 : memref<64xi32, #tpu.memory_space<hbm>>) target(%arg9 : memref<64xi32, #tpu.memory_space<vmem>>) target_semaphore(%arg23 : memref<!tpu.dma_semaphore, #tpu.memory_space<semaphore_mem>>)
      %dma_start3A_334 = tpu.memref_slice %arg3[%arg0, %add3A_329] : memref<2x321664xi32, #tpu.memory_space<hbm>> -> memref<1x64xi32, #tpu.memory_space<hbm>>
      %dma_start3A_335 = tpu.memref_squeeze %dma_start3A_334 : memref<1x64xi32, #tpu.memory_space<hbm>> -> memref<64xi32, #tpu.memory_space<hbm>>
      %dma_start3A_336 = tpu.memref_slice %arg3[%arg0, %add3A_329] : memref<2x321664xi32, #tpu.memory_space<hbm>> -> memref<1x64xi32, #tpu.memory_space<hbm>>
      %dma_start3A_337 = tpu.memref_squeeze %dma_start3A_336 : memref<1x64xi32, #tpu.memory_space<hbm>> -> memref<64xi32, #tpu.memory_space<hbm>>
      tpu.enqueue_dma source(%dma_start3A_337 : memref<64xi32, #tpu.memory_space<hbm>>) target(%arg11 : memref<64xi32, #tpu.memory_space<vmem>>) target_semaphore(%arg23 : memref<!tpu.dma_semaphore, #tpu.memory_space<semaphore_mem>>)
      %dma_start3A_338 = tpu.memref_slice %arg4[%add3A_329] : memref<321664xi32, #tpu.memory_space<hbm>> -> memref<64xi32, #tpu.memory_space<hbm>>
      %dma_start3A_339 = tpu.memref_slice %arg4[%add3A_329] : memref<321664xi32, #tpu.memory_space<hbm>> -> memref<64xi32, #tpu.memory_space<hbm>>
      tpu.enqueue_dma source(%dma_start3A_339 : memref<64xi32, #tpu.memory_space<hbm>>) target(%arg13 : memref<64xi32, #tpu.memory_space<vmem>>) target_semaphore(%arg23 : memref<!tpu.dma_semaphore, #tpu.memory_space<semaphore_mem>>)
      %add3A_340 = arith.constant 1 : i32
      %add3A_341 = arith.addi %mul3A_167, %add3A_340 : i32
      %dma_wait3A_342 = arith.constant 0 : i32
      %dma_wait3A_343 = arith.constant 0 : i32
      %dma_wait3A_344 = tpu.memref_slice %arg5[%dma_wait3A_342, %dma_wait3A_343] : memref<20000x128xf32, #tpu.memory_space<hbm>> -> memref<64x128xf32, #tpu.memory_space<hbm>>
      %dma_wait3A_345 = arith.constant 0 : i32
      %dma_wait3A_346 = arith.constant 0 : i32
      %dma_wait3A_347 = tpu.memref_slice %arg5[%dma_wait3A_345, %dma_wait3A_346] : memref<20000x128xf32, #tpu.memory_space<hbm>> -> memref<64x128xf32, #tpu.memory_space<hbm>>
      tpu.wait_dma2 semaphore(%arg26 : memref<!tpu.dma_semaphore, #tpu.memory_space<semaphore_mem>>) src(%dma_wait3A_347 : memref<64x128xf32, #tpu.memory_space<hbm>>) dst(%arg16 : memref<64x128xf32, #tpu.memory_space<vmem>>)
      %dma_wait3A_348 = arith.constant 0 : i32
      %dma_wait3A_349 = arith.constant 0 : i32
      %dma_wait3A_350 = tpu.memref_slice %arg6[%dma_wait3A_348, %dma_wait3A_349] : memref<20016x16xf32, #tpu.memory_space<hbm>> -> memref<64x16xf32, #tpu.memory_space<hbm>>
      %dma_wait3A_351 = arith.constant 0 : i32
      %dma_wait3A_352 = arith.constant 0 : i32
      %dma_wait3A_353 = tpu.memref_slice %arg6[%dma_wait3A_351, %dma_wait3A_352] : memref<20016x16xf32, #tpu.memory_space<hbm>> -> memref<64x16xf32, #tpu.memory_space<hbm>>
      tpu.wait_dma2 semaphore(%arg26 : memref<!tpu.dma_semaphore, #tpu.memory_space<semaphore_mem>>) src(%dma_wait3A_353 : memref<64x16xf32, #tpu.memory_space<hbm>>) dst(%arg18 : memref<64x16xf32, #tpu.memory_space<vmem>>)
      %dma_wait3A_354 = arith.constant 0 : i32
      %dma_wait3A_355 = arith.constant 0 : i32
      %dma_wait3A_356 = tpu.memref_slice %arg7[%dma_wait3A_354, %dma_wait3A_355] : memref<20016x16xf32, #tpu.memory_space<hbm>> -> memref<64x16xf32, #tpu.memory_space<hbm>>
      %dma_wait3A_357 = arith.constant 0 : i32
      %dma_wait3A_358 = arith.constant 0 : i32
      %dma_wait3A_359 = tpu.memref_slice %arg7[%dma_wait3A_357, %dma_wait3A_358] : memref<20016x16xf32, #tpu.memory_space<hbm>> -> memref<64x16xf32, #tpu.memory_space<hbm>>
      tpu.wait_dma2 semaphore(%arg26 : memref<!tpu.dma_semaphore, #tpu.memory_space<semaphore_mem>>) src(%dma_wait3A_359 : memref<64x16xf32, #tpu.memory_space<hbm>>) dst(%arg20 : memref<64x16xf32, #tpu.memory_space<vmem>>)
      %dma_wait3A_360 = arith.constant 0 : i32
      %dma_wait3A_361 = tpu.memref_slice %arg2[%arg0, %dma_wait3A_360] : memref<2x321664xi32, #tpu.memory_space<hbm>> -> memref<1x64xi32, #tpu.memory_space<hbm>>
      %dma_wait3A_362 = tpu.memref_squeeze %dma_wait3A_361 : memref<1x64xi32, #tpu.memory_space<hbm>> -> memref<64xi32, #tpu.memory_space<hbm>>
      %dma_wait3A_363 = arith.constant 0 : i32
      %dma_wait3A_364 = tpu.memref_slice %arg2[%arg0, %dma_wait3A_363] : memref<2x321664xi32, #tpu.memory_space<hbm>> -> memref<1x64xi32, #tpu.memory_space<hbm>>
      %dma_wait3A_365 = tpu.memref_squeeze %dma_wait3A_364 : memref<1x64xi32, #tpu.memory_space<hbm>> -> memref<64xi32, #tpu.memory_space<hbm>>
      tpu.wait_dma2 semaphore(%arg23 : memref<!tpu.dma_semaphore, #tpu.memory_space<semaphore_mem>>) src(%dma_wait3A_365 : memref<64xi32, #tpu.memory_space<hbm>>) dst(%arg9 : memref<64xi32, #tpu.memory_space<vmem>>)
      %dma_wait3A_366 = arith.constant 0 : i32
      %dma_wait3A_367 = tpu.memref_slice %arg3[%arg0, %dma_wait3A_366] : memref<2x321664xi32, #tpu.memory_space<hbm>> -> memref<1x64xi32, #tpu.memory_space<hbm>>
      %dma_wait3A_368 = tpu.memref_squeeze %dma_wait3A_367 : memref<1x64xi32, #tpu.memory_space<hbm>> -> memref<64xi32, #tpu.memory_space<hbm>>
      %dma_wait3A_369 = arith.constant 0 : i32
      %dma_wait3A_370 = tpu.memref_slice %arg3[%arg0, %dma_wait3A_369] : memref<2x321664xi32, #tpu.memory_space<hbm>> -> memref<1x64xi32, #tpu.memory_space<hbm>>
      %dma_wait3A_371 = tpu.memref_squeeze %dma_wait3A_370 : memref<1x64xi32, #tpu.memory_space<hbm>> -> memref<64xi32, #tpu.memory_space<hbm>>
      tpu.wait_dma2 semaphore(%arg23 : memref<!tpu.dma_semaphore, #tpu.memory_space<semaphore_mem>>) src(%dma_wait3A_371 : memref<64xi32, #tpu.memory_space<hbm>>) dst(%arg11 : memref<64xi32, #tpu.memory_space<vmem>>)
      %dma_wait3A_372 = arith.constant 0 : i32
      %dma_wait3A_373 = tpu.memref_slice %arg4[%dma_wait3A_372] : memref<321664xi32, #tpu.memory_space<hbm>> -> memref<64xi32, #tpu.memory_space<hbm>>
      %dma_wait3A_374 = arith.constant 0 : i32
      %dma_wait3A_375 = tpu.memref_slice %arg4[%dma_wait3A_374] : memref<321664xi32, #tpu.memory_space<hbm>> -> memref<64xi32, #tpu.memory_space<hbm>>
      tpu.wait_dma2 semaphore(%arg23 : memref<!tpu.dma_semaphore, #tpu.memory_space<semaphore_mem>>) src(%dma_wait3A_375 : memref<64xi32, #tpu.memory_space<hbm>>) dst(%arg13 : memref<64xi32, #tpu.memory_space<vmem>>)
      %dma_start3A_376 = arith.constant 0 : i32
      %dma_start3A_377 = arith.constant 0 : i32
      %dma_start3A_378 = tpu.memref_slice %arg5[%dma_start3A_376, %dma_start3A_377] : memref<20000x128xf32, #tpu.memory_space<hbm>> -> memref<20000x128xf32, #tpu.memory_space<hbm>>
      tpu.enqueue_indirect_dma source(%dma_start3A_378 : memref<20000x128xf32, #tpu.memory_space<hbm>>) target(%arg15 : memref<64x128xf32, #tpu.memory_space<vmem>>) offsets(%arg9 : memref<64xi32, #tpu.memory_space<vmem>>) semaphore(%arg25 : memref<!tpu.dma_semaphore, #tpu.memory_space<semaphore_mem>>)
      %dma_start3A_379 = arith.constant 0 : i32
      %dma_start3A_380 = arith.constant 0 : i32
      %dma_start3A_381 = tpu.memref_slice %arg6[%dma_start3A_379, %dma_start3A_380] : memref<20016x16xf32, #tpu.memory_space<hbm>> -> memref<20016x16xf32, #tpu.memory_space<hbm>>
      tpu.enqueue_indirect_dma source(%dma_start3A_381 : memref<20016x16xf32, #tpu.memory_space<hbm>>) target(%arg17 : memref<64x16xf32, #tpu.memory_space<vmem>>) offsets(%arg9 : memref<64xi32, #tpu.memory_space<vmem>>) semaphore(%arg25 : memref<!tpu.dma_semaphore, #tpu.memory_space<semaphore_mem>>)
      %dma_start3A_382 = arith.constant 0 : i32
      %dma_start3A_383 = arith.constant 0 : i32
      %dma_start3A_384 = tpu.memref_slice %arg7[%dma_start3A_382, %dma_start3A_383] : memref<20016x16xf32, #tpu.memory_space<hbm>> -> memref<20016x16xf32, #tpu.memory_space<hbm>>
      tpu.enqueue_indirect_dma source(%dma_start3A_384 : memref<20016x16xf32, #tpu.memory_space<hbm>>) target(%arg19 : memref<64x16xf32, #tpu.memory_space<vmem>>) offsets(%arg11 : memref<64xi32, #tpu.memory_space<vmem>>) semaphore(%arg25 : memref<!tpu.dma_semaphore, #tpu.memory_space<semaphore_mem>>)
      %add3A_385 = arith.constant 0 : i32
      %add3A_386 = vector.broadcast %add3A_385 : i32 to vector<16xi32>
      %add3A_387 = arith.addi %iota3A, %add3A_386 : vector<16xi32>
      %broadcast_in_dim3A_388 = arith.constant 0 : i32
      %broadcast_in_dim3A_389 = vector.broadcast %broadcast_in_dim3A_388 : i32 to vector<16xi32>
      %gather3A_390 = tpu.vector_load_idx %arg18[%add3A_387, %broadcast_in_dim3A_389] : memref<64x16xf32, #tpu.memory_space<vmem>>[vector<16xi32>, vector<16xi32>], vector<16xf32>,
      %gather3A_391 = tpu.vector_load_idx %arg20[%add3A_387, %broadcast_in_dim3A_389] : memref<64x16xf32, #tpu.memory_space<vmem>>[vector<16xi32>, vector<16xi32>], vector<16xf32>,
      %add3A_392 = arith.addf %gather3A_390, %gather3A_391 : vector<16xf32>
      %mul3A_393 = arith.constant 2.000000e-01 : f32
      %mul3A_394 = vector.broadcast %mul3A_393 : f32 to vector<16xf32>
      %mul3A_395 = arith.mulf %mul3A_394, %add3A_392 : vector<16xf32>
      %max3A_396 = arith.maximumf %add3A_392, %mul3A_395 : vector<16xf32>
      %exp3A_397 = math.exp %max3A_396 : vector<16xf32>
      %broadcast_in_dim3A_398 = arith.constant 128 : i32
      %broadcast_in_dim3A_399 = vector.broadcast %broadcast_in_dim3A_398 : i32 to vector<16xi32>
      tpu.vector_store_idx %arg21[%add3A_387, %broadcast_in_dim3A_399], %exp3A_397 : memref<64x144xf32, #tpu.memory_space<vmem>>[vector<16xi32>, vector<16xi32>], vector<16xf32>,
      %broadcast_in_dim3A_400 = arith.constant 1 : i32
      %broadcast_in_dim3A_401 = vector.broadcast %broadcast_in_dim3A_400 : i32 to vector<16xi32>
      %gather3A_402 = tpu.vector_load_idx %arg18[%add3A_387, %broadcast_in_dim3A_401] : memref<64x16xf32, #tpu.memory_space<vmem>>[vector<16xi32>, vector<16xi32>], vector<16xf32>,
      %gather3A_403 = tpu.vector_load_idx %arg20[%add3A_387, %broadcast_in_dim3A_401] : memref<64x16xf32, #tpu.memory_space<vmem>>[vector<16xi32>, vector<16xi32>], vector<16xf32>,
      %add3A_404 = arith.addf %gather3A_402, %gather3A_403 : vector<16xf32>
      %mul3A_405 = arith.constant 2.000000e-01 : f32
      %mul3A_406 = vector.broadcast %mul3A_405 : f32 to vector<16xf32>
      %mul3A_407 = arith.mulf %mul3A_406, %add3A_404 : vector<16xf32>
      %max3A_408 = arith.maximumf %add3A_404, %mul3A_407 : vector<16xf32>
      %exp3A_409 = math.exp %max3A_408 : vector<16xf32>
      %broadcast_in_dim3A_410 = arith.constant 129 : i32
      %broadcast_in_dim3A_411 = vector.broadcast %broadcast_in_dim3A_410 : i32 to vector<16xi32>
      tpu.vector_store_idx %arg21[%add3A_387, %broadcast_in_dim3A_411], %exp3A_409 : memref<64x144xf32, #tpu.memory_space<vmem>>[vector<16xi32>, vector<16xi32>], vector<16xf32>,
      %add3A_412 = arith.constant 16 : i32
      %add3A_413 = vector.broadcast %add3A_412 : i32 to vector<16xi32>
      %add3A_414 = arith.addi %iota3A, %add3A_413 : vector<16xi32>
      %broadcast_in_dim3A_415 = arith.constant 0 : i32
      %broadcast_in_dim3A_416 = vector.broadcast %broadcast_in_dim3A_415 : i32 to vector<16xi32>
      %gather3A_417 = tpu.vector_load_idx %arg18[%add3A_414, %broadcast_in_dim3A_416] : memref<64x16xf32, #tpu.memory_space<vmem>>[vector<16xi32>, vector<16xi32>], vector<16xf32>,
      %gather3A_418 = tpu.vector_load_idx %arg20[%add3A_414, %broadcast_in_dim3A_416] : memref<64x16xf32, #tpu.memory_space<vmem>>[vector<16xi32>, vector<16xi32>], vector<16xf32>,
      %add3A_419 = arith.addf %gather3A_417, %gather3A_418 : vector<16xf32>
      %mul3A_420 = arith.constant 2.000000e-01 : f32
      %mul3A_421 = vector.broadcast %mul3A_420 : f32 to vector<16xf32>
      %mul3A_422 = arith.mulf %mul3A_421, %add3A_419 : vector<16xf32>
      %max3A_423 = arith.maximumf %add3A_419, %mul3A_422 : vector<16xf32>
      %exp3A_424 = math.exp %max3A_423 : vector<16xf32>
      %broadcast_in_dim3A_425 = arith.constant 128 : i32
      %broadcast_in_dim3A_426 = vector.broadcast %broadcast_in_dim3A_425 : i32 to vector<16xi32>
      tpu.vector_store_idx %arg21[%add3A_414, %broadcast_in_dim3A_426], %exp3A_424 : memref<64x144xf32, #tpu.memory_space<vmem>>[vector<16xi32>, vector<16xi32>], vector<16xf32>,
      %broadcast_in_dim3A_427 = arith.constant 1 : i32
      %broadcast_in_dim3A_428 = vector.broadcast %broadcast_in_dim3A_427 : i32 to vector<16xi32>
      %gather3A_429 = tpu.vector_load_idx %arg18[%add3A_414, %broadcast_in_dim3A_428] : memref<64x16xf32, #tpu.memory_space<vmem>>[vector<16xi32>, vector<16xi32>], vector<16xf32>,
      %gather3A_430 = tpu.vector_load_idx %arg20[%add3A_414, %broadcast_in_dim3A_428] : memref<64x16xf32, #tpu.memory_space<vmem>>[vector<16xi32>, vector<16xi32>], vector<16xf32>,
      %add3A_431 = arith.addf %gather3A_429, %gather3A_430 : vector<16xf32>
      %mul3A_432 = arith.constant 2.000000e-01 : f32
      %mul3A_433 = vector.broadcast %mul3A_432 : f32 to vector<16xf32>
      %mul3A_434 = arith.mulf %mul3A_433, %add3A_431 : vector<16xf32>
      %max3A_435 = arith.maximumf %add3A_431, %mul3A_434 : vector<16xf32>
      %exp3A_436 = math.exp %max3A_435 : vector<16xf32>
      %broadcast_in_dim3A_437 = arith.constant 129 : i32
      %broadcast_in_dim3A_438 = vector.broadcast %broadcast_in_dim3A_437 : i32 to vector<16xi32>
      tpu.vector_store_idx %arg21[%add3A_414, %broadcast_in_dim3A_438], %exp3A_436 : memref<64x144xf32, #tpu.memory_space<vmem>>[vector<16xi32>, vector<16xi32>], vector<16xf32>,
      %add3A_439 = arith.constant 32 : i32
      %add3A_440 = vector.broadcast %add3A_439 : i32 to vector<16xi32>
      %add3A_441 = arith.addi %iota3A, %add3A_440 : vector<16xi32>
      %broadcast_in_dim3A_442 = arith.constant 0 : i32
      %broadcast_in_dim3A_443 = vector.broadcast %broadcast_in_dim3A_442 : i32 to vector<16xi32>
      %gather3A_444 = tpu.vector_load_idx %arg18[%add3A_441, %broadcast_in_dim3A_443] : memref<64x16xf32, #tpu.memory_space<vmem>>[vector<16xi32>, vector<16xi32>], vector<16xf32>,
      %gather3A_445 = tpu.vector_load_idx %arg20[%add3A_441, %broadcast_in_dim3A_443] : memref<64x16xf32, #tpu.memory_space<vmem>>[vector<16xi32>, vector<16xi32>], vector<16xf32>,
      %add3A_446 = arith.addf %gather3A_444, %gather3A_445 : vector<16xf32>
      %mul3A_447 = arith.constant 2.000000e-01 : f32
      %mul3A_448 = vector.broadcast %mul3A_447 : f32 to vector<16xf32>
      %mul3A_449 = arith.mulf %mul3A_448, %add3A_446 : vector<16xf32>
      %max3A_450 = arith.maximumf %add3A_446, %mul3A_449 : vector<16xf32>
      %exp3A_451 = math.exp %max3A_450 : vector<16xf32>
      %broadcast_in_dim3A_452 = arith.constant 128 : i32
      %broadcast_in_dim3A_453 = vector.broadcast %broadcast_in_dim3A_452 : i32 to vector<16xi32>
      tpu.vector_store_idx %arg21[%add3A_441, %broadcast_in_dim3A_453], %exp3A_451 : memref<64x144xf32, #tpu.memory_space<vmem>>[vector<16xi32>, vector<16xi32>], vector<16xf32>,
      %broadcast_in_dim3A_454 = arith.constant 1 : i32
      %broadcast_in_dim3A_455 = vector.broadcast %broadcast_in_dim3A_454 : i32 to vector<16xi32>
      %gather3A_456 = tpu.vector_load_idx %arg18[%add3A_441, %broadcast_in_dim3A_455] : memref<64x16xf32, #tpu.memory_space<vmem>>[vector<16xi32>, vector<16xi32>], vector<16xf32>,
      %gather3A_457 = tpu.vector_load_idx %arg20[%add3A_441, %broadcast_in_dim3A_455] : memref<64x16xf32, #tpu.memory_space<vmem>>[vector<16xi32>, vector<16xi32>], vector<16xf32>,
      %add3A_458 = arith.addf %gather3A_456, %gather3A_457 : vector<16xf32>
      %mul3A_459 = arith.constant 2.000000e-01 : f32
      %mul3A_460 = vector.broadcast %mul3A_459 : f32 to vector<16xf32>
      %mul3A_461 = arith.mulf %mul3A_460, %add3A_458 : vector<16xf32>
      %max3A_462 = arith.maximumf %add3A_458, %mul3A_461 : vector<16xf32>
      %exp3A_463 = math.exp %max3A_462 : vector<16xf32>
      %broadcast_in_dim3A_464 = arith.constant 129 : i32
      %broadcast_in_dim3A_465 = vector.broadcast %broadcast_in_dim3A_464 : i32 to vector<16xi32>
      tpu.vector_store_idx %arg21[%add3A_441, %broadcast_in_dim3A_465], %exp3A_463 : memref<64x144xf32, #tpu.memory_space<vmem>>[vector<16xi32>, vector<16xi32>], vector<16xf32>,
      %add3A_466 = arith.constant 48 : i32
      %add3A_467 = vector.broadcast %add3A_466 : i32 to vector<16xi32>
      %add3A_468 = arith.addi %iota3A, %add3A_467 : vector<16xi32>
      %broadcast_in_dim3A_469 = arith.constant 0 : i32
      %broadcast_in_dim3A_470 = vector.broadcast %broadcast_in_dim3A_469 : i32 to vector<16xi32>
      %gather3A_471 = tpu.vector_load_idx %arg18[%add3A_468, %broadcast_in_dim3A_470] : memref<64x16xf32, #tpu.memory_space<vmem>>[vector<16xi32>, vector<16xi32>], vector<16xf32>,
      %gather3A_472 = tpu.vector_load_idx %arg20[%add3A_468, %broadcast_in_dim3A_470] : memref<64x16xf32, #tpu.memory_space<vmem>>[vector<16xi32>, vector<16xi32>], vector<16xf32>,
      %add3A_473 = arith.addf %gather3A_471, %gather3A_472 : vector<16xf32>
      %mul3A_474 = arith.constant 2.000000e-01 : f32
      %mul3A_475 = vector.broadcast %mul3A_474 : f32 to vector<16xf32>
      %mul3A_476 = arith.mulf %mul3A_475, %add3A_473 : vector<16xf32>
      %max3A_477 = arith.maximumf %add3A_473, %mul3A_476 : vector<16xf32>
      %exp3A_478 = math.exp %max3A_477 : vector<16xf32>
      %broadcast_in_dim3A_479 = arith.constant 128 : i32
      %broadcast_in_dim3A_480 = vector.broadcast %broadcast_in_dim3A_479 : i32 to vector<16xi32>
      tpu.vector_store_idx %arg21[%add3A_468, %broadcast_in_dim3A_480], %exp3A_478 : memref<64x144xf32, #tpu.memory_space<vmem>>[vector<16xi32>, vector<16xi32>], vector<16xf32>,
      %broadcast_in_dim3A_481 = arith.constant 1 : i32
      %broadcast_in_dim3A_482 = vector.broadcast %broadcast_in_dim3A_481 : i32 to vector<16xi32>
      %gather3A_483 = tpu.vector_load_idx %arg18[%add3A_468, %broadcast_in_dim3A_482] : memref<64x16xf32, #tpu.memory_space<vmem>>[vector<16xi32>, vector<16xi32>], vector<16xf32>,
      %gather3A_484 = tpu.vector_load_idx %arg20[%add3A_468, %broadcast_in_dim3A_482] : memref<64x16xf32, #tpu.memory_space<vmem>>[vector<16xi32>, vector<16xi32>], vector<16xf32>,
      %add3A_485 = arith.addf %gather3A_483, %gather3A_484 : vector<16xf32>
      %mul3A_486 = arith.constant 2.000000e-01 : f32
      %mul3A_487 = vector.broadcast %mul3A_486 : f32 to vector<16xf32>
      %mul3A_488 = arith.mulf %mul3A_487, %add3A_485 : vector<16xf32>
      %max3A_489 = arith.maximumf %add3A_485, %mul3A_488 : vector<16xf32>
      %exp3A_490 = math.exp %max3A_489 : vector<16xf32>
      %broadcast_in_dim3A_491 = arith.constant 129 : i32
      %broadcast_in_dim3A_492 = vector.broadcast %broadcast_in_dim3A_491 : i32 to vector<16xi32>
      tpu.vector_store_idx %arg21[%add3A_468, %broadcast_in_dim3A_492], %exp3A_490 : memref<64x144xf32, #tpu.memory_space<vmem>>[vector<16xi32>, vector<16xi32>], vector<16xf32>,
      %parallel_loop3A_493 = arith.constant 0 : i32
      %parallel_loop3A_494 = arith.constant 64 : i32
      %parallel_loop3A_495 = arith.constant 1 : i32
      scf.for %parallel_loop3A_517 = %parallel_loop3A_493 to %parallel_loop3A_494 step %parallel_loop3A_495  : i32 {
        %parallel_loop3A_518 = arith.index_cast %parallel_loop3A_517 : i32 to index
        %parallel_loop3A_519 = arith.constant 128 : index
        %parallel_loop3A_520 = tpu.vector_load %arg21[%parallel_loop3A_518, %parallel_loop3A_519] {strides = array<i32>} : memref<64x144xf32, #tpu.memory_space<vmem>>, vector<16xf32>,
        %parallel_loop3A_521 = vector.extract_strided_slice %parallel_loop3A_520 {offsets = [0], sizes = [1], strides = [1]} : vector<16xf32> to vector<1xf32>
        %parallel_loop3A_522 = vector.extract %parallel_loop3A_521[0] : f32 from vector<1xf32>
        %parallel_loop3A_523 = vector.broadcast %parallel_loop3A_522 : f32 to vector<16xf32>
        %parallel_loop3A_524 = vector.extract_strided_slice %parallel_loop3A_520 {offsets = [1], sizes = [1], strides = [1]} : vector<16xf32> to vector<1xf32>
        %parallel_loop3A_525 = vector.extract %parallel_loop3A_524[0] : f32 from vector<1xf32>
        %parallel_loop3A_526 = vector.broadcast %parallel_loop3A_525 : f32 to vector<16xf32>
        %parallel_loop3A_527 = arith.index_cast %parallel_loop3A_517 : i32 to index
        %parallel_loop3A_528 = arith.constant 0 : index
        %parallel_loop3A_529 = tpu.vector_load %arg16[%parallel_loop3A_527, %parallel_loop3A_528] {strides = array<i32>} : memref<64x128xf32, #tpu.memory_space<vmem>>, vector<16xf32>,
        %parallel_loop3A_530 = arith.mulf %parallel_loop3A_529, %parallel_loop3A_523 : vector<16xf32>
        %parallel_loop3A_531 = arith.index_cast %parallel_loop3A_517 : i32 to index
        %parallel_loop3A_532 = arith.constant 0 : index
        %parallel_loop3A_533 = tpu.vector_load %arg21[%parallel_loop3A_531, %parallel_loop3A_532] {strides = array<i32>} : memref<64x144xf32, #tpu.memory_space<vmem>>, vector<16xf32>,
        tpu.vector_store %arg21[%parallel_loop3A_531, %parallel_loop3A_532], %parallel_loop3A_530 {strides = array<i32>} : memref<64x144xf32, #tpu.memory_space<vmem>>, vector<16xf32>,
        %parallel_loop3A_534 = arith.index_cast %parallel_loop3A_517 : i32 to index
        %parallel_loop3A_535 = arith.constant 16 : index
        %parallel_loop3A_536 = tpu.vector_load %arg16[%parallel_loop3A_534, %parallel_loop3A_535] {strides = array<i32>} : memref<64x128xf32, #tpu.memory_space<vmem>>, vector<16xf32>,
        %parallel_loop3A_537 = arith.mulf %parallel_loop3A_536, %parallel_loop3A_523 : vector<16xf32>
        %parallel_loop3A_538 = arith.index_cast %parallel_loop3A_517 : i32 to index
        %parallel_loop3A_539 = arith.constant 16 : index
        %parallel_loop3A_540 = tpu.vector_load %arg21[%parallel_loop3A_538, %parallel_loop3A_539] {strides = array<i32>} : memref<64x144xf32, #tpu.memory_space<vmem>>, vector<16xf32>,
        tpu.vector_store %arg21[%parallel_loop3A_538, %parallel_loop3A_539], %parallel_loop3A_537 {strides = array<i32>} : memref<64x144xf32, #tpu.memory_space<vmem>>, vector<16xf32>,
        %parallel_loop3A_541 = arith.index_cast %parallel_loop3A_517 : i32 to index
        %parallel_loop3A_542 = arith.constant 32 : index
        %parallel_loop3A_543 = tpu.vector_load %arg16[%parallel_loop3A_541, %parallel_loop3A_542] {strides = array<i32>} : memref<64x128xf32, #tpu.memory_space<vmem>>, vector<16xf32>,
        %parallel_loop3A_544 = arith.mulf %parallel_loop3A_543, %parallel_loop3A_523 : vector<16xf32>
        %parallel_loop3A_545 = arith.index_cast %parallel_loop3A_517 : i32 to index
        %parallel_loop3A_546 = arith.constant 32 : index
        %parallel_loop3A_547 = tpu.vector_load %arg21[%parallel_loop3A_545, %parallel_loop3A_546] {strides = array<i32>} : memref<64x144xf32, #tpu.memory_space<vmem>>, vector<16xf32>,
        tpu.vector_store %arg21[%parallel_loop3A_545, %parallel_loop3A_546], %parallel_loop3A_544 {strides = array<i32>} : memref<64x144xf32, #tpu.memory_space<vmem>>, vector<16xf32>,
        %parallel_loop3A_548 = arith.index_cast %parallel_loop3A_517 : i32 to index
        %parallel_loop3A_549 = arith.constant 48 : index
        %parallel_loop3A_550 = tpu.vector_load %arg16[%parallel_loop3A_548, %parallel_loop3A_549] {strides = array<i32>} : memref<64x128xf32, #tpu.memory_space<vmem>>, vector<16xf32>,
        %parallel_loop3A_551 = arith.mulf %parallel_loop3A_550, %parallel_loop3A_523 : vector<16xf32>
        %parallel_loop3A_552 = arith.index_cast %parallel_loop3A_517 : i32 to index
        %parallel_loop3A_553 = arith.constant 48 : index
        %parallel_loop3A_554 = tpu.vector_load %arg21[%parallel_loop3A_552, %parallel_loop3A_553] {strides = array<i32>} : memref<64x144xf32, #tpu.memory_space<vmem>>, vector<16xf32>,
        tpu.vector_store %arg21[%parallel_loop3A_552, %parallel_loop3A_553], %parallel_loop3A_551 {strides = array<i32>} : memref<64x144xf32, #tpu.memory_space<vmem>>, vector<16xf32>,
        %parallel_loop3A_555 = arith.index_cast %parallel_loop3A_517 : i32 to index
        %parallel_loop3A_556 = arith.constant 64 : index
        %parallel_loop3A_557 = tpu.vector_load %arg16[%parallel_loop3A_555, %parallel_loop3A_556] {strides = array<i32>} : memref<64x128xf32, #tpu.memory_space<vmem>>, vector<16xf32>,
        %parallel_loop3A_558 = arith.mulf %parallel_loop3A_557, %parallel_loop3A_526 : vector<16xf32>
        %parallel_loop3A_559 = arith.index_cast %parallel_loop3A_517 : i32 to index
        %parallel_loop3A_560 = arith.constant 64 : index
        %parallel_loop3A_561 = tpu.vector_load %arg21[%parallel_loop3A_559, %parallel_loop3A_560] {strides = array<i32>} : memref<64x144xf32, #tpu.memory_space<vmem>>, vector<16xf32>,
        tpu.vector_store %arg21[%parallel_loop3A_559, %parallel_loop3A_560], %parallel_loop3A_558 {strides = array<i32>} : memref<64x144xf32, #tpu.memory_space<vmem>>, vector<16xf32>,
        %parallel_loop3A_562 = arith.index_cast %parallel_loop3A_517 : i32 to index
        %parallel_loop3A_563 = arith.constant 80 : index
        %parallel_loop3A_564 = tpu.vector_load %arg16[%parallel_loop3A_562, %parallel_loop3A_563] {strides = array<i32>} : memref<64x128xf32, #tpu.memory_space<vmem>>, vector<16xf32>,
        %parallel_loop3A_565 = arith.mulf %parallel_loop3A_564, %parallel_loop3A_526 : vector<16xf32>
        %parallel_loop3A_566 = arith.index_cast %parallel_loop3A_517 : i32 to index
        %parallel_loop3A_567 = arith.constant 80 : index
        %parallel_loop3A_568 = tpu.vector_load %arg21[%parallel_loop3A_566, %parallel_loop3A_567] {strides = array<i32>} : memref<64x144xf32, #tpu.memory_space<vmem>>, vector<16xf32>,
        tpu.vector_store %arg21[%parallel_loop3A_566, %parallel_loop3A_567], %parallel_loop3A_565 {strides = array<i32>} : memref<64x144xf32, #tpu.memory_space<vmem>>, vector<16xf32>,
        %parallel_loop3A_569 = arith.index_cast %parallel_loop3A_517 : i32 to index
        %parallel_loop3A_570 = arith.constant 96 : index
        %parallel_loop3A_571 = tpu.vector_load %arg16[%parallel_loop3A_569, %parallel_loop3A_570] {strides = array<i32>} : memref<64x128xf32, #tpu.memory_space<vmem>>, vector<16xf32>,
        %parallel_loop3A_572 = arith.mulf %parallel_loop3A_571, %parallel_loop3A_526 : vector<16xf32>
        %parallel_loop3A_573 = arith.index_cast %parallel_loop3A_517 : i32 to index
        %parallel_loop3A_574 = arith.constant 96 : index
        %parallel_loop3A_575 = tpu.vector_load %arg21[%parallel_loop3A_573, %parallel_loop3A_574] {strides = array<i32>} : memref<64x144xf32, #tpu.memory_space<vmem>>, vector<16xf32>,
        tpu.vector_store %arg21[%parallel_loop3A_573, %parallel_loop3A_574], %parallel_loop3A_572 {strides = array<i32>} : memref<64x144xf32, #tpu.memory_space<vmem>>, vector<16xf32>,
        %parallel_loop3A_576 = arith.index_cast %parallel_loop3A_517 : i32 to index
        %parallel_loop3A_577 = arith.constant 112 : index
        %parallel_loop3A_578 = tpu.vector_load %arg16[%parallel_loop3A_576, %parallel_loop3A_577] {strides = array<i32>} : memref<64x128xf32, #tpu.memory_space<vmem>>, vector<16xf32>,
        %parallel_loop3A_579 = arith.mulf %parallel_loop3A_578, %parallel_loop3A_526 : vector<16xf32>
        %parallel_loop3A_580 = arith.index_cast %parallel_loop3A_517 : i32 to index
        %parallel_loop3A_581 = arith.constant 112 : index
        %parallel_loop3A_582 = tpu.vector_load %arg21[%parallel_loop3A_580, %parallel_loop3A_581] {strides = array<i32>} : memref<64x144xf32, #tpu.memory_space<vmem>>, vector<16xf32>,
        tpu.vector_store %arg21[%parallel_loop3A_580, %parallel_loop3A_581], %parallel_loop3A_579 {strides = array<i32>} : memref<64x144xf32, #tpu.memory_space<vmem>>, vector<16xf32>,
      } {sc.loop_unroll_factor = 8 : i64, sc.parallel_access}
      "tpu.region"() ({
        %run_scoped3A = tpu.sem_alloc : memref<!tpu.dma_semaphore, #tpu.memory_space<semaphore_mem>>
        %dma_start3A_517 = arith.constant 0 : i32
        %dma_start3A_518 = arith.constant 0 : i32
        %dma_start3A_519 = tpu.memref_slice %arg22[%dma_start3A_517, %dma_start3A_518] : memref<10240x144xf32, #tpu.memory_space<vmem_shared>> -> memref<10240x144xf32, #tpu.memory_space<vmem_shared>>
        tpu.enqueue_indirect_dma source(%arg21 : memref<64x144xf32, #tpu.memory_space<vmem>>) target(%dma_start3A_519 : memref<10240x144xf32, #tpu.memory_space<vmem_shared>>) offsets(%arg14 : memref<64xi32, #tpu.memory_space<vmem>>) semaphore(%run_scoped3A : memref<!tpu.dma_semaphore, #tpu.memory_space<semaphore_mem>>) {add = true}
        %dma_wait3A_520 = arith.constant 0 : i32
        %dma_wait3A_521 = arith.constant 0 : i32
        %dma_wait3A_522 = tpu.memref_slice %arg22[%dma_wait3A_520, %dma_wait3A_521] : memref<10240x144xf32, #tpu.memory_space<vmem_shared>> -> memref<10240x144xf32, #tpu.memory_space<vmem_shared>>
        tpu.wait_indirect_dma semaphore(%run_scoped3A : memref<!tpu.dma_semaphore, #tpu.memory_space<semaphore_mem>>) src(%arg21 : memref<64x144xf32, #tpu.memory_space<vmem>>) dst(%dma_wait3A_522 : memref<10240x144xf32, #tpu.memory_space<vmem_shared>>)
        tpu.yield
      }) : () -> ()
      %add3A_496 = arith.constant 2 : i32
      %add3A_497 = arith.addi %add3A_341, %add3A_496 : i32
      %mul3A_498 = arith.constant 0 : i32
      %mul3A_499 = arith.muli %arg0, %mul3A_498 : i32
      %mul3A_500 = arith.constant 314 : i32
      %mul3A_501 = arith.muli %arg1, %mul3A_500 : i32
      %add3A_502 = arith.addi %mul3A_501, %add3A_497 : i32
      %mul3A_503 = arith.constant 64 : i32
      %mul3A_504 = arith.muli %add3A_502, %mul3A_503 : i32
      %add3A_505 = arith.addi %mul3A_499, %mul3A_504 : i32
      %dma_start3A_506 = tpu.memref_slice %arg2[%arg0, %add3A_505] : memref<2x321664xi32, #tpu.memory_space<hbm>> -> memref<1x64xi32, #tpu.memory_space<hbm>>
      %dma_start3A_507 = tpu.memref_squeeze %dma_start3A_506 : memref<1x64xi32, #tpu.memory_space<hbm>> -> memref<64xi32, #tpu.memory_space<hbm>>
      %dma_start3A_508 = tpu.memref_slice %arg2[%arg0, %add3A_505] : memref<2x321664xi32, #tpu.memory_space<hbm>> -> memref<1x64xi32, #tpu.memory_space<hbm>>
      %dma_start3A_509 = tpu.memref_squeeze %dma_start3A_508 : memref<1x64xi32, #tpu.memory_space<hbm>> -> memref<64xi32, #tpu.memory_space<hbm>>
      tpu.enqueue_dma source(%dma_start3A_509 : memref<64xi32, #tpu.memory_space<hbm>>) target(%arg10 : memref<64xi32, #tpu.memory_space<vmem>>) target_semaphore(%arg24 : memref<!tpu.dma_semaphore, #tpu.memory_space<semaphore_mem>>)
      %dma_start3A_510 = tpu.memref_slice %arg3[%arg0, %add3A_505] : memref<2x321664xi32, #tpu.memory_space<hbm>> -> memref<1x64xi32, #tpu.memory_space<hbm>>
      %dma_start3A_511 = tpu.memref_squeeze %dma_start3A_510 : memref<1x64xi32, #tpu.memory_space<hbm>> -> memref<64xi32, #tpu.memory_space<hbm>>
      %dma_start3A_512 = tpu.memref_slice %arg3[%arg0, %add3A_505] : memref<2x321664xi32, #tpu.memory_space<hbm>> -> memref<1x64xi32, #tpu.memory_space<hbm>>
      %dma_start3A_513 = tpu.memref_squeeze %dma_start3A_512 : memref<1x64xi32, #tpu.memory_space<hbm>> -> memref<64xi32, #tpu.memory_space<hbm>>
      tpu.enqueue_dma source(%dma_start3A_513 : memref<64xi32, #tpu.memory_space<hbm>>) target(%arg12 : memref<64xi32, #tpu.memory_space<vmem>>) target_semaphore(%arg24 : memref<!tpu.dma_semaphore, #tpu.memory_space<semaphore_mem>>)
      %dma_start3A_514 = tpu.memref_slice %arg4[%add3A_505] : memref<321664xi32, #tpu.memory_space<hbm>> -> memref<64xi32, #tpu.memory_space<hbm>>
      %dma_start3A_515 = tpu.memref_slice %arg4[%add3A_505] : memref<321664xi32, #tpu.memory_space<hbm>> -> memref<64xi32, #tpu.memory_space<hbm>>
      tpu.enqueue_dma source(%dma_start3A_515 : memref<64xi32, #tpu.memory_space<hbm>>) target(%arg14 : memref<64xi32, #tpu.memory_space<vmem>>) target_semaphore(%arg24 : memref<!tpu.dma_semaphore, #tpu.memory_space<semaphore_mem>>)
      %while3A_516 = arith.constant 0 : i32
      scf.yield %while3A_516 : i32
    }
    %while3A_123 = arith.constant 1 : i32
    %while3A_124 = scf.for %while3A_164 = %while3A_120 to %while3A_116 step %while3A_123 iter_args(%while3A_165 = %while3A_122) -> (i32)  : i32 {
      %mul3A_166 = arith.constant 2 : i32
      %mul3A_167 = arith.muli %while3A_164, %mul3A_166 : i32
      %add3A_168 = arith.constant 0 : i32
      %add3A_169 = arith.addi %mul3A_167, %add3A_168 : i32
      %dma_wait3A_170 = arith.constant 0 : i32
      %dma_wait3A_171 = arith.constant 0 : i32
      %dma_wait3A_172 = tpu.memref_slice %arg5[%dma_wait3A_170, %dma_wait3A_171] : memref<20000x128xf32, #tpu.memory_space<hbm>> -> memref<64x128xf32, #tpu.memory_space<hbm>>
      %dma_wait3A_173 = arith.constant 0 : i32
      %dma_wait3A_174 = arith.constant 0 : i32
      %dma_wait3A_175 = tpu.memref_slice %arg5[%dma_wait3A_173, %dma_wait3A_174] : memref<20000x128xf32, #tpu.memory_space<hbm>> -> memref<64x128xf32, #tpu.memory_space<hbm>>
      tpu.wait_dma2 semaphore(%arg25 : memref<!tpu.dma_semaphore, #tpu.memory_space<semaphore_mem>>) src(%dma_wait3A_175 : memref<64x128xf32, #tpu.memory_space<hbm>>) dst(%arg15 : memref<64x128xf32, #tpu.memory_space<vmem>>)
      %dma_wait3A_176 = arith.constant 0 : i32
      %dma_wait3A_177 = arith.constant 0 : i32
      %dma_wait3A_178 = tpu.memref_slice %arg6[%dma_wait3A_176, %dma_wait3A_177] : memref<20016x16xf32, #tpu.memory_space<hbm>> -> memref<64x16xf32, #tpu.memory_space<hbm>>
      %dma_wait3A_179 = arith.constant 0 : i32
      %dma_wait3A_180 = arith.constant 0 : i32
      %dma_wait3A_181 = tpu.memref_slice %arg6[%dma_wait3A_179, %dma_wait3A_180] : memref<20016x16xf32, #tpu.memory_space<hbm>> -> memref<64x16xf32, #tpu.memory_space<hbm>>
      tpu.wait_dma2 semaphore(%arg25 : memref<!tpu.dma_semaphore, #tpu.memory_space<semaphore_mem>>) src(%dma_wait3A_181 : memref<64x16xf32, #tpu.memory_space<hbm>>) dst(%arg17 : memref<64x16xf32, #tpu.memory_space<vmem>>)
      %dma_wait3A_182 = arith.constant 0 : i32
      %dma_wait3A_183 = arith.constant 0 : i32
      %dma_wait3A_184 = tpu.memref_slice %arg7[%dma_wait3A_182, %dma_wait3A_183] : memref<20016x16xf32, #tpu.memory_space<hbm>> -> memref<64x16xf32, #tpu.memory_space<hbm>>
      %dma_wait3A_185 = arith.constant 0 : i32
      %dma_wait3A_186 = arith.constant 0 : i32
      %dma_wait3A_187 = tpu.memref_slice %arg7[%dma_wait3A_185, %dma_wait3A_186] : memref<20016x16xf32, #tpu.memory_space<hbm>> -> memref<64x16xf32, #tpu.memory_space<hbm>>
      tpu.wait_dma2 semaphore(%arg25 : memref<!tpu.dma_semaphore, #tpu.memory_space<semaphore_mem>>) src(%dma_wait3A_187 : memref<64x16xf32, #tpu.memory_space<hbm>>) dst(%arg19 : memref<64x16xf32, #tpu.memory_space<vmem>>)
      %dma_wait3A_188 = arith.constant 0 : i32
      %dma_wait3A_189 = tpu.memref_slice %arg2[%arg0, %dma_wait3A_188] : memref<2x321664xi32, #tpu.memory_space<hbm>> -> memref<1x64xi32, #tpu.memory_space<hbm>>
      %dma_wait3A_190 = tpu.memref_squeeze %dma_wait3A_189 : memref<1x64xi32, #tpu.memory_space<hbm>> -> memref<64xi32, #tpu.memory_space<hbm>>
      %dma_wait3A_191 = arith.constant 0 : i32
      %dma_wait3A_192 = tpu.memref_slice %arg2[%arg0, %dma_wait3A_191] : memref<2x321664xi32, #tpu.memory_space<hbm>> -> memref<1x64xi32, #tpu.memory_space<hbm>>
      %dma_wait3A_193 = tpu.memref_squeeze %dma_wait3A_192 : memref<1x64xi32, #tpu.memory_space<hbm>> -> memref<64xi32, #tpu.memory_space<hbm>>
      tpu.wait_dma2 semaphore(%arg24 : memref<!tpu.dma_semaphore, #tpu.memory_space<semaphore_mem>>) src(%dma_wait3A_193 : memref<64xi32, #tpu.memory_space<hbm>>) dst(%arg10 : memref<64xi32, #tpu.memory_space<vmem>>)
      %dma_wait3A_194 = arith.constant 0 : i32
      %dma_wait3A_195 = tpu.memref_slice %arg3[%arg0, %dma_wait3A_194] : memref<2x321664xi32, #tpu.memory_space<hbm>> -> memref<1x64xi32, #tpu.memory_space<hbm>>
      %dma_wait3A_196 = tpu.memref_squeeze %dma_wait3A_195 : memref<1x64xi32, #tpu.memory_space<hbm>> -> memref<64xi32, #tpu.memory_space<hbm>>
      %dma_wait3A_197 = arith.constant 0 : i32
      %dma_wait3A_198 = tpu.memref_slice %arg3[%arg0, %dma_wait3A_197] : memref<2x321664xi32, #tpu.memory_space<hbm>> -> memref<1x64xi32, #tpu.memory_space<hbm>>
      %dma_wait3A_199 = tpu.memref_squeeze %dma_wait3A_198 : memref<1x64xi32, #tpu.memory_space<hbm>> -> memref<64xi32, #tpu.memory_space<hbm>>
      tpu.wait_dma2 semaphore(%arg24 : memref<!tpu.dma_semaphore, #tpu.memory_space<semaphore_mem>>) src(%dma_wait3A_199 : memref<64xi32, #tpu.memory_space<hbm>>) dst(%arg12 : memref<64xi32, #tpu.memory_space<vmem>>)
      %dma_wait3A_200 = arith.constant 0 : i32
      %dma_wait3A_201 = tpu.memref_slice %arg4[%dma_wait3A_200] : memref<321664xi32, #tpu.memory_space<hbm>> -> memref<64xi32, #tpu.memory_space<hbm>>
      %dma_wait3A_202 = arith.constant 0 : i32
      %dma_wait3A_203 = tpu.memref_slice %arg4[%dma_wait3A_202] : memref<321664xi32, #tpu.memory_space<hbm>> -> memref<64xi32, #tpu.memory_space<hbm>>
      tpu.wait_dma2 semaphore(%arg24 : memref<!tpu.dma_semaphore, #tpu.memory_space<semaphore_mem>>) src(%dma_wait3A_203 : memref<64xi32, #tpu.memory_space<hbm>>) dst(%arg14 : memref<64xi32, #tpu.memory_space<vmem>>)
      %dma_start3A_204 = arith.constant 0 : i32
      %dma_start3A_205 = arith.constant 0 : i32
      %dma_start3A_206 = tpu.memref_slice %arg5[%dma_start3A_204, %dma_start3A_205] : memref<20000x128xf32, #tpu.memory_space<hbm>> -> memref<20000x128xf32, #tpu.memory_space<hbm>>
      tpu.enqueue_indirect_dma source(%dma_start3A_206 : memref<20000x128xf32, #tpu.memory_space<hbm>>) target(%arg16 : memref<64x128xf32, #tpu.memory_space<vmem>>) offsets(%arg10 : memref<64xi32, #tpu.memory_space<vmem>>) semaphore(%arg26 : memref<!tpu.dma_semaphore, #tpu.memory_space<semaphore_mem>>)
      %dma_start3A_207 = arith.constant 0 : i32
      %dma_start3A_208 = arith.constant 0 : i32
      %dma_start3A_209 = tpu.memref_slice %arg6[%dma_start3A_207, %dma_start3A_208] : memref<20016x16xf32, #tpu.memory_space<hbm>> -> memref<20016x16xf32, #tpu.memory_space<hbm>>
      tpu.enqueue_indirect_dma source(%dma_start3A_209 : memref<20016x16xf32, #tpu.memory_space<hbm>>) target(%arg18 : memref<64x16xf32, #tpu.memory_space<vmem>>) offsets(%arg10 : memref<64xi32, #tpu.memory_space<vmem>>) semaphore(%arg26 : memref<!tpu.dma_semaphore, #tpu.memory_space<semaphore_mem>>)
      %dma_start3A_210 = arith.constant 0 : i32
      %dma_start3A_211 = arith.constant 0 : i32
      %dma_start3A_212 = tpu.memref_slice %arg7[%dma_start3A_210, %dma_start3A_211] : memref<20016x16xf32, #tpu.memory_space<hbm>> -> memref<20016x16xf32, #tpu.memory_space<hbm>>
      tpu.enqueue_indirect_dma source(%dma_start3A_212 : memref<20016x16xf32, #tpu.memory_space<hbm>>) target(%arg20 : memref<64x16xf32, #tpu.memory_space<vmem>>) offsets(%arg12 : memref<64xi32, #tpu.memory_space<vmem>>) semaphore(%arg26 : memref<!tpu.dma_semaphore, #tpu.memory_space<semaphore_mem>>)
      %add3A_213 = arith.constant 0 : i32
      %add3A_214 = vector.broadcast %add3A_213 : i32 to vector<16xi32>
      %add3A_215 = arith.addi %iota3A, %add3A_214 : vector<16xi32>
      %broadcast_in_dim3A_216 = arith.constant 0 : i32
      %broadcast_in_dim3A_217 = vector.broadcast %broadcast_in_dim3A_216 : i32 to vector<16xi32>
      %gather3A = tpu.vector_load_idx %arg17[%add3A_215, %broadcast_in_dim3A_217] : memref<64x16xf32, #tpu.memory_space<vmem>>[vector<16xi32>, vector<16xi32>], vector<16xf32>,
      %gather3A_218 = tpu.vector_load_idx %arg19[%add3A_215, %broadcast_in_dim3A_217] : memref<64x16xf32, #tpu.memory_space<vmem>>[vector<16xi32>, vector<16xi32>], vector<16xf32>,
      %add3A_219 = arith.addf %gather3A, %gather3A_218 : vector<16xf32>
      %mul3A_220 = arith.constant 2.000000e-01 : f32
      %mul3A_221 = vector.broadcast %mul3A_220 : f32 to vector<16xf32>
      %mul3A_222 = arith.mulf %mul3A_221, %add3A_219 : vector<16xf32>
      %max3A = arith.maximumf %add3A_219, %mul3A_222 : vector<16xf32>
      %exp3A = math.exp %max3A : vector<16xf32>
      %broadcast_in_dim3A_223 = arith.constant 128 : i32
      %broadcast_in_dim3A_224 = vector.broadcast %broadcast_in_dim3A_223 : i32 to vector<16xi32>
      tpu.vector_store_idx %arg21[%add3A_215, %broadcast_in_dim3A_224], %exp3A : memref<64x144xf32, #tpu.memory_space<vmem>>[vector<16xi32>, vector<16xi32>], vector<16xf32>,
      %broadcast_in_dim3A_225 = arith.constant 1 : i32
      %broadcast_in_dim3A_226 = vector.broadcast %broadcast_in_dim3A_225 : i32 to vector<16xi32>
      %gather3A_227 = tpu.vector_load_idx %arg17[%add3A_215, %broadcast_in_dim3A_226] : memref<64x16xf32, #tpu.memory_space<vmem>>[vector<16xi32>, vector<16xi32>], vector<16xf32>,
      %gather3A_228 = tpu.vector_load_idx %arg19[%add3A_215, %broadcast_in_dim3A_226] : memref<64x16xf32, #tpu.memory_space<vmem>>[vector<16xi32>, vector<16xi32>], vector<16xf32>,
      %add3A_229 = arith.addf %gather3A_227, %gather3A_228 : vector<16xf32>
      %mul3A_230 = arith.constant 2.000000e-01 : f32
      %mul3A_231 = vector.broadcast %mul3A_230 : f32 to vector<16xf32>
      %mul3A_232 = arith.mulf %mul3A_231, %add3A_229 : vector<16xf32>
      %max3A_233 = arith.maximumf %add3A_229, %mul3A_232 : vector<16xf32>
      %exp3A_234 = math.exp %max3A_233 : vector<16xf32>
      %broadcast_in_dim3A_235 = arith.constant 129 : i32
      %broadcast_in_dim3A_236 = vector.broadcast %broadcast_in_dim3A_235 : i32 to vector<16xi32>
      tpu.vector_store_idx %arg21[%add3A_215, %broadcast_in_dim3A_236], %exp3A_234 : memref<64x144xf32, #tpu.memory_space<vmem>>[vector<16xi32>, vector<16xi32>], vector<16xf32>,
      %add3A_237 = arith.constant 16 : i32
      %add3A_238 = vector.broadcast %add3A_237 : i32 to vector<16xi32>
      %add3A_239 = arith.addi %iota3A, %add3A_238 : vector<16xi32>
      %broadcast_in_dim3A_240 = arith.constant 0 : i32
      %broadcast_in_dim3A_241 = vector.broadcast %broadcast_in_dim3A_240 : i32 to vector<16xi32>
      %gather3A_242 = tpu.vector_load_idx %arg17[%add3A_239, %broadcast_in_dim3A_241] : memref<64x16xf32, #tpu.memory_space<vmem>>[vector<16xi32>, vector<16xi32>], vector<16xf32>,
      %gather3A_243 = tpu.vector_load_idx %arg19[%add3A_239, %broadcast_in_dim3A_241] : memref<64x16xf32, #tpu.memory_space<vmem>>[vector<16xi32>, vector<16xi32>], vector<16xf32>,
      %add3A_244 = arith.addf %gather3A_242, %gather3A_243 : vector<16xf32>
      %mul3A_245 = arith.constant 2.000000e-01 : f32
      %mul3A_246 = vector.broadcast %mul3A_245 : f32 to vector<16xf32>
      %mul3A_247 = arith.mulf %mul3A_246, %add3A_244 : vector<16xf32>
      %max3A_248 = arith.maximumf %add3A_244, %mul3A_247 : vector<16xf32>
      %exp3A_249 = math.exp %max3A_248 : vector<16xf32>
      %broadcast_in_dim3A_250 = arith.constant 128 : i32
      %broadcast_in_dim3A_251 = vector.broadcast %broadcast_in_dim3A_250 : i32 to vector<16xi32>
      tpu.vector_store_idx %arg21[%add3A_239, %broadcast_in_dim3A_251], %exp3A_249 : memref<64x144xf32, #tpu.memory_space<vmem>>[vector<16xi32>, vector<16xi32>], vector<16xf32>,
      %broadcast_in_dim3A_252 = arith.constant 1 : i32
      %broadcast_in_dim3A_253 = vector.broadcast %broadcast_in_dim3A_252 : i32 to vector<16xi32>
      %gather3A_254 = tpu.vector_load_idx %arg17[%add3A_239, %broadcast_in_dim3A_253] : memref<64x16xf32, #tpu.memory_space<vmem>>[vector<16xi32>, vector<16xi32>], vector<16xf32>,
      %gather3A_255 = tpu.vector_load_idx %arg19[%add3A_239, %broadcast_in_dim3A_253] : memref<64x16xf32, #tpu.memory_space<vmem>>[vector<16xi32>, vector<16xi32>], vector<16xf32>,
      %add3A_256 = arith.addf %gather3A_254, %gather3A_255 : vector<16xf32>
      %mul3A_257 = arith.constant 2.000000e-01 : f32
      %mul3A_258 = vector.broadcast %mul3A_257 : f32 to vector<16xf32>
      %mul3A_259 = arith.mulf %mul3A_258, %add3A_256 : vector<16xf32>
      %max3A_260 = arith.maximumf %add3A_256, %mul3A_259 : vector<16xf32>
      %exp3A_261 = math.exp %max3A_260 : vector<16xf32>
      %broadcast_in_dim3A_262 = arith.constant 129 : i32
      %broadcast_in_dim3A_263 = vector.broadcast %broadcast_in_dim3A_262 : i32 to vector<16xi32>
      tpu.vector_store_idx %arg21[%add3A_239, %broadcast_in_dim3A_263], %exp3A_261 : memref<64x144xf32, #tpu.memory_space<vmem>>[vector<16xi32>, vector<16xi32>], vector<16xf32>,
      %add3A_264 = arith.constant 32 : i32
      %add3A_265 = vector.broadcast %add3A_264 : i32 to vector<16xi32>
      %add3A_266 = arith.addi %iota3A, %add3A_265 : vector<16xi32>
      %broadcast_in_dim3A_267 = arith.constant 0 : i32
      %broadcast_in_dim3A_268 = vector.broadcast %broadcast_in_dim3A_267 : i32 to vector<16xi32>
      %gather3A_269 = tpu.vector_load_idx %arg17[%add3A_266, %broadcast_in_dim3A_268] : memref<64x16xf32, #tpu.memory_space<vmem>>[vector<16xi32>, vector<16xi32>], vector<16xf32>,
      %gather3A_270 = tpu.vector_load_idx %arg19[%add3A_266, %broadcast_in_dim3A_268] : memref<64x16xf32, #tpu.memory_space<vmem>>[vector<16xi32>, vector<16xi32>], vector<16xf32>,
      %add3A_271 = arith.addf %gather3A_269, %gather3A_270 : vector<16xf32>
      %mul3A_272 = arith.constant 2.000000e-01 : f32
      %mul3A_273 = vector.broadcast %mul3A_272 : f32 to vector<16xf32>
      %mul3A_274 = arith.mulf %mul3A_273, %add3A_271 : vector<16xf32>
      %max3A_275 = arith.maximumf %add3A_271, %mul3A_274 : vector<16xf32>
      %exp3A_276 = math.exp %max3A_275 : vector<16xf32>
      %broadcast_in_dim3A_277 = arith.constant 128 : i32
      %broadcast_in_dim3A_278 = vector.broadcast %broadcast_in_dim3A_277 : i32 to vector<16xi32>
      tpu.vector_store_idx %arg21[%add3A_266, %broadcast_in_dim3A_278], %exp3A_276 : memref<64x144xf32, #tpu.memory_space<vmem>>[vector<16xi32>, vector<16xi32>], vector<16xf32>,
      %broadcast_in_dim3A_279 = arith.constant 1 : i32
      %broadcast_in_dim3A_280 = vector.broadcast %broadcast_in_dim3A_279 : i32 to vector<16xi32>
      %gather3A_281 = tpu.vector_load_idx %arg17[%add3A_266, %broadcast_in_dim3A_280] : memref<64x16xf32, #tpu.memory_space<vmem>>[vector<16xi32>, vector<16xi32>], vector<16xf32>,
      %gather3A_282 = tpu.vector_load_idx %arg19[%add3A_266, %broadcast_in_dim3A_280] : memref<64x16xf32, #tpu.memory_space<vmem>>[vector<16xi32>, vector<16xi32>], vector<16xf32>,
      %add3A_283 = arith.addf %gather3A_281, %gather3A_282 : vector<16xf32>
      %mul3A_284 = arith.constant 2.000000e-01 : f32
      %mul3A_285 = vector.broadcast %mul3A_284 : f32 to vector<16xf32>
      %mul3A_286 = arith.mulf %mul3A_285, %add3A_283 : vector<16xf32>
      %max3A_287 = arith.maximumf %add3A_283, %mul3A_286 : vector<16xf32>
      %exp3A_288 = math.exp %max3A_287 : vector<16xf32>
      %broadcast_in_dim3A_289 = arith.constant 129 : i32
      %broadcast_in_dim3A_290 = vector.broadcast %broadcast_in_dim3A_289 : i32 to vector<16xi32>
      tpu.vector_store_idx %arg21[%add3A_266, %broadcast_in_dim3A_290], %exp3A_288 : memref<64x144xf32, #tpu.memory_space<vmem>>[vector<16xi32>, vector<16xi32>], vector<16xf32>,
      %add3A_291 = arith.constant 48 : i32
      %add3A_292 = vector.broadcast %add3A_291 : i32 to vector<16xi32>
      %add3A_293 = arith.addi %iota3A, %add3A_292 : vector<16xi32>
      %broadcast_in_dim3A_294 = arith.constant 0 : i32
      %broadcast_in_dim3A_295 = vector.broadcast %broadcast_in_dim3A_294 : i32 to vector<16xi32>
      %gather3A_296 = tpu.vector_load_idx %arg17[%add3A_293, %broadcast_in_dim3A_295] : memref<64x16xf32, #tpu.memory_space<vmem>>[vector<16xi32>, vector<16xi32>], vector<16xf32>,
      %gather3A_297 = tpu.vector_load_idx %arg19[%add3A_293, %broadcast_in_dim3A_295] : memref<64x16xf32, #tpu.memory_space<vmem>>[vector<16xi32>, vector<16xi32>], vector<16xf32>,
      %add3A_298 = arith.addf %gather3A_296, %gather3A_297 : vector<16xf32>
      %mul3A_299 = arith.constant 2.000000e-01 : f32
      %mul3A_300 = vector.broadcast %mul3A_299 : f32 to vector<16xf32>
      %mul3A_301 = arith.mulf %mul3A_300, %add3A_298 : vector<16xf32>
      %max3A_302 = arith.maximumf %add3A_298, %mul3A_301 : vector<16xf32>
      %exp3A_303 = math.exp %max3A_302 : vector<16xf32>
      %broadcast_in_dim3A_304 = arith.constant 128 : i32
      %broadcast_in_dim3A_305 = vector.broadcast %broadcast_in_dim3A_304 : i32 to vector<16xi32>
      tpu.vector_store_idx %arg21[%add3A_293, %broadcast_in_dim3A_305], %exp3A_303 : memref<64x144xf32, #tpu.memory_space<vmem>>[vector<16xi32>, vector<16xi32>], vector<16xf32>,
      %broadcast_in_dim3A_306 = arith.constant 1 : i32
      %broadcast_in_dim3A_307 = vector.broadcast %broadcast_in_dim3A_306 : i32 to vector<16xi32>
      %gather3A_308 = tpu.vector_load_idx %arg17[%add3A_293, %broadcast_in_dim3A_307] : memref<64x16xf32, #tpu.memory_space<vmem>>[vector<16xi32>, vector<16xi32>], vector<16xf32>,
      %gather3A_309 = tpu.vector_load_idx %arg19[%add3A_293, %broadcast_in_dim3A_307] : memref<64x16xf32, #tpu.memory_space<vmem>>[vector<16xi32>, vector<16xi32>], vector<16xf32>,
      %add3A_310 = arith.addf %gather3A_308, %gather3A_309 : vector<16xf32>
      %mul3A_311 = arith.constant 2.000000e-01 : f32
      %mul3A_312 = vector.broadcast %mul3A_311 : f32 to vector<16xf32>
      %mul3A_313 = arith.mulf %mul3A_312, %add3A_310 : vector<16xf32>
      %max3A_314 = arith.maximumf %add3A_310, %mul3A_313 : vector<16xf32>
      %exp3A_315 = math.exp %max3A_314 : vector<16xf32>
      %broadcast_in_dim3A_316 = arith.constant 129 : i32
      %broadcast_in_dim3A_317 = vector.broadcast %broadcast_in_dim3A_316 : i32 to vector<16xi32>
      tpu.vector_store_idx %arg21[%add3A_293, %broadcast_in_dim3A_317], %exp3A_315 : memref<64x144xf32, #tpu.memory_space<vmem>>[vector<16xi32>, vector<16xi32>], vector<16xf32>,
      %parallel_loop3A = arith.constant 0 : i32
      %parallel_loop3A_318 = arith.constant 64 : i32
      %parallel_loop3A_319 = arith.constant 1 : i32
      scf.for %parallel_loop3A_517 = %parallel_loop3A to %parallel_loop3A_318 step %parallel_loop3A_319  : i32 {
        %parallel_loop3A_518 = arith.index_cast %parallel_loop3A_517 : i32 to index
        %parallel_loop3A_519 = arith.constant 128 : index
        %parallel_loop3A_520 = tpu.vector_load %arg21[%parallel_loop3A_518, %parallel_loop3A_519] {strides = array<i32>} : memref<64x144xf32, #tpu.memory_space<vmem>>, vector<16xf32>,
        %parallel_loop3A_521 = vector.extract_strided_slice %parallel_loop3A_520 {offsets = [0], sizes = [1], strides = [1]} : vector<16xf32> to vector<1xf32>
        %parallel_loop3A_522 = vector.extract %parallel_loop3A_521[0] : f32 from vector<1xf32>
        %parallel_loop3A_523 = vector.broadcast %parallel_loop3A_522 : f32 to vector<16xf32>
        %parallel_loop3A_524 = vector.extract_strided_slice %parallel_loop3A_520 {offsets = [1], sizes = [1], strides = [1]} : vector<16xf32> to vector<1xf32>
        %parallel_loop3A_525 = vector.extract %parallel_loop3A_524[0] : f32 from vector<1xf32>
        %parallel_loop3A_526 = vector.broadcast %parallel_loop3A_525 : f32 to vector<16xf32>
        %parallel_loop3A_527 = arith.index_cast %parallel_loop3A_517 : i32 to index
        %parallel_loop3A_528 = arith.constant 0 : index
        %parallel_loop3A_529 = tpu.vector_load %arg15[%parallel_loop3A_527, %parallel_loop3A_528] {strides = array<i32>} : memref<64x128xf32, #tpu.memory_space<vmem>>, vector<16xf32>,
        %parallel_loop3A_530 = arith.mulf %parallel_loop3A_529, %parallel_loop3A_523 : vector<16xf32>
        %parallel_loop3A_531 = arith.index_cast %parallel_loop3A_517 : i32 to index
        %parallel_loop3A_532 = arith.constant 0 : index
        %parallel_loop3A_533 = tpu.vector_load %arg21[%parallel_loop3A_531, %parallel_loop3A_532] {strides = array<i32>} : memref<64x144xf32, #tpu.memory_space<vmem>>, vector<16xf32>,
        tpu.vector_store %arg21[%parallel_loop3A_531, %parallel_loop3A_532], %parallel_loop3A_530 {strides = array<i32>} : memref<64x144xf32, #tpu.memory_space<vmem>>, vector<16xf32>,
        %parallel_loop3A_534 = arith.index_cast %parallel_loop3A_517 : i32 to index
        %parallel_loop3A_535 = arith.constant 16 : index
        %parallel_loop3A_536 = tpu.vector_load %arg15[%parallel_loop3A_534, %parallel_loop3A_535] {strides = array<i32>} : memref<64x128xf32, #tpu.memory_space<vmem>>, vector<16xf32>,
        %parallel_loop3A_537 = arith.mulf %parallel_loop3A_536, %parallel_loop3A_523 : vector<16xf32>
        %parallel_loop3A_538 = arith.index_cast %parallel_loop3A_517 : i32 to index
        %parallel_loop3A_539 = arith.constant 16 : index
        %parallel_loop3A_540 = tpu.vector_load %arg21[%parallel_loop3A_538, %parallel_loop3A_539] {strides = array<i32>} : memref<64x144xf32, #tpu.memory_space<vmem>>, vector<16xf32>,
        tpu.vector_store %arg21[%parallel_loop3A_538, %parallel_loop3A_539], %parallel_loop3A_537 {strides = array<i32>} : memref<64x144xf32, #tpu.memory_space<vmem>>, vector<16xf32>,
        %parallel_loop3A_541 = arith.index_cast %parallel_loop3A_517 : i32 to index
        %parallel_loop3A_542 = arith.constant 32 : index
        %parallel_loop3A_543 = tpu.vector_load %arg15[%parallel_loop3A_541, %parallel_loop3A_542] {strides = array<i32>} : memref<64x128xf32, #tpu.memory_space<vmem>>, vector<16xf32>,
        %parallel_loop3A_544 = arith.mulf %parallel_loop3A_543, %parallel_loop3A_523 : vector<16xf32>
        %parallel_loop3A_545 = arith.index_cast %parallel_loop3A_517 : i32 to index
        %parallel_loop3A_546 = arith.constant 32 : index
        %parallel_loop3A_547 = tpu.vector_load %arg21[%parallel_loop3A_545, %parallel_loop3A_546] {strides = array<i32>} : memref<64x144xf32, #tpu.memory_space<vmem>>, vector<16xf32>,
        tpu.vector_store %arg21[%parallel_loop3A_545, %parallel_loop3A_546], %parallel_loop3A_544 {strides = array<i32>} : memref<64x144xf32, #tpu.memory_space<vmem>>, vector<16xf32>,
        %parallel_loop3A_548 = arith.index_cast %parallel_loop3A_517 : i32 to index
        %parallel_loop3A_549 = arith.constant 48 : index
        %parallel_loop3A_550 = tpu.vector_load %arg15[%parallel_loop3A_548, %parallel_loop3A_549] {strides = array<i32>} : memref<64x128xf32, #tpu.memory_space<vmem>>, vector<16xf32>,
        %parallel_loop3A_551 = arith.mulf %parallel_loop3A_550, %parallel_loop3A_523 : vector<16xf32>
        %parallel_loop3A_552 = arith.index_cast %parallel_loop3A_517 : i32 to index
        %parallel_loop3A_553 = arith.constant 48 : index
        %parallel_loop3A_554 = tpu.vector_load %arg21[%parallel_loop3A_552, %parallel_loop3A_553] {strides = array<i32>} : memref<64x144xf32, #tpu.memory_space<vmem>>, vector<16xf32>,
        tpu.vector_store %arg21[%parallel_loop3A_552, %parallel_loop3A_553], %parallel_loop3A_551 {strides = array<i32>} : memref<64x144xf32, #tpu.memory_space<vmem>>, vector<16xf32>,
        %parallel_loop3A_555 = arith.index_cast %parallel_loop3A_517 : i32 to index
        %parallel_loop3A_556 = arith.constant 64 : index
        %parallel_loop3A_557 = tpu.vector_load %arg15[%parallel_loop3A_555, %parallel_loop3A_556] {strides = array<i32>} : memref<64x128xf32, #tpu.memory_space<vmem>>, vector<16xf32>,
        %parallel_loop3A_558 = arith.mulf %parallel_loop3A_557, %parallel_loop3A_526 : vector<16xf32>
        %parallel_loop3A_559 = arith.index_cast %parallel_loop3A_517 : i32 to index
        %parallel_loop3A_560 = arith.constant 64 : index
        %parallel_loop3A_561 = tpu.vector_load %arg21[%parallel_loop3A_559, %parallel_loop3A_560] {strides = array<i32>} : memref<64x144xf32, #tpu.memory_space<vmem>>, vector<16xf32>,
        tpu.vector_store %arg21[%parallel_loop3A_559, %parallel_loop3A_560], %parallel_loop3A_558 {strides = array<i32>} : memref<64x144xf32, #tpu.memory_space<vmem>>, vector<16xf32>,
        %parallel_loop3A_562 = arith.index_cast %parallel_loop3A_517 : i32 to index
        %parallel_loop3A_563 = arith.constant 80 : index
        %parallel_loop3A_564 = tpu.vector_load %arg15[%parallel_loop3A_562, %parallel_loop3A_563] {strides = array<i32>} : memref<64x128xf32, #tpu.memory_space<vmem>>, vector<16xf32>,
        %parallel_loop3A_565 = arith.mulf %parallel_loop3A_564, %parallel_loop3A_526 : vector<16xf32>
        %parallel_loop3A_566 = arith.index_cast %parallel_loop3A_517 : i32 to index
        %parallel_loop3A_567 = arith.constant 80 : index
        %parallel_loop3A_568 = tpu.vector_load %arg21[%parallel_loop3A_566, %parallel_loop3A_567] {strides = array<i32>} : memref<64x144xf32, #tpu.memory_space<vmem>>, vector<16xf32>,
        tpu.vector_store %arg21[%parallel_loop3A_566, %parallel_loop3A_567], %parallel_loop3A_565 {strides = array<i32>} : memref<64x144xf32, #tpu.memory_space<vmem>>, vector<16xf32>,
        %parallel_loop3A_569 = arith.index_cast %parallel_loop3A_517 : i32 to index
        %parallel_loop3A_570 = arith.constant 96 : index
        %parallel_loop3A_571 = tpu.vector_load %arg15[%parallel_loop3A_569, %parallel_loop3A_570] {strides = array<i32>} : memref<64x128xf32, #tpu.memory_space<vmem>>, vector<16xf32>,
        %parallel_loop3A_572 = arith.mulf %parallel_loop3A_571, %parallel_loop3A_526 : vector<16xf32>
        %parallel_loop3A_573 = arith.index_cast %parallel_loop3A_517 : i32 to index
        %parallel_loop3A_574 = arith.constant 96 : index
        %parallel_loop3A_575 = tpu.vector_load %arg21[%parallel_loop3A_573, %parallel_loop3A_574] {strides = array<i32>} : memref<64x144xf32, #tpu.memory_space<vmem>>, vector<16xf32>,
        tpu.vector_store %arg21[%parallel_loop3A_573, %parallel_loop3A_574], %parallel_loop3A_572 {strides = array<i32>} : memref<64x144xf32, #tpu.memory_space<vmem>>, vector<16xf32>,
        %parallel_loop3A_576 = arith.index_cast %parallel_loop3A_517 : i32 to index
        %parallel_loop3A_577 = arith.constant 112 : index
        %parallel_loop3A_578 = tpu.vector_load %arg15[%parallel_loop3A_576, %parallel_loop3A_577] {strides = array<i32>} : memref<64x128xf32, #tpu.memory_space<vmem>>, vector<16xf32>,
        %parallel_loop3A_579 = arith.mulf %parallel_loop3A_578, %parallel_loop3A_526 : vector<16xf32>
        %parallel_loop3A_580 = arith.index_cast %parallel_loop3A_517 : i32 to index
        %parallel_loop3A_581 = arith.constant 112 : index
        %parallel_loop3A_582 = tpu.vector_load %arg21[%parallel_loop3A_580, %parallel_loop3A_581] {strides = array<i32>} : memref<64x144xf32, #tpu.memory_space<vmem>>, vector<16xf32>,
        tpu.vector_store %arg21[%parallel_loop3A_580, %parallel_loop3A_581], %parallel_loop3A_579 {strides = array<i32>} : memref<64x144xf32, #tpu.memory_space<vmem>>, vector<16xf32>,
      } {sc.loop_unroll_factor = 8 : i64, sc.parallel_access}
      "tpu.region"() ({
        %run_scoped3A = tpu.sem_alloc : memref<!tpu.dma_semaphore, #tpu.memory_space<semaphore_mem>>
        %dma_start3A_517 = arith.constant 0 : i32
        %dma_start3A_518 = arith.constant 0 : i32
        %dma_start3A_519 = tpu.memref_slice %arg22[%dma_start3A_517, %dma_start3A_518] : memref<10240x144xf32, #tpu.memory_space<vmem_shared>> -> memref<10240x144xf32, #tpu.memory_space<vmem_shared>>
        tpu.enqueue_indirect_dma source(%arg21 : memref<64x144xf32, #tpu.memory_space<vmem>>) target(%dma_start3A_519 : memref<10240x144xf32, #tpu.memory_space<vmem_shared>>) offsets(%arg13 : memref<64xi32, #tpu.memory_space<vmem>>) semaphore(%run_scoped3A : memref<!tpu.dma_semaphore, #tpu.memory_space<semaphore_mem>>) {add = true}
        %dma_wait3A_520 = arith.constant 0 : i32
        %dma_wait3A_521 = arith.constant 0 : i32
        %dma_wait3A_522 = tpu.memref_slice %arg22[%dma_wait3A_520, %dma_wait3A_521] : memref<10240x144xf32, #tpu.memory_space<vmem_shared>> -> memref<10240x144xf32, #tpu.memory_space<vmem_shared>>
        tpu.wait_indirect_dma semaphore(%run_scoped3A : memref<!tpu.dma_semaphore, #tpu.memory_space<semaphore_mem>>) src(%arg21 : memref<64x144xf32, #tpu.memory_space<vmem>>) dst(%dma_wait3A_522 : memref<10240x144xf32, #tpu.memory_space<vmem_shared>>)
        tpu.yield
      }) : () -> ()
      %add3A_320 = arith.constant 2 : i32
      %add3A_321 = arith.addi %add3A_169, %add3A_320 : i32
      %mul3A_322 = arith.constant 0 : i32
      %mul3A_323 = arith.muli %arg0, %mul3A_322 : i32
      %mul3A_324 = arith.constant 314 : i32
      %mul3A_325 = arith.muli %arg1, %mul3A_324 : i32
      %add3A_326 = arith.addi %mul3A_325, %add3A_321 : i32
      %mul3A_327 = arith.constant 64 : i32
      %mul3A_328 = arith.muli %add3A_326, %mul3A_327 : i32
      %add3A_329 = arith.addi %mul3A_323, %mul3A_328 : i32
      %dma_start3A_330 = tpu.memref_slice %arg2[%arg0, %add3A_329] : memref<2x321664xi32, #tpu.memory_space<hbm>> -> memref<1x64xi32, #tpu.memory_space<hbm>>
      %dma_start3A_331 = tpu.memref_squeeze %dma_start3A_330 : memref<1x64xi32, #tpu.memory_space<hbm>> -> memref<64xi32, #tpu.memory_space<hbm>>
      %dma_start3A_332 = tpu.memref_slice %arg2[%arg0, %add3A_329] : memref<2x321664xi32, #tpu.memory_space<hbm>> -> memref<1x64xi32, #tpu.memory_space<hbm>>
      %dma_start3A_333 = tpu.memref_squeeze %dma_start3A_332 : memref<1x64xi32, #tpu.memory_space<hbm>> -> memref<64xi32, #tpu.memory_space<hbm>>
      tpu.enqueue_dma source(%dma_start3A_333 : memref<64xi32, #tpu.memory_space<hbm>>) target(%arg9 : memref<64xi32, #tpu.memory_space<vmem>>) target_semaphore(%arg23 : memref<!tpu.dma_semaphore, #tpu.memory_space<semaphore_mem>>)
      %dma_start3A_334 = tpu.memref_slice %arg3[%arg0, %add3A_329] : memref<2x321664xi32, #tpu.memory_space<hbm>> -> memref<1x64xi32, #tpu.memory_space<hbm>>
      %dma_start3A_335 = tpu.memref_squeeze %dma_start3A_334 : memref<1x64xi32, #tpu.memory_space<hbm>> -> memref<64xi32, #tpu.memory_space<hbm>>
      %dma_start3A_336 = tpu.memref_slice %arg3[%arg0, %add3A_329] : memref<2x321664xi32, #tpu.memory_space<hbm>> -> memref<1x64xi32, #tpu.memory_space<hbm>>
      %dma_start3A_337 = tpu.memref_squeeze %dma_start3A_336 : memref<1x64xi32, #tpu.memory_space<hbm>> -> memref<64xi32, #tpu.memory_space<hbm>>
      tpu.enqueue_dma source(%dma_start3A_337 : memref<64xi32, #tpu.memory_space<hbm>>) target(%arg11 : memref<64xi32, #tpu.memory_space<vmem>>) target_semaphore(%arg23 : memref<!tpu.dma_semaphore, #tpu.memory_space<semaphore_mem>>)
      %dma_start3A_338 = tpu.memref_slice %arg4[%add3A_329] : memref<321664xi32, #tpu.memory_space<hbm>> -> memref<64xi32, #tpu.memory_space<hbm>>
      %dma_start3A_339 = tpu.memref_slice %arg4[%add3A_329] : memref<321664xi32, #tpu.memory_space<hbm>> -> memref<64xi32, #tpu.memory_space<hbm>>
      tpu.enqueue_dma source(%dma_start3A_339 : memref<64xi32, #tpu.memory_space<hbm>>) target(%arg13 : memref<64xi32, #tpu.memory_space<vmem>>) target_semaphore(%arg23 : memref<!tpu.dma_semaphore, #tpu.memory_space<semaphore_mem>>)
      %add3A_340 = arith.constant 1 : i32
      %add3A_341 = arith.addi %mul3A_167, %add3A_340 : i32
      %dma_wait3A_342 = arith.constant 0 : i32
      %dma_wait3A_343 = arith.constant 0 : i32
      %dma_wait3A_344 = tpu.memref_slice %arg5[%dma_wait3A_342, %dma_wait3A_343] : memref<20000x128xf32, #tpu.memory_space<hbm>> -> memref<64x128xf32, #tpu.memory_space<hbm>>
      %dma_wait3A_345 = arith.constant 0 : i32
      %dma_wait3A_346 = arith.constant 0 : i32
      %dma_wait3A_347 = tpu.memref_slice %arg5[%dma_wait3A_345, %dma_wait3A_346] : memref<20000x128xf32, #tpu.memory_space<hbm>> -> memref<64x128xf32, #tpu.memory_space<hbm>>
      tpu.wait_dma2 semaphore(%arg26 : memref<!tpu.dma_semaphore, #tpu.memory_space<semaphore_mem>>) src(%dma_wait3A_347 : memref<64x128xf32, #tpu.memory_space<hbm>>) dst(%arg16 : memref<64x128xf32, #tpu.memory_space<vmem>>)
      %dma_wait3A_348 = arith.constant 0 : i32
      %dma_wait3A_349 = arith.constant 0 : i32
      %dma_wait3A_350 = tpu.memref_slice %arg6[%dma_wait3A_348, %dma_wait3A_349] : memref<20016x16xf32, #tpu.memory_space<hbm>> -> memref<64x16xf32, #tpu.memory_space<hbm>>
      %dma_wait3A_351 = arith.constant 0 : i32
      %dma_wait3A_352 = arith.constant 0 : i32
      %dma_wait3A_353 = tpu.memref_slice %arg6[%dma_wait3A_351, %dma_wait3A_352] : memref<20016x16xf32, #tpu.memory_space<hbm>> -> memref<64x16xf32, #tpu.memory_space<hbm>>
      tpu.wait_dma2 semaphore(%arg26 : memref<!tpu.dma_semaphore, #tpu.memory_space<semaphore_mem>>) src(%dma_wait3A_353 : memref<64x16xf32, #tpu.memory_space<hbm>>) dst(%arg18 : memref<64x16xf32, #tpu.memory_space<vmem>>)
      %dma_wait3A_354 = arith.constant 0 : i32
      %dma_wait3A_355 = arith.constant 0 : i32
      %dma_wait3A_356 = tpu.memref_slice %arg7[%dma_wait3A_354, %dma_wait3A_355] : memref<20016x16xf32, #tpu.memory_space<hbm>> -> memref<64x16xf32, #tpu.memory_space<hbm>>
      %dma_wait3A_357 = arith.constant 0 : i32
      %dma_wait3A_358 = arith.constant 0 : i32
      %dma_wait3A_359 = tpu.memref_slice %arg7[%dma_wait3A_357, %dma_wait3A_358] : memref<20016x16xf32, #tpu.memory_space<hbm>> -> memref<64x16xf32, #tpu.memory_space<hbm>>
      tpu.wait_dma2 semaphore(%arg26 : memref<!tpu.dma_semaphore, #tpu.memory_space<semaphore_mem>>) src(%dma_wait3A_359 : memref<64x16xf32, #tpu.memory_space<hbm>>) dst(%arg20 : memref<64x16xf32, #tpu.memory_space<vmem>>)
      %dma_wait3A_360 = arith.constant 0 : i32
      %dma_wait3A_361 = tpu.memref_slice %arg2[%arg0, %dma_wait3A_360] : memref<2x321664xi32, #tpu.memory_space<hbm>> -> memref<1x64xi32, #tpu.memory_space<hbm>>
      %dma_wait3A_362 = tpu.memref_squeeze %dma_wait3A_361 : memref<1x64xi32, #tpu.memory_space<hbm>> -> memref<64xi32, #tpu.memory_space<hbm>>
      %dma_wait3A_363 = arith.constant 0 : i32
      %dma_wait3A_364 = tpu.memref_slice %arg2[%arg0, %dma_wait3A_363] : memref<2x321664xi32, #tpu.memory_space<hbm>> -> memref<1x64xi32, #tpu.memory_space<hbm>>
      %dma_wait3A_365 = tpu.memref_squeeze %dma_wait3A_364 : memref<1x64xi32, #tpu.memory_space<hbm>> -> memref<64xi32, #tpu.memory_space<hbm>>
      tpu.wait_dma2 semaphore(%arg23 : memref<!tpu.dma_semaphore, #tpu.memory_space<semaphore_mem>>) src(%dma_wait3A_365 : memref<64xi32, #tpu.memory_space<hbm>>) dst(%arg9 : memref<64xi32, #tpu.memory_space<vmem>>)
      %dma_wait3A_366 = arith.constant 0 : i32
      %dma_wait3A_367 = tpu.memref_slice %arg3[%arg0, %dma_wait3A_366] : memref<2x321664xi32, #tpu.memory_space<hbm>> -> memref<1x64xi32, #tpu.memory_space<hbm>>
      %dma_wait3A_368 = tpu.memref_squeeze %dma_wait3A_367 : memref<1x64xi32, #tpu.memory_space<hbm>> -> memref<64xi32, #tpu.memory_space<hbm>>
      %dma_wait3A_369 = arith.constant 0 : i32
      %dma_wait3A_370 = tpu.memref_slice %arg3[%arg0, %dma_wait3A_369] : memref<2x321664xi32, #tpu.memory_space<hbm>> -> memref<1x64xi32, #tpu.memory_space<hbm>>
      %dma_wait3A_371 = tpu.memref_squeeze %dma_wait3A_370 : memref<1x64xi32, #tpu.memory_space<hbm>> -> memref<64xi32, #tpu.memory_space<hbm>>
      tpu.wait_dma2 semaphore(%arg23 : memref<!tpu.dma_semaphore, #tpu.memory_space<semaphore_mem>>) src(%dma_wait3A_371 : memref<64xi32, #tpu.memory_space<hbm>>) dst(%arg11 : memref<64xi32, #tpu.memory_space<vmem>>)
      %dma_wait3A_372 = arith.constant 0 : i32
      %dma_wait3A_373 = tpu.memref_slice %arg4[%dma_wait3A_372] : memref<321664xi32, #tpu.memory_space<hbm>> -> memref<64xi32, #tpu.memory_space<hbm>>
      %dma_wait3A_374 = arith.constant 0 : i32
      %dma_wait3A_375 = tpu.memref_slice %arg4[%dma_wait3A_374] : memref<321664xi32, #tpu.memory_space<hbm>> -> memref<64xi32, #tpu.memory_space<hbm>>
      tpu.wait_dma2 semaphore(%arg23 : memref<!tpu.dma_semaphore, #tpu.memory_space<semaphore_mem>>) src(%dma_wait3A_375 : memref<64xi32, #tpu.memory_space<hbm>>) dst(%arg13 : memref<64xi32, #tpu.memory_space<vmem>>)
      %dma_start3A_376 = arith.constant 0 : i32
      %dma_start3A_377 = arith.constant 0 : i32
      %dma_start3A_378 = tpu.memref_slice %arg5[%dma_start3A_376, %dma_start3A_377] : memref<20000x128xf32, #tpu.memory_space<hbm>> -> memref<20000x128xf32, #tpu.memory_space<hbm>>
      tpu.enqueue_indirect_dma source(%dma_start3A_378 : memref<20000x128xf32, #tpu.memory_space<hbm>>) target(%arg15 : memref<64x128xf32, #tpu.memory_space<vmem>>) offsets(%arg9 : memref<64xi32, #tpu.memory_space<vmem>>) semaphore(%arg25 : memref<!tpu.dma_semaphore, #tpu.memory_space<semaphore_mem>>)
      %dma_start3A_379 = arith.constant 0 : i32
      %dma_start3A_380 = arith.constant 0 : i32
      %dma_start3A_381 = tpu.memref_slice %arg6[%dma_start3A_379, %dma_start3A_380] : memref<20016x16xf32, #tpu.memory_space<hbm>> -> memref<20016x16xf32, #tpu.memory_space<hbm>>
      tpu.enqueue_indirect_dma source(%dma_start3A_381 : memref<20016x16xf32, #tpu.memory_space<hbm>>) target(%arg17 : memref<64x16xf32, #tpu.memory_space<vmem>>) offsets(%arg9 : memref<64xi32, #tpu.memory_space<vmem>>) semaphore(%arg25 : memref<!tpu.dma_semaphore, #tpu.memory_space<semaphore_mem>>)
      %dma_start3A_382 = arith.constant 0 : i32
      %dma_start3A_383 = arith.constant 0 : i32
      %dma_start3A_384 = tpu.memref_slice %arg7[%dma_start3A_382, %dma_start3A_383] : memref<20016x16xf32, #tpu.memory_space<hbm>> -> memref<20016x16xf32, #tpu.memory_space<hbm>>
      tpu.enqueue_indirect_dma source(%dma_start3A_384 : memref<20016x16xf32, #tpu.memory_space<hbm>>) target(%arg19 : memref<64x16xf32, #tpu.memory_space<vmem>>) offsets(%arg11 : memref<64xi32, #tpu.memory_space<vmem>>) semaphore(%arg25 : memref<!tpu.dma_semaphore, #tpu.memory_space<semaphore_mem>>)
      %add3A_385 = arith.constant 0 : i32
      %add3A_386 = vector.broadcast %add3A_385 : i32 to vector<16xi32>
      %add3A_387 = arith.addi %iota3A, %add3A_386 : vector<16xi32>
      %broadcast_in_dim3A_388 = arith.constant 0 : i32
      %broadcast_in_dim3A_389 = vector.broadcast %broadcast_in_dim3A_388 : i32 to vector<16xi32>
      %gather3A_390 = tpu.vector_load_idx %arg18[%add3A_387, %broadcast_in_dim3A_389] : memref<64x16xf32, #tpu.memory_space<vmem>>[vector<16xi32>, vector<16xi32>], vector<16xf32>,
      %gather3A_391 = tpu.vector_load_idx %arg20[%add3A_387, %broadcast_in_dim3A_389] : memref<64x16xf32, #tpu.memory_space<vmem>>[vector<16xi32>, vector<16xi32>], vector<16xf32>,
      %add3A_392 = arith.addf %gather3A_390, %gather3A_391 : vector<16xf32>
      %mul3A_393 = arith.constant 2.000000e-01 : f32
      %mul3A_394 = vector.broadcast %mul3A_393 : f32 to vector<16xf32>
      %mul3A_395 = arith.mulf %mul3A_394, %add3A_392 : vector<16xf32>
      %max3A_396 = arith.maximumf %add3A_392, %mul3A_395 : vector<16xf32>
      %exp3A_397 = math.exp %max3A_396 : vector<16xf32>
      %broadcast_in_dim3A_398 = arith.constant 128 : i32
      %broadcast_in_dim3A_399 = vector.broadcast %broadcast_in_dim3A_398 : i32 to vector<16xi32>
      tpu.vector_store_idx %arg21[%add3A_387, %broadcast_in_dim3A_399], %exp3A_397 : memref<64x144xf32, #tpu.memory_space<vmem>>[vector<16xi32>, vector<16xi32>], vector<16xf32>,
      %broadcast_in_dim3A_400 = arith.constant 1 : i32
      %broadcast_in_dim3A_401 = vector.broadcast %broadcast_in_dim3A_400 : i32 to vector<16xi32>
      %gather3A_402 = tpu.vector_load_idx %arg18[%add3A_387, %broadcast_in_dim3A_401] : memref<64x16xf32, #tpu.memory_space<vmem>>[vector<16xi32>, vector<16xi32>], vector<16xf32>,
      %gather3A_403 = tpu.vector_load_idx %arg20[%add3A_387, %broadcast_in_dim3A_401] : memref<64x16xf32, #tpu.memory_space<vmem>>[vector<16xi32>, vector<16xi32>], vector<16xf32>,
      %add3A_404 = arith.addf %gather3A_402, %gather3A_403 : vector<16xf32>
      %mul3A_405 = arith.constant 2.000000e-01 : f32
      %mul3A_406 = vector.broadcast %mul3A_405 : f32 to vector<16xf32>
      %mul3A_407 = arith.mulf %mul3A_406, %add3A_404 : vector<16xf32>
      %max3A_408 = arith.maximumf %add3A_404, %mul3A_407 : vector<16xf32>
      %exp3A_409 = math.exp %max3A_408 : vector<16xf32>
      %broadcast_in_dim3A_410 = arith.constant 129 : i32
      %broadcast_in_dim3A_411 = vector.broadcast %broadcast_in_dim3A_410 : i32 to vector<16xi32>
      tpu.vector_store_idx %arg21[%add3A_387, %broadcast_in_dim3A_411], %exp3A_409 : memref<64x144xf32, #tpu.memory_space<vmem>>[vector<16xi32>, vector<16xi32>], vector<16xf32>,
      %add3A_412 = arith.constant 16 : i32
      %add3A_413 = vector.broadcast %add3A_412 : i32 to vector<16xi32>
      %add3A_414 = arith.addi %iota3A, %add3A_413 : vector<16xi32>
      %broadcast_in_dim3A_415 = arith.constant 0 : i32
      %broadcast_in_dim3A_416 = vector.broadcast %broadcast_in_dim3A_415 : i32 to vector<16xi32>
      %gather3A_417 = tpu.vector_load_idx %arg18[%add3A_414, %broadcast_in_dim3A_416] : memref<64x16xf32, #tpu.memory_space<vmem>>[vector<16xi32>, vector<16xi32>], vector<16xf32>,
      %gather3A_418 = tpu.vector_load_idx %arg20[%add3A_414, %broadcast_in_dim3A_416] : memref<64x16xf32, #tpu.memory_space<vmem>>[vector<16xi32>, vector<16xi32>], vector<16xf32>,
      %add3A_419 = arith.addf %gather3A_417, %gather3A_418 : vector<16xf32>
      %mul3A_420 = arith.constant 2.000000e-01 : f32
      %mul3A_421 = vector.broadcast %mul3A_420 : f32 to vector<16xf32>
      %mul3A_422 = arith.mulf %mul3A_421, %add3A_419 : vector<16xf32>
      %max3A_423 = arith.maximumf %add3A_419, %mul3A_422 : vector<16xf32>
      %exp3A_424 = math.exp %max3A_423 : vector<16xf32>
      %broadcast_in_dim3A_425 = arith.constant 128 : i32
      %broadcast_in_dim3A_426 = vector.broadcast %broadcast_in_dim3A_425 : i32 to vector<16xi32>
      tpu.vector_store_idx %arg21[%add3A_414, %broadcast_in_dim3A_426], %exp3A_424 : memref<64x144xf32, #tpu.memory_space<vmem>>[vector<16xi32>, vector<16xi32>], vector<16xf32>,
      %broadcast_in_dim3A_427 = arith.constant 1 : i32
      %broadcast_in_dim3A_428 = vector.broadcast %broadcast_in_dim3A_427 : i32 to vector<16xi32>
      %gather3A_429 = tpu.vector_load_idx %arg18[%add3A_414, %broadcast_in_dim3A_428] : memref<64x16xf32, #tpu.memory_space<vmem>>[vector<16xi32>, vector<16xi32>], vector<16xf32>,
      %gather3A_430 = tpu.vector_load_idx %arg20[%add3A_414, %broadcast_in_dim3A_428] : memref<64x16xf32, #tpu.memory_space<vmem>>[vector<16xi32>, vector<16xi32>], vector<16xf32>,
      %add3A_431 = arith.addf %gather3A_429, %gather3A_430 : vector<16xf32>
      %mul3A_432 = arith.constant 2.000000e-01 : f32
      %mul3A_433 = vector.broadcast %mul3A_432 : f32 to vector<16xf32>
      %mul3A_434 = arith.mulf %mul3A_433, %add3A_431 : vector<16xf32>
      %max3A_435 = arith.maximumf %add3A_431, %mul3A_434 : vector<16xf32>
      %exp3A_436 = math.exp %max3A_435 : vector<16xf32>
      %broadcast_in_dim3A_437 = arith.constant 129 : i32
      %broadcast_in_dim3A_438 = vector.broadcast %broadcast_in_dim3A_437 : i32 to vector<16xi32>
      tpu.vector_store_idx %arg21[%add3A_414, %broadcast_in_dim3A_438], %exp3A_436 : memref<64x144xf32, #tpu.memory_space<vmem>>[vector<16xi32>, vector<16xi32>], vector<16xf32>,
      %add3A_439 = arith.constant 32 : i32
      %add3A_440 = vector.broadcast %add3A_439 : i32 to vector<16xi32>
      %add3A_441 = arith.addi %iota3A, %add3A_440 : vector<16xi32>
      %broadcast_in_dim3A_442 = arith.constant 0 : i32
      %broadcast_in_dim3A_443 = vector.broadcast %broadcast_in_dim3A_442 : i32 to vector<16xi32>
      %gather3A_444 = tpu.vector_load_idx %arg18[%add3A_441, %broadcast_in_dim3A_443] : memref<64x16xf32, #tpu.memory_space<vmem>>[vector<16xi32>, vector<16xi32>], vector<16xf32>,
      %gather3A_445 = tpu.vector_load_idx %arg20[%add3A_441, %broadcast_in_dim3A_443] : memref<64x16xf32, #tpu.memory_space<vmem>>[vector<16xi32>, vector<16xi32>], vector<16xf32>,
      %add3A_446 = arith.addf %gather3A_444, %gather3A_445 : vector<16xf32>
      %mul3A_447 = arith.constant 2.000000e-01 : f32
      %mul3A_448 = vector.broadcast %mul3A_447 : f32 to vector<16xf32>
      %mul3A_449 = arith.mulf %mul3A_448, %add3A_446 : vector<16xf32>
      %max3A_450 = arith.maximumf %add3A_446, %mul3A_449 : vector<16xf32>
      %exp3A_451 = math.exp %max3A_450 : vector<16xf32>
      %broadcast_in_dim3A_452 = arith.constant 128 : i32
      %broadcast_in_dim3A_453 = vector.broadcast %broadcast_in_dim3A_452 : i32 to vector<16xi32>
      tpu.vector_store_idx %arg21[%add3A_441, %broadcast_in_dim3A_453], %exp3A_451 : memref<64x144xf32, #tpu.memory_space<vmem>>[vector<16xi32>, vector<16xi32>], vector<16xf32>,
      %broadcast_in_dim3A_454 = arith.constant 1 : i32
      %broadcast_in_dim3A_455 = vector.broadcast %broadcast_in_dim3A_454 : i32 to vector<16xi32>
      %gather3A_456 = tpu.vector_load_idx %arg18[%add3A_441, %broadcast_in_dim3A_455] : memref<64x16xf32, #tpu.memory_space<vmem>>[vector<16xi32>, vector<16xi32>], vector<16xf32>,
      %gather3A_457 = tpu.vector_load_idx %arg20[%add3A_441, %broadcast_in_dim3A_455] : memref<64x16xf32, #tpu.memory_space<vmem>>[vector<16xi32>, vector<16xi32>], vector<16xf32>,
      %add3A_458 = arith.addf %gather3A_456, %gather3A_457 : vector<16xf32>
      %mul3A_459 = arith.constant 2.000000e-01 : f32
      %mul3A_460 = vector.broadcast %mul3A_459 : f32 to vector<16xf32>
      %mul3A_461 = arith.mulf %mul3A_460, %add3A_458 : vector<16xf32>
      %max3A_462 = arith.maximumf %add3A_458, %mul3A_461 : vector<16xf32>
      %exp3A_463 = math.exp %max3A_462 : vector<16xf32>
      %broadcast_in_dim3A_464 = arith.constant 129 : i32
      %broadcast_in_dim3A_465 = vector.broadcast %broadcast_in_dim3A_464 : i32 to vector<16xi32>
      tpu.vector_store_idx %arg21[%add3A_441, %broadcast_in_dim3A_465], %exp3A_463 : memref<64x144xf32, #tpu.memory_space<vmem>>[vector<16xi32>, vector<16xi32>], vector<16xf32>,
      %add3A_466 = arith.constant 48 : i32
      %add3A_467 = vector.broadcast %add3A_466 : i32 to vector<16xi32>
      %add3A_468 = arith.addi %iota3A, %add3A_467 : vector<16xi32>
      %broadcast_in_dim3A_469 = arith.constant 0 : i32
      %broadcast_in_dim3A_470 = vector.broadcast %broadcast_in_dim3A_469 : i32 to vector<16xi32>
      %gather3A_471 = tpu.vector_load_idx %arg18[%add3A_468, %broadcast_in_dim3A_470] : memref<64x16xf32, #tpu.memory_space<vmem>>[vector<16xi32>, vector<16xi32>], vector<16xf32>,
      %gather3A_472 = tpu.vector_load_idx %arg20[%add3A_468, %broadcast_in_dim3A_470] : memref<64x16xf32, #tpu.memory_space<vmem>>[vector<16xi32>, vector<16xi32>], vector<16xf32>,
      %add3A_473 = arith.addf %gather3A_471, %gather3A_472 : vector<16xf32>
      %mul3A_474 = arith.constant 2.000000e-01 : f32
      %mul3A_475 = vector.broadcast %mul3A_474 : f32 to vector<16xf32>
      %mul3A_476 = arith.mulf %mul3A_475, %add3A_473 : vector<16xf32>
      %max3A_477 = arith.maximumf %add3A_473, %mul3A_476 : vector<16xf32>
      %exp3A_478 = math.exp %max3A_477 : vector<16xf32>
      %broadcast_in_dim3A_479 = arith.constant 128 : i32
      %broadcast_in_dim3A_480 = vector.broadcast %broadcast_in_dim3A_479 : i32 to vector<16xi32>
      tpu.vector_store_idx %arg21[%add3A_468, %broadcast_in_dim3A_480], %exp3A_478 : memref<64x144xf32, #tpu.memory_space<vmem>>[vector<16xi32>, vector<16xi32>], vector<16xf32>,
      %broadcast_in_dim3A_481 = arith.constant 1 : i32
      %broadcast_in_dim3A_482 = vector.broadcast %broadcast_in_dim3A_481 : i32 to vector<16xi32>
      %gather3A_483 = tpu.vector_load_idx %arg18[%add3A_468, %broadcast_in_dim3A_482] : memref<64x16xf32, #tpu.memory_space<vmem>>[vector<16xi32>, vector<16xi32>], vector<16xf32>,
      %gather3A_484 = tpu.vector_load_idx %arg20[%add3A_468, %broadcast_in_dim3A_482] : memref<64x16xf32, #tpu.memory_space<vmem>>[vector<16xi32>, vector<16xi32>], vector<16xf32>,
      %add3A_485 = arith.addf %gather3A_483, %gather3A_484 : vector<16xf32>
      %mul3A_486 = arith.constant 2.000000e-01 : f32
      %mul3A_487 = vector.broadcast %mul3A_486 : f32 to vector<16xf32>
      %mul3A_488 = arith.mulf %mul3A_487, %add3A_485 : vector<16xf32>
      %max3A_489 = arith.maximumf %add3A_485, %mul3A_488 : vector<16xf32>
      %exp3A_490 = math.exp %max3A_489 : vector<16xf32>
      %broadcast_in_dim3A_491 = arith.constant 129 : i32
      %broadcast_in_dim3A_492 = vector.broadcast %broadcast_in_dim3A_491 : i32 to vector<16xi32>
      tpu.vector_store_idx %arg21[%add3A_468, %broadcast_in_dim3A_492], %exp3A_490 : memref<64x144xf32, #tpu.memory_space<vmem>>[vector<16xi32>, vector<16xi32>], vector<16xf32>,
      %parallel_loop3A_493 = arith.constant 0 : i32
      %parallel_loop3A_494 = arith.constant 64 : i32
      %parallel_loop3A_495 = arith.constant 1 : i32
      scf.for %parallel_loop3A_517 = %parallel_loop3A_493 to %parallel_loop3A_494 step %parallel_loop3A_495  : i32 {
        %parallel_loop3A_518 = arith.index_cast %parallel_loop3A_517 : i32 to index
        %parallel_loop3A_519 = arith.constant 128 : index
        %parallel_loop3A_520 = tpu.vector_load %arg21[%parallel_loop3A_518, %parallel_loop3A_519] {strides = array<i32>} : memref<64x144xf32, #tpu.memory_space<vmem>>, vector<16xf32>,
        %parallel_loop3A_521 = vector.extract_strided_slice %parallel_loop3A_520 {offsets = [0], sizes = [1], strides = [1]} : vector<16xf32> to vector<1xf32>
        %parallel_loop3A_522 = vector.extract %parallel_loop3A_521[0] : f32 from vector<1xf32>
        %parallel_loop3A_523 = vector.broadcast %parallel_loop3A_522 : f32 to vector<16xf32>
        %parallel_loop3A_524 = vector.extract_strided_slice %parallel_loop3A_520 {offsets = [1], sizes = [1], strides = [1]} : vector<16xf32> to vector<1xf32>
        %parallel_loop3A_525 = vector.extract %parallel_loop3A_524[0] : f32 from vector<1xf32>
        %parallel_loop3A_526 = vector.broadcast %parallel_loop3A_525 : f32 to vector<16xf32>
        %parallel_loop3A_527 = arith.index_cast %parallel_loop3A_517 : i32 to index
        %parallel_loop3A_528 = arith.constant 0 : index
        %parallel_loop3A_529 = tpu.vector_load %arg16[%parallel_loop3A_527, %parallel_loop3A_528] {strides = array<i32>} : memref<64x128xf32, #tpu.memory_space<vmem>>, vector<16xf32>,
        %parallel_loop3A_530 = arith.mulf %parallel_loop3A_529, %parallel_loop3A_523 : vector<16xf32>
        %parallel_loop3A_531 = arith.index_cast %parallel_loop3A_517 : i32 to index
        %parallel_loop3A_532 = arith.constant 0 : index
        %parallel_loop3A_533 = tpu.vector_load %arg21[%parallel_loop3A_531, %parallel_loop3A_532] {strides = array<i32>} : memref<64x144xf32, #tpu.memory_space<vmem>>, vector<16xf32>,
        tpu.vector_store %arg21[%parallel_loop3A_531, %parallel_loop3A_532], %parallel_loop3A_530 {strides = array<i32>} : memref<64x144xf32, #tpu.memory_space<vmem>>, vector<16xf32>,
        %parallel_loop3A_534 = arith.index_cast %parallel_loop3A_517 : i32 to index
        %parallel_loop3A_535 = arith.constant 16 : index
        %parallel_loop3A_536 = tpu.vector_load %arg16[%parallel_loop3A_534, %parallel_loop3A_535] {strides = array<i32>} : memref<64x128xf32, #tpu.memory_space<vmem>>, vector<16xf32>,
        %parallel_loop3A_537 = arith.mulf %parallel_loop3A_536, %parallel_loop3A_523 : vector<16xf32>
        %parallel_loop3A_538 = arith.index_cast %parallel_loop3A_517 : i32 to index
        %parallel_loop3A_539 = arith.constant 16 : index
        %parallel_loop3A_540 = tpu.vector_load %arg21[%parallel_loop3A_538, %parallel_loop3A_539] {strides = array<i32>} : memref<64x144xf32, #tpu.memory_space<vmem>>, vector<16xf32>,
        tpu.vector_store %arg21[%parallel_loop3A_538, %parallel_loop3A_539], %parallel_loop3A_537 {strides = array<i32>} : memref<64x144xf32, #tpu.memory_space<vmem>>, vector<16xf32>,
        %parallel_loop3A_541 = arith.index_cast %parallel_loop3A_517 : i32 to index
        %parallel_loop3A_542 = arith.constant 32 : index
        %parallel_loop3A_543 = tpu.vector_load %arg16[%parallel_loop3A_541, %parallel_loop3A_542] {strides = array<i32>} : memref<64x128xf32, #tpu.memory_space<vmem>>, vector<16xf32>,
        %parallel_loop3A_544 = arith.mulf %parallel_loop3A_543, %parallel_loop3A_523 : vector<16xf32>
        %parallel_loop3A_545 = arith.index_cast %parallel_loop3A_517 : i32 to index
        %parallel_loop3A_546 = arith.constant 32 : index
        %parallel_loop3A_547 = tpu.vector_load %arg21[%parallel_loop3A_545, %parallel_loop3A_546] {strides = array<i32>} : memref<64x144xf32, #tpu.memory_space<vmem>>, vector<16xf32>,
        tpu.vector_store %arg21[%parallel_loop3A_545, %parallel_loop3A_546], %parallel_loop3A_544 {strides = array<i32>} : memref<64x144xf32, #tpu.memory_space<vmem>>, vector<16xf32>,
        %parallel_loop3A_548 = arith.index_cast %parallel_loop3A_517 : i32 to index
        %parallel_loop3A_549 = arith.constant 48 : index
        %parallel_loop3A_550 = tpu.vector_load %arg16[%parallel_loop3A_548, %parallel_loop3A_549] {strides = array<i32>} : memref<64x128xf32, #tpu.memory_space<vmem>>, vector<16xf32>,
        %parallel_loop3A_551 = arith.mulf %parallel_loop3A_550, %parallel_loop3A_523 : vector<16xf32>
        %parallel_loop3A_552 = arith.index_cast %parallel_loop3A_517 : i32 to index
        %parallel_loop3A_553 = arith.constant 48 : index
        %parallel_loop3A_554 = tpu.vector_load %arg21[%parallel_loop3A_552, %parallel_loop3A_553] {strides = array<i32>} : memref<64x144xf32, #tpu.memory_space<vmem>>, vector<16xf32>,
        tpu.vector_store %arg21[%parallel_loop3A_552, %parallel_loop3A_553], %parallel_loop3A_551 {strides = array<i32>} : memref<64x144xf32, #tpu.memory_space<vmem>>, vector<16xf32>,
        %parallel_loop3A_555 = arith.index_cast %parallel_loop3A_517 : i32 to index
        %parallel_loop3A_556 = arith.constant 64 : index
        %parallel_loop3A_557 = tpu.vector_load %arg16[%parallel_loop3A_555, %parallel_loop3A_556] {strides = array<i32>} : memref<64x128xf32, #tpu.memory_space<vmem>>, vector<16xf32>,
        %parallel_loop3A_558 = arith.mulf %parallel_loop3A_557, %parallel_loop3A_526 : vector<16xf32>
        %parallel_loop3A_559 = arith.index_cast %parallel_loop3A_517 : i32 to index
        %parallel_loop3A_560 = arith.constant 64 : index
        %parallel_loop3A_561 = tpu.vector_load %arg21[%parallel_loop3A_559, %parallel_loop3A_560] {strides = array<i32>} : memref<64x144xf32, #tpu.memory_space<vmem>>, vector<16xf32>,
        tpu.vector_store %arg21[%parallel_loop3A_559, %parallel_loop3A_560], %parallel_loop3A_558 {strides = array<i32>} : memref<64x144xf32, #tpu.memory_space<vmem>>, vector<16xf32>,
        %parallel_loop3A_562 = arith.index_cast %parallel_loop3A_517 : i32 to index
        %parallel_loop3A_563 = arith.constant 80 : index
        %parallel_loop3A_564 = tpu.vector_load %arg16[%parallel_loop3A_562, %parallel_loop3A_563] {strides = array<i32>} : memref<64x128xf32, #tpu.memory_space<vmem>>, vector<16xf32>,
        %parallel_loop3A_565 = arith.mulf %parallel_loop3A_564, %parallel_loop3A_526 : vector<16xf32>
        %parallel_loop3A_566 = arith.index_cast %parallel_loop3A_517 : i32 to index
        %parallel_loop3A_567 = arith.constant 80 : index
        %parallel_loop3A_568 = tpu.vector_load %arg21[%parallel_loop3A_566, %parallel_loop3A_567] {strides = array<i32>} : memref<64x144xf32, #tpu.memory_space<vmem>>, vector<16xf32>,
        tpu.vector_store %arg21[%parallel_loop3A_566, %parallel_loop3A_567], %parallel_loop3A_565 {strides = array<i32>} : memref<64x144xf32, #tpu.memory_space<vmem>>, vector<16xf32>,
        %parallel_loop3A_569 = arith.index_cast %parallel_loop3A_517 : i32 to index
        %parallel_loop3A_570 = arith.constant 96 : index
        %parallel_loop3A_571 = tpu.vector_load %arg16[%parallel_loop3A_569, %parallel_loop3A_570] {strides = array<i32>} : memref<64x128xf32, #tpu.memory_space<vmem>>, vector<16xf32>,
        %parallel_loop3A_572 = arith.mulf %parallel_loop3A_571, %parallel_loop3A_526 : vector<16xf32>
        %parallel_loop3A_573 = arith.index_cast %parallel_loop3A_517 : i32 to index
        %parallel_loop3A_574 = arith.constant 96 : index
        %parallel_loop3A_575 = tpu.vector_load %arg21[%parallel_loop3A_573, %parallel_loop3A_574] {strides = array<i32>} : memref<64x144xf32, #tpu.memory_space<vmem>>, vector<16xf32>,
        tpu.vector_store %arg21[%parallel_loop3A_573, %parallel_loop3A_574], %parallel_loop3A_572 {strides = array<i32>} : memref<64x144xf32, #tpu.memory_space<vmem>>, vector<16xf32>,
        %parallel_loop3A_576 = arith.index_cast %parallel_loop3A_517 : i32 to index
        %parallel_loop3A_577 = arith.constant 112 : index
        %parallel_loop3A_578 = tpu.vector_load %arg16[%parallel_loop3A_576, %parallel_loop3A_577] {strides = array<i32>} : memref<64x128xf32, #tpu.memory_space<vmem>>, vector<16xf32>,
        %parallel_loop3A_579 = arith.mulf %parallel_loop3A_578, %parallel_loop3A_526 : vector<16xf32>
        %parallel_loop3A_580 = arith.index_cast %parallel_loop3A_517 : i32 to index
        %parallel_loop3A_581 = arith.constant 112 : index
        %parallel_loop3A_582 = tpu.vector_load %arg21[%parallel_loop3A_580, %parallel_loop3A_581] {strides = array<i32>} : memref<64x144xf32, #tpu.memory_space<vmem>>, vector<16xf32>,
        tpu.vector_store %arg21[%parallel_loop3A_580, %parallel_loop3A_581], %parallel_loop3A_579 {strides = array<i32>} : memref<64x144xf32, #tpu.memory_space<vmem>>, vector<16xf32>,
      } {sc.loop_unroll_factor = 8 : i64, sc.parallel_access}
      "tpu.region"() ({
        %run_scoped3A = tpu.sem_alloc : memref<!tpu.dma_semaphore, #tpu.memory_space<semaphore_mem>>
        %dma_start3A_517 = arith.constant 0 : i32
        %dma_start3A_518 = arith.constant 0 : i32
        %dma_start3A_519 = tpu.memref_slice %arg22[%dma_start3A_517, %dma_start3A_518] : memref<10240x144xf32, #tpu.memory_space<vmem_shared>> -> memref<10240x144xf32, #tpu.memory_space<vmem_shared>>
        tpu.enqueue_indirect_dma source(%arg21 : memref<64x144xf32, #tpu.memory_space<vmem>>) target(%dma_start3A_519 : memref<10240x144xf32, #tpu.memory_space<vmem_shared>>) offsets(%arg14 : memref<64xi32, #tpu.memory_space<vmem>>) semaphore(%run_scoped3A : memref<!tpu.dma_semaphore, #tpu.memory_space<semaphore_mem>>) {add = true}
        %dma_wait3A_520 = arith.constant 0 : i32
        %dma_wait3A_521 = arith.constant 0 : i32
        %dma_wait3A_522 = tpu.memref_slice %arg22[%dma_wait3A_520, %dma_wait3A_521] : memref<10240x144xf32, #tpu.memory_space<vmem_shared>> -> memref<10240x144xf32, #tpu.memory_space<vmem_shared>>
        tpu.wait_indirect_dma semaphore(%run_scoped3A : memref<!tpu.dma_semaphore, #tpu.memory_space<semaphore_mem>>) src(%arg21 : memref<64x144xf32, #tpu.memory_space<vmem>>) dst(%dma_wait3A_522 : memref<10240x144xf32, #tpu.memory_space<vmem_shared>>)
        tpu.yield
      }) : () -> ()
      %add3A_496 = arith.constant 2 : i32
      %add3A_497 = arith.addi %add3A_341, %add3A_496 : i32
      %mul3A_498 = arith.constant 0 : i32
      %mul3A_499 = arith.muli %arg0, %mul3A_498 : i32
      %mul3A_500 = arith.constant 314 : i32
      %mul3A_501 = arith.muli %arg1, %mul3A_500 : i32
      %add3A_502 = arith.addi %mul3A_501, %add3A_497 : i32
      %mul3A_503 = arith.constant 64 : i32
      %mul3A_504 = arith.muli %add3A_502, %mul3A_503 : i32
      %add3A_505 = arith.addi %mul3A_499, %mul3A_504 : i32
      %dma_start3A_506 = tpu.memref_slice %arg2[%arg0, %add3A_505] : memref<2x321664xi32, #tpu.memory_space<hbm>> -> memref<1x64xi32, #tpu.memory_space<hbm>>
      %dma_start3A_507 = tpu.memref_squeeze %dma_start3A_506 : memref<1x64xi32, #tpu.memory_space<hbm>> -> memref<64xi32, #tpu.memory_space<hbm>>
      %dma_start3A_508 = tpu.memref_slice %arg2[%arg0, %add3A_505] : memref<2x321664xi32, #tpu.memory_space<hbm>> -> memref<1x64xi32, #tpu.memory_space<hbm>>
      %dma_start3A_509 = tpu.memref_squeeze %dma_start3A_508 : memref<1x64xi32, #tpu.memory_space<hbm>> -> memref<64xi32, #tpu.memory_space<hbm>>
      tpu.enqueue_dma source(%dma_start3A_509 : memref<64xi32, #tpu.memory_space<hbm>>) target(%arg10 : memref<64xi32, #tpu.memory_space<vmem>>) target_semaphore(%arg24 : memref<!tpu.dma_semaphore, #tpu.memory_space<semaphore_mem>>)
      %dma_start3A_510 = tpu.memref_slice %arg3[%arg0, %add3A_505] : memref<2x321664xi32, #tpu.memory_space<hbm>> -> memref<1x64xi32, #tpu.memory_space<hbm>>
      %dma_start3A_511 = tpu.memref_squeeze %dma_start3A_510 : memref<1x64xi32, #tpu.memory_space<hbm>> -> memref<64xi32, #tpu.memory_space<hbm>>
      %dma_start3A_512 = tpu.memref_slice %arg3[%arg0, %add3A_505] : memref<2x321664xi32, #tpu.memory_space<hbm>> -> memref<1x64xi32, #tpu.memory_space<hbm>>
      %dma_start3A_513 = tpu.memref_squeeze %dma_start3A_512 : memref<1x64xi32, #tpu.memory_space<hbm>> -> memref<64xi32, #tpu.memory_space<hbm>>
      tpu.enqueue_dma source(%dma_start3A_513 : memref<64xi32, #tpu.memory_space<hbm>>) target(%arg12 : memref<64xi32, #tpu.memory_space<vmem>>) target_semaphore(%arg24 : memref<!tpu.dma_semaphore, #tpu.memory_space<semaphore_mem>>)
      %dma_start3A_514 = tpu.memref_slice %arg4[%add3A_505] : memref<321664xi32, #tpu.memory_space<hbm>> -> memref<64xi32, #tpu.memory_space<hbm>>
      %dma_start3A_515 = tpu.memref_slice %arg4[%add3A_505] : memref<321664xi32, #tpu.memory_space<hbm>> -> memref<64xi32, #tpu.memory_space<hbm>>
      tpu.enqueue_dma source(%dma_start3A_515 : memref<64xi32, #tpu.memory_space<hbm>>) target(%arg14 : memref<64xi32, #tpu.memory_space<vmem>>) target_semaphore(%arg24 : memref<!tpu.dma_semaphore, #tpu.memory_space<semaphore_mem>>)
      %while3A_516 = arith.constant 0 : i32
      scf.yield %while3A_516 : i32
    }
    %dma_wait3A_125 = arith.constant 0 : i32
    %dma_wait3A_126 = arith.constant 0 : i32
    %dma_wait3A_127 = tpu.memref_slice %arg5[%dma_wait3A_125, %dma_wait3A_126] : memref<20000x128xf32, #tpu.memory_space<hbm>> -> memref<64x128xf32, #tpu.memory_space<hbm>>
    %dma_wait3A_128 = arith.constant 0 : i32
    %dma_wait3A_129 = arith.constant 0 : i32
    %dma_wait3A_130 = tpu.memref_slice %arg5[%dma_wait3A_128, %dma_wait3A_129] : memref<20000x128xf32, #tpu.memory_space<hbm>> -> memref<64x128xf32, #tpu.memory_space<hbm>>
    tpu.wait_dma2 semaphore(%arg25 : memref<!tpu.dma_semaphore, #tpu.memory_space<semaphore_mem>>) src(%dma_wait3A_130 : memref<64x128xf32, #tpu.memory_space<hbm>>) dst(%arg15 : memref<64x128xf32, #tpu.memory_space<vmem>>)
    %dma_wait3A_131 = arith.constant 0 : i32
    %dma_wait3A_132 = arith.constant 0 : i32
    %dma_wait3A_133 = tpu.memref_slice %arg6[%dma_wait3A_131, %dma_wait3A_132] : memref<20016x16xf32, #tpu.memory_space<hbm>> -> memref<64x16xf32, #tpu.memory_space<hbm>>
    %dma_wait3A_134 = arith.constant 0 : i32
    %dma_wait3A_135 = arith.constant 0 : i32
    %dma_wait3A_136 = tpu.memref_slice %arg6[%dma_wait3A_134, %dma_wait3A_135] : memref<20016x16xf32, #tpu.memory_space<hbm>> -> memref<64x16xf32, #tpu.memory_space<hbm>>
    tpu.wait_dma2 semaphore(%arg25 : memref<!tpu.dma_semaphore, #tpu.memory_space<semaphore_mem>>) src(%dma_wait3A_136 : memref<64x16xf32, #tpu.memory_space<hbm>>) dst(%arg17 : memref<64x16xf32, #tpu.memory_space<vmem>>)
    %dma_wait3A_137 = arith.constant 0 : i32
    %dma_wait3A_138 = arith.constant 0 : i32
    %dma_wait3A_139 = tpu.memref_slice %arg7[%dma_wait3A_137, %dma_wait3A_138] : memref<20016x16xf32, #tpu.memory_space<hbm>> -> memref<64x16xf32, #tpu.memory_space<hbm>>
    %dma_wait3A_140 = arith.constant 0 : i32
    %dma_wait3A_141 = arith.constant 0 : i32
    %dma_wait3A_142 = tpu.memref_slice %arg7[%dma_wait3A_140, %dma_wait3A_141] : memref<20016x16xf32, #tpu.memory_space<hbm>> -> memref<64x16xf32, #tpu.memory_space<hbm>>
    tpu.wait_dma2 semaphore(%arg25 : memref<!tpu.dma_semaphore, #tpu.memory_space<semaphore_mem>>) src(%dma_wait3A_142 : memref<64x16xf32, #tpu.memory_space<hbm>>) dst(%arg19 : memref<64x16xf32, #tpu.memory_space<vmem>>)
    %dma_wait3A_143 = arith.constant 0 : i32
    %dma_wait3A_144 = tpu.memref_slice %arg2[%arg0, %dma_wait3A_143] : memref<2x321664xi32, #tpu.memory_space<hbm>> -> memref<1x64xi32, #tpu.memory_space<hbm>>
    %dma_wait3A_145 = tpu.memref_squeeze %dma_wait3A_144 : memref<1x64xi32, #tpu.memory_space<hbm>> -> memref<64xi32, #tpu.memory_space<hbm>>
    %dma_wait3A_146 = arith.constant 0 : i32
    %dma_wait3A_147 = tpu.memref_slice %arg2[%arg0, %dma_wait3A_146] : memref<2x321664xi32, #tpu.memory_space<hbm>> -> memref<1x64xi32, #tpu.memory_space<hbm>>
    %dma_wait3A_148 = tpu.memref_squeeze %dma_wait3A_147 : memref<1x64xi32, #tpu.memory_space<hbm>> -> memref<64xi32, #tpu.memory_space<hbm>>
    tpu.wait_dma2 semaphore(%arg24 : memref<!tpu.dma_semaphore, #tpu.memory_space<semaphore_mem>>) src(%dma_wait3A_148 : memref<64xi32, #tpu.memory_space<hbm>>) dst(%arg10 : memref<64xi32, #tpu.memory_space<vmem>>)
    %dma_wait3A_149 = arith.constant 0 : i32
    %dma_wait3A_150 = tpu.memref_slice %arg3[%arg0, %dma_wait3A_149] : memref<2x321664xi32, #tpu.memory_space<hbm>> -> memref<1x64xi32, #tpu.memory_space<hbm>>
    %dma_wait3A_151 = tpu.memref_squeeze %dma_wait3A_150 : memref<1x64xi32, #tpu.memory_space<hbm>> -> memref<64xi32, #tpu.memory_space<hbm>>
    %dma_wait3A_152 = arith.constant 0 : i32
    %dma_wait3A_153 = tpu.memref_slice %arg3[%arg0, %dma_wait3A_152] : memref<2x321664xi32, #tpu.memory_space<hbm>> -> memref<1x64xi32, #tpu.memory_space<hbm>>
    %dma_wait3A_154 = tpu.memref_squeeze %dma_wait3A_153 : memref<1x64xi32, #tpu.memory_space<hbm>> -> memref<64xi32, #tpu.memory_space<hbm>>
    tpu.wait_dma2 semaphore(%arg24 : memref<!tpu.dma_semaphore, #tpu.memory_space<semaphore_mem>>) src(%dma_wait3A_154 : memref<64xi32, #tpu.memory_space<hbm>>) dst(%arg12 : memref<64xi32, #tpu.memory_space<vmem>>)
    %dma_wait3A_155 = arith.constant 0 : i32
    %dma_wait3A_156 = tpu.memref_slice %arg4[%dma_wait3A_155] : memref<321664xi32, #tpu.memory_space<hbm>> -> memref<64xi32, #tpu.memory_space<hbm>>
    %dma_wait3A_157 = arith.constant 0 : i32
    %dma_wait3A_158 = tpu.memref_slice %arg4[%dma_wait3A_157] : memref<321664xi32, #tpu.memory_space<hbm>> -> memref<64xi32, #tpu.memory_space<hbm>>
    tpu.wait_dma2 semaphore(%arg24 : memref<!tpu.dma_semaphore, #tpu.memory_space<semaphore_mem>>) src(%dma_wait3A_158 : memref<64xi32, #tpu.memory_space<hbm>>) dst(%arg14 : memref<64xi32, #tpu.memory_space<vmem>>)
    %barrier3A_159 = arith.constant 0 : index
    tpu.barrier barrier_id(%barrier3A_159)
    %mul3A_160 = arith.constant 640 : i32
    %mul3A_161 = arith.muli %arg1, %mul3A_160 : i32
    %mul3A_162 = arith.constant 640 : i32
    %mul3A_163 = arith.muli %arg1, %mul3A_162 : i32
    "tpu.region"() ({
      %run_scoped3A = tpu.sem_alloc : memref<!tpu.dma_semaphore, #tpu.memory_space<semaphore_mem>>
      %dma_start3A_164 = arith.constant 0 : i32
      %dma_start3A_165 = tpu.memref_slice %arg8[%arg0, %mul3A_163, %dma_start3A_164] : memref<2x10240x144xf32, #tpu.memory_space<hbm>> -> memref<1x640x144xf32, #tpu.memory_space<hbm>>
      %dma_start3A_166 = tpu.memref_squeeze %dma_start3A_165 : memref<1x640x144xf32, #tpu.memory_space<hbm>> -> memref<640x144xf32, #tpu.memory_space<hbm>>
      %dma_start3A_167 = arith.constant 0 : i32
      %dma_start3A_168 = tpu.memref_slice %arg22[%mul3A_161, %dma_start3A_167] : memref<10240x144xf32, #tpu.memory_space<vmem_shared>> -> memref<640x144xf32, #tpu.memory_space<vmem_shared>>
      tpu.enqueue_dma source(%dma_start3A_168 : memref<640x144xf32, #tpu.memory_space<vmem_shared>>) target(%dma_start3A_166 : memref<640x144xf32, #tpu.memory_space<hbm>>) target_semaphore(%run_scoped3A : memref<!tpu.dma_semaphore, #tpu.memory_space<semaphore_mem>>)
      %dma_wait3A_169 = arith.constant 0 : i32
      %dma_wait3A_170 = tpu.memref_slice %arg8[%arg0, %mul3A_163, %dma_wait3A_169] : memref<2x10240x144xf32, #tpu.memory_space<hbm>> -> memref<1x640x144xf32, #tpu.memory_space<hbm>>
      %dma_wait3A_171 = tpu.memref_squeeze %dma_wait3A_170 : memref<1x640x144xf32, #tpu.memory_space<hbm>> -> memref<640x144xf32, #tpu.memory_space<hbm>>
      %dma_wait3A_172 = arith.constant 0 : i32
      %dma_wait3A_173 = tpu.memref_slice %arg22[%mul3A_161, %dma_wait3A_172] : memref<10240x144xf32, #tpu.memory_space<vmem_shared>> -> memref<640x144xf32, #tpu.memory_space<vmem_shared>>
      tpu.wait_dma2 semaphore(%run_scoped3A : memref<!tpu.dma_semaphore, #tpu.memory_space<semaphore_mem>>) src(%dma_wait3A_173 : memref<640x144xf32, #tpu.memory_space<vmem_shared>>) dst(%dma_wait3A_171 : memref<640x144xf32, #tpu.memory_space<hbm>>)
      tpu.yield
    }) : () -> ()
    return
  }
}

module attributes {stable_mosaic.version = 14 : i64} {
  func.func @_tc1_body(%arg0: i32, %arg1: memref<1000x128xf32, #tpu.memory_space<vmem>>, %arg2: memref<128x256xf32, #tpu.memory_space<vmem>>, %arg3: memref<8x64xf32, #tpu.memory_space<vmem>>, %arg4: memref<2x1000x128xf32, #tpu.memory_space<vmem>>, %arg5: memref<1000x8xf32, #tpu.memory_space<vmem>>) attributes {dimension_semantics = [#tpu.dimension_semantics<arbitrary>], iteration_bounds = array<i64: 10>, scalar_prefetch = 0 : i64, scratch_operands = 0 : i64, tpu.core_type = #tpu.core_type<tc>, window_params = [{transform_indices = @transform_0, window_bounds = array<i64: 1000, 128>}, {transform_indices = @transform_1, window_bounds = array<i64: 128, 256>}, {transform_indices = @transform_2, window_bounds = array<i64: 8, 64>}, {transform_indices = @transform_3, window_bounds = array<i64: 2, 1000, 128>}, {transform_indices = @transform_4, window_bounds = array<i64: 1000, 8>}]} {
    %get3A = arith.constant 0 : index
    %get3A_0 = arith.constant 0 : index
    %get3A_1 = vector.load %arg1[%get3A, %get3A_0] : memref<1000x128xf32, #tpu.memory_space<vmem>>, vector<1000x128xf32>
    %get3A_2 = arith.constant 0 : index
    %get3A_3 = arith.constant 0 : index
    %get3A_4 = vector.load %arg2[%get3A_2, %get3A_3] : memref<128x256xf32, #tpu.memory_space<vmem>>, vector<128x256xf32>
    %dot_general3A = arith.constant dense<0.000000e+00> : vector<1000x256xf32>
    %dot_general3A_5 = tpu.matmul %get3A_1, %get3A_4, %dot_general3A {dimension_numbers = #tpu.dot_dimension_numbers<[1], [0], [0], [1], [0, 0, 1, 1], [], []>, transpose_lhs_hint = false} : vector<1000x128xf32>, vector<128x256xf32>, vector<1000x256xf32> -> vector<1000x256xf32>
    %reshape3A = vector.shape_cast %dot_general3A_5 : vector<1000x256xf32> to vector<1000x4x64xf32>
    %get3A_6 = arith.constant 0 : index
    %get3A_7 = arith.constant 0 : index
    %get3A_8 = vector.load %arg3[%get3A_6, %get3A_7] : memref<8x64xf32, #tpu.memory_space<vmem>>, vector<8x64xf32>
    %slice3A = vector.extract_strided_slice %get3A_8 {offsets = [0, 0], sizes = [4, 64], strides = [1, 1]} : vector<8x64xf32> to vector<4x64xf32>
    %broadcast_in_dim3A = vector.shape_cast %slice3A : vector<4x64xf32> to vector<1x4x64xf32>
    %mul3A = vector.broadcast %broadcast_in_dim3A : vector<1x4x64xf32> to vector<1000x4x64xf32>
    %mul3A_9 = arith.mulf %reshape3A, %mul3A : vector<1000x4x64xf32>
    %reduce_sum3A = arith.constant dense<0.000000e+00> : vector<1000x4xf32>
    %reduce_sum3A_10 = vector.multi_reduction <add>, %mul3A_9, %reduce_sum3A [2] : vector<1000x4x64xf32> to vector<1000x4xf32>
    %slice3A_11 = vector.extract_strided_slice %get3A_8 {offsets = [4, 0], sizes = [4, 64], strides = [1, 1]} : vector<8x64xf32> to vector<4x64xf32>
    %broadcast_in_dim3A_12 = vector.shape_cast %slice3A_11 : vector<4x64xf32> to vector<1x4x64xf32>
    %mul3A_13 = vector.broadcast %broadcast_in_dim3A_12 : vector<1x4x64xf32> to vector<1000x4x64xf32>
    %mul3A_14 = arith.mulf %reshape3A, %mul3A_13 : vector<1000x4x64xf32>
    %reduce_sum3A_15 = arith.constant dense<0.000000e+00> : vector<1000x4xf32>
    %reduce_sum3A_16 = vector.multi_reduction <add>, %mul3A_14, %reduce_sum3A_15 [2] : vector<1000x4x64xf32> to vector<1000x4xf32>
    %slice3A_17 = vector.extract_strided_slice %dot_general3A_5 {offsets = [0, 0], sizes = [1000, 128], strides = [1, 1]} : vector<1000x256xf32> to vector<1000x128xf32>
    %swap3A = arith.constant 0 : index
    %swap3A_18 = arith.constant 0 : index
    %swap3A_19 = arith.constant 0 : index
    %swap3A_20 = vector.load %arg4[%swap3A, %swap3A_18, %swap3A_19] : memref<2x1000x128xf32, #tpu.memory_space<vmem>>, vector<1x1000x128xf32>
    %swap3A_21 = vector.shape_cast %swap3A_20 : vector<1x1000x128xf32> to vector<1000x128xf32>
    %swap3A_22 = vector.shape_cast %slice3A_17 : vector<1000x128xf32> to vector<1x1000x128xf32>
    tpu.vector_store %arg4[%swap3A, %swap3A_18, %swap3A_19], %swap3A_22 {strides = array<i32>} : memref<2x1000x128xf32, #tpu.memory_space<vmem>>, vector<1x1000x128xf32>,
    %slice3A_23 = vector.extract_strided_slice %dot_general3A_5 {offsets = [0, 128], sizes = [1000, 128], strides = [1, 1]} : vector<1000x256xf32> to vector<1000x128xf32>
    %swap3A_24 = arith.constant 1 : index
    %swap3A_25 = arith.constant 0 : index
    %swap3A_26 = arith.constant 0 : index
    %swap3A_27 = vector.load %arg4[%swap3A_24, %swap3A_25, %swap3A_26] : memref<2x1000x128xf32, #tpu.memory_space<vmem>>, vector<1x1000x128xf32>
    %swap3A_28 = vector.shape_cast %swap3A_27 : vector<1x1000x128xf32> to vector<1000x128xf32>
    %swap3A_29 = vector.shape_cast %slice3A_23 : vector<1000x128xf32> to vector<1x1000x128xf32>
    tpu.vector_store %arg4[%swap3A_24, %swap3A_25, %swap3A_26], %swap3A_29 {strides = array<i32>} : memref<2x1000x128xf32, #tpu.memory_space<vmem>>, vector<1x1000x128xf32>,
    %concatenate3A = tpu.concatenate %reduce_sum3A_10, %reduce_sum3A_16 in 1 : vector<1000x4xf32>, vector<1000x4xf32> -> vector<1000x8xf32>
    %swap3A_30 = arith.constant 0 : index
    %swap3A_31 = arith.constant 0 : index
    %swap3A_32 = vector.load %arg5[%swap3A_30, %swap3A_31] : memref<1000x8xf32, #tpu.memory_space<vmem>>, vector<1000x8xf32>
    tpu.vector_store %arg5[%swap3A_30, %swap3A_31], %concatenate3A {strides = array<i32>} : memref<1000x8xf32, #tpu.memory_space<vmem>>, vector<1000x8xf32>,
    return
  }
  func.func @transform_0(%arg0: i32) -> (i32, i32) {
    %mul3A = arith.constant 0 : i32
    %mul3A_0 = arith.muli %arg0, %mul3A : i32
    %c0_i32 = arith.constant 0 : i32
    return %arg0, %mul3A_0 : i32, i32
  }
  func.func @transform_1(%arg0: i32) -> (i32, i32) {
    %mul3A = arith.constant 0 : i32
    %mul3A_0 = arith.muli %arg0, %mul3A : i32
    %mul3A_1 = arith.constant 0 : i32
    %mul3A_2 = arith.muli %arg0, %mul3A_1 : i32
    %c0_i32 = arith.constant 0 : i32
    return %mul3A_0, %mul3A_2 : i32, i32
  }
  func.func @transform_2(%arg0: i32) -> (i32, i32) {
    %mul3A = arith.constant 0 : i32
    %mul3A_0 = arith.muli %arg0, %mul3A : i32
    %mul3A_1 = arith.constant 0 : i32
    %mul3A_2 = arith.muli %arg0, %mul3A_1 : i32
    %c0_i32 = arith.constant 0 : i32
    return %mul3A_0, %mul3A_2 : i32, i32
  }
  func.func @transform_3(%arg0: i32) -> (i32, i32, i32) {
    %mul3A = arith.constant 0 : i32
    %mul3A_0 = arith.muli %arg0, %mul3A : i32
    %mul3A_1 = arith.constant 0 : i32
    %mul3A_2 = arith.muli %arg0, %mul3A_1 : i32
    %c0_i32 = arith.constant 0 : i32
    return %mul3A_0, %arg0, %mul3A_2 : i32, i32, i32
  }
  func.func @transform_4(%arg0: i32) -> (i32, i32) {
    %mul3A = arith.constant 0 : i32
    %mul3A_0 = arith.muli %arg0, %mul3A : i32
    %c0_i32 = arith.constant 0 : i32
    return %arg0, %mul3A_0 : i32, i32
  }
}

module attributes {stable_mosaic.version = 14 : i64} {
  func.func @_tc2_body(%arg0: i32, %arg1: memref<2x1000x144xf32, #tpu.memory_space<vmem>>, %arg2: memref<1x256xf32, #tpu.memory_space<vmem>>, %arg3: memref<256x64xf32, #tpu.memory_space<vmem>>, %arg4: memref<2x64xf32, #tpu.memory_space<vmem>>, %arg5: memref<1000x64xf32, #tpu.memory_space<vmem>>, %arg6: memref<1000x8xf32, #tpu.memory_space<vmem>>) attributes {dimension_semantics = [#tpu.dimension_semantics<arbitrary>], iteration_bounds = array<i64: 10>, scalar_prefetch = 0 : i64, scratch_operands = 0 : i64, tpu.core_type = #tpu.core_type<tc>, window_params = [{transform_indices = @transform_0, window_bounds = array<i64: 2, 1000, 144>}, {transform_indices = @transform_1, window_bounds = array<i64: 1, 256>}, {transform_indices = @transform_2, window_bounds = array<i64: 256, 64>}, {transform_indices = @transform_3, window_bounds = array<i64: 2, 64>}, {transform_indices = @transform_4, window_bounds = array<i64: 1000, 64>}, {transform_indices = @transform_5, window_bounds = array<i64: 1000, 8>}]} {
    %get3A = arith.constant 0 : index
    %get3A_0 = arith.constant 0 : index
    %get3A_1 = arith.constant 0 : index
    %get3A_2 = vector.load %arg1[%get3A, %get3A_0, %get3A_1] : memref<2x1000x144xf32, #tpu.memory_space<vmem>>, vector<2x1000x144xf32>
    %slice3A = vector.extract_strided_slice %get3A_2 {offsets = [0, 0, 0], sizes = [1, 1000, 144], strides = [1, 1, 1]} : vector<2x1000x144xf32> to vector<1x1000x144xf32>
    %squeeze3A = vector.shape_cast %slice3A : vector<1x1000x144xf32> to vector<1000x144xf32>
    %slice3A_3 = vector.extract_strided_slice %squeeze3A {offsets = [0, 0], sizes = [1000, 128], strides = [1, 1]} : vector<1000x144xf32> to vector<1000x128xf32>
    %slice3A_4 = vector.extract_strided_slice %get3A_2 {offsets = [1, 0, 0], sizes = [1, 1000, 144], strides = [1, 1, 1]} : vector<2x1000x144xf32> to vector<1x1000x144xf32>
    %squeeze3A_5 = vector.shape_cast %slice3A_4 : vector<1x1000x144xf32> to vector<1000x144xf32>
    %slice3A_6 = vector.extract_strided_slice %squeeze3A_5 {offsets = [0, 0], sizes = [1000, 128], strides = [1, 1]} : vector<1000x144xf32> to vector<1000x128xf32>
    %concatenate3A = tpu.concatenate %slice3A_3, %slice3A_6 in 1 : vector<1000x128xf32>, vector<1000x128xf32> -> vector<1000x256xf32>
    %slice3A_7 = vector.extract_strided_slice %get3A_2 {offsets = [0, 0, 0], sizes = [1, 1000, 144], strides = [1, 1, 1]} : vector<2x1000x144xf32> to vector<1x1000x144xf32>
    %squeeze3A_8 = vector.shape_cast %slice3A_7 : vector<1x1000x144xf32> to vector<1000x144xf32>
    %slice3A_9 = vector.extract_strided_slice %squeeze3A_8 {offsets = [0, 128], sizes = [1000, 2], strides = [1, 1]} : vector<1000x144xf32> to vector<1000x2xf32>
    %slice3A_10 = vector.extract_strided_slice %get3A_2 {offsets = [1, 0, 0], sizes = [1, 1000, 144], strides = [1, 1, 1]} : vector<2x1000x144xf32> to vector<1x1000x144xf32>
    %squeeze3A_11 = vector.shape_cast %slice3A_10 : vector<1x1000x144xf32> to vector<1000x144xf32>
    %slice3A_12 = vector.extract_strided_slice %squeeze3A_11 {offsets = [0, 128], sizes = [1000, 2], strides = [1, 1]} : vector<1000x144xf32> to vector<1000x2xf32>
    %concatenate3A_13 = tpu.concatenate %slice3A_9, %slice3A_12 in 1 : vector<1000x2xf32>, vector<1000x2xf32> -> vector<1000x4xf32>
    %broadcast_in_dim3A = vector.shape_cast %concatenate3A_13 : vector<1000x4xf32> to vector<1000x4x1xf32>
    %broadcast_in_dim3A_14 = vector.shape_cast %broadcast_in_dim3A : vector<1000x4x1xf32> to vector<1000x4x1xf32>
    %broadcast_in_dim3A_15 = vector.broadcast %broadcast_in_dim3A_14 : vector<1000x4x1xf32> to vector<1000x4x64xf32>
    %reshape3A = vector.shape_cast %broadcast_in_dim3A_15 : vector<1000x4x64xf32> to vector<1000x256xf32>
    %add3A = arith.constant 1.000000e-16 : f32
    %add3A_16 = vector.broadcast %add3A : f32 to vector<1000x256xf32>
    %add3A_17 = arith.addf %reshape3A, %add3A_16 : vector<1000x256xf32>
    %div3A = arith.divf %concatenate3A, %add3A_17 : vector<1000x256xf32>
    %get3A_18 = arith.constant 0 : index
    %get3A_19 = arith.constant 0 : index
    %get3A_20 = vector.load %arg2[%get3A_18, %get3A_19] : memref<1x256xf32, #tpu.memory_space<vmem>>, vector<1x256xf32>
    %get3A_21 = vector.shape_cast %get3A_20 : vector<1x256xf32> to vector<256xf32>
    %broadcast_in_dim3A_22 = vector.shape_cast %get3A_21 : vector<256xf32> to vector<1x256xf32>
    %add3A_23 = vector.broadcast %broadcast_in_dim3A_22 : vector<1x256xf32> to vector<1000x256xf32>
    %add3A_24 = arith.addf %div3A, %add3A_23 : vector<1000x256xf32>
    %gt3A = arith.constant 0.000000e+00 : f32
    %gt3A_25 = vector.broadcast %gt3A : f32 to vector<1000x256xf32>
    %gt3A_26 = arith.cmpf ogt, %add3A_24, %gt3A_25 : vector<1000x256xf32>
    %exp3A = math.exp %add3A_24 : vector<1000x256xf32>
    %sub3A = arith.constant 1.000000e+00 : f32
    %sub3A_27 = vector.broadcast %sub3A : f32 to vector<1000x256xf32>
    %sub3A_28 = arith.subf %exp3A, %sub3A_27 : vector<1000x256xf32>
    %select_n3A = arith.select %gt3A_26, %add3A_24, %sub3A_28 : vector<1000x256xi1>, vector<1000x256xf32>
    %get3A_29 = arith.constant 0 : index
    %get3A_30 = arith.constant 0 : index
    %get3A_31 = vector.load %arg3[%get3A_29, %get3A_30] : memref<256x64xf32, #tpu.memory_space<vmem>>, vector<256x64xf32>
    %dot_general3A = arith.constant dense<0.000000e+00> : vector<1000x64xf32>
    %dot_general3A_32 = tpu.matmul %select_n3A, %get3A_31, %dot_general3A {dimension_numbers = #tpu.dot_dimension_numbers<[1], [0], [0], [1], [0, 0, 1, 1], [], []>, transpose_lhs_hint = false} : vector<1000x256xf32>, vector<256x64xf32>, vector<1000x64xf32> -> vector<1000x64xf32>
    %get3A_33 = arith.constant 0 : index
    %get3A_34 = arith.constant 0 : index
    %get3A_35 = vector.load %arg4[%get3A_33, %get3A_34] : memref<2x64xf32, #tpu.memory_space<vmem>>, vector<2x64xf32>
    %slice3A_36 = vector.extract_strided_slice %get3A_35 {offsets = [0, 0], sizes = [1, 64], strides = [1, 1]} : vector<2x64xf32> to vector<1x64xf32>
    %squeeze3A_37 = vector.shape_cast %slice3A_36 : vector<1x64xf32> to vector<64xf32>
    %broadcast_in_dim3A_38 = vector.shape_cast %squeeze3A_37 : vector<64xf32> to vector<1x64xf32>
    %mul3A = vector.broadcast %broadcast_in_dim3A_38 : vector<1x64xf32> to vector<1000x64xf32>
    %mul3A_39 = arith.mulf %dot_general3A_32, %mul3A : vector<1000x64xf32>
    %reduce_sum3A = arith.constant dense<0.000000e+00> : vector<1000xf32>
    %reduce_sum3A_40 = vector.multi_reduction <add>, %mul3A_39, %reduce_sum3A [1] : vector<1000x64xf32> to vector<1000xf32>
    %slice3A_41 = vector.extract_strided_slice %get3A_35 {offsets = [1, 0], sizes = [1, 64], strides = [1, 1]} : vector<2x64xf32> to vector<1x64xf32>
    %squeeze3A_42 = vector.shape_cast %slice3A_41 : vector<1x64xf32> to vector<64xf32>
    %broadcast_in_dim3A_43 = vector.shape_cast %squeeze3A_42 : vector<64xf32> to vector<1x64xf32>
    %mul3A_44 = vector.broadcast %broadcast_in_dim3A_43 : vector<1x64xf32> to vector<1000x64xf32>
    %mul3A_45 = arith.mulf %dot_general3A_32, %mul3A_44 : vector<1000x64xf32>
    %reduce_sum3A_46 = arith.constant dense<0.000000e+00> : vector<1000xf32>
    %reduce_sum3A_47 = vector.multi_reduction <add>, %mul3A_45, %reduce_sum3A_46 [1] : vector<1000x64xf32> to vector<1000xf32>
    %swap3A = arith.constant 0 : index
    %swap3A_48 = arith.constant 0 : index
    %swap3A_49 = vector.load %arg5[%swap3A, %swap3A_48] : memref<1000x64xf32, #tpu.memory_space<vmem>>, vector<1000x64xf32>
    tpu.vector_store %arg5[%swap3A, %swap3A_48], %dot_general3A_32 {strides = array<i32>} : memref<1000x64xf32, #tpu.memory_space<vmem>>, vector<1000x64xf32>,
    %broadcast_in_dim3A_50 = vector.shape_cast %reduce_sum3A_40 : vector<1000xf32> to vector<1000x1xf32>
    %broadcast_in_dim3A_51 = vector.shape_cast %reduce_sum3A_47 : vector<1000xf32> to vector<1000x1xf32>
    %broadcast_in_dim3A_52 = arith.constant 0.000000e+00 : f32
    %broadcast_in_dim3A_53 = vector.broadcast %broadcast_in_dim3A_52 : f32 to vector<1000x6xf32>
    %concatenate3A_54 = tpu.concatenate %broadcast_in_dim3A_50, %broadcast_in_dim3A_51, %broadcast_in_dim3A_53 in 1 : vector<1000x1xf32>, vector<1000x1xf32>, vector<1000x6xf32> -> vector<1000x8xf32>
    %swap3A_55 = arith.constant 0 : index
    %swap3A_56 = arith.constant 0 : index
    %swap3A_57 = vector.load %arg6[%swap3A_55, %swap3A_56] : memref<1000x8xf32, #tpu.memory_space<vmem>>, vector<1000x8xf32>
    tpu.vector_store %arg6[%swap3A_55, %swap3A_56], %concatenate3A_54 {strides = array<i32>} : memref<1000x8xf32, #tpu.memory_space<vmem>>, vector<1000x8xf32>,
    return
  }
  func.func @transform_0(%arg0: i32) -> (i32, i32, i32) {
    %mul3A = arith.constant 0 : i32
    %mul3A_0 = arith.muli %arg0, %mul3A : i32
    %mul3A_1 = arith.constant 0 : i32
    %mul3A_2 = arith.muli %arg0, %mul3A_1 : i32
    %c0_i32 = arith.constant 0 : i32
    return %mul3A_0, %arg0, %mul3A_2 : i32, i32, i32
  }
  func.func @transform_1(%arg0: i32) -> (i32, i32) {
    %mul3A = arith.constant 0 : i32
    %mul3A_0 = arith.muli %arg0, %mul3A : i32
    %mul3A_1 = arith.constant 0 : i32
    %mul3A_2 = arith.muli %arg0, %mul3A_1 : i32
    %c0_i32 = arith.constant 0 : i32
    return %mul3A_0, %mul3A_2 : i32, i32
  }
  func.func @transform_2(%arg0: i32) -> (i32, i32) {
    %mul3A = arith.constant 0 : i32
    %mul3A_0 = arith.muli %arg0, %mul3A : i32
    %mul3A_1 = arith.constant 0 : i32
    %mul3A_2 = arith.muli %arg0, %mul3A_1 : i32
    %c0_i32 = arith.constant 0 : i32
    return %mul3A_0, %mul3A_2 : i32, i32
  }
  func.func @transform_3(%arg0: i32) -> (i32, i32) {
    %mul3A = arith.constant 0 : i32
    %mul3A_0 = arith.muli %arg0, %mul3A : i32
    %mul3A_1 = arith.constant 0 : i32
    %mul3A_2 = arith.muli %arg0, %mul3A_1 : i32
    %c0_i32 = arith.constant 0 : i32
    return %mul3A_0, %mul3A_2 : i32, i32
  }
  func.func @transform_4(%arg0: i32) -> (i32, i32) {
    %mul3A = arith.constant 0 : i32
    %mul3A_0 = arith.muli %arg0, %mul3A : i32
    %c0_i32 = arith.constant 0 : i32
    return %arg0, %mul3A_0 : i32, i32
  }
  func.func @transform_5(%arg0: i32) -> (i32, i32) {
    %mul3A = arith.constant 0 : i32
    %mul3A_0 = arith.muli %arg0, %mul3A : i32
    %c0_i32 = arith.constant 0 : i32
    return %arg0, %mul3A_0 : i32, i32
  }
}

module attributes {stable_mosaic.version = 14 : i64} {
  func.func @_tc3_body(%arg0: i32, %arg1: memref<2x1000x80xf32, #tpu.memory_space<vmem>>, %arg2: memref<1x64xf32, #tpu.memory_space<vmem>>, %arg3: memref<1000x64xf32, #tpu.memory_space<vmem>>) attributes {dimension_semantics = [#tpu.dimension_semantics<arbitrary>], iteration_bounds = array<i64: 10>, scalar_prefetch = 0 : i64, scratch_operands = 0 : i64, tpu.core_type = #tpu.core_type<tc>, window_params = [{transform_indices = @transform_0, window_bounds = array<i64: 2, 1000, 80>}, {transform_indices = @transform_1, window_bounds = array<i64: 1, 64>}, {transform_indices = @transform_2, window_bounds = array<i64: 1000, 64>}]} {
    %get3A = arith.constant 0 : index
    %get3A_0 = arith.constant 0 : index
    %get3A_1 = arith.constant 0 : index
    %get3A_2 = vector.load %arg1[%get3A, %get3A_0, %get3A_1] : memref<2x1000x80xf32, #tpu.memory_space<vmem>>, vector<2x1000x80xf32>
    %slice3A = vector.extract_strided_slice %get3A_2 {offsets = [0, 0, 0], sizes = [1, 1000, 80], strides = [1, 1, 1]} : vector<2x1000x80xf32> to vector<1x1000x80xf32>
    %squeeze3A = vector.shape_cast %slice3A : vector<1x1000x80xf32> to vector<1000x80xf32>
    %slice3A_3 = vector.extract_strided_slice %squeeze3A {offsets = [0, 0], sizes = [1000, 64], strides = [1, 1]} : vector<1000x80xf32> to vector<1000x64xf32>
    %slice3A_4 = vector.extract_strided_slice %get3A_2 {offsets = [1, 0, 0], sizes = [1, 1000, 80], strides = [1, 1, 1]} : vector<2x1000x80xf32> to vector<1x1000x80xf32>
    %squeeze3A_5 = vector.shape_cast %slice3A_4 : vector<1x1000x80xf32> to vector<1000x80xf32>
    %slice3A_6 = vector.extract_strided_slice %squeeze3A_5 {offsets = [0, 0], sizes = [1000, 64], strides = [1, 1]} : vector<1000x80xf32> to vector<1000x64xf32>
    %add3A = arith.addf %slice3A_3, %slice3A_6 : vector<1000x64xf32>
    %slice3A_7 = vector.extract_strided_slice %get3A_2 {offsets = [0, 0, 0], sizes = [1, 1000, 80], strides = [1, 1, 1]} : vector<2x1000x80xf32> to vector<1x1000x80xf32>
    %squeeze3A_8 = vector.shape_cast %slice3A_7 : vector<1x1000x80xf32> to vector<1000x80xf32>
    %slice3A_9 = vector.extract_strided_slice %squeeze3A_8 {offsets = [0, 64], sizes = [1000, 1], strides = [1, 1]} : vector<1000x80xf32> to vector<1000x1xf32>
    %slice3A_10 = vector.extract_strided_slice %get3A_2 {offsets = [1, 0, 0], sizes = [1, 1000, 80], strides = [1, 1, 1]} : vector<2x1000x80xf32> to vector<1x1000x80xf32>
    %squeeze3A_11 = vector.shape_cast %slice3A_10 : vector<1x1000x80xf32> to vector<1000x80xf32>
    %slice3A_12 = vector.extract_strided_slice %squeeze3A_11 {offsets = [0, 64], sizes = [1000, 1], strides = [1, 1]} : vector<1000x80xf32> to vector<1000x1xf32>
    %add3A_13 = arith.addf %slice3A_9, %slice3A_12 : vector<1000x1xf32>
    %add3A_14 = arith.constant 1.000000e-16 : f32
    %add3A_15 = vector.broadcast %add3A_14 : f32 to vector<1000x1xf32>
    %add3A_16 = arith.addf %add3A_13, %add3A_15 : vector<1000x1xf32>
    %div3A = vector.broadcast %add3A_16 : vector<1000x1xf32> to vector<1000x64xf32>
    %div3A_17 = arith.divf %add3A, %div3A : vector<1000x64xf32>
    %get3A_18 = arith.constant 0 : index
    %get3A_19 = arith.constant 0 : index
    %get3A_20 = vector.load %arg2[%get3A_18, %get3A_19] : memref<1x64xf32, #tpu.memory_space<vmem>>, vector<1x64xf32>
    %get3A_21 = vector.shape_cast %get3A_20 : vector<1x64xf32> to vector<64xf32>
    %broadcast_in_dim3A = vector.shape_cast %get3A_21 : vector<64xf32> to vector<1x64xf32>
    %add3A_22 = vector.broadcast %broadcast_in_dim3A : vector<1x64xf32> to vector<1000x64xf32>
    %add3A_23 = arith.addf %div3A_17, %add3A_22 : vector<1000x64xf32>
    %swap3A = arith.constant 0 : index
    %swap3A_24 = arith.constant 0 : index
    %swap3A_25 = vector.load %arg3[%swap3A, %swap3A_24] : memref<1000x64xf32, #tpu.memory_space<vmem>>, vector<1000x64xf32>
    tpu.vector_store %arg3[%swap3A, %swap3A_24], %add3A_23 {strides = array<i32>} : memref<1000x64xf32, #tpu.memory_space<vmem>>, vector<1000x64xf32>,
    return
  }
  func.func @transform_0(%arg0: i32) -> (i32, i32, i32) {
    %mul3A = arith.constant 0 : i32
    %mul3A_0 = arith.muli %arg0, %mul3A : i32
    %mul3A_1 = arith.constant 0 : i32
    %mul3A_2 = arith.muli %arg0, %mul3A_1 : i32
    %c0_i32 = arith.constant 0 : i32
    return %mul3A_0, %arg0, %mul3A_2 : i32, i32, i32
  }
  func.func @transform_1(%arg0: i32) -> (i32, i32) {
    %mul3A = arith.constant 0 : i32
    %mul3A_0 = arith.muli %arg0, %mul3A : i32
    %mul3A_1 = arith.constant 0 : i32
    %mul3A_2 = arith.muli %arg0, %mul3A_1 : i32
    %c0_i32 = arith.constant 0 : i32
    return %mul3A_0, %mul3A_2 : i32, i32
  }
  func.func @transform_2(%arg0: i32) -> (i32, i32) {
    %mul3A = arith.constant 0 : i32
    %mul3A_0 = arith.muli %arg0, %mul3A : i32
    %c0_i32 = arith.constant 0 : i32
    return %arg0, %mul3A_0 : i32, i32
  }
}

</mosaic_0001>

<sc_bundles>
// kernel: kernel.10.cloned.1.call-start
scs
__scs_entry_jumppad:
0x0: {  	(pc) =	sbr.rel $0x88, $3  }
0x1: {  	(tag) =	ssettag $0x0;
	lr =	simm.s32 $0x1  }
0x2: {  	[smem:$0x3F97] =	sst lr;
	_ =	strace $0xD0000000  }
0x3: {  	_ = 	snop  }
0x4: {  	_ = 	snop  }
0x5: {  	_ = 	snop  }
0x6: {  	_ = 	snop  }
0x7: {  	_ = 	snop  }
__scs_overlays_trampoline_lowered:
0x8: {  	[smem:$0x3FA6] =	sst s0  }
0x9: {  	[smem:$0x3FA7] =	sst s1  }
0xa: {  	[smem:$0x3FA8] =	sst s2  }
0xb: {  	[smem:$0x3FA9] =	sst s3  }
0xc: {  	[smem:$0x3FAA] =	sst s4  }
0xd: {  	[smem:$0x3FAB] =	sst s5  }
0xe: {  	[smem:$0x3FAC] =	sst s6  }
0xf: {  	[smem:$0x3FAD] =	sst s7  }
0x10: {  	[smem:$0x3FAE] =	sst s8  }
0x11: {  	[smem:$0x3FAF] =	sst s9;
	s0 =	simm.s32 @!p0 $0x0  }
0x12: {  	s1 =	sld [smem:$0x3F95];
	s0 =	simm.s32 @p0 $0x1  }
0x13: {  	[smem:$0x3FB0] =	sst s0;
	s0 =	simm.s32 @!p1 $0x0  }
0x14: {  	s2 =	sld [smem:$0x3F94];
	s0 =	simm.s32 @p1 $0x1  }
0x15: {  	[smem:$0x3FB1] =	sst s0;
	s0 =	simm.s32 @!p2 $0x0  }
0x16: {  	s3 =	sld [smem:$0x3FDB];
	s0 =	simm.s32 @p2 $0x1  }
0x17: {  	s4 =	simm.s32 $0x1BF5;
	[smem:$0x3FB3] =	sst s0  }
0x18: {  	s0 =	sld [smem:$0x3F96];
	_ =	swait.ge [sflag:s4], $0x0  }
0x19: {  	s7 =	sld [smem:$0x3F97]  }
0x1a: {  	s8 =	sadd.s32 $0xFFFFE003, lr  }
0x1b: {  	s9 =	sadd.s32 $0xFFFFFEF7, lr;
	s5 =	simm.s32 $0xFFFFFFFF;
	p2 =	slt.u32 s8, $0xFFFFF086  }
0x1c: {  	p1 =	slt.u32 s9, $0xF7A;
	s5 =	simm.s32 @!p2 $0x0  }
0x1d: {  	s5 =	simm.s32 @p1 $0x1;
	p0 =	seq.s32 s7, s2  }
0x1e: {  	s7 =	smul.u32 @!p0 $0xF7A, s2;
	p2 =	seq.s32 @!p0 s5, $0x0  }
0x1f: {  	s9 =	smul.u32 $0xF7A, s1;
	s8 =	simm.s32 @!p0 $0x1BF5;
	p2 =	por !p2, p0  }
0x20: {  	[sflag:s8] =	ssyncset.s32 @!p0 $0xFFFFF086;
	s6 =	sadd.s32 @!p0 s3, s7;
	s7 =	simm.s32 @!p0 $0x108  }
0x21: {  	s3 =	sadd.s32 s3, s9;
	s6 =	sadd.s32 @!p0 $0x88, s6;
	s7 =	simm.s32 @p2 $0x1082  }
0x22: {  	[simem:s7], [sflag:s8] =	dma.local @!p0 [hbm:s6], $0xF7A  }
0x23: {  	s9 =	sor.u32 $0xD0000000, s2;
	s6 =	simm.s32 $0x108;
	_ =	swait.ge @!p0 [sflag:s8], $0x0  }
0x24: {  	s3 =	sadd.s32 $0x88, s3;
	s6 =	simm.s32 @!p1 $0x1082;
	[sflag:s4] =	ssyncset.s32 $0xFFFFF086  }
0x25: {  	[simem:s6], [sflag:s4] =	dma.local [hbm:s3], $0xF7A  }
0x26: {  	[smem:$0x3F97] =	sst s1;
	(tag) =	ssettag s2;
	_ =	strace s9  }
0x27: {  	s1 =	sld [smem:$0x3FA7]  }
0x28: {  	s2 =	sld [smem:$0x3FA8]  }
0x29: {  	s4 =	sld [smem:$0x3FAA]  }
0x2a: {  	p0 =	seq.s32 s5, $0x0;
	s5 =	sld [smem:$0x3FAB]  }
0x2b: {  	s6 =	sld [smem:$0x3FAC]  }
0x2c: {  	s7 =	sld [smem:$0x3FAD]  }
0x2d: {  	s3 =	simm.s32 $0x108;
	s8 =	sld [smem:$0x3FAE]  }
0x2e: {  	s3 =	simm.s32 @!p0 $0x1082;
	s9 =	sld [smem:$0x3FAF]  }
0x2f: {  	lr =	sadd.s32 s0, s3;
	s0 =	sld [smem:$0x3FA6]  }
0x30: {  	s3 =	sld [smem:$0x3FA9]  }
0x31: {  	[smem:$0x3FB2] =	sst s10  }
0x32: {  	s10 =	sld [smem:$0x3FB0];
	_ =	sdelay $0x3  }
0x33: {  	p0 =	seq.s32 s10, $0x1;
	s10 =	sld [smem:$0x3FB2];
	_ =	sdelay $0x3  }
0x34: {  	[smem:$0x3FB2] =	sst s10  }
0x35: {  	s10 =	sld [smem:$0x3FB1];
	_ =	sdelay $0x3  }
0x36: {  	p1 =	seq.s32 s10, $0x1;
	s10 =	sld [smem:$0x3FB2];
	_ =	sdelay $0x3  }
0x37: {  	[smem:$0x3FB2] =	sst s10  }
0x38: {  	s10 =	sld [smem:$0x3FB3]  }
0x39: {  	_ = 	snop;
	(pc) =	sbr.ind lr, $3  }
0x3a: {  	_ = 	snop  }
0x3b: {  	_ = 	snop  }
0x3c: {  	p2 =	seq.s32 s10, $0x1;
	s10 =	sld [smem:$0x3FB2]  }
0x3d: {  	_ =	shalt  }
0x3e: {  	_ =	shalt  }
0x3f: {  	_ =	shalt  }
0x40: {  	_ =	shalt  }
0x41: {  	_ =	shalt  }
0x42: {  	_ =	shalt  }
0x43: {  	_ =	shalt  }
0x44: {  	_ =	shalt  }
0x45: {  	_ =	shalt  }
0x46: {  	_ =	shalt  }
0x47: {  	_ =	shalt  }
0x48: {  	_ =	shalt  }
0x49: {  	_ =	shalt  }
0x4a: {  	_ =	shalt  }
0x4b: {  	_ =	shalt  }
0x4c: {  	_ =	shalt  }
0x4d: {  	_ =	shalt  }
0x4e: {  	_ =	shalt  }
0x4f: {  	_ =	shalt  }
0x50: {  	_ =	shalt  }
0x51: {  	_ =	shalt  }
0x52: {  	_ =	shalt  }
0x53: {  	_ =	shalt  }
0x54: {  	_ =	shalt  }
0x55: {  	_ =	shalt  }
0x56: {  	_ =	shalt  }
0x57: {  	_ =	shalt  }
0x58: {  	_ =	shalt  }
0x59: {  	_ =	shalt  }
0x5a: {  	_ =	shalt  }
0x5b: {  	_ =	shalt  }
0x5c: {  	_ =	shalt  }
0x5d: {  	_ =	shalt  }
0x5e: {  	_ =	shalt  }
0x5f: {  	_ =	shalt  }
0x60: {  	_ =	shalt  }
0x61: {  	_ =	shalt  }
0x62: {  	_ =	shalt  }
0x63: {  	_ =	shalt  }
0x64: {  	_ =	shalt  }
0x65: {  	_ =	shalt  }
0x66: {  	_ =	shalt  }
0x67: {  	_ =	shalt  }
0x68: {  	_ =	shalt  }
0x69: {  	_ =	shalt  }
0x6a: {  	_ =	shalt  }
0x6b: {  	_ =	shalt  }
0x6c: {  	_ =	shalt  }
0x6d: {  	_ =	shalt  }
0x6e: {  	_ =	shalt  }
0x6f: {  	_ =	shalt  }
0x70: {  	_ =	shalt  }
0x71: {  	_ =	shalt  }
0x72: {  	_ =	shalt  }
0x73: {  	_ =	shalt  }
0x74: {  	_ =	shalt  }
0x75: {  	_ =	shalt  }
0x76: {  	_ =	shalt  }
0x77: {  	_ =	shalt  }
0x78: {  	_ =	shalt  }
0x79: {  	_ =	shalt  }
0x7a: {  	_ =	shalt  }
0x7b: {  	_ =	shalt  }
0x7c: {  	_ =	shalt  }
0x7d: {  	_ =	shalt  }
0x7e: {  	_ =	shalt  }
0x7f: {  	_ =	shalt  }
0x80: {  	_ =	shalt  }
0x81: {  	_ =	shalt  }
0x82: {  	_ =	shalt  }
0x83: {  	_ =	shalt  }
0x84: {  	_ =	shalt  }
0x85: {  	_ =	shalt  }
0x86: {  	_ =	shalt  }
0x87: {  	_ =	shalt  }
.Lfunc_end0:
.L_simem_size_0:
called_computation.1_lowered:
.L_overlay_start_0:
0x88: {  	s2 =	sld [smem:$0x3FD9]  }
0x89: {  	s3 =	sld [smem:$0x3FFE];
	_ =	sdelay $0x1  }
0x8a: {  	s1 =	srdreg.scid  }
0x8b: {  	s0 =	sand.u32 $0x1, s1  }
0x8c: {  	s17 =	sshll.u32 s0, $0xA;
	s2 =	sadd.s32 s3, s2  }
0x8d: {  	s2 =	sadd.s32 s2, s17  }
0x8e: {  	[smem:$0x3FBE] =	sst s2  }
0x8f: {  	_ = 	snop  }
0x90: {  	s2 =	sld [smem:$0x3FD0];
	(tm) =	ssettm $0x1  }
0x91: {  	s18 =	sld [smem:$0x3FFB];
	_ =	sdelay $0x3  }
0x92: {  	_ =	strace s18  }
0x93: {  	s3 =	sld [smem:$0x3FFC];
	_ =	sdelay $0x3  }
0x94: {  	_ =	strace s3  }
0x95: {  	s3 =	sld [smem:$0x3FFD];
	_ =	sdelay $0x3  }
0x96: {  	_ =	strace s3  }
0x97: {  	_ =	strace $0x8FFFFFFF  }
0x98: {  	s19 =	sld [smem:$0x3FDB];
	_ =	sdelay $0x1  }
0x99: {  	s4 =	simm.s32 $_scs_section_size  }
0x9a: {  	s5 =	simm.s32 $_size__tile_overlayer_lowered;
	s6 =	simm.s32 $_tile_overlayer_lowered  }
0x9b: {  	s22 =	simm.s32 $0x1BFF;
	s21 =	sshll.u32 s6, $0x1;
	s3 =	sadd.s32 s4, s19  }
0x9c: {  	s7 =	simm.s32 $0x0;
	s20 =	sshll.u32 s5, $0x1;
	s5 =	sadd.s32 s21, s3  }
0x9d: {  	[timem:s7], [sflag:s22] =	dma.local [hbm:s5], s20  }
0x9e: {  	_ =	swait.ge [sflag:s22], s20  }
0x9f: {  	s4 =	ssub.s32 $0x0, s20;
	[sflag:s22] =	ssyncset.done $0x0  }
0xa0: {  	[sflag:s22] =	ssyncadd.s32 s4;
	_ =	sdelay $0x1  }
0xa1: {  	s23 =	simm.s32 $0x1B8B  }
0xa2: {  	_ =	swait.ge [sflag:s23], $0x1  }
0xa3: {  	[sflag:s23] =	ssyncset.done $0x0  }
0xa4: {  	s25 =	simm.s32 $0x1B8E;
	s24 =	sld [smem:$0x3FFE];
	[sflag:s23] =	ssyncadd.s32 $0xFFFFFFFF  }
0xa5: {  	s26 =	simm.s32 $execute0_lowered;
	[smem:$0x3FD2] =	sst s25  }
0xa6: {  	s5 =	sshll.u32 s26, $0x1;
	_ =	strace $0x80000049;
	[dreg:$0x1] =	wrdreg $0xFFFFFFFF  }
0xa7: {  	s28 =	simm.s32 $_size_execute0_lowered;
	s3 =	sadd.s32 s3, s5;
	[dreg:$0x0] =	wrdreg $0x0  }
0xa8: {  	s5 =	sshll.u32 s28, $0x1;
	[dreg:$0x2] =	wrdreg s3  }
0xa9: {  	[dreg:$0x3] =	wrdreg s5  }
0xaa: {  	[dreg:$0x4] =	wrdreg $0xC0  }
0xab: {  	_ =	task [dreg:s7], $0x5FFFF  }
0xac: {  	[dreg:$0x1] =	wrdreg $0xFFFFFFFF  }
0xad: {  	[dreg:$0x0] =	wrdreg $0x60  }
0xae: {  	[dreg:$0x2] =	wrdreg s2  }
0xaf: {  	[dreg:$0x3] =	wrdreg s24  }
0xb0: {  	[dreg:$0x4] =	wrdreg $0x8B000  }
0xb1: {  	[dreg:$0x5] =	wrdreg $0x9  }
0xb2: {  	_ =	task.clear_ibuf [dreg:s7], $0x6FFFF;
	_ =	strace $0x90000049  }
0xb3: {  	s29 =	simm.s32 $0x9;
	_ =	strace $0x8000004B  }
0xb4: {  	_ =	swait.ge [sflag:s29], $0x1  }
0xb5: {  	[sflag:s29] =	ssyncadd.s32 $0xFFFFFFFF  }
0xb6: {  	_ =	strace $0x9000004B  }
0xb7: {  	_ =	sfence  }
0xb8: {  	s30 =	sld [smem:$0x0];
	_ =	sdelay $0x2  }
0xb9: {  	s31 =	sshll.u32 s1, $0xD;
	s1 =	sshrl.u32 s1, $0x2  }
0xba: {  	s3 =	sand.u32 $0x4000, s31;
	s1 =	sadd.s32 s1, s30  }
0xbb: {  	s0 =	sor.u32 s3, s0;
	s1 =	sshll.u32 s1, $0x11  }
0xbc: {  	s0 =	sor.u32 s1, s0  }
0xbd: {  	s0 =	sadd.s32 $0x8F2B, s0  }
0xbe: {  	[sflag:s0] =	ssyncadd.remote.s32 $0x1  }
0xbf: {  	_ =	sfence.sel $0xFFFF  }
0xc0: {  	[dreg:$0x0] =	wrdreg $0xFFFFFFFF;
	(pc) =	sbr.abs _section_cstart, $3  }
0xc1: {  	[dreg:$0x1] =	wrdreg $0xFFFFFFFF  }
0xc2: {  	_ =	task.clear_ibuf [dreg:s7], $0x2FFFF;
	_ =	strace $0x9FFFFFFF  }
0xc3: {  	(tm) =	ssettm $0x7FFFFFFF  }
tec
execute0_lowered:
.L_overlay_start_1:
0x0: {  	(tag) =	ssettag $0x1  }
0x1: {  	s24 =	rddreg [dreg:$0x0]  }
0x2: {  	s0 =	rddreg [dreg:$0x1]  }
0x3: {  	s15 =	rddreg [dreg:$0x2];
	s4 =	simm.s32 $0x0;
	s1 =	srdreg.scid  }
0x4: {  	s14 =	stileid.u32;
	s28 =	simm.s32 $0x6300;
	s29 =	simm.s32 $0x5  }
0x5: {  	s30 =	simm.s32 $0x100;
	[smem:$0x7FF] =	sst s4;
	s2 =	smul.u32 $0xC800, s14  }
0x6: {  	s1 =	sand.u32 $0x1, s1;
	s5 =	sadd.s32 $0x103800, s0;
	s11 =	smul.u32 $0x32000, s14  }
0x7: {  	s6 =	sadd.s32 $0x2800, s0;
	s7 =	sadd.s32 $0x16A00, s0;
	s13 =	smul.u32 $0x2800, s14  }
0x8: {  	s8 =	sadd.s32 $0x11A00, s0;
	s9 =	sadd.s32 $0xCA00, s0;
	s21 =	smul.u32 $0x50, s14  }
0x9: {  	s14 =	simm.s32 $0x4300;
	s3 =	smul.u32 $0xC8000, s1;
	s23 =	ssub.s32 $0x2, s1  }
0xa: {  	_ =	strace $0x8000004A;
	s10 =	smul.u32 $0x28000, s1;
	s12 =	sshrl.u32 s23, $0x1  }
0xb: {  	s11 =	sshrl.u32 s11, $0x2;
	s20 =	sadd.s32 s2, s15;
	s3 =	sadd.s32 s2, s3  }
0xc: {  	s25 =	sadd.s32 s11, s15;
	s11 =	smul.u32 $0x50100, s1;
	s31 =	sadd.s32 s13, s10  }
0xd: {  	[dreg:$0x4] =	wrdreg s20;
	s3 =	sshrl.u32 s3, $0x3;
	s26 =	sadd.s32 $0x2800, s25  }
0xe: {  	s13 =	sadd.s32 $0x5000, s25;
	s15 =	sadd.s32 $0x7800, s25;
	[dreg:$0x5] =	wrdreg s26  }
0xf: {  	s17 =	sor.u32 $0x80, s31;
	s1 =	sshrl.u32 s31, $0x3;
	[dreg:$0x6] =	wrdreg s13  }
0x10: {  	s0 =	sadd.s32 s3, s0;
	s3 =	ssub.s32 s23, s12;
	[dreg:$0x7] =	wrdreg s15  }
0x11: {  	s16 =	sadd.s32 s11, s31;
	s12 =	sadd.s32 $0xA000, s25;
	s19 =	sadd.s32 s11, s17  }
0x12: {  	s1 =	sadd.s32 s6, s1;
	s23 =	sshrl.u32 s17, $0x3;
	s25 =	sor.u32 $0x2, s21  }
0x13: {  	s26 =	sor.u32 $0x3, s21;
	s15 =	simm.s32 $0x5300;
	[dreg:$0x8] =	wrdreg s12  }
0x14: {  	s13 =	simm.s32 $0x180;
	s17 =	simm.s32 $0x280;
	[dreg:$0xb] =	wrdreg s1  }
0x15: {  	s21 =	simm.s32 $0x4B00;
	s2 =	sshrl.u32 s16, $0x3;
	[dreg:$0xf] =	wrdreg s25  }
0x16: {  	v1 =	vlaneseq.u32;
	s1 =	sadd.s32 s6, s23;
	[dreg:$0x10] =	wrdreg s26;
	s0 =	sadd.s32 $0x2A400, s0  }
0x17: {  	v0 =	vmul.u32 $0x10, v1;
	v16 =	vmul.u32 $0x50, v1;
	s31 =	smax.u32 s3, $0x1;
	s16 =	simm.s32 $0x200;
	[dreg:$0xe] =	wrdreg s1  }
0x18: {  	v1 =	vimm.f32 $0.0e+00;
	s25 =	simm.s32 $0x4;
	s3 =	simm.s32 $0x0;
	[dreg:$0x11] =	wrdreg s0  }
0x19: {  	v2 =	vadd.s32 $0x40, v16;
	v3 =	vor.u32 $0x100, v0;
	v4 =	vadd.s32 $0x540, v16;
	s18 =	sadd.s32 s24, s2;
	s2 =	sadd.s32 s5, s2;
	[dreg:$0x12] =	wrdreg s31  }
0x1a: {  	v5 =	vor.u32 $0x200, v0;
	v6 =	vadd.s32 $0xA40, v16;
	v7 =	vor.u32 $0x300, v0;
	s0 =	simm.s32 $0x1;
	[dreg:$0xa] =	wrdreg s2;
	s2 =	sshrl.u32 s19, $0x3  }
0x1b: {  	v8 =	vadd.s32 $0xF40, v16;
	v9 =	vor.u32 $0x400, v0;
	v10 =	vadd.s32 $0x1440, v16;
	[dreg:$0x9] =	wrdreg s18;
	s18 =	simm.s32 $0x3;
	s22 =	sadd.s32 s24, s2  }
0x1c: {  	v11 =	vor.u32 $0x500, v0;
	v12 =	vadd.s32 $0x1940, v16;
	v13 =	vor.u32 $0x600, v0;
	s19 =	simm.s32 $0x2;
	s2 =	sadd.s32 s5, s2;
	[dreg:$0xc] =	wrdreg s22  }
0x1d: {  	v14 =	vadd.s32 $0x1E40, v16;
	v15 =	vor.u32 $0x700, v0;
	v16 =	vadd.s32 $0x2340, v16;
	[dreg:$0xd] =	wrdreg s2;
	s2 =	simm.s32 $0x80;
	s22 =	simm.s32 $0x5B00  }
.LBB2_1:
0x1e: {  	[dreg:$0x13] =	wrdreg s3;
	s3 =	simm.s32 $0x140;
	s1 =	simm.s32 $0x0  }
.LBB2_2:
0x1f: {  	p0 =	sne.s32 s3, $0x9EC0;
	[tilespmem:s1+$0x6340] =	vst v1;
	s12 =	smov.u32 s3;
	s3 =	sadd.s32 $0x140, s3  }
.Ltmp0:
0x20: {  	[tilespmem:s1+$0x6330] =	vst v1;
	(pc) =	sbr.rel @p0 .LBB2_2-.Ltmp0, $4  }
0x21: {  	[tilespmem:s1+$0x6320] =	vst v1  }
0x22: {  	[tilespmem:s1+$0x6300] =	vst v1  }
0x23: {  	[tilespmem:s1+$0x6310] =	vst v1  }
0x24: {  	s1 =	sshra.s32 s12, $0x2  }
0x25: {  	[tilespmem:s1+$0x6340] =	vst v1  }
0x26: {  	[tilespmem:s1+$0x6330] =	vst v1  }
0x27: {  	[tilespmem:s1+$0x6320] =	vst v1  }
0x28: {  	[tilespmem:s1+$0x6300] =	vst v1  }
0x29: {  	[tilespmem:s1+$0x6310] =	vst v1  }
0x2a: {  	[spmem:s20] =	stream.linear.scatter [tilespmem:s28], [sflag:$0x5], $0x2800, $0x38;
	[tilespmem:$0x15300] =	vst v63  }
0x2b: {  	_ =	swait.ge [sflag:s29], $0x2800  }
0x2c: {  	[sflag:s29] =	ssyncset.done $0x0  }
0x2d: {  	s3 =	rddreg [dreg:$0x5];
	[sflag:s29] =	ssyncadd.s32 $0xFFFFD800  }
0x2e: {  	[spmem:s3] =	stream.linear.scatter [tilespmem:s28], [sflag:$0x5], $0x2800, $0x38;
	[tilespmem:$0x15300] =	vst v63  }
0x2f: {  	_ =	swait.ge [sflag:s29], $0x2800  }
0x30: {  	[sflag:s29] =	ssyncset.done $0x0  }
0x31: {  	s12 =	rddreg [dreg:$0x6];
	[sflag:s29] =	ssyncadd.s32 $0xFFFFD800  }
0x32: {  	[spmem:s12] =	stream.linear.scatter [tilespmem:s28], [sflag:$0x5], $0x2800, $0x38;
	[tilespmem:$0x15300] =	vst v63  }
0x33: {  	_ =	swait.ge [sflag:s29], $0x2800  }
0x34: {  	[sflag:s29] =	ssyncset.done $0x0  }
0x35: {  	s20 =	rddreg [dreg:$0x7];
	[sflag:s29] =	ssyncadd.s32 $0xFFFFD800  }
0x36: {  	[spmem:s20] =	stream.linear.scatter [tilespmem:s28], [sflag:$0x5], $0x2800, $0x38;
	[tilespmem:$0x15300] =	vst v63  }
0x37: {  	_ =	swait.ge [sflag:s29], $0x2800  }
0x38: {  	[sflag:s29] =	ssyncset.done $0x0  }
0x39: {  	s23 =	rddreg [dreg:$0x8];
	[sflag:s29] =	ssyncadd.s32 $0xFFFFD800  }
0x3a: {  	[spmem:s23] =	stream.linear.scatter [tilespmem:s28], [sflag:$0x5], $0x2800, $0x38;
	[tilespmem:$0x15300] =	vst v63  }
0x3b: {  	_ =	swait.ge [sflag:s29], $0x2800  }
0x3c: {  	[sflag:s29] =	ssyncset.done $0x0  }
0x3d: {  	[sflag:s29] =	ssyncadd.s32 $0xFFFFD800  }
0x3e: {  	[bflag:$0x0] =	sbarrier.arrive $0xFFFF  }
0x3f: {  	s12 =	simm.s32 $0x0;
	s26 =	rddreg [dreg:$0x9]  }
0x40: {  	[tilespmem:s12], [sflag:$0x1] =	stream.linear.gather [hbm4b:s26+s12], $0x80, $0x38;
	[tilespmem:$0x15300] =	vst v63  }
0x41: {  	s31 =	rddreg [dreg:$0xa]  }
0x42: {  	[tilespmem:s30], [sflag:$0x1] =	stream.linear.gather [hbm4b:s31+s12], $0x80, $0x38;
	[tilespmem:$0x15300] =	vst v63  }
0x43: {  	s3 =	rddreg [dreg:$0xb]  }
0x44: {  	[tilespmem:s16], [sflag:$0x1] =	stream.linear.gather [hbm4b:s3+s12], $0x80, $0x38;
	[tilespmem:$0x15300] =	vst v63  }
0x45: {  	_ =	swait.ge [sflag:s0], $0x80  }
0x46: {  	[sflag:s0] =	ssyncset.done $0x0  }
0x47: {  	[sflag:s0] =	ssyncadd.s32 $0xFFFFFF80  }
0x48: {  	_ =	swait.ge [sflag:s0], $0x80  }
0x49: {  	[sflag:s0] =	ssyncset.done $0x0  }
0x4a: {  	[sflag:s0] =	ssyncadd.s32 $0xFFFFFF80  }
0x4b: {  	_ =	swait.ge [sflag:s0], $0x80  }
0x4c: {  	[sflag:s0] =	ssyncset.done $0x0  }
0x4d: {  	s20 =	simm.s32 $0x300;
	[sflag:s0] =	ssyncadd.s32 $0xFFFFFF80  }
0x4e: {  	[tilespmem:s20], [sflag:$0x3] =	stream.indirect.gather [hbm4b:s7+s2], $0x40, s12, s2, $0xb8;
	[tilespmem:$0x15300] =	vst v63  }
0x4f: {  	_ = 	snop  }
0x50: {  	[tilespmem:s14], [sflag:$0x3] =	stream.indirect.gather [hbm4b:s8+s2], $0x10, s12, s2, $0xb8;
	[tilespmem:$0x15300] =	vst v63  }
0x51: {  	_ = 	snop  }
0x52: {  	[tilespmem:s15], [sflag:$0x3] =	stream.indirect.gather [hbm4b:s9+s2], $0x10, s30, s2, $0xb8;
	[tilespmem:$0x15300] =	vst v63  }
0x53: {  	s23 =	rddreg [dreg:$0xc]  }
0x54: {  	[tilespmem:s2], [sflag:$0x2] =	stream.linear.gather [hbm4b:s23+s12], $0x80, $0x38;
	[tilespmem:$0x15300] =	vst v63  }
0x55: {  	s26 =	rddreg [dreg:$0xd]  }
0x56: {  	[tilespmem:s13], [sflag:$0x2] =	stream.linear.gather [hbm4b:s26+s12], $0x80, $0x38;
	[tilespmem:$0x15300] =	vst v63  }
0x57: {  	s31 =	rddreg [dreg:$0xe]  }
0x58: {  	[tilespmem:s17], [sflag:$0x2] =	stream.linear.gather [hbm4b:s31+s12], $0x80, $0x38;
	[tilespmem:$0x15300] =	vst v63  }
.LBB2_4:
0x59: {  	_ =	swait.ge [sflag:s18], $0x2000  }
0x5a: {  	[sflag:s18] =	ssyncset.done $0x0  }
0x5b: {  	[sflag:s18] =	ssyncadd.s32 $0xFFFFE000  }
0x5c: {  	_ =	swait.ge [sflag:s18], $0x800  }
0x5d: {  	[sflag:s18] =	ssyncset.done $0x0  }
0x5e: {  	[sflag:s18] =	ssyncadd.s32 $0xFFFFF800  }
0x5f: {  	_ =	swait.ge [sflag:s18], $0x800  }
0x60: {  	[sflag:s18] =	ssyncset.done $0x0  }
0x61: {  	[sflag:s18] =	ssyncadd.s32 $0xFFFFF800  }
0x62: {  	_ =	swait.ge [sflag:s19], $0x80  }
0x63: {  	[sflag:s19] =	ssyncset.done $0x0  }
0x64: {  	[sflag:s19] =	ssyncadd.s32 $0xFFFFFF80  }
0x65: {  	_ =	swait.ge [sflag:s19], $0x80  }
0x66: {  	[sflag:s19] =	ssyncset.done $0x0  }
0x67: {  	[sflag:s19] =	ssyncadd.s32 $0xFFFFFF80  }
0x68: {  	_ =	swait.ge [sflag:s19], $0x80  }
0x69: {  	[sflag:s19] =	ssyncset.done $0x0  }
0x6a: {  	s1 =	simm.s32 $0x2300;
	[sflag:s19] =	ssyncadd.s32 $0xFFFFFF80  }
0x6b: {  	[tilespmem:s1], [sflag:$0x4] =	stream.indirect.gather [hbm4b:s7+s2], $0x40, s2, s2, $0xb8;
	[tilespmem:$0x15300] =	vst v63  }
0x6c: {  	_ = 	snop  }
0x6d: {  	[tilespmem:s21], [sflag:$0x4] =	stream.indirect.gather [hbm4b:s8+s2], $0x10, s2, s2, $0xb8;
	[tilespmem:$0x15300] =	vst v63  }
0x6e: {  	_ = 	snop  }
0x6f: {  	[tilespmem:s22], [sflag:$0x4] =	stream.indirect.gather [hbm4b:s9+s2], $0x10, s13, s2, $0xb8;
	[tilespmem:$0x15300] =	vst v63  }
0x70: {  	v17 =	vld.idx.msk [tilespmem:v0+s14+$0x0], $0xffff  }
0x71: {  	v18 =	vld.idx.msk [tilespmem:v0+s15+$0x0], $0xffff;
	_ =	sdelay $0x4  }
0x72: {  	v17 =	vadd.f32 v18, v17;
	_ =	sdelay $0x1  }
0x73: {  	v18 =	vmul.f32 $2.000000030e-01, v17;
	_ =	sdelay $0x1  }
0x74: {  	v17 =	vmax.f32 v17, v18  }
0x75: {  	v17 =	vmul.f32 $1.442695020e+00, v17;
	_ =	sdelay $0x1  }
0x76: {  	(erf) = vpow2.f32 v17;
	_ =	sdelay $0x8  }
0x77: {  	v17 =	vpop (erf)  }
0x78: {  	[tilespmem:v2+s28+$0x0] =	vst.idx.msk $0xffff, v17  }
0x79: {  	v17 =	vld.idx.msk [tilespmem:v3+s14+$0x0], $0xffff  }
0x7a: {  	v18 =	vld.idx.msk [tilespmem:v3+s15+$0x0], $0xffff;
	_ =	sdelay $0x4  }
0x7b: {  	v17 =	vadd.f32 v18, v17;
	_ =	sdelay $0x1  }
0x7c: {  	v18 =	vmul.f32 $2.000000030e-01, v17;
	_ =	sdelay $0x1  }
0x7d: {  	v17 =	vmax.f32 v17, v18  }
0x7e: {  	v17 =	vmul.f32 $1.442695020e+00, v17;
	_ =	sdelay $0x1  }
0x7f: {  	(erf) = vpow2.f32 v17;
	_ =	sdelay $0x8  }
0x80: {  	v17 =	vpop (erf)  }
0x81: {  	[tilespmem:v4+s28+$0x0] =	vst.idx.msk $0xffff, v17  }
0x82: {  	v17 =	vld.idx.msk [tilespmem:v5+s14+$0x0], $0xffff  }
0x83: {  	v18 =	vld.idx.msk [tilespmem:v5+s15+$0x0], $0xffff;
	_ =	sdelay $0x4  }
0x84: {  	v17 =	vadd.f32 v18, v17;
	_ =	sdelay $0x1  }
0x85: {  	v18 =	vmul.f32 $2.000000030e-01, v17;
	_ =	sdelay $0x1  }
0x86: {  	v17 =	vmax.f32 v17, v18  }
0x87: {  	v17 =	vmul.f32 $1.442695020e+00, v17;
	_ =	sdelay $0x1  }
0x88: {  	(erf) = vpow2.f32 v17;
	_ =	sdelay $0x8  }
0x89: {  	v17 =	vpop (erf)  }
0x8a: {  	[tilespmem:v6+s28+$0x0] =	vst.idx.msk $0xffff, v17  }
0x8b: {  	v17 =	vld.idx.msk [tilespmem:v7+s14+$0x0], $0xffff  }
0x8c: {  	v18 =	vld.idx.msk [tilespmem:v7+s15+$0x0], $0xffff;
	_ =	sdelay $0x4  }
0x8d: {  	v17 =	vadd.f32 v18, v17;
	_ =	sdelay $0x1  }
0x8e: {  	v18 =	vmul.f32 $2.000000030e-01, v17;
	_ =	sdelay $0x1  }
0x8f: {  	v17 =	vmax.f32 v17, v18  }
0x90: {  	v17 =	vmul.f32 $1.442695020e+00, v17;
	_ =	sdelay $0x1  }
0x91: {  	(erf) = vpow2.f32 v17;
	_ =	sdelay $0x8  }
0x92: {  	v17 =	vpop (erf)  }
0x93: {  	[tilespmem:v8+s28+$0x0] =	vst.idx.msk $0xffff, v17  }
0x94: {  	v17 =	vld.idx.msk [tilespmem:v9+s14+$0x0], $0xffff  }
0x95: {  	v18 =	vld.idx.msk [tilespmem:v9+s15+$0x0], $0xffff;
	_ =	sdelay $0x4  }
0x96: {  	v17 =	vadd.f32 v18, v17;
	_ =	sdelay $0x1  }
0x97: {  	v18 =	vmul.f32 $2.000000030e-01, v17;
	_ =	sdelay $0x1  }
0x98: {  	v17 =	vmax.f32 v17, v18  }
0x99: {  	v17 =	vmul.f32 $1.442695020e+00, v17;
	_ =	sdelay $0x1  }
0x9a: {  	(erf) = vpow2.f32 v17;
	_ =	sdelay $0x8  }
0x9b: {  	v17 =	vpop (erf)  }
0x9c: {  	[tilespmem:v10+s28+$0x0] =	vst.idx.msk $0xffff, v17  }
0x9d: {  	v17 =	vld.idx.msk [tilespmem:v11+s14+$0x0], $0xffff  }
0x9e: {  	v18 =	vld.idx.msk [tilespmem:v11+s15+$0x0], $0xffff;
	_ =	sdelay $0x4  }
0x9f: {  	v17 =	vadd.f32 v18, v17;
	_ =	sdelay $0x1  }
0xa0: {  	v18 =	vmul.f32 $2.000000030e-01, v17;
	_ =	sdelay $0x1  }
0xa1: {  	v17 =	vmax.f32 v17, v18  }
0xa2: {  	v17 =	vmul.f32 $1.442695020e+00, v17;
	_ =	sdelay $0x1  }
0xa3: {  	(erf) = vpow2.f32 v17;
	_ =	sdelay $0x8  }
0xa4: {  	v17 =	vpop (erf)  }
0xa5: {  	[tilespmem:v12+s28+$0x0] =	vst.idx.msk $0xffff, v17  }
0xa6: {  	v17 =	vld.idx.msk [tilespmem:v13+s14+$0x0], $0xffff  }
0xa7: {  	v18 =	vld.idx.msk [tilespmem:v13+s15+$0x0], $0xffff;
	_ =	sdelay $0x4  }
0xa8: {  	v17 =	vadd.f32 v18, v17;
	_ =	sdelay $0x1  }
0xa9: {  	v18 =	vmul.f32 $2.000000030e-01, v17;
	_ =	sdelay $0x1  }
0xaa: {  	v17 =	vmax.f32 v17, v18  }
0xab: {  	v17 =	vmul.f32 $1.442695020e+00, v17;
	_ =	sdelay $0x1  }
0xac: {  	(erf) = vpow2.f32 v17;
	_ =	sdelay $0x8  }
0xad: {  	v17 =	vpop (erf)  }
0xae: {  	[tilespmem:v14+s28+$0x0] =	vst.idx.msk $0xffff, v17  }
0xaf: {  	v17 =	vld.idx.msk [tilespmem:v15+s14+$0x0], $0xffff  }
0xb0: {  	v18 =	vld.idx.msk [tilespmem:v15+s15+$0x0], $0xffff;
	_ =	sdelay $0x4  }
0xb1: {  	v17 =	vadd.f32 v18, v17;
	_ =	sdelay $0x1  }
0xb2: {  	v18 =	vmul.f32 $2.000000030e-01, v17;
	_ =	sdelay $0x1  }
0xb3: {  	v17 =	vmax.f32 v17, v18  }
0xb4: {  	v17 =	vmul.f32 $1.442695020e+00, v17;
	_ =	sdelay $0x1  }
0xb5: {  	(erf) = vpow2.f32 v17;
	_ =	sdelay $0x8  }
0xb6: {  	v17 =	vpop (erf)  }
0xb7: {  	s26 =	simm.s32 $0x6440;
	[tilespmem:v16+s28+$0x0] =	vst.idx.msk $0xffff, v17  }
0xb8: {  	s31 =	simm.s32 $0x400;
	v17 =	vld.msk [tilespmem:s26+$0x130 ss:$0x0], $0xffff  }
0xb9: {  	v18 =	vld [tilespmem:s31+$0xC0]  }
0xba: {  	v24 =	vld.msk [tilespmem:s26+$0xFFFFFF50 ss:$0x0], $0xffff  }
0xbb: {  	v25 =	vld.msk [tilespmem:s26+$0xFFFFFFA0 ss:$0x0], $0xffff  }
0xbc: {  	v26 =	vld.msk [tilespmem:s26+$0xFFFFFFF0 ss:$0x0], $0xffff  }
0xbd: {  	v27 =	vld.msk [tilespmem:s26+$0x40 ss:$0x0], $0xffff  }
0xbe: {  	v28 =	vld.msk [tilespmem:s26+$0x90 ss:$0x0], $0xffff  }
0xbf: {  	v23 =	vld.msk [tilespmem:s26+$0xE0 ss:$0x0], $0xffff  }
0xc0: {  	v29 =	vld.msk [tilespmem:s26+$0xFFFFFF00 ss:$0x0], $0xffff  }
0xc1: {  	v19 =	vld [tilespmem:s31+$0xFFFFFF00]  }
0xc2: {  	v20 =	vld [tilespmem:s31+$0xFFFFFF40]  }
0xc3: {  	v21 =	vld [tilespmem:s31+$0xFFFFFF80]  }
0xc4: {  	v22 =	vld [tilespmem:s31+$0xFFFFFFC0]  }
0xc5: {  	v30 =	vld [tilespmem:s31+$0x0]  }
0xc6: {  	s20 =	simm.s32 $0x66C0;
	v32 =	vld [tilespmem:s31+$0x80]  }
0xc7: {  	s13 =	simm.s32 $0x600;
	v38 =	vld.msk [tilespmem:s20+$0x130 ss:$0x0], $0xffff;
	v18 =	vmul.f32 v17, v18  }
0xc8: {  	v39 =	vld [tilespmem:s13+$0xC0]  }
0xc9: {  	[tilespmem:s26+$0xF0] =	vst v18;
	v18 =	vmul.f32 v29, v19;
	v19 =	vld [tilespmem:s31+$0x40]  }
0xca: {  	v20 =	vmul.f32 v24, v20;
	v31 =	vld [tilespmem:s31+$0xD0]  }
0xcb: {  	v58 =	vld [tilespmem:s13+$0x80];
	[tilespmem:s26+$0xFFFFFEC0] =	vst v18;
	v18 =	vmul.f32 v25, v21  }
0xcc: {  	[tilespmem:s26+$0xFFFFFF10] =	vst v20;
	v20 =	vmul.f32 v26, v22;
	v21 =	vld [tilespmem:s31+$0xFFFFFF10]  }
0xcd: {  	v22 =	vld [tilespmem:s31+$0xFFFFFF50];
	[tilespmem:s26+$0xFFFFFF60] =	vst v18;
	v18 =	vmul.f32 v27, v30  }
0xce: {  	[tilespmem:s26+$0xFFFFFFB0] =	vst v20;
	v30 =	vld [tilespmem:s31+$0xFFFFFF90];
	v19 =	vmul.f32 v28, v19  }
0xcf: {  	v20 =	vmul.f32 v31, v17;
	v31 =	vld [tilespmem:s31+$0xFFFFFFD0];
	[tilespmem:s26+$0x0] =	vst v18  }
0xd0: {  	v18 =	vmul.f32 v23, v32;
	v55 =	vld [tilespmem:s31+$0x10];
	[tilespmem:s26+$0x50] =	vst v19  }
0xd1: {  	[tilespmem:s26+$0x100] =	vst v20;
	v19 =	vmul.f32 v21, v29;
	v20 =	vld [tilespmem:s31+$0x50]  }
0xd2: {  	[tilespmem:s26+$0xA0] =	vst v18;
	v18 =	vmul.f32 v22, v24;
	v21 =	vld [tilespmem:s31+$0xE0]  }
0xd3: {  	v22 =	vld [tilespmem:s31+$0x90];
	[tilespmem:s26+$0xFFFFFED0] =	vst v19;
	v19 =	vmul.f32 v30, v25  }
0xd4: {  	[tilespmem:s26+$0xFFFFFF20] =	vst v18;
	v30 =	vld [tilespmem:s31+$0xFFFFFF20];
	v18 =	vmul.f32 v31, v26  }
0xd5: {  	v31 =	vld [tilespmem:s31+$0xFFFFFF60];
	[tilespmem:s26+$0xFFFFFF70] =	vst v19;
	v19 =	vmul.f32 v55, v27  }
0xd6: {  	v56 =	vld [tilespmem:s31+$0xFFFFFFA0];
	[tilespmem:s26+$0xFFFFFFC0] =	vst v18;
	v18 =	vmul.f32 v20, v28  }
0xd7: {  	v20 =	vmul.f32 v21, v17;
	v21 =	vld [tilespmem:s31+$0xFFFFFFE0];
	[tilespmem:s26+$0x10] =	vst v19  }
0xd8: {  	v19 =	vmul.f32 v22, v23;
	v22 =	vld [tilespmem:s31+$0x20];
	[tilespmem:s26+$0x60] =	vst v18  }
0xd9: {  	[tilespmem:s26+$0x110] =	vst v20;
	v18 =	vmul.f32 v30, v29;
	v20 =	vld [tilespmem:s31+$0x60]  }
0xda: {  	[tilespmem:s26+$0xB0] =	vst v19;
	v19 =	vmul.f32 v31, v24;
	v30 =	vld [tilespmem:s31+$0xF0]  }
0xdb: {  	v31 =	vld [tilespmem:s31+$0xA0];
	[tilespmem:s26+$0xFFFFFEE0] =	vst v18  }
0xdc: {  	[tilespmem:s26+$0xFFFFFF30] =	vst v19;
	v57 =	vld [tilespmem:s31+$0xFFFFFF30]  }
0xdd: {  	v18 =	vmul.f32 v56, v25;
	v33 =	vld [tilespmem:s31+$0xFFFFFF70]  }
0xde: {  	v19 =	vmul.f32 v21, v26;
	v21 =	vld.msk [tilespmem:s20+$0xFFFFFFA0 ss:$0x0], $0xffff  }
0xdf: {  	[tilespmem:s26+$0xFFFFFF80] =	vst v18;
	v18 =	vmul.f32 v22, v27;
	v22 =	vld.msk [tilespmem:s20+$0xFFFFFF50 ss:$0x0], $0xffff  }
0xe0: {  	v34 =	vld [tilespmem:s31+$0xFFFFFFB0]  }
0xe1: {  	[tilespmem:s26+$0xFFFFFFD0] =	vst v19;
	v19 =	vmul.f32 v20, v28;
	v20 =	vld.msk [tilespmem:s20+$0x40 ss:$0x0], $0xffff  }
0xe2: {  	v35 =	vld [tilespmem:s31+$0xFFFFFFF0]  }
0xe3: {  	[tilespmem:s26+$0x20] =	vst v18;
	v18 =	vld.msk [tilespmem:s20+$0x90 ss:$0x0], $0xffff  }
0xe4: {  	v17 =	vmul.f32 v30, v17;
	v36 =	vld [tilespmem:s31+$0x30]  }
0xe5: {  	v30 =	vmul.f32 v38, v39;
	[tilespmem:s26+$0x70] =	vst v19;
	v19 =	vld.msk [tilespmem:s20+$0xFFFFFFF0 ss:$0x0], $0xffff  }
0xe6: {  	v31 =	vmul.f32 v31, v23;
	v37 =	vld [tilespmem:s31+$0x70];
	[tilespmem:s26+$0x120] =	vst v17  }
0xe7: {  	v29 =	vmul.f32 v57, v29;
	[tilespmem:s20+$0xF0] =	vst v30;
	v30 =	vld.msk [tilespmem:s20+$0xFFFFFF00 ss:$0x0], $0xffff  }
0xe8: {  	[tilespmem:s26+$0xC0] =	vst v31;
	v24 =	vmul.f32 v33, v24;
	v31 =	vld [tilespmem:s13+$0xD0]  }
0xe9: {  	[tilespmem:s26+$0xFFFFFEF0] =	vst v29;
	v25 =	vmul.f32 v34, v25;
	v29 =	vld [tilespmem:s13+$0xFFFFFF00]  }
0xea: {  	[tilespmem:s26+$0xFFFFFF40] =	vst v24;
	v24 =	vmul.f32 v35, v26;
	v26 =	vld [tilespmem:s13+$0xFFFFFF40]  }
0xeb: {  	[tilespmem:s26+$0xFFFFFF90] =	vst v25;
	v25 =	vmul.f32 v36, v27;
	v27 =	vld [tilespmem:s13+$0xFFFFFF80]  }
0xec: {  	[tilespmem:s26+$0xFFFFFFE0] =	vst v24;
	v24 =	vmul.f32 v37, v28;
	v28 =	vld [tilespmem:s13+$0xFFFFFFC0]  }
0xed: {  	[tilespmem:s26+$0x30] =	vst v25;
	v25 =	vld [tilespmem:s13+$0x0];
	v31 =	vmul.f32 v31, v38  }
0xee: {  	[tilespmem:s26+$0x80] =	vst v24;
	v24 =	vmul.f32 v30, v29;
	v29 =	vld [tilespmem:s13+$0x40]  }
0xef: {  	v17 =	vld.msk [tilespmem:s20+$0xE0 ss:$0x0], $0xffff;
	v26 =	vmul.f32 v22, v26;
	[tilespmem:s20+$0x100] =	vst v31  }
0xf0: {  	[tilespmem:s20+$0xFFFFFEC0] =	vst v24;
	v24 =	vmul.f32 v21, v27;
	v27 =	vld [tilespmem:s13+$0xE0]  }
0xf1: {  	v31 =	vld [tilespmem:s13+$0xFFFFFF10];
	[tilespmem:s20+$0xFFFFFF10] =	vst v26;
	v26 =	vmul.f32 v19, v28  }
0xf2: {  	v28 =	vld [tilespmem:s13+$0xFFFFFF50];
	[tilespmem:s20+$0xFFFFFF60] =	vst v24;
	v24 =	vmul.f32 v20, v25  }
0xf3: {  	v25 =	vld [tilespmem:s13+$0xFFFFFF90];
	[tilespmem:s20+$0xFFFFFFB0] =	vst v26;
	v26 =	vmul.f32 v18, v29  }
0xf4: {  	v29 =	vld [tilespmem:s13+$0xFFFFFFD0];
	[tilespmem:s20+$0x0] =	vst v24;
	v24 =	vmul.f32 v17, v58  }
0xf5: {  	v59 =	vld [tilespmem:s13+$0x10];
	[tilespmem:s20+$0x50] =	vst v26;
	v26 =	vmul.f32 v27, v38  }
0xf6: {  	v27 =	vmul.f32 v31, v30;
	v31 =	vld [tilespmem:s13+$0x50];
	[tilespmem:s20+$0xA0] =	vst v24  }
0xf7: {  	v24 =	vmul.f32 v28, v22;
	v28 =	vld [tilespmem:s13+$0x90];
	[tilespmem:s20+$0x110] =	vst v26  }
0xf8: {  	[tilespmem:s20+$0xFFFFFED0] =	vst v27;
	v25 =	vmul.f32 v25, v21;
	v26 =	vld [tilespmem:s13+$0xF0]  }
0xf9: {  	v27 =	vld [tilespmem:s13+$0xFFFFFF20];
	[tilespmem:s20+$0xFFFFFF20] =	vst v24;
	v24 =	vmul.f32 v29, v19  }
0xfa: {  	v29 =	vld [tilespmem:s13+$0xFFFFFF60];
	[tilespmem:s20+$0xFFFFFF70] =	vst v25;
	v25 =	vmul.f32 v59, v20  }
0xfb: {  	v60 =	vld [tilespmem:s13+$0xFFFFFFA0];
	[tilespmem:s20+$0xFFFFFFC0] =	vst v24;
	v24 =	vmul.f32 v31, v18  }
0xfc: {  	v31 =	vld [tilespmem:s13+$0xFFFFFFE0];
	[tilespmem:s20+$0x10] =	vst v25;
	v25 =	vmul.f32 v28, v17  }
0xfd: {  	v28 =	vld [tilespmem:s13+$0x20];
	[tilespmem:s20+$0x60] =	vst v24;
	v24 =	vmul.f32 v26, v38  }
0xfe: {  	v26 =	vmul.f32 v27, v30;
	v61 =	vld [tilespmem:s13+$0x60];
	[tilespmem:s20+$0xB0] =	vst v25  }
0xff: {  	v25 =	vmul.f32 v29, v22;
	v29 =	vld [tilespmem:s13+$0xA0];
	[tilespmem:s20+$0x120] =	vst v24  }
0x100: {  	v62 =	vld [tilespmem:s31+$0xB0];
	[tilespmem:s20+$0xFFFFFEE0] =	vst v26;
	v24 =	vmul.f32 v60, v21  }
0x101: {  	v63 =	vld [tilespmem:s13+$0xFFFFFF30];
	[tilespmem:s20+$0xFFFFFF30] =	vst v25;
	v25 =	vmul.f32 v31, v19  }
0x102: {  	v27 =	vld [tilespmem:s13+$0xFFFFFF70];
	[tilespmem:s20+$0xFFFFFF80] =	vst v24;
	v26 =	vmul.f32 v28, v20  }
0x103: {  	v24 =	vld [tilespmem:s13+$0xFFFFFFB0];
	[tilespmem:s20+$0xFFFFFFD0] =	vst v25;
	v28 =	vmul.f32 v61, v18  }
0x104: {  	v25 =	vld [tilespmem:s13+$0xFFFFFFF0];
	[tilespmem:s20+$0x20] =	vst v26;
	v31 =	vmul.f32 v29, v17  }
0x105: {  	v29 =	vmul.f32 v62, v23;
	v26 =	vld [tilespmem:s13+$0x30];
	[tilespmem:s20+$0x70] =	vst v28  }
0x106: {  	s23 =	simm.s32 $0x6940;
	s3 =	simm.s32 $0x600;
	s1 =	simm.s32 $0x8;
	v28 =	vmul.f32 v63, v30;
	v23 =	vld [tilespmem:s13+$0x70];
	[tilespmem:s20+$0xC0] =	vst v31  }
.LBB2_5:
0x107: {  	v30 =	vld.msk [tilespmem:s23+$0x130 ss:$0x0], $0xffff;
	s1 =	sadd.s32 $0x8, s1;
	v27 =	vmul.f32 v27, v22;
	s13 =	sadd.s32 $0x200, s13;
	[tilespmem:s26+$0xD0] =	vst v29;
	s26 =	smov.u32 s20  }
0x108: {  	s20 =	smov.u32 s23;
	v29 =	vld [tilespmem:s13+$0xC0];
	p0 =	slt.u32 s1, $0x78;
	[tilespmem:s26+$0xFFFFFEF0] =	vst v28;
	v24 =	vmul.f32 v24, v21  }
0x109: {  	v22 =	vld.msk [tilespmem:s23+$0xFFFFFF50 ss:$0x0], $0xffff;
	[tilespmem:s26+$0xFFFFFF40] =	vst v27;
	v25 =	vmul.f32 v25, v19  }
0x10a: {  	v21 =	vld.msk [tilespmem:s23+$0xFFFFFFA0 ss:$0x0], $0xffff;
	[tilespmem:s26+$0xFFFFFF90] =	vst v24;
	v24 =	vmul.f32 v26, v20  }
0x10b: {  	v19 =	vld.msk [tilespmem:s23+$0xFFFFFFF0 ss:$0x0], $0xffff;
	[tilespmem:s26+$0xFFFFFFE0] =	vst v25;
	v23 =	vmul.f32 v23, v18  }
0x10c: {  	v20 =	vld.msk [tilespmem:s23+$0x40 ss:$0x0], $0xffff;
	[tilespmem:s26+$0x30] =	vst v24  }
0x10d: {  	v18 =	vld.msk [tilespmem:s23+$0x90 ss:$0x0], $0xffff;
	v24 =	vmul.f32 v30, v29;
	[tilespmem:s26+$0x80] =	vst v23  }
0x10e: {  	v23 =	vld.msk [tilespmem:s23+$0xE0 ss:$0x0], $0xffff  }
0x10f: {  	v28 =	vld.msk [tilespmem:s23+$0xFFFFFF00 ss:$0x0], $0xffff;
	[tilespmem:s23+$0xF0] =	vst v24  }
0x110: {  	v24 =	vld [tilespmem:s13+$0xD0]  }
0x111: {  	v25 =	vld [tilespmem:s13+$0xFFFFFF00]  }
0x112: {  	v26 =	vld [tilespmem:s13+$0xFFFFFF40]  }
0x113: {  	v27 =	vld [tilespmem:s13+$0xFFFFFF80]  }
0x114: {  	v29 =	vld [tilespmem:s13+$0xFFFFFFC0]  }
0x115: {  	v31 =	vld [tilespmem:s13+$0x0];
	v24 =	vmul.f32 v24, v30  }
0x116: {  	v25 =	vmul.f32 v28, v25;
	v32 =	vld [tilespmem:s13+$0x40]  }
0x117: {  	v26 =	vmul.f32 v22, v26;
	v33 =	vld [tilespmem:s13+$0x80];
	[tilespmem:s23+$0x100] =	vst v24  }
0x118: {  	[tilespmem:s23+$0xFFFFFEC0] =	vst v25;
	v24 =	vmul.f32 v21, v27;
	v25 =	vld [tilespmem:s13+$0xE0]  }
0x119: {  	v27 =	vld [tilespmem:s13+$0xFFFFFF10];
	[tilespmem:s23+$0xFFFFFF10] =	vst v26;
	v26 =	vmul.f32 v19, v29  }
0x11a: {  	v29 =	vld [tilespmem:s13+$0xFFFFFF50];
	[tilespmem:s23+$0xFFFFFF60] =	vst v24;
	v24 =	vmul.f32 v20, v31  }
0x11b: {  	v31 =	vld [tilespmem:s13+$0xFFFFFF90];
	[tilespmem:s23+$0xFFFFFFB0] =	vst v26;
	v26 =	vmul.f32 v18, v32  }
0x11c: {  	v32 =	vld [tilespmem:s13+$0xFFFFFFD0];
	[tilespmem:s23+$0x0] =	vst v24;
	v24 =	vmul.f32 v23, v33  }
0x11d: {  	v33 =	vld [tilespmem:s13+$0x10];
	[tilespmem:s23+$0x50] =	vst v26;
	v25 =	vmul.f32 v25, v30  }
0x11e: {  	v26 =	vmul.f32 v27, v28;
	v27 =	vld [tilespmem:s13+$0x50];
	[tilespmem:s23+$0xA0] =	vst v24  }
0x11f: {  	v24 =	vmul.f32 v29, v22;
	v29 =	vld [tilespmem:s13+$0x90];
	[tilespmem:s23+$0x110] =	vst v25  }
0x120: {  	[tilespmem:s23+$0xFFFFFED0] =	vst v26;
	v25 =	vmul.f32 v31, v21;
	v26 =	vld [tilespmem:s13+$0xF0]  }
0x121: {  	v31 =	vld [tilespmem:s13+$0xFFFFFF20];
	[tilespmem:s23+$0xFFFFFF20] =	vst v24;
	v24 =	vmul.f32 v32, v19  }
0x122: {  	v32 =	vld [tilespmem:s13+$0xFFFFFF60];
	[tilespmem:s23+$0xFFFFFF70] =	vst v25;
	v25 =	vmul.f32 v33, v20  }
0x123: {  	v33 =	vld [tilespmem:s13+$0xFFFFFFA0];
	[tilespmem:s23+$0xFFFFFFC0] =	vst v24;
	v24 =	vmul.f32 v27, v18  }
0x124: {  	v27 =	vld [tilespmem:s13+$0xFFFFFFE0];
	[tilespmem:s23+$0x10] =	vst v25;
	v25 =	vmul.f32 v29, v23  }
0x125: {  	v29 =	vld [tilespmem:s13+$0x20];
	[tilespmem:s23+$0x60] =	vst v24;
	v24 =	vmul.f32 v26, v30  }
0x126: {  	v26 =	vmul.f32 v31, v28;
	v30 =	vld [tilespmem:s13+$0x60];
	[tilespmem:s23+$0xB0] =	vst v25  }
0x127: {  	v25 =	vmul.f32 v32, v22;
	v31 =	vld [tilespmem:s13+$0xA0];
	[tilespmem:s23+$0x120] =	vst v24  }
0x128: {  	[tilespmem:s23+$0xFFFFFEE0] =	vst v26;
	v24 =	vmul.f32 v33, v21;
	v32 =	vld [tilespmem:s3+$0xB0];
	s3 =	smov.u32 s13  }
0x129: {  	v33 =	vld [tilespmem:s13+$0xFFFFFF30];
	[tilespmem:s23+$0xFFFFFF30] =	vst v25;
	v25 =	vmul.f32 v27, v19  }
.Ltmp1:
0x12a: {  	v27 =	vld [tilespmem:s13+$0xFFFFFF70];
	[tilespmem:s23+$0xFFFFFF80] =	vst v24;
	v26 =	vmul.f32 v29, v20;
	(pc) =	sbr.rel @p0 .LBB2_5-.Ltmp1, $4  }
0x12b: {  	v24 =	vld [tilespmem:s13+$0xFFFFFFB0];
	[tilespmem:s23+$0xFFFFFFD0] =	vst v25;
	v29 =	vmul.f32 v30, v18  }
0x12c: {  	v25 =	vld [tilespmem:s13+$0xFFFFFFF0];
	[tilespmem:s23+$0x20] =	vst v26;
	v30 =	vmul.f32 v31, v23  }
0x12d: {  	v26 =	vld [tilespmem:s13+$0x30];
	[tilespmem:s23+$0x70] =	vst v29;
	v29 =	vmul.f32 v32, v17;
	v17 =	vmov v23  }
0x12e: {  	s23 =	sadd.s32 $0x280, s23;
	v28 =	vmul.f32 v33, v28;
	v23 =	vld [tilespmem:s13+$0x70];
	[tilespmem:s20+$0xC0] =	vst v30  }
0x12f: {  	v22 =	vmul.f32 v27, v22;
	[tilespmem:s26+$0xD0] =	vst v29;
	v27 =	vld [tilespmem:s3+$0xB0]  }
0x130: {  	[tilespmem:s20+$0xFFFFFEF0] =	vst v28;
	v21 =	vmul.f32 v24, v21  }
0x131: {  	[tilespmem:s20+$0xFFFFFF40] =	vst v22;
	v19 =	vmul.f32 v25, v19  }
0x132: {  	[tilespmem:s20+$0xFFFFFF90] =	vst v21;
	v20 =	vmul.f32 v26, v20  }
0x133: {  	[tilespmem:s20+$0xFFFFFFE0] =	vst v19;
	v18 =	vmul.f32 v23, v18  }
0x134: {  	[tilespmem:s20+$0x30] =	vst v20;
	v17 =	vmul.f32 v27, v17  }
0x135: {  	[tilespmem:s20+$0x80] =	vst v18  }
0x136: {  	s1 =	rddreg [dreg:$0x2];
	s23 =	simm.s32 $0x200;
	[tilespmem:s20+$0xD0] =	vst v17  }
0x137: {  	[spmem:s1] =	stream.indirect.scatter.add.f32 [tilespmem:s28], [sflag:$0x5], $0x50, s23, s2, $0xb8;
	[tilespmem:$0x15300] =	vst v63  }
0x138: {  	s26 =	sshll.u32 s12, $0x1;
	s13 =	rddreg [dreg:$0xf]  }
0x139: {  	s1 =	sadd.s32 s26, s13  }
0x13a: {  	s1 =	sshll.u32 s1, $0x7  }
0x13b: {  	s1 =	sadd.s32 s10, s1  }
0x13c: {  	_ =	swait.ge [sflag:s29], $0x2800;
	s16 =	sadd.s32 s11, s1  }
0x13d: {  	[sflag:s29] =	ssyncset.done $0x0;
	s3 =	sshrl.u32 s16, $0x3  }
0x13e: {  	[sflag:s29] =	ssyncadd.s32 $0xFFFFD800;
	s13 =	sadd.s32 s24, s3  }
0x13f: {  	[tilespmem:s4], [sflag:$0x1] =	stream.linear.gather [hbm4b:s13+s4], $0x80, $0x38;
	[tilespmem:$0x15300] =	vst v63  }
0x140: {  	s1 =	sshrl.u32 s1, $0x3;
	s3 =	sadd.s32 s5, s3  }
0x141: {  	[tilespmem:s30], [sflag:$0x1] =	stream.linear.gather [hbm4b:s3+s4], $0x80, $0x38;
	[tilespmem:$0x15300] =	vst v63  }
0x142: {  	s1 =	sadd.s32 s6, s1  }
0x143: {  	[tilespmem:s23], [sflag:$0x1] =	stream.linear.gather [hbm4b:s1+s4], $0x80, $0x38;
	[tilespmem:$0x15300] =	vst v63  }
0x144: {  	_ =	swait.ge [sflag:s25], $0x2000  }
0x145: {  	[sflag:s25] =	ssyncset.done $0x0  }
0x146: {  	[sflag:s25] =	ssyncadd.s32 $0xFFFFE000  }
0x147: {  	_ =	swait.ge [sflag:s25], $0x800  }
0x148: {  	[sflag:s25] =	ssyncset.done $0x0  }
0x149: {  	[sflag:s25] =	ssyncadd.s32 $0xFFFFF800  }
0x14a: {  	_ =	swait.ge [sflag:s25], $0x800  }
0x14b: {  	[sflag:s25] =	ssyncset.done $0x0  }
0x14c: {  	[sflag:s25] =	ssyncadd.s32 $0xFFFFF800  }
0x14d: {  	_ =	swait.ge [sflag:s0], $0x80  }
0x14e: {  	[sflag:s0] =	ssyncset.done $0x0  }
0x14f: {  	[sflag:s0] =	ssyncadd.s32 $0xFFFFFF80  }
0x150: {  	_ =	swait.ge [sflag:s0], $0x80  }
0x151: {  	[sflag:s0] =	ssyncset.done $0x0  }
0x152: {  	[sflag:s0] =	ssyncadd.s32 $0xFFFFFF80  }
0x153: {  	_ =	swait.ge [sflag:s0], $0x80  }
0x154: {  	[sflag:s0] =	ssyncset.done $0x0  }
0x155: {  	s23 =	simm.s32 $0x300;
	[sflag:s0] =	ssyncadd.s32 $0xFFFFFF80  }
0x156: {  	[tilespmem:s23], [sflag:$0x3] =	stream.indirect.gather [hbm4b:s7+s2], $0x40, s4, s2, $0xb8;
	[tilespmem:$0x15300] =	vst v63  }
0x157: {  	_ = 	snop  }
0x158: {  	[tilespmem:s14], [sflag:$0x3] =	stream.indirect.gather [hbm4b:s8+s2], $0x10, s4, s2, $0xb8;
	[tilespmem:$0x15300] =	vst v63  }
0x159: {  	_ = 	snop  }
0x15a: {  	[tilespmem:s15], [sflag:$0x3] =	stream.indirect.gather [hbm4b:s9+s2], $0x10, s30, s2, $0xb8;
	[tilespmem:$0x15300] =	vst v63  }
0x15b: {  	v17 =	vld.idx.msk [tilespmem:v0+s21+$0x0], $0xffff  }
0x15c: {  	v18 =	vld.idx.msk [tilespmem:v0+s22+$0x0], $0xffff;
	_ =	sdelay $0x4  }
0x15d: {  	v17 =	vadd.f32 v18, v17;
	_ =	sdelay $0x1  }
0x15e: {  	v18 =	vmul.f32 $2.000000030e-01, v17;
	_ =	sdelay $0x1  }
0x15f: {  	v17 =	vmax.f32 v17, v18  }
0x160: {  	v17 =	vmul.f32 $1.442695020e+00, v17;
	_ =	sdelay $0x1  }
0x161: {  	(erf) = vpow2.f32 v17;
	_ =	sdelay $0x8  }
0x162: {  	v17 =	vpop (erf)  }
0x163: {  	[tilespmem:v2+s28+$0x0] =	vst.idx.msk $0xffff, v17  }
0x164: {  	v17 =	vld.idx.msk [tilespmem:v3+s21+$0x0], $0xffff  }
0x165: {  	v18 =	vld.idx.msk [tilespmem:v3+s22+$0x0], $0xffff;
	_ =	sdelay $0x4  }
0x166: {  	v17 =	vadd.f32 v18, v17;
	_ =	sdelay $0x1  }
0x167: {  	v18 =	vmul.f32 $2.000000030e-01, v17;
	_ =	sdelay $0x1  }
0x168: {  	v17 =	vmax.f32 v17, v18  }
0x169: {  	v17 =	vmul.f32 $1.442695020e+00, v17;
	_ =	sdelay $0x1  }
0x16a: {  	(erf) = vpow2.f32 v17;
	_ =	sdelay $0x8  }
0x16b: {  	v17 =	vpop (erf)  }
0x16c: {  	[tilespmem:v4+s28+$0x0] =	vst.idx.msk $0xffff, v17  }
0x16d: {  	v17 =	vld.idx.msk [tilespmem:v5+s21+$0x0], $0xffff  }
0x16e: {  	v18 =	vld.idx.msk [tilespmem:v5+s22+$0x0], $0xffff;
	_ =	sdelay $0x4  }
0x16f: {  	v17 =	vadd.f32 v18, v17;
	_ =	sdelay $0x1  }
0x170: {  	v18 =	vmul.f32 $2.000000030e-01, v17;
	_ =	sdelay $0x1  }
0x171: {  	v17 =	vmax.f32 v17, v18  }
0x172: {  	v17 =	vmul.f32 $1.442695020e+00, v17;
	_ =	sdelay $0x1  }
0x173: {  	(erf) = vpow2.f32 v17;
	_ =	sdelay $0x8  }
0x174: {  	v17 =	vpop (erf)  }
0x175: {  	[tilespmem:v6+s28+$0x0] =	vst.idx.msk $0xffff, v17  }
0x176: {  	v17 =	vld.idx.msk [tilespmem:v7+s21+$0x0], $0xffff  }
0x177: {  	v18 =	vld.idx.msk [tilespmem:v7+s22+$0x0], $0xffff;
	_ =	sdelay $0x4  }
0x178: {  	v17 =	vadd.f32 v18, v17;
	_ =	sdelay $0x1  }
0x179: {  	v18 =	vmul.f32 $2.000000030e-01, v17;
	_ =	sdelay $0x1  }
0x17a: {  	v17 =	vmax.f32 v17, v18  }
0x17b: {  	v17 =	vmul.f32 $1.442695020e+00, v17;
	_ =	sdelay $0x1  }
0x17c: {  	(erf) = vpow2.f32 v17;
	_ =	sdelay $0x8  }
0x17d: {  	v17 =	vpop (erf)  }
0x17e: {  	[tilespmem:v8+s28+$0x0] =	vst.idx.msk $0xffff, v17  }
0x17f: {  	v17 =	vld.idx.msk [tilespmem:v9+s21+$0x0], $0xffff  }
0x180: {  	v18 =	vld.idx.msk [tilespmem:v9+s22+$0x0], $0xffff;
	_ =	sdelay $0x4  }
0x181: {  	v17 =	vadd.f32 v18, v17;
	_ =	sdelay $0x1  }
0x182: {  	v18 =	vmul.f32 $2.000000030e-01, v17;
	_ =	sdelay $0x1  }
0x183: {  	v17 =	vmax.f32 v17, v18  }
0x184: {  	v17 =	vmul.f32 $1.442695020e+00, v17;
	_ =	sdelay $0x1  }
0x185: {  	(erf) = vpow2.f32 v17;
	_ =	sdelay $0x8  }
0x186: {  	v17 =	vpop (erf)  }
0x187: {  	[tilespmem:v10+s28+$0x0] =	vst.idx.msk $0xffff, v17  }
0x188: {  	v17 =	vld.idx.msk [tilespmem:v11+s21+$0x0], $0xffff  }
0x189: {  	v18 =	vld.idx.msk [tilespmem:v11+s22+$0x0], $0xffff;
	_ =	sdelay $0x4  }
0x18a: {  	v17 =	vadd.f32 v18, v17;
	_ =	sdelay $0x1  }
0x18b: {  	v18 =	vmul.f32 $2.000000030e-01, v17;
	_ =	sdelay $0x1  }
0x18c: {  	v17 =	vmax.f32 v17, v18  }
0x18d: {  	v17 =	vmul.f32 $1.442695020e+00, v17;
	_ =	sdelay $0x1  }
0x18e: {  	(erf) = vpow2.f32 v17;
	_ =	sdelay $0x8  }
0x18f: {  	v17 =	vpop (erf)  }
0x190: {  	[tilespmem:v12+s28+$0x0] =	vst.idx.msk $0xffff, v17  }
0x191: {  	v17 =	vld.idx.msk [tilespmem:v13+s21+$0x0], $0xffff  }
0x192: {  	v18 =	vld.idx.msk [tilespmem:v13+s22+$0x0], $0xffff;
	_ =	sdelay $0x4  }
0x193: {  	v17 =	vadd.f32 v18, v17;
	_ =	sdelay $0x1  }
0x194: {  	v18 =	vmul.f32 $2.000000030e-01, v17;
	_ =	sdelay $0x1  }
0x195: {  	v17 =	vmax.f32 v17, v18  }
0x196: {  	v17 =	vmul.f32 $1.442695020e+00, v17;
	_ =	sdelay $0x1  }
0x197: {  	(erf) = vpow2.f32 v17;
	_ =	sdelay $0x8  }
0x198: {  	v17 =	vpop (erf)  }
0x199: {  	[tilespmem:v14+s28+$0x0] =	vst.idx.msk $0xffff, v17  }
0x19a: {  	v17 =	vld.idx.msk [tilespmem:v15+s21+$0x0], $0xffff  }
0x19b: {  	v18 =	vld.idx.msk [tilespmem:v15+s22+$0x0], $0xffff;
	_ =	sdelay $0x4  }
0x19c: {  	v17 =	vadd.f32 v18, v17;
	_ =	sdelay $0x1  }
0x19d: {  	v18 =	vmul.f32 $2.000000030e-01, v17;
	_ =	sdelay $0x1  }
0x19e: {  	v17 =	vmax.f32 v17, v18  }
0x19f: {  	v17 =	vmul.f32 $1.442695020e+00, v17;
	_ =	sdelay $0x1  }
0x1a0: {  	(erf) = vpow2.f32 v17;
	_ =	sdelay $0x8  }
0x1a1: {  	v17 =	vpop (erf)  }
0x1a2: {  	s20 =	simm.s32 $0x6440;
	[tilespmem:v16+s28+$0x0] =	vst.idx.msk $0xffff, v17  }
0x1a3: {  	s31 =	smov.u32 s24;
	s24 =	simm.s32 $0x2400;
	v17 =	vld.msk [tilespmem:s20+$0x130 ss:$0x0], $0xffff  }
0x1a4: {  	v18 =	vld [tilespmem:s24+$0xC0]  }
0x1a5: {  	v24 =	vld.msk [tilespmem:s20+$0xFFFFFF50 ss:$0x0], $0xffff  }
0x1a6: {  	v25 =	vld.msk [tilespmem:s20+$0xFFFFFFA0 ss:$0x0], $0xffff  }
0x1a7: {  	v26 =	vld.msk [tilespmem:s20+$0xFFFFFFF0 ss:$0x0], $0xffff  }
0x1a8: {  	v27 =	vld.msk [tilespmem:s20+$0x40 ss:$0x0], $0xffff  }
0x1a9: {  	v28 =	vld.msk [tilespmem:s20+$0x90 ss:$0x0], $0xffff  }
0x1aa: {  	v23 =	vld.msk [tilespmem:s20+$0xE0 ss:$0x0], $0xffff  }
0x1ab: {  	v29 =	vld.msk [tilespmem:s20+$0xFFFFFF00 ss:$0x0], $0xffff  }
0x1ac: {  	v19 =	vld [tilespmem:s24+$0xFFFFFF00]  }
0x1ad: {  	v20 =	vld [tilespmem:s24+$0xFFFFFF40]  }
0x1ae: {  	v21 =	vld [tilespmem:s24+$0xFFFFFF80]  }
0x1af: {  	v22 =	vld [tilespmem:s24+$0xFFFFFFC0]  }
0x1b0: {  	v30 =	vld [tilespmem:s24+$0x0]  }
0x1b1: {  	s13 =	simm.s32 $0x66C0;
	v32 =	vld [tilespmem:s24+$0x80]  }
0x1b2: {  	s1 =	simm.s32 $0x2600;
	v38 =	vld.msk [tilespmem:s13+$0x130 ss:$0x0], $0xffff;
	v18 =	vmul.f32 v17, v18  }
0x1b3: {  	v39 =	vld [tilespmem:s1+$0xC0]  }
0x1b4: {  	[tilespmem:s20+$0xF0] =	vst v18;
	v18 =	vmul.f32 v29, v19;
	v19 =	vld [tilespmem:s24+$0x40]  }
0x1b5: {  	v20 =	vmul.f32 v24, v20;
	v31 =	vld [tilespmem:s24+$0xD0]  }
0x1b6: {  	v58 =	vld [tilespmem:s1+$0x80];
	[tilespmem:s20+$0xFFFFFEC0] =	vst v18;
	v18 =	vmul.f32 v25, v21  }
0x1b7: {  	[tilespmem:s20+$0xFFFFFF10] =	vst v20;
	v20 =	vmul.f32 v26, v22;
	v21 =	vld [tilespmem:s24+$0xFFFFFF10]  }
0x1b8: {  	v22 =	vld [tilespmem:s24+$0xFFFFFF50];
	[tilespmem:s20+$0xFFFFFF60] =	vst v18;
	v18 =	vmul.f32 v27, v30  }
0x1b9: {  	[tilespmem:s20+$0xFFFFFFB0] =	vst v20;
	v30 =	vld [tilespmem:s24+$0xFFFFFF90];
	v19 =	vmul.f32 v28, v19  }
0x1ba: {  	v20 =	vmul.f32 v31, v17;
	v31 =	vld [tilespmem:s24+$0xFFFFFFD0];
	[tilespmem:s20+$0x0] =	vst v18  }
0x1bb: {  	v18 =	vmul.f32 v23, v32;
	v55 =	vld [tilespmem:s24+$0x10];
	[tilespmem:s20+$0x50] =	vst v19  }
0x1bc: {  	[tilespmem:s20+$0x100] =	vst v20;
	v19 =	vmul.f32 v21, v29;
	v20 =	vld [tilespmem:s24+$0x50]  }
0x1bd: {  	[tilespmem:s20+$0xA0] =	vst v18;
	v18 =	vmul.f32 v22, v24;
	v21 =	vld [tilespmem:s24+$0xE0]  }
0x1be: {  	v22 =	vld [tilespmem:s24+$0x90];
	[tilespmem:s20+$0xFFFFFED0] =	vst v19;
	v19 =	vmul.f32 v30, v25  }
0x1bf: {  	[tilespmem:s20+$0xFFFFFF20] =	vst v18;
	v30 =	vld [tilespmem:s24+$0xFFFFFF20];
	v18 =	vmul.f32 v31, v26  }
0x1c0: {  	v31 =	vld [tilespmem:s24+$0xFFFFFF60];
	[tilespmem:s20+$0xFFFFFF70] =	vst v19;
	v19 =	vmul.f32 v55, v27  }
0x1c1: {  	v56 =	vld [tilespmem:s24+$0xFFFFFFA0];
	[tilespmem:s20+$0xFFFFFFC0] =	vst v18;
	v18 =	vmul.f32 v20, v28  }
0x1c2: {  	v20 =	vmul.f32 v21, v17;
	v21 =	vld [tilespmem:s24+$0xFFFFFFE0];
	[tilespmem:s20+$0x10] =	vst v19  }
0x1c3: {  	v19 =	vmul.f32 v22, v23;
	v22 =	vld [tilespmem:s24+$0x20];
	[tilespmem:s20+$0x60] =	vst v18  }
0x1c4: {  	[tilespmem:s20+$0x110] =	vst v20;
	v18 =	vmul.f32 v30, v29;
	v20 =	vld [tilespmem:s24+$0x60]  }
0x1c5: {  	[tilespmem:s20+$0xB0] =	vst v19;
	v19 =	vmul.f32 v31, v24;
	v30 =	vld [tilespmem:s24+$0xF0]  }
0x1c6: {  	v31 =	vld [tilespmem:s24+$0xA0];
	[tilespmem:s20+$0xFFFFFEE0] =	vst v18  }
0x1c7: {  	[tilespmem:s20+$0xFFFFFF30] =	vst v19;
	v57 =	vld [tilespmem:s24+$0xFFFFFF30]  }
0x1c8: {  	v18 =	vmul.f32 v56, v25;
	v33 =	vld [tilespmem:s24+$0xFFFFFF70]  }
0x1c9: {  	v19 =	vmul.f32 v21, v26;
	v21 =	vld.msk [tilespmem:s13+$0xFFFFFFA0 ss:$0x0], $0xffff  }
0x1ca: {  	[tilespmem:s20+$0xFFFFFF80] =	vst v18;
	v18 =	vmul.f32 v22, v27;
	v22 =	vld.msk [tilespmem:s13+$0xFFFFFF50 ss:$0x0], $0xffff  }
0x1cb: {  	v34 =	vld [tilespmem:s24+$0xFFFFFFB0]  }
0x1cc: {  	[tilespmem:s20+$0xFFFFFFD0] =	vst v19;
	v19 =	vmul.f32 v20, v28;
	v20 =	vld.msk [tilespmem:s13+$0x40 ss:$0x0], $0xffff  }
0x1cd: {  	v35 =	vld [tilespmem:s24+$0xFFFFFFF0]  }
0x1ce: {  	[tilespmem:s20+$0x20] =	vst v18;
	v18 =	vld.msk [tilespmem:s13+$0x90 ss:$0x0], $0xffff  }
0x1cf: {  	v17 =	vmul.f32 v30, v17;
	v36 =	vld [tilespmem:s24+$0x30]  }
0x1d0: {  	v30 =	vmul.f32 v38, v39;
	[tilespmem:s20+$0x70] =	vst v19;
	v19 =	vld.msk [tilespmem:s13+$0xFFFFFFF0 ss:$0x0], $0xffff  }
0x1d1: {  	v31 =	vmul.f32 v31, v23;
	v37 =	vld [tilespmem:s24+$0x70];
	[tilespmem:s20+$0x120] =	vst v17  }
0x1d2: {  	v29 =	vmul.f32 v57, v29;
	[tilespmem:s13+$0xF0] =	vst v30;
	v30 =	vld.msk [tilespmem:s13+$0xFFFFFF00 ss:$0x0], $0xffff  }
0x1d3: {  	[tilespmem:s20+$0xC0] =	vst v31;
	v24 =	vmul.f32 v33, v24;
	v31 =	vld [tilespmem:s1+$0xD0]  }
0x1d4: {  	[tilespmem:s20+$0xFFFFFEF0] =	vst v29;
	v25 =	vmul.f32 v34, v25;
	v29 =	vld [tilespmem:s1+$0xFFFFFF00]  }
0x1d5: {  	[tilespmem:s20+$0xFFFFFF40] =	vst v24;
	v24 =	vmul.f32 v35, v26;
	v26 =	vld [tilespmem:s1+$0xFFFFFF40]  }
0x1d6: {  	[tilespmem:s20+$0xFFFFFF90] =	vst v25;
	v25 =	vmul.f32 v36, v27;
	v27 =	vld [tilespmem:s1+$0xFFFFFF80]  }
0x1d7: {  	[tilespmem:s20+$0xFFFFFFE0] =	vst v24;
	v24 =	vmul.f32 v37, v28;
	v28 =	vld [tilespmem:s1+$0xFFFFFFC0]  }
0x1d8: {  	[tilespmem:s20+$0x30] =	vst v25;
	v25 =	vld [tilespmem:s1+$0x0];
	v31 =	vmul.f32 v31, v38  }
0x1d9: {  	[tilespmem:s20+$0x80] =	vst v24;
	v24 =	vmul.f32 v30, v29;
	v29 =	vld [tilespmem:s1+$0x40]  }
0x1da: {  	v17 =	vld.msk [tilespmem:s13+$0xE0 ss:$0x0], $0xffff;
	v26 =	vmul.f32 v22, v26;
	[tilespmem:s13+$0x100] =	vst v31  }
0x1db: {  	[tilespmem:s13+$0xFFFFFEC0] =	vst v24;
	v24 =	vmul.f32 v21, v27;
	v27 =	vld [tilespmem:s1+$0xE0]  }
0x1dc: {  	v31 =	vld [tilespmem:s1+$0xFFFFFF10];
	[tilespmem:s13+$0xFFFFFF10] =	vst v26;
	v26 =	vmul.f32 v19, v28  }
0x1dd: {  	v28 =	vld [tilespmem:s1+$0xFFFFFF50];
	[tilespmem:s13+$0xFFFFFF60] =	vst v24;
	v24 =	vmul.f32 v20, v25  }
0x1de: {  	v25 =	vld [tilespmem:s1+$0xFFFFFF90];
	[tilespmem:s13+$0xFFFFFFB0] =	vst v26;
	v26 =	vmul.f32 v18, v29  }
0x1df: {  	v29 =	vld [tilespmem:s1+$0xFFFFFFD0];
	[tilespmem:s13+$0x0] =	vst v24;
	v24 =	vmul.f32 v17, v58  }
0x1e0: {  	v59 =	vld [tilespmem:s1+$0x10];
	[tilespmem:s13+$0x50] =	vst v26;
	v26 =	vmul.f32 v27, v38  }
0x1e1: {  	v27 =	vmul.f32 v31, v30;
	v31 =	vld [tilespmem:s1+$0x50];
	[tilespmem:s13+$0xA0] =	vst v24  }
0x1e2: {  	v24 =	vmul.f32 v28, v22;
	v28 =	vld [tilespmem:s1+$0x90];
	[tilespmem:s13+$0x110] =	vst v26  }
0x1e3: {  	[tilespmem:s13+$0xFFFFFED0] =	vst v27;
	v25 =	vmul.f32 v25, v21;
	v26 =	vld [tilespmem:s1+$0xF0]  }
0x1e4: {  	v27 =	vld [tilespmem:s1+$0xFFFFFF20];
	[tilespmem:s13+$0xFFFFFF20] =	vst v24;
	v24 =	vmul.f32 v29, v19  }
0x1e5: {  	v29 =	vld [tilespmem:s1+$0xFFFFFF60];
	[tilespmem:s13+$0xFFFFFF70] =	vst v25;
	v25 =	vmul.f32 v59, v20  }
0x1e6: {  	v60 =	vld [tilespmem:s1+$0xFFFFFFA0];
	[tilespmem:s13+$0xFFFFFFC0] =	vst v24;
	v24 =	vmul.f32 v31, v18  }
0x1e7: {  	v31 =	vld [tilespmem:s1+$0xFFFFFFE0];
	[tilespmem:s13+$0x10] =	vst v25;
	v25 =	vmul.f32 v28, v17  }
0x1e8: {  	v28 =	vld [tilespmem:s1+$0x20];
	[tilespmem:s13+$0x60] =	vst v24;
	v24 =	vmul.f32 v26, v38  }
0x1e9: {  	v26 =	vmul.f32 v27, v30;
	v61 =	vld [tilespmem:s1+$0x60];
	[tilespmem:s13+$0xB0] =	vst v25  }
0x1ea: {  	v25 =	vmul.f32 v29, v22;
	v29 =	vld [tilespmem:s1+$0xA0];
	[tilespmem:s13+$0x120] =	vst v24  }
0x1eb: {  	v62 =	vld [tilespmem:s24+$0xB0];
	[tilespmem:s13+$0xFFFFFEE0] =	vst v26;
	v24 =	vmul.f32 v60, v21  }
0x1ec: {  	v63 =	vld [tilespmem:s1+$0xFFFFFF30];
	[tilespmem:s13+$0xFFFFFF30] =	vst v25;
	v25 =	vmul.f32 v31, v19  }
0x1ed: {  	v27 =	vld [tilespmem:s1+$0xFFFFFF70];
	[tilespmem:s13+$0xFFFFFF80] =	vst v24;
	v26 =	vmul.f32 v28, v20  }
0x1ee: {  	v24 =	vld [tilespmem:s1+$0xFFFFFFB0];
	[tilespmem:s13+$0xFFFFFFD0] =	vst v25;
	v28 =	vmul.f32 v61, v18  }
0x1ef: {  	v25 =	vld [tilespmem:s1+$0xFFFFFFF0];
	[tilespmem:s13+$0x20] =	vst v26;
	v31 =	vmul.f32 v29, v17  }
0x1f0: {  	s16 =	simm.s32 $0x200;
	v29 =	vmul.f32 v62, v23;
	v26 =	vld [tilespmem:s1+$0x30];
	[tilespmem:s13+$0x70] =	vst v28  }
0x1f1: {  	s3 =	simm.s32 $0x8;
	s23 =	simm.s32 $0x2600;
	s24 =	simm.s32 $0x6940;
	v28 =	vmul.f32 v63, v30;
	v23 =	vld [tilespmem:s1+$0x70];
	[tilespmem:s13+$0xC0] =	vst v31  }
.LBB2_7:
0x1f2: {  	v30 =	vld.msk [tilespmem:s24+$0x130 ss:$0x0], $0xffff;
	s3 =	sadd.s32 $0x8, s3;
	v27 =	vmul.f32 v27, v22;
	s1 =	sadd.s32 $0x200, s1;
	[tilespmem:s20+$0xD0] =	vst v29;
	s20 =	smov.u32 s13  }
0x1f3: {  	s13 =	smov.u32 s24;
	v29 =	vld [tilespmem:s1+$0xC0];
	p0 =	slt.u32 s3, $0x78;
	[tilespmem:s20+$0xFFFFFEF0] =	vst v28;
	v24 =	vmul.f32 v24, v21  }
0x1f4: {  	v22 =	vld.msk [tilespmem:s24+$0xFFFFFF50 ss:$0x0], $0xffff;
	[tilespmem:s20+$0xFFFFFF40] =	vst v27;
	v25 =	vmul.f32 v25, v19  }
0x1f5: {  	v21 =	vld.msk [tilespmem:s24+$0xFFFFFFA0 ss:$0x0], $0xffff;
	[tilespmem:s20+$0xFFFFFF90] =	vst v24;
	v24 =	vmul.f32 v26, v20  }
0x1f6: {  	v19 =	vld.msk [tilespmem:s24+$0xFFFFFFF0 ss:$0x0], $0xffff;
	[tilespmem:s20+$0xFFFFFFE0] =	vst v25;
	v23 =	vmul.f32 v23, v18  }
0x1f7: {  	v20 =	vld.msk [tilespmem:s24+$0x40 ss:$0x0], $0xffff;
	[tilespmem:s20+$0x30] =	vst v24  }
0x1f8: {  	v18 =	vld.msk [tilespmem:s24+$0x90 ss:$0x0], $0xffff;
	v24 =	vmul.f32 v30, v29;
	[tilespmem:s20+$0x80] =	vst v23  }
0x1f9: {  	v23 =	vld.msk [tilespmem:s24+$0xE0 ss:$0x0], $0xffff  }
0x1fa: {  	v28 =	vld.msk [tilespmem:s24+$0xFFFFFF00 ss:$0x0], $0xffff;
	[tilespmem:s24+$0xF0] =	vst v24  }
0x1fb: {  	v24 =	vld [tilespmem:s1+$0xD0]  }
0x1fc: {  	v25 =	vld [tilespmem:s1+$0xFFFFFF00]  }
0x1fd: {  	v26 =	vld [tilespmem:s1+$0xFFFFFF40]  }
0x1fe: {  	v27 =	vld [tilespmem:s1+$0xFFFFFF80]  }
0x1ff: {  	v29 =	vld [tilespmem:s1+$0xFFFFFFC0]  }
0x200: {  	v31 =	vld [tilespmem:s1+$0x0];
	v24 =	vmul.f32 v24, v30  }
0x201: {  	v25 =	vmul.f32 v28, v25;
	v32 =	vld [tilespmem:s1+$0x40]  }
0x202: {  	v26 =	vmul.f32 v22, v26;
	v33 =	vld [tilespmem:s1+$0x80];
	[tilespmem:s24+$0x100] =	vst v24  }
0x203: {  	[tilespmem:s24+$0xFFFFFEC0] =	vst v25;
	v24 =	vmul.f32 v21, v27;
	v25 =	vld [tilespmem:s1+$0xE0]  }
0x204: {  	v27 =	vld [tilespmem:s1+$0xFFFFFF10];
	[tilespmem:s24+$0xFFFFFF10] =	vst v26;
	v26 =	vmul.f32 v19, v29  }
0x205: {  	v29 =	vld [tilespmem:s1+$0xFFFFFF50];
	[tilespmem:s24+$0xFFFFFF60] =	vst v24;
	v24 =	vmul.f32 v20, v31  }
0x206: {  	v31 =	vld [tilespmem:s1+$0xFFFFFF90];
	[tilespmem:s24+$0xFFFFFFB0] =	vst v26;
	v26 =	vmul.f32 v18, v32  }
0x207: {  	v32 =	vld [tilespmem:s1+$0xFFFFFFD0];
	[tilespmem:s24+$0x0] =	vst v24;
	v24 =	vmul.f32 v23, v33  }
0x208: {  	v33 =	vld [tilespmem:s1+$0x10];
	[tilespmem:s24+$0x50] =	vst v26;
	v25 =	vmul.f32 v25, v30  }
0x209: {  	v26 =	vmul.f32 v27, v28;
	v27 =	vld [tilespmem:s1+$0x50];
	[tilespmem:s24+$0xA0] =	vst v24  }
0x20a: {  	v24 =	vmul.f32 v29, v22;
	v29 =	vld [tilespmem:s1+$0x90];
	[tilespmem:s24+$0x110] =	vst v25  }
0x20b: {  	[tilespmem:s24+$0xFFFFFED0] =	vst v26;
	v25 =	vmul.f32 v31, v21;
	v26 =	vld [tilespmem:s1+$0xF0]  }
0x20c: {  	v31 =	vld [tilespmem:s1+$0xFFFFFF20];
	[tilespmem:s24+$0xFFFFFF20] =	vst v24;
	v24 =	vmul.f32 v32, v19  }
0x20d: {  	v32 =	vld [tilespmem:s1+$0xFFFFFF60];
	[tilespmem:s24+$0xFFFFFF70] =	vst v25;
	v25 =	vmul.f32 v33, v20  }
0x20e: {  	v33 =	vld [tilespmem:s1+$0xFFFFFFA0];
	[tilespmem:s24+$0xFFFFFFC0] =	vst v24;
	v24 =	vmul.f32 v27, v18  }
0x20f: {  	v27 =	vld [tilespmem:s1+$0xFFFFFFE0];
	[tilespmem:s24+$0x10] =	vst v25;
	v25 =	vmul.f32 v29, v23  }
0x210: {  	v29 =	vld [tilespmem:s1+$0x20];
	[tilespmem:s24+$0x60] =	vst v24;
	v24 =	vmul.f32 v26, v30  }
0x211: {  	v26 =	vmul.f32 v31, v28;
	v30 =	vld [tilespmem:s1+$0x60];
	[tilespmem:s24+$0xB0] =	vst v25  }
0x212: {  	v25 =	vmul.f32 v32, v22;
	v31 =	vld [tilespmem:s1+$0xA0];
	[tilespmem:s24+$0x120] =	vst v24  }
0x213: {  	[tilespmem:s24+$0xFFFFFEE0] =	vst v26;
	v24 =	vmul.f32 v33, v21;
	v32 =	vld [tilespmem:s23+$0xB0];
	s23 =	smov.u32 s1  }
0x214: {  	v33 =	vld [tilespmem:s1+$0xFFFFFF30];
	[tilespmem:s24+$0xFFFFFF30] =	vst v25;
	v25 =	vmul.f32 v27, v19  }
.Ltmp2:
0x215: {  	v27 =	vld [tilespmem:s1+$0xFFFFFF70];
	[tilespmem:s24+$0xFFFFFF80] =	vst v24;
	v26 =	vmul.f32 v29, v20;
	(pc) =	sbr.rel @p0 .LBB2_7-.Ltmp2, $4  }
0x216: {  	v24 =	vld [tilespmem:s1+$0xFFFFFFB0];
	[tilespmem:s24+$0xFFFFFFD0] =	vst v25;
	v29 =	vmul.f32 v30, v18  }
0x217: {  	v25 =	vld [tilespmem:s1+$0xFFFFFFF0];
	[tilespmem:s24+$0x20] =	vst v26;
	v30 =	vmul.f32 v31, v23  }
0x218: {  	v26 =	vld [tilespmem:s1+$0x30];
	[tilespmem:s24+$0x70] =	vst v29;
	v29 =	vmul.f32 v32, v17;
	v17 =	vmov v23  }
0x219: {  	s24 =	sadd.s32 $0x280, s24;
	v28 =	vmul.f32 v33, v28;
	v23 =	vld [tilespmem:s1+$0x70];
	[tilespmem:s13+$0xC0] =	vst v30  }
0x21a: {  	v22 =	vmul.f32 v27, v22;
	[tilespmem:s20+$0xD0] =	vst v29;
	v63 =	vld [tilespmem:s23+$0xB0]  }
0x21b: {  	[tilespmem:s13+$0xFFFFFEF0] =	vst v28;
	v21 =	vmul.f32 v24, v21  }
0x21c: {  	[tilespmem:s13+$0xFFFFFF40] =	vst v22;
	v19 =	vmul.f32 v25, v19  }
0x21d: {  	[tilespmem:s13+$0xFFFFFF90] =	vst v21;
	v20 =	vmul.f32 v26, v20  }
0x21e: {  	[tilespmem:s13+$0xFFFFFFE0] =	vst v19;
	v18 =	vmul.f32 v23, v18  }
0x21f: {  	[tilespmem:s13+$0x30] =	vst v20;
	v17 =	vmul.f32 v63, v17  }
0x220: {  	[tilespmem:s13+$0x80] =	vst v18  }
0x221: {  	s1 =	rddreg [dreg:$0x2];
	[tilespmem:s13+$0xD0] =	vst v17  }
0x222: {  	[spmem:s1] =	stream.indirect.scatter.add.f32 [tilespmem:s28], [sflag:$0x5], $0x50, s17, s2, $0xb8;
	[tilespmem:$0x15300] =	vst v63  }
0x223: {  	s24 =	rddreg [dreg:$0x10]  }
0x224: {  	s1 =	sadd.s32 s26, s24  }
0x225: {  	s1 =	sshll.u32 s1, $0x7  }
0x226: {  	s1 =	sadd.s32 s10, s1  }
0x227: {  	s12 =	sadd.s32 $0x1, s12;
	_ =	swait.ge [sflag:s29], $0x2800;
	s3 =	sadd.s32 s11, s1  }
0x228: {  	p0 =	sne.s32 s12, $0x28;
	[sflag:s29] =	ssyncset.done $0x0;
	s3 =	sshrl.u32 s3, $0x3  }
0x229: {  	s24 =	smov.u32 s31;
	[sflag:s29] =	ssyncadd.s32 $0xFFFFD800;
	s31 =	sadd.s32 s31, s3  }
0x22a: {  	[tilespmem:s2], [sflag:$0x2] =	stream.linear.gather [hbm4b:s31+s4], $0x80, $0x38;
	[tilespmem:$0x15300] =	vst v63  }
.Ltmp3:
0x22b: {  	_ = 	snop;
	(pc) =	sbr.rel @p0 .LBB2_4-.Ltmp3, $4  }
0x22c: {  	s13 =	simm.s32 $0x180;
	s1 =	sshrl.u32 s1, $0x3;
	s3 =	sadd.s32 s5, s3  }
0x22d: {  	[tilespmem:s13], [sflag:$0x2] =	stream.linear.gather [hbm4b:s3+s4], $0x80, $0x38;
	[tilespmem:$0x15300] =	vst v63  }
0x22e: {  	s1 =	sadd.s32 s6, s1  }
0x22f: {  	[tilespmem:s17], [sflag:$0x2] =	stream.linear.gather [hbm4b:s1+s4], $0x80, $0x38;
	[tilespmem:$0x15300] =	vst v63  }
0x230: {  	_ =	swait.ge [sflag:s18], $0x2000  }
0x231: {  	[sflag:s18] =	ssyncset.done $0x0  }
0x232: {  	[sflag:s18] =	ssyncadd.s32 $0xFFFFE000  }
0x233: {  	_ =	swait.ge [sflag:s18], $0x800  }
0x234: {  	[sflag:s18] =	ssyncset.done $0x0  }
0x235: {  	[sflag:s18] =	ssyncadd.s32 $0xFFFFF800  }
0x236: {  	_ =	swait.ge [sflag:s18], $0x800  }
0x237: {  	[sflag:s18] =	ssyncset.done $0x0  }
0x238: {  	[sflag:s18] =	ssyncadd.s32 $0xFFFFF800  }
0x239: {  	_ =	swait.ge [sflag:s19], $0x80  }
0x23a: {  	[sflag:s19] =	ssyncset.done $0x0  }
0x23b: {  	[sflag:s19] =	ssyncadd.s32 $0xFFFFFF80  }
0x23c: {  	_ =	swait.ge [sflag:s19], $0x80  }
0x23d: {  	[sflag:s19] =	ssyncset.done $0x0  }
0x23e: {  	[sflag:s19] =	ssyncadd.s32 $0xFFFFFF80  }
0x23f: {  	_ =	swait.ge [sflag:s19], $0x80  }
0x240: {  	[sflag:s19] =	ssyncset.done $0x0  }
0x241: {  	[sflag:s19] =	ssyncadd.s32 $0xFFFFFF80  }
0x242: {  	s1 =	stileid.u32;
	[bflag:$0x0] =	sbarrier.arrive $0xFFFF  }
0x243: {  	s1 =	sshll.u32 s1, $0x6;
	s20 =	rddreg [dreg:$0x4]  }
0x244: {  	s1 =	sor.u32 $0x1C05, s1;
	s12 =	rddreg [dreg:$0x11];
	s3 =	sshrl.u32 s20, $0x3  }
0x245: {  	[hbm:s12], [sflag:s1] =	dma.local [spmem:s3], $0x1900  }
0x246: {  	_ =	swait.ge [sflag:s29], $0x1900  }
0x247: {  	s26 =	rddreg [dreg:$0x13]  }
0x248: {  	s31 =	rddreg [dreg:$0x12];
	s3 =	sadd.s32 $0x1, s26  }
0x249: {  	p0 =	sne.s32 s3, s31  }
.Ltmp4:
0x24a: {  	_ = 	snop;
	(pc) =	sbr.rel @p0 .LBB2_1-.Ltmp4, $3  }
0x24b: {  	_ =	sdelay $0x1  }
0x24c: {  	[sflag:s29] =	ssyncset.done $0x0  }
0x24d: {  	[sflag:s29] =	ssyncadd.s32 $0xFFFFE700  }
0x24e: {  	_ =	sfence.sel $0x180000  }
0x24f: {  	[bflag:$0x0] =	sbarrier.arrive $0xFFFF  }
0x250: {  	_ =	strace $0x9000004A  }
0x251: {  	s0 =	stileid.u32;
	[bflag:$0x2] =	sbarrier.arrive $0xFFFF  }
0x252: {  	p0 =	sne.s32 s0, $0x0;
	s0 =	rddreg [dreg:$0x3]  }
0x253: {  	s0 =	sadd.s32 @!p0 $0x100000, s0  }
0x254: {  	[sflag:s0] =	ssyncadd.tile.s32 @!p0 $0x1;
	_ =	shalt  }
.Lfunc_end2:
_tile_overlayer_lowered:
.L_overlay_start_2:
0x255: {  	(tag) =	ssettag $0x2  }
0x256: {  	s0 =	rddreg [dreg:$0x0];
	s2 =	stileid.u32  }
0x257: {  	s1 =	rddreg [dreg:$0x1];
	p0 =	sne.s32 s2, $0x0  }
0x258: {  	s3 =	rddreg [dreg:$0x2];
	[bflag:$0x3] =	sbarrier.arrive $0xFFFF;
	s2 =	simm.s32 @!p0 $0x1C05  }
0x259: {  	[timem:s3], [sflag:s2] =	dma.local @!p0 [hbm:s0], s1  }
0x25a: {  	s0 =	simm.s32 @!p0 $0x5  }
0x25b: {  	_ =	swait.ge @!p0 [sflag:s0], s1  }
0x25c: {  	s1 =	ssub.s32 @!p0 $0x0, s1;
	[sflag:s0] =	ssyncset.done @!p0 $0x0  }
0x25d: {  	[sflag:s0] =	ssyncadd.s32 @!p0 s1  }
0x25e: {  	[bflag:$0x3] =	sbarrier.arrive $0xFFFF  }
0x25f: {  	_ =	shalt  }

// kernel: kernel.7.cloned.1.call-start
scs
__scs_entry_jumppad:
0x0: {  	(pc) =	sbr.rel $0x88, $3  }
0x1: {  	(tag) =	ssettag $0x0;
	lr =	simm.s32 $0x1  }
0x2: {  	[smem:$0x3F97] =	sst lr;
	_ =	strace $0xD0000000  }
0x3: {  	_ = 	snop  }
0x4: {  	_ = 	snop  }
0x5: {  	_ = 	snop  }
0x6: {  	_ = 	snop  }
0x7: {  	_ = 	snop  }
__scs_overlays_trampoline_lowered:
0x8: {  	[smem:$0x3FA6] =	sst s0  }
0x9: {  	[smem:$0x3FA7] =	sst s1  }
0xa: {  	[smem:$0x3FA8] =	sst s2  }
0xb: {  	[smem:$0x3FA9] =	sst s3  }
0xc: {  	[smem:$0x3FAA] =	sst s4  }
0xd: {  	[smem:$0x3FAB] =	sst s5  }
0xe: {  	[smem:$0x3FAC] =	sst s6  }
0xf: {  	[smem:$0x3FAD] =	sst s7  }
0x10: {  	[smem:$0x3FAE] =	sst s8  }
0x11: {  	[smem:$0x3FAF] =	sst s9;
	s0 =	simm.s32 @!p0 $0x0  }
0x12: {  	s1 =	sld [smem:$0x3F95];
	s0 =	simm.s32 @p0 $0x1  }
0x13: {  	[smem:$0x3FB0] =	sst s0;
	s0 =	simm.s32 @!p1 $0x0  }
0x14: {  	s2 =	sld [smem:$0x3F94];
	s0 =	simm.s32 @p1 $0x1  }
0x15: {  	[smem:$0x3FB1] =	sst s0;
	s0 =	simm.s32 @!p2 $0x0  }
0x16: {  	s3 =	sld [smem:$0x3FDB];
	s0 =	simm.s32 @p2 $0x1  }
0x17: {  	s4 =	simm.s32 $0x1BF5;
	[smem:$0x3FB3] =	sst s0  }
0x18: {  	s0 =	sld [smem:$0x3F96];
	_ =	swait.ge [sflag:s4], $0x0  }
0x19: {  	s7 =	sld [smem:$0x3F97]  }
0x1a: {  	s8 =	sadd.s32 $0xFFFFE003, lr  }
0x1b: {  	s9 =	sadd.s32 $0xFFFFFEF7, lr;
	s5 =	simm.s32 $0xFFFFFFFF;
	p2 =	slt.u32 s8, $0xFFFFF086  }
0x1c: {  	p1 =	slt.u32 s9, $0xF7A;
	s5 =	simm.s32 @!p2 $0x0  }
0x1d: {  	s5 =	simm.s32 @p1 $0x1;
	p0 =	seq.s32 s7, s2  }
0x1e: {  	s7 =	smul.u32 @!p0 $0xF7A, s2;
	p2 =	seq.s32 @!p0 s5, $0x0  }
0x1f: {  	s9 =	smul.u32 $0xF7A, s1;
	s8 =	simm.s32 @!p0 $0x1BF5;
	p2 =	por !p2, p0  }
0x20: {  	[sflag:s8] =	ssyncset.s32 @!p0 $0xFFFFF086;
	s6 =	sadd.s32 @!p0 s3, s7;
	s7 =	simm.s32 @!p0 $0x108  }
0x21: {  	s3 =	sadd.s32 s3, s9;
	s6 =	sadd.s32 @!p0 $0x88, s6;
	s7 =	simm.s32 @p2 $0x1082  }
0x22: {  	[simem:s7], [sflag:s8] =	dma.local @!p0 [hbm:s6], $0xF7A  }
0x23: {  	s9 =	sor.u32 $0xD0000000, s2;
	s6 =	simm.s32 $0x108;
	_ =	swait.ge @!p0 [sflag:s8], $0x0  }
0x24: {  	s3 =	sadd.s32 $0x88, s3;
	s6 =	simm.s32 @!p1 $0x1082;
	[sflag:s4] =	ssyncset.s32 $0xFFFFF086  }
0x25: {  	[simem:s6], [sflag:s4] =	dma.local [hbm:s3], $0xF7A  }
0x26: {  	[smem:$0x3F97] =	sst s1;
	(tag) =	ssettag s2;
	_ =	strace s9  }
0x27: {  	s1 =	sld [smem:$0x3FA7]  }
0x28: {  	s2 =	sld [smem:$0x3FA8]  }
0x29: {  	s4 =	sld [smem:$0x3FAA]  }
0x2a: {  	p0 =	seq.s32 s5, $0x0;
	s5 =	sld [smem:$0x3FAB]  }
0x2b: {  	s6 =	sld [smem:$0x3FAC]  }
0x2c: {  	s7 =	sld [smem:$0x3FAD]  }
0x2d: {  	s3 =	simm.s32 $0x108;
	s8 =	sld [smem:$0x3FAE]  }
0x2e: {  	s3 =	simm.s32 @!p0 $0x1082;
	s9 =	sld [smem:$0x3FAF]  }
0x2f: {  	lr =	sadd.s32 s0, s3;
	s0 =	sld [smem:$0x3FA6]  }
0x30: {  	s3 =	sld [smem:$0x3FA9]  }
0x31: {  	[smem:$0x3FB2] =	sst s10  }
0x32: {  	s10 =	sld [smem:$0x3FB0];
	_ =	sdelay $0x3  }
0x33: {  	p0 =	seq.s32 s10, $0x1;
	s10 =	sld [smem:$0x3FB2];
	_ =	sdelay $0x3  }
0x34: {  	[smem:$0x3FB2] =	sst s10  }
0x35: {  	s10 =	sld [smem:$0x3FB1];
	_ =	sdelay $0x3  }
0x36: {  	p1 =	seq.s32 s10, $0x1;
	s10 =	sld [smem:$0x3FB2];
	_ =	sdelay $0x3  }
0x37: {  	[smem:$0x3FB2] =	sst s10  }
0x38: {  	s10 =	sld [smem:$0x3FB3]  }
0x39: {  	_ = 	snop;
	(pc) =	sbr.ind lr, $3  }
0x3a: {  	_ = 	snop  }
0x3b: {  	_ = 	snop  }
0x3c: {  	p2 =	seq.s32 s10, $0x1;
	s10 =	sld [smem:$0x3FB2]  }
0x3d: {  	_ =	shalt  }
0x3e: {  	_ =	shalt  }
0x3f: {  	_ =	shalt  }
0x40: {  	_ =	shalt  }
0x41: {  	_ =	shalt  }
0x42: {  	_ =	shalt  }
0x43: {  	_ =	shalt  }
0x44: {  	_ =	shalt  }
0x45: {  	_ =	shalt  }
0x46: {  	_ =	shalt  }
0x47: {  	_ =	shalt  }
0x48: {  	_ =	shalt  }
0x49: {  	_ =	shalt  }
0x4a: {  	_ =	shalt  }
0x4b: {  	_ =	shalt  }
0x4c: {  	_ =	shalt  }
0x4d: {  	_ =	shalt  }
0x4e: {  	_ =	shalt  }
0x4f: {  	_ =	shalt  }
0x50: {  	_ =	shalt  }
0x51: {  	_ =	shalt  }
0x52: {  	_ =	shalt  }
0x53: {  	_ =	shalt  }
0x54: {  	_ =	shalt  }
0x55: {  	_ =	shalt  }
0x56: {  	_ =	shalt  }
0x57: {  	_ =	shalt  }
0x58: {  	_ =	shalt  }
0x59: {  	_ =	shalt  }
0x5a: {  	_ =	shalt  }
0x5b: {  	_ =	shalt  }
0x5c: {  	_ =	shalt  }
0x5d: {  	_ =	shalt  }
0x5e: {  	_ =	shalt  }
0x5f: {  	_ =	shalt  }
0x60: {  	_ =	shalt  }
0x61: {  	_ =	shalt  }
0x62: {  	_ =	shalt  }
0x63: {  	_ =	shalt  }
0x64: {  	_ =	shalt  }
0x65: {  	_ =	shalt  }
0x66: {  	_ =	shalt  }
0x67: {  	_ =	shalt  }
0x68: {  	_ =	shalt  }
0x69: {  	_ =	shalt  }
0x6a: {  	_ =	shalt  }
0x6b: {  	_ =	shalt  }
0x6c: {  	_ =	shalt  }
0x6d: {  	_ =	shalt  }
0x6e: {  	_ =	shalt  }
0x6f: {  	_ =	shalt  }
0x70: {  	_ =	shalt  }
0x71: {  	_ =	shalt  }
0x72: {  	_ =	shalt  }
0x73: {  	_ =	shalt  }
0x74: {  	_ =	shalt  }
0x75: {  	_ =	shalt  }
0x76: {  	_ =	shalt  }
0x77: {  	_ =	shalt  }
0x78: {  	_ =	shalt  }
0x79: {  	_ =	shalt  }
0x7a: {  	_ =	shalt  }
0x7b: {  	_ =	shalt  }
0x7c: {  	_ =	shalt  }
0x7d: {  	_ =	shalt  }
0x7e: {  	_ =	shalt  }
0x7f: {  	_ =	shalt  }
0x80: {  	_ =	shalt  }
0x81: {  	_ =	shalt  }
0x82: {  	_ =	shalt  }
0x83: {  	_ =	shalt  }
0x84: {  	_ =	shalt  }
0x85: {  	_ =	shalt  }
0x86: {  	_ =	shalt  }
0x87: {  	_ =	shalt  }
.Lfunc_end0:
.L_simem_size_0:
called_computation_lowered:
.L_overlay_start_0:
0x88: {  	s2 =	sld [smem:$0x3FD9]  }
0x89: {  	s3 =	sld [smem:$0x3FFE];
	_ =	sdelay $0x1  }
0x8a: {  	s1 =	srdreg.scid  }
0x8b: {  	s0 =	sand.u32 $0x1, s1  }
0x8c: {  	s16 =	sshll.u32 s0, $0xA;
	s2 =	sadd.s32 s3, s2  }
0x8d: {  	s2 =	sadd.s32 s2, s16  }
0x8e: {  	[smem:$0x3FBE] =	sst s2  }
0x8f: {  	_ = 	snop  }
0x90: {  	(tm) =	ssettm $0x1  }
0x91: {  	s17 =	sld [smem:$0x3FFB];
	_ =	sdelay $0x3  }
0x92: {  	_ =	strace s17  }
0x93: {  	s2 =	sld [smem:$0x3FFC];
	_ =	sdelay $0x3  }
0x94: {  	_ =	strace s2  }
0x95: {  	s2 =	sld [smem:$0x3FFD];
	_ =	sdelay $0x3  }
0x96: {  	_ =	strace s2  }
0x97: {  	_ =	strace $0x8FFFFFFF  }
0x98: {  	s18 =	sld [smem:$0x3FDB];
	_ =	sdelay $0x1  }
0x99: {  	s19 =	simm.s32 $_scs_section_size  }
0x9a: {  	s4 =	simm.s32 $_size__tile_overlayer_lowered;
	s5 =	simm.s32 $_tile_overlayer_lowered  }
0x9b: {  	s22 =	simm.s32 $0x1BFF;
	s21 =	sshll.u32 s5, $0x1;
	s2 =	sadd.s32 s19, s18  }
0x9c: {  	s6 =	simm.s32 $0x0;
	s20 =	sshll.u32 s4, $0x1;
	s4 =	sadd.s32 s21, s2  }
0x9d: {  	[timem:s6], [sflag:s22] =	dma.local [hbm:s4], s20  }
0x9e: {  	_ =	swait.ge [sflag:s22], s20  }
0x9f: {  	s3 =	ssub.s32 $0x0, s20;
	[sflag:s22] =	ssyncset.done $0x0  }
0xa0: {  	[sflag:s22] =	ssyncadd.s32 s3;
	_ =	sdelay $0x1  }
0xa1: {  	s23 =	simm.s32 $0x1B8B  }
0xa2: {  	_ =	swait.ge [sflag:s23], $0x1  }
0xa3: {  	[sflag:s23] =	ssyncset.done $0x0  }
0xa4: {  	s25 =	simm.s32 $0x1B8E;
	s24 =	sld [smem:$0x3FFE];
	[sflag:s23] =	ssyncadd.s32 $0xFFFFFFFF  }
0xa5: {  	s26 =	simm.s32 $execute0_lowered;
	[smem:$0x3FD2] =	sst s25  }
0xa6: {  	s4 =	sshll.u32 s26, $0x1;
	_ =	strace $0x80000046;
	[dreg:$0x1] =	wrdreg $0xFFFFFFFF  }
0xa7: {  	s28 =	simm.s32 $_size_execute0_lowered;
	s2 =	sadd.s32 s2, s4;
	[dreg:$0x0] =	wrdreg $0x0  }
0xa8: {  	s4 =	sshll.u32 s28, $0x1;
	[dreg:$0x2] =	wrdreg s2  }
0xa9: {  	[dreg:$0x3] =	wrdreg s4  }
0xaa: {  	[dreg:$0x4] =	wrdreg $0xC0  }
0xab: {  	_ =	task [dreg:s6], $0x5FFFF  }
0xac: {  	[dreg:$0x1] =	wrdreg $0xFFFFFFFF  }
0xad: {  	[dreg:$0x0] =	wrdreg $0x60  }
0xae: {  	[dreg:$0x2] =	wrdreg s24  }
0xaf: {  	[dreg:$0x3] =	wrdreg $0x75800  }
0xb0: {  	[dreg:$0x4] =	wrdreg $0x9  }
0xb1: {  	_ =	task.clear_ibuf [dreg:s6], $0x5FFFF;
	_ =	strace $0x90000046  }
0xb2: {  	s29 =	simm.s32 $0x9;
	_ =	strace $0x80000048  }
0xb3: {  	_ =	swait.ge [sflag:s29], $0x1  }
0xb4: {  	[sflag:s29] =	ssyncadd.s32 $0xFFFFFFFF  }
0xb5: {  	_ =	strace $0x90000048  }
0xb6: {  	_ =	sfence  }
0xb7: {  	s30 =	sld [smem:$0x0];
	_ =	sdelay $0x2  }
0xb8: {  	s31 =	sshll.u32 s1, $0xD;
	s1 =	sshrl.u32 s1, $0x2  }
0xb9: {  	s3 =	sand.u32 $0x4000, s31;
	s1 =	sadd.s32 s1, s30  }
0xba: {  	s0 =	sor.u32 s3, s0;
	s1 =	sshll.u32 s1, $0x11  }
0xbb: {  	s0 =	sor.u32 s1, s0  }
0xbc: {  	s0 =	sadd.s32 $0x8F2B, s0  }
0xbd: {  	[sflag:s0] =	ssyncadd.remote.s32 $0x1  }
0xbe: {  	_ =	sfence.sel $0xFFFF  }
0xbf: {  	[dreg:$0x0] =	wrdreg $0xFFFFFFFF;
	(pc) =	sbr.abs _section_cstart, $3  }
0xc0: {  	[dreg:$0x1] =	wrdreg $0xFFFFFFFF  }
0xc1: {  	_ =	task.clear_ibuf [dreg:s6], $0x2FFFF;
	_ =	strace $0x9FFFFFFF  }
0xc2: {  	(tm) =	ssettm $0x7FFFFFFF  }
0xc3: {  	_ =	shalt  }
tec
execute0_lowered:
.L_overlay_start_1:
0x0: {  	(tag) =	ssettag $0x1  }
0x1: {  	s0 =	rddreg [dreg:$0x0]  }
0x2: {  	s29 =	rddreg [dreg:$0x1]  }
0x3: {  	s3 =	simm.s32 $0x0;
	s1 =	srdreg.scid;
	s15 =	stileid.u32  }
0x4: {  	[smem:$0x7FF] =	sst s3;
	s2 =	smul.u32 $0x16800, s15  }
0x5: {  	s4 =	sadd.s32 $0x33E00, s0;
	s1 =	sand.u32 $0x1, s1;
	s11 =	smul.u32 $0x5A000, s15  }
0x6: {  	s5 =	sadd.s32 $0x20200, s0;
	s6 =	sadd.s32 $0x16400, s0;
	s26 =	smul.u32 $0x4E80, s15  }
0x7: {  	s7 =	sadd.s32 $0x47A00, s0;
	s8 =	sadd.s32 $0x9FA00, s0;
	s23 =	smul.u32 $0x13A, s15  }
0x8: {  	s9 =	sadd.s32 $0x95C00, s0;
	s15 =	simm.s32 $0x40;
	s10 =	smul.u32 $0x168000, s1  }
0x9: {  	_ =	strace $0x80000047;
	s12 =	ssub.s32 $0x2, s1;
	s14 =	smul.u32 $0x4E880, s1  }
0xa: {  	s13 =	sshrl.u32 s12, $0x1;
	s11 =	sshrl.u32 s11, $0x2;
	s16 =	sadd.s32 s2, s29  }
0xb: {  	s20 =	sor.u32 $0x40, s26;
	s10 =	sadd.s32 s2, s10;
	s11 =	sadd.s32 s11, s29  }
0xc: {  	s19 =	sadd.s32 s26, s14;
	[dreg:$0x3] =	wrdreg s16;
	s25 =	sadd.s32 $0x2400, s11  }
0xd: {  	s22 =	sadd.s32 s14, s20;
	s28 =	sadd.s32 $0x4800, s11;
	[dreg:$0x4] =	wrdreg s25  }
0xe: {  	s2 =	sshrl.u32 s26, $0x3;
	s30 =	sadd.s32 $0x6C00, s11;
	[dreg:$0x5] =	wrdreg s28  }
0xf: {  	s24 =	sshrl.u32 s20, $0x3;
	s31 =	sadd.s32 $0x9000, s11;
	[dreg:$0x6] =	wrdreg s30  }
0x10: {  	s20 =	simm.s32 $0x140;
	s17 =	sadd.s32 $0xFC00, s11;
	[dreg:$0x7] =	wrdreg s31  }
0x11: {  	s10 =	sshrl.u32 s10, $0x3;
	s18 =	sadd.s32 $0x12000, s11;
	[dreg:$0xa] =	wrdreg s17  }
0x12: {  	s1 =	sshrl.u32 s19, $0x3;
	s2 =	sadd.s32 s6, s2;
	[dreg:$0xb] =	wrdreg s18  }
0x13: {  	s26 =	sadd.s32 s6, s24;
	s0 =	sadd.s32 s10, s0;
	[dreg:$0xf] =	wrdreg s2  }
0x14: {  	s10 =	ssub.s32 s12, s13;
	s12 =	sadd.s32 $0xB400, s11;
	[dreg:$0x12] =	wrdreg s26  }
0x15: {  	s19 =	simm.s32 $0x100;
	s13 =	sadd.s32 $0xD800, s11;
	[dreg:$0x8] =	wrdreg s12  }
0x16: {  	s24 =	simm.s32 $0x4580;
	s11 =	sadd.s32 $0x14400, s11;
	[dreg:$0x9] =	wrdreg s13  }
0x17: {  	s21 =	sadd.s32 s4, s1;
	s1 =	sadd.s32 s5, s1;
	[dreg:$0xc] =	wrdreg s11  }
0x18: {  	s28 =	sadd.s32 $0x2, s23;
	s30 =	sadd.s32 $0x3, s23;
	[dreg:$0xd] =	wrdreg s21  }
0x19: {  	v1 =	vlaneseq.u32;
	s2 =	simm.s32 $0x5;
	s17 =	simm.s32 $0x4180;
	[dreg:$0xe] =	wrdreg s1  }
0x1a: {  	v0 =	vmul.u32 $0x10, v1;
	v16 =	vmul.u32 $0x90, v1;
	s18 =	simm.s32 $0x4980;
	s23 =	simm.s32 $0xC0;
	[dreg:$0x13] =	wrdreg s28  }
0x1b: {  	v1 =	vimm.f32 $0.0e+00;
	s26 =	simm.s32 $0x4;
	s1 =	sshrl.u32 s22, $0x3;
	[dreg:$0x14] =	wrdreg s30  }
0x1c: {  	v2 =	vadd.s32 $0x80, v16;
	v3 =	vor.u32 $0x1, v0;
	v4 =	vadd.s32 $0x81, v16;
	s0 =	sadd.s32 $0xA9800, s0;
	s31 =	smax.u32 s10, $0x1;
	s11 =	simm.s32 $0x80  }
0x1d: {  	v5 =	vor.u32 $0x100, v0;
	v6 =	vadd.s32 $0x980, v16;
	v7 =	vor.u32 $0x101, v0;
	s13 =	simm.s32 $0x1;
	s21 =	simm.s32 $0x3;
	[dreg:$0x15] =	wrdreg s0  }
0x1e: {  	v8 =	vadd.s32 $0x981, v16;
	v9 =	vor.u32 $0x200, v0;
	v10 =	vadd.s32 $0x1280, v16;
	s22 =	simm.s32 $0x2;
	s25 =	sadd.s32 s4, s1;
	[dreg:$0x16] =	wrdreg s31  }
0x1f: {  	v11 =	vor.u32 $0x201, v0;
	v12 =	vadd.s32 $0x1281, v16;
	v13 =	vor.u32 $0x300, v0;
	s10 =	simm.s32 $0x0;
	s1 =	sadd.s32 s5, s1;
	[dreg:$0x10] =	wrdreg s25  }
0x20: {  	v14 =	vadd.s32 $0x1B80, v16;
	v15 =	vor.u32 $0x301, v0;
	v16 =	vadd.s32 $0x1B81, v16;
	s0 =	simm.s32 $0x5180;
	[dreg:$0x11] =	wrdreg s1;
	s25 =	simm.s32 $0x4D80  }
.LBB2_1:
0x21: {  	[dreg:$0x17] =	wrdreg s10;
	s1 =	simm.s32 $0x0;
	s10 =	simm.s32 $0x240  }
.LBB2_2:
0x22: {  	p0 =	sne.s32 s10, $0x8DC0;
	[tilespmem:s1+$0x5200] =	vst v1  }
0x23: {  	[tilespmem:s1+$0x5180] =	vst v1  }
0x24: {  	[tilespmem:s1+$0x5190] =	vst v1  }
0x25: {  	[tilespmem:s1+$0x51A0] =	vst v1  }
.Ltmp0:
0x26: {  	[tilespmem:s1+$0x51B0] =	vst v1;
	(pc) =	sbr.rel @p0 .LBB2_2-.Ltmp0, $4  }
0x27: {  	[tilespmem:s1+$0x51C0] =	vst v1  }
0x28: {  	[tilespmem:s1+$0x51D0] =	vst v1  }
0x29: {  	[tilespmem:s1+$0x51E0] =	vst v1  }
0x2a: {  	[tilespmem:s1+$0x51F0] =	vst v1;
	s1 =	sshra.s32 s10, $0x2;
	s10 =	sadd.s32 $0x240, s10  }
0x2b: {  	[tilespmem:s1+$0x5200] =	vst v1  }
0x2c: {  	[tilespmem:s1+$0x5180] =	vst v1  }
0x2d: {  	[tilespmem:s1+$0x5190] =	vst v1  }
0x2e: {  	[tilespmem:s1+$0x51A0] =	vst v1  }
0x2f: {  	[tilespmem:s1+$0x51B0] =	vst v1  }
0x30: {  	[tilespmem:s1+$0x51C0] =	vst v1  }
0x31: {  	[tilespmem:s1+$0x51D0] =	vst v1  }
0x32: {  	[tilespmem:s1+$0x51E0] =	vst v1  }
0x33: {  	[tilespmem:s1+$0x51F0] =	vst v1  }
0x34: {  	[spmem:s16] =	stream.linear.scatter [tilespmem:s0], [sflag:$0x5], $0x2400, $0x38;
	[tilespmem:$0x1DD80] =	vst v63  }
0x35: {  	_ =	swait.ge [sflag:s2], $0x2400  }
0x36: {  	[sflag:s2] =	ssyncset.done $0x0  }
0x37: {  	s10 =	rddreg [dreg:$0x4];
	[sflag:s2] =	ssyncadd.s32 $0xFFFFDC00  }
0x38: {  	[spmem:s10] =	stream.linear.scatter [tilespmem:s0], [sflag:$0x5], $0x2400, $0x38;
	[tilespmem:$0x1DD80] =	vst v63  }
0x39: {  	_ =	swait.ge [sflag:s2], $0x2400  }
0x3a: {  	[sflag:s2] =	ssyncset.done $0x0  }
0x3b: {  	s12 =	rddreg [dreg:$0x5];
	[sflag:s2] =	ssyncadd.s32 $0xFFFFDC00  }
0x3c: {  	[spmem:s12] =	stream.linear.scatter [tilespmem:s0], [sflag:$0x5], $0x2400, $0x38;
	[tilespmem:$0x1DD80] =	vst v63  }
0x3d: {  	_ =	swait.ge [sflag:s2], $0x2400  }
0x3e: {  	[sflag:s2] =	ssyncset.done $0x0  }
0x3f: {  	s16 =	rddreg [dreg:$0x6];
	[sflag:s2] =	ssyncadd.s32 $0xFFFFDC00  }
0x40: {  	[spmem:s16] =	stream.linear.scatter [tilespmem:s0], [sflag:$0x5], $0x2400, $0x38;
	[tilespmem:$0x1DD80] =	vst v63  }
0x41: {  	_ =	swait.ge [sflag:s2], $0x2400  }
0x42: {  	[sflag:s2] =	ssyncset.done $0x0  }
0x43: {  	s28 =	rddreg [dreg:$0x7];
	[sflag:s2] =	ssyncadd.s32 $0xFFFFDC00  }
0x44: {  	[spmem:s28] =	stream.linear.scatter [tilespmem:s0], [sflag:$0x5], $0x2400, $0x38;
	[tilespmem:$0x1DD80] =	vst v63  }
0x45: {  	_ =	swait.ge [sflag:s2], $0x2400  }
0x46: {  	[sflag:s2] =	ssyncset.done $0x0  }
0x47: {  	s30 =	rddreg [dreg:$0x8];
	[sflag:s2] =	ssyncadd.s32 $0xFFFFDC00  }
0x48: {  	[spmem:s30] =	stream.linear.scatter [tilespmem:s0], [sflag:$0x5], $0x2400, $0x38;
	[tilespmem:$0x1DD80] =	vst v63  }
0x49: {  	_ =	swait.ge [sflag:s2], $0x2400  }
0x4a: {  	[sflag:s2] =	ssyncset.done $0x0  }
0x4b: {  	s10 =	rddreg [dreg:$0x9];
	[sflag:s2] =	ssyncadd.s32 $0xFFFFDC00  }
0x4c: {  	[spmem:s10] =	stream.linear.scatter [tilespmem:s0], [sflag:$0x5], $0x2400, $0x38;
	[tilespmem:$0x1DD80] =	vst v63  }
0x4d: {  	_ =	swait.ge [sflag:s2], $0x2400  }
0x4e: {  	[sflag:s2] =	ssyncset.done $0x0  }
0x4f: {  	s12 =	rddreg [dreg:$0xa];
	[sflag:s2] =	ssyncadd.s32 $0xFFFFDC00  }
0x50: {  	[spmem:s12] =	stream.linear.scatter [tilespmem:s0], [sflag:$0x5], $0x2400, $0x38;
	[tilespmem:$0x1DD80] =	vst v63  }
0x51: {  	_ =	swait.ge [sflag:s2], $0x2400  }
0x52: {  	[sflag:s2] =	ssyncset.done $0x0  }
0x53: {  	s16 =	rddreg [dreg:$0xb];
	[sflag:s2] =	ssyncadd.s32 $0xFFFFDC00  }
0x54: {  	[spmem:s16] =	stream.linear.scatter [tilespmem:s0], [sflag:$0x5], $0x2400, $0x38;
	[tilespmem:$0x1DD80] =	vst v63  }
0x55: {  	_ =	swait.ge [sflag:s2], $0x2400  }
0x56: {  	[sflag:s2] =	ssyncset.done $0x0  }
0x57: {  	s28 =	rddreg [dreg:$0xc];
	[sflag:s2] =	ssyncadd.s32 $0xFFFFDC00  }
0x58: {  	[spmem:s28] =	stream.linear.scatter [tilespmem:s0], [sflag:$0x5], $0x2400, $0x38;
	[tilespmem:$0x1DD80] =	vst v63  }
0x59: {  	_ =	swait.ge [sflag:s2], $0x2400  }
0x5a: {  	[sflag:s2] =	ssyncset.done $0x0  }
0x5b: {  	[sflag:s2] =	ssyncadd.s32 $0xFFFFDC00  }
0x5c: {  	[bflag:$0x0] =	sbarrier.arrive $0xFFFF  }
0x5d: {  	s31 =	simm.s32 $0x0;
	s30 =	rddreg [dreg:$0xd]  }
0x5e: {  	[tilespmem:s31], [sflag:$0x1] =	stream.linear.gather [hbm4b:s30+s31], $0x40, $0x38;
	[tilespmem:$0x1DD80] =	vst v63  }
0x5f: {  	s10 =	rddreg [dreg:$0xe]  }
0x60: {  	[tilespmem:s11], [sflag:$0x1] =	stream.linear.gather [hbm4b:s10+s31], $0x40, $0x38;
	[tilespmem:$0x1DD80] =	vst v63  }
0x61: {  	s12 =	rddreg [dreg:$0xf]  }
0x62: {  	[tilespmem:s19], [sflag:$0x1] =	stream.linear.gather [hbm4b:s12+s31], $0x40, $0x38;
	[tilespmem:$0x1DD80] =	vst v63  }
0x63: {  	_ =	swait.ge [sflag:s13], $0x40  }
0x64: {  	[sflag:s13] =	ssyncset.done $0x0  }
0x65: {  	[sflag:s13] =	ssyncadd.s32 $0xFFFFFFC0  }
0x66: {  	_ =	swait.ge [sflag:s13], $0x40  }
0x67: {  	[sflag:s13] =	ssyncset.done $0x0  }
0x68: {  	[sflag:s13] =	ssyncadd.s32 $0xFFFFFFC0  }
0x69: {  	_ =	swait.ge [sflag:s13], $0x40  }
0x6a: {  	[sflag:s13] =	ssyncset.done $0x0  }
0x6b: {  	s16 =	simm.s32 $0x180;
	[sflag:s13] =	ssyncadd.s32 $0xFFFFFFC0  }
0x6c: {  	[tilespmem:s16], [sflag:$0x3] =	stream.indirect.gather [hbm4b:s7+s15], $0x80, s31, s15, $0xb8;
	[tilespmem:$0x1DD80] =	vst v63  }
0x6d: {  	_ = 	snop  }
0x6e: {  	[tilespmem:s17], [sflag:$0x3] =	stream.indirect.gather [hbm4b:s8+s15], $0x10, s31, s15, $0xb8;
	[tilespmem:$0x1DD80] =	vst v63  }
0x6f: {  	_ = 	snop  }
0x70: {  	[tilespmem:s18], [sflag:$0x3] =	stream.indirect.gather [hbm4b:s9+s15], $0x10, s11, s15, $0xb8;
	[tilespmem:$0x1DD80] =	vst v63  }
0x71: {  	s19 =	rddreg [dreg:$0x10]  }
0x72: {  	[tilespmem:s15], [sflag:$0x2] =	stream.linear.gather [hbm4b:s19+s31], $0x40, $0x38;
	[tilespmem:$0x1DD80] =	vst v63  }
0x73: {  	s28 =	rddreg [dreg:$0x11]  }
0x74: {  	[tilespmem:s23], [sflag:$0x2] =	stream.linear.gather [hbm4b:s28+s31], $0x40, $0x38;
	[tilespmem:$0x1DD80] =	vst v63  }
0x75: {  	s30 =	rddreg [dreg:$0x12]  }
0x76: {  	[tilespmem:s20], [sflag:$0x2] =	stream.linear.gather [hbm4b:s30+s31], $0x40, $0x38;
	[tilespmem:$0x1DD80] =	vst v63  }
.LBB2_4:
0x77: {  	_ =	swait.ge [sflag:s21], $0x2000  }
0x78: {  	[sflag:s21] =	ssyncset.done $0x0  }
0x79: {  	[sflag:s21] =	ssyncadd.s32 $0xFFFFE000  }
0x7a: {  	_ =	swait.ge [sflag:s21], $0x400  }
0x7b: {  	[sflag:s21] =	ssyncset.done $0x0  }
0x7c: {  	[sflag:s21] =	ssyncadd.s32 $0xFFFFFC00  }
0x7d: {  	_ =	swait.ge [sflag:s21], $0x400  }
0x7e: {  	[sflag:s21] =	ssyncset.done $0x0  }
0x7f: {  	[sflag:s21] =	ssyncadd.s32 $0xFFFFFC00  }
0x80: {  	_ =	swait.ge [sflag:s22], $0x40  }
0x81: {  	[sflag:s22] =	ssyncset.done $0x0  }
0x82: {  	[sflag:s22] =	ssyncadd.s32 $0xFFFFFFC0  }
0x83: {  	_ =	swait.ge [sflag:s22], $0x40  }
0x84: {  	[sflag:s22] =	ssyncset.done $0x0  }
0x85: {  	[sflag:s22] =	ssyncadd.s32 $0xFFFFFFC0  }
0x86: {  	_ =	swait.ge [sflag:s22], $0x40  }
0x87: {  	[sflag:s22] =	ssyncset.done $0x0  }
0x88: {  	s1 =	simm.s32 $0x2180;
	[sflag:s22] =	ssyncadd.s32 $0xFFFFFFC0  }
0x89: {  	[tilespmem:s1], [sflag:$0x4] =	stream.indirect.gather [hbm4b:s7+s15], $0x80, s15, s15, $0xb8;
	[tilespmem:$0x1DD80] =	vst v63  }
0x8a: {  	_ = 	snop  }
0x8b: {  	[tilespmem:s24], [sflag:$0x4] =	stream.indirect.gather [hbm4b:s8+s15], $0x10, s15, s15, $0xb8;
	[tilespmem:$0x1DD80] =	vst v63  }
0x8c: {  	_ = 	snop  }
0x8d: {  	[tilespmem:s25], [sflag:$0x4] =	stream.indirect.gather [hbm4b:s9+s15], $0x10, s23, s15, $0xb8;
	[tilespmem:$0x1DD80] =	vst v63  }
0x8e: {  	v17 =	vld.idx.msk [tilespmem:v0+s17+$0x0], $0xffff  }
0x8f: {  	v18 =	vld.idx.msk [tilespmem:v0+s18+$0x0], $0xffff;
	_ =	sdelay $0x4  }
0x90: {  	v17 =	vadd.f32 v18, v17;
	_ =	sdelay $0x1  }
0x91: {  	v18 =	vmul.f32 $2.000000030e-01, v17;
	_ =	sdelay $0x1  }
0x92: {  	v17 =	vmax.f32 v17, v18  }
0x93: {  	v17 =	vmul.f32 $1.442695020e+00, v17;
	_ =	sdelay $0x1  }
0x94: {  	(erf) = vpow2.f32 v17;
	_ =	sdelay $0x8  }
0x95: {  	v17 =	vpop (erf)  }
0x96: {  	[tilespmem:v2+s0+$0x0] =	vst.idx.msk $0xffff, v17  }
0x97: {  	v17 =	vld.idx.msk [tilespmem:v3+s17+$0x0], $0xffff  }
0x98: {  	v18 =	vld.idx.msk [tilespmem:v3+s18+$0x0], $0xffff;
	_ =	sdelay $0x4  }
0x99: {  	v17 =	vadd.f32 v18, v17;
	_ =	sdelay $0x1  }
0x9a: {  	v18 =	vmul.f32 $2.000000030e-01, v17;
	_ =	sdelay $0x1  }
0x9b: {  	v17 =	vmax.f32 v17, v18  }
0x9c: {  	v17 =	vmul.f32 $1.442695020e+00, v17;
	_ =	sdelay $0x1  }
0x9d: {  	(erf) = vpow2.f32 v17;
	_ =	sdelay $0x8  }
0x9e: {  	v17 =	vpop (erf)  }
0x9f: {  	[tilespmem:v4+s0+$0x0] =	vst.idx.msk $0xffff, v17  }
0xa0: {  	v17 =	vld.idx.msk [tilespmem:v5+s17+$0x0], $0xffff  }
0xa1: {  	v18 =	vld.idx.msk [tilespmem:v5+s18+$0x0], $0xffff;
	_ =	sdelay $0x4  }
0xa2: {  	v17 =	vadd.f32 v18, v17;
	_ =	sdelay $0x1  }
0xa3: {  	v18 =	vmul.f32 $2.000000030e-01, v17;
	_ =	sdelay $0x1  }
0xa4: {  	v17 =	vmax.f32 v17, v18  }
0xa5: {  	v17 =	vmul.f32 $1.442695020e+00, v17;
	_ =	sdelay $0x1  }
0xa6: {  	(erf) = vpow2.f32 v17;
	_ =	sdelay $0x8  }
0xa7: {  	v17 =	vpop (erf)  }
0xa8: {  	[tilespmem:v6+s0+$0x0] =	vst.idx.msk $0xffff, v17  }
0xa9: {  	v17 =	vld.idx.msk [tilespmem:v7+s17+$0x0], $0xffff  }
0xaa: {  	v18 =	vld.idx.msk [tilespmem:v7+s18+$0x0], $0xffff;
	_ =	sdelay $0x4  }
0xab: {  	v17 =	vadd.f32 v18, v17;
	_ =	sdelay $0x1  }
0xac: {  	v18 =	vmul.f32 $2.000000030e-01, v17;
	_ =	sdelay $0x1  }
0xad: {  	v17 =	vmax.f32 v17, v18  }
0xae: {  	v17 =	vmul.f32 $1.442695020e+00, v17;
	_ =	sdelay $0x1  }
0xaf: {  	(erf) = vpow2.f32 v17;
	_ =	sdelay $0x8  }
0xb0: {  	v17 =	vpop (erf)  }
0xb1: {  	[tilespmem:v8+s0+$0x0] =	vst.idx.msk $0xffff, v17  }
0xb2: {  	v17 =	vld.idx.msk [tilespmem:v9+s17+$0x0], $0xffff  }
0xb3: {  	v18 =	vld.idx.msk [tilespmem:v9+s18+$0x0], $0xffff;
	_ =	sdelay $0x4  }
0xb4: {  	v17 =	vadd.f32 v18, v17;
	_ =	sdelay $0x1  }
0xb5: {  	v18 =	vmul.f32 $2.000000030e-01, v17;
	_ =	sdelay $0x1  }
0xb6: {  	v17 =	vmax.f32 v17, v18  }
0xb7: {  	v17 =	vmul.f32 $1.442695020e+00, v17;
	_ =	sdelay $0x1  }
0xb8: {  	(erf) = vpow2.f32 v17;
	_ =	sdelay $0x8  }
0xb9: {  	v17 =	vpop (erf)  }
0xba: {  	[tilespmem:v10+s0+$0x0] =	vst.idx.msk $0xffff, v17  }
0xbb: {  	v17 =	vld.idx.msk [tilespmem:v11+s17+$0x0], $0xffff  }
0xbc: {  	v18 =	vld.idx.msk [tilespmem:v11+s18+$0x0], $0xffff;
	_ =	sdelay $0x4  }
0xbd: {  	v17 =	vadd.f32 v18, v17;
	_ =	sdelay $0x1  }
0xbe: {  	v18 =	vmul.f32 $2.000000030e-01, v17;
	_ =	sdelay $0x1  }
0xbf: {  	v17 =	vmax.f32 v17, v18  }
0xc0: {  	v17 =	vmul.f32 $1.442695020e+00, v17;
	_ =	sdelay $0x1  }
0xc1: {  	(erf) = vpow2.f32 v17;
	_ =	sdelay $0x8  }
0xc2: {  	v17 =	vpop (erf)  }
0xc3: {  	[tilespmem:v12+s0+$0x0] =	vst.idx.msk $0xffff, v17  }
0xc4: {  	v17 =	vld.idx.msk [tilespmem:v13+s17+$0x0], $0xffff  }
0xc5: {  	v18 =	vld.idx.msk [tilespmem:v13+s18+$0x0], $0xffff;
	_ =	sdelay $0x4  }
0xc6: {  	v17 =	vadd.f32 v18, v17;
	_ =	sdelay $0x1  }
0xc7: {  	v18 =	vmul.f32 $2.000000030e-01, v17;
	_ =	sdelay $0x1  }
0xc8: {  	v17 =	vmax.f32 v17, v18  }
0xc9: {  	v17 =	vmul.f32 $1.442695020e+00, v17;
	_ =	sdelay $0x1  }
0xca: {  	(erf) = vpow2.f32 v17;
	_ =	sdelay $0x8  }
0xcb: {  	v17 =	vpop (erf)  }
0xcc: {  	[tilespmem:v14+s0+$0x0] =	vst.idx.msk $0xffff, v17  }
0xcd: {  	v17 =	vld.idx.msk [tilespmem:v15+s17+$0x0], $0xffff  }
0xce: {  	v18 =	vld.idx.msk [tilespmem:v15+s18+$0x0], $0xffff;
	_ =	sdelay $0x4  }
0xcf: {  	v17 =	vadd.f32 v18, v17;
	_ =	sdelay $0x1  }
0xd0: {  	v18 =	vmul.f32 $2.000000030e-01, v17;
	_ =	sdelay $0x1  }
0xd1: {  	v17 =	vmax.f32 v17, v18  }
0xd2: {  	v17 =	vmul.f32 $1.442695020e+00, v17;
	_ =	sdelay $0x1  }
0xd3: {  	(erf) = vpow2.f32 v17;
	_ =	sdelay $0x8  }
0xd4: {  	v17 =	vpop (erf)  }
0xd5: {  	s10 =	simm.s32 $0x53C0;
	[tilespmem:v16+s0+$0x0] =	vst.idx.msk $0xffff, v17  }
0xd6: {  	v19 =	vld [tilespmem:s10+$0x230]  }
0xd7: {  	s16 =	simm.s32 $0x380;
	v20 =	vld [tilespmem:s10+$0xFFFFFED0]  }
0xd8: {  	v21 =	vld [tilespmem:s16+$0x180]  }
0xd9: {  	v22 =	vld [tilespmem:s10+$0xFFFFFF60]  }
0xda: {  	v23 =	vld [tilespmem:s10+$0xFFFFFFF0]  }
0xdb: {  	v24 =	vld [tilespmem:s10+$0x80]  }
0xdc: {  	v25 =	vld [tilespmem:s10+$0xFFFFFE40]  }
0xdd: {  	v18 =	vld [tilespmem:s10+$0x110]  }
0xde: {  	v27 =	vld [tilespmem:s16+$0xFFFFFE00]  }
0xdf: {  	v28 =	vld [tilespmem:s16+$0xFFFFFE80]  }
0xe0: {  	v29 =	vld [tilespmem:s16+$0xFFFFFF00];
	v26 =	vbroadcast v19, $0x0  }
0xe1: {  	v31 =	vld [tilespmem:s16+$0xFFFFFF80];
	v30 =	vbroadcast v25, $0x0  }
0xe2: {  	v17 =	vld [tilespmem:s10+$0x1A0];
	v32 =	vbroadcast v20, $0x0;
	v21 =	vmul.f32 v26, v21  }
0xe3: {  	v36 =	vld [tilespmem:s16+$0x80];
	v33 =	vbroadcast v22, $0x0;
	v27 =	vmul.f32 v30, v27  }
0xe4: {  	v35 =	vbroadcast v23, $0x0;
	v28 =	vmul.f32 v32, v28;
	[tilespmem:s10+$0x1B0] =	vst v21;
	v21 =	vld [tilespmem:s16+$0x0]  }
0xe5: {  	v29 =	vmul.f32 v33, v29;
	[tilespmem:s10+$0xFFFFFDC0] =	vst v27;
	v34 =	vld [tilespmem:s16+$0x190]  }
0xe6: {  	v27 =	vmul.f32 v35, v31;
	[tilespmem:s10+$0xFFFFFE50] =	vst v28;
	v28 =	vbroadcast v18, $0x0;
	v31 =	vld [tilespmem:s16+$0xFFFFFE10]  }
0xe7: {  	v38 =	vld [tilespmem:s16+$0x100];
	v37 =	vbroadcast v24, $0x0;
	[tilespmem:s10+$0xFFFFFEE0] =	vst v29  }
0xe8: {  	v40 =	vld [tilespmem:s16+$0xFFFFFF10];
	[tilespmem:s10+$0xFFFFFF70] =	vst v27;
	v27 =	vmul.f32 v28, v36  }
0xe9: {  	v39 =	vld [tilespmem:s16+$0xFFFFFE90];
	v21 =	vmul.f32 v37, v21  }
0xea: {  	v29 =	vbroadcast v17, $0x0;
	v53 =	vld [tilespmem:s16+$0xFFFFFF90];
	[tilespmem:s10+$0x90] =	vst v27;
	v34 =	vmul.f32 v34, v26  }
0xeb: {  	v27 =	vmul.f32 v31, v30;
	v31 =	vld [tilespmem:s16+$0x90];
	[tilespmem:s10+$0x0] =	vst v21  }
0xec: {  	v21 =	vmul.f32 v29, v38;
	[tilespmem:s10+$0x1C0] =	vst v34;
	v54 =	vld [tilespmem:s16+$0x10]  }
0xed: {  	[tilespmem:s10+$0xFFFFFDD0] =	vst v27;
	v27 =	vmul.f32 v40, v33;
	v55 =	vld [tilespmem:s16+$0x1A0]  }
0xee: {  	s30 =	simm.s32 $0x5840;
	[tilespmem:s10+$0x120] =	vst v21;
	v21 =	vmul.f32 v39, v32;
	v57 =	vld [tilespmem:s16+$0xFFFFFE20]  }
0xef: {  	v39 =	vld [tilespmem:s30+$0x230];
	[tilespmem:s10+$0xFFFFFEF0] =	vst v27  }
0xf0: {  	v56 =	vld [tilespmem:s16+$0x110];
	[tilespmem:s10+$0xFFFFFE60] =	vst v21;
	v21 =	vmul.f32 v53, v35  }
0xf1: {  	v60 =	vld [tilespmem:s16+$0xFFFFFF20];
	v27 =	vmul.f32 v54, v37  }
0xf2: {  	v58 =	vld [tilespmem:s16+$0xFFFFFEA0];
	[tilespmem:s10+$0xFFFFFF80] =	vst v21;
	v21 =	vmul.f32 v31, v28  }
0xf3: {  	s23 =	simm.s32 $0x780;
	v31 =	vld [tilespmem:s16+$0xFFFFFFA0];
	[tilespmem:s10+$0x10] =	vst v27  }
0xf4: {  	[tilespmem:s10+$0xA0] =	vst v21;
	v21 =	vmul.f32 v57, v30;
	v57 =	vld [tilespmem:s23+$0x180]  }
0xf5: {  	v59 =	vmul.f32 v55, v26;
	v61 =	vld [tilespmem:s16+$0x20]  }
0xf6: {  	v27 =	vmul.f32 v56, v29;
	v63 =	vld [tilespmem:s16+$0xA0]  }
0xf7: {  	[tilespmem:s10+$0x1D0] =	vst v59;
	v59 =	vld [tilespmem:s23+$0xFFFFFE00]  }
0xf8: {  	v62 =	vld [tilespmem:s16+$0x1B0];
	[tilespmem:s10+$0x130] =	vst v27  }
0xf9: {  	v27 =	vmul.f32 v58, v32;
	[tilespmem:s10+$0xFFFFFDE0] =	vst v21;
	v21 =	vmul.f32 v60, v33;
	v60 =	vld [tilespmem:s23+$0xFFFFFF80]  }
0xfa: {  	v43 =	vld [tilespmem:s16+$0x120]  }
0xfb: {  	v44 =	vld [tilespmem:s16+$0xFFFFFE30];
	[tilespmem:s10+$0xFFFFFE70] =	vst v27;
	v27 =	vmul.f32 v31, v35  }
0xfc: {  	[tilespmem:s10+$0xFFFFFF00] =	vst v21;
	v31 =	vld [tilespmem:s16+$0xFFFFFEB0];
	v21 =	vmul.f32 v61, v37  }
0xfd: {  	v45 =	vld [tilespmem:s16+$0xFFFFFF30];
	[tilespmem:s10+$0xFFFFFF90] =	vst v27;
	v27 =	vmul.f32 v63, v28  }
0xfe: {  	v61 =	vld [tilespmem:s23+$0x80];
	v26 =	vmul.f32 v62, v26;
	[tilespmem:s10+$0x20] =	vst v21  }
0xff: {  	v46 =	vld [tilespmem:s16+$0xFFFFFFB0];
	[tilespmem:s10+$0xB0] =	vst v27  }
0x100: {  	v21 =	vmul.f32 v43, v29;
	[tilespmem:s10+$0x1E0] =	vst v26;
	v26 =	vld [tilespmem:s16+$0x30]  }
0x101: {  	v27 =	vmul.f32 v44, v30;
	v30 =	vld [tilespmem:s16+$0xB0]  }
0x102: {  	v47 =	vld [tilespmem:s16+$0x1C0];
	[tilespmem:s10+$0x140] =	vst v21  }
0x103: {  	v21 =	vmul.f32 v31, v32;
	[tilespmem:s10+$0xFFFFFDF0] =	vst v27;
	v27 =	vmul.f32 v45, v33;
	v33 =	vld [tilespmem:s30+$0xFFFFFE40]  }
0x104: {  	v31 =	vld [tilespmem:s16+$0x130]  }
0x105: {  	v48 =	vbroadcast v19, $0x1;
	v19 =	vld [tilespmem:s16+$0xFFFFFE40];
	[tilespmem:s10+$0xFFFFFE80] =	vst v21;
	v21 =	vmul.f32 v46, v35  }
0x106: {  	[tilespmem:s10+$0xFFFFFF10] =	vst v27;
	v49 =	vld [tilespmem:s16+$0xFFFFFEC0];
	v26 =	vmul.f32 v26, v37  }
0x107: {  	v50 =	vld [tilespmem:s16+$0xFFFFFF40];
	[tilespmem:s10+$0xFFFFFFA0] =	vst v21;
	v27 =	vmul.f32 v47, v48  }
0x108: {  	v51 =	vbroadcast v25, $0x1;
	v21 =	vmul.f32 v30, v28;
	v25 =	vld [tilespmem:s16+$0xFFFFFFC0];
	[tilespmem:s10+$0x30] =	vst v26  }
0x109: {  	v26 =	vbroadcast v20, $0x1;
	v20 =	vmul.f32 v31, v29;
	[tilespmem:s10+$0x1F0] =	vst v27;
	v27 =	vld [tilespmem:s16+$0x40]  }
0x10a: {  	v28 =	vbroadcast v22, $0x1;
	[tilespmem:s10+$0xC0] =	vst v21;
	v19 =	vmul.f32 v19, v51;
	v22 =	vld [tilespmem:s16+$0x1D0]  }
0x10b: {  	v23 =	vbroadcast v23, $0x1;
	v21 =	vld [tilespmem:s16+$0xC0];
	[tilespmem:s10+$0x150] =	vst v20;
	v20 =	vmul.f32 v49, v26  }
0x10c: {  	v29 =	vbroadcast v24, $0x1;
	[tilespmem:s10+$0xFFFFFE00] =	vst v19;
	v19 =	vmul.f32 v50, v28;
	v30 =	vld [tilespmem:s16+$0x140]  }
0x10d: {  	v31 =	vld [tilespmem:s16+$0xFFFFFE50];
	[tilespmem:s10+$0xFFFFFE90] =	vst v20;
	v20 =	vmul.f32 v25, v23  }
0x10e: {  	v25 =	vbroadcast v18, $0x1;
	[tilespmem:s10+$0xFFFFFF20] =	vst v19;
	v18 =	vld [tilespmem:s16+$0xFFFFFED0];
	v19 =	vmul.f32 v27, v29  }
0x10f: {  	v24 =	vbroadcast v17, $0x1;
	[tilespmem:s10+$0xFFFFFFB0] =	vst v20;
	v17 =	vmul.f32 v22, v48;
	v22 =	vld [tilespmem:s16+$0xFFFFFF50]  }
0x110: {  	v20 =	vmul.f32 v21, v25;
	v21 =	vld [tilespmem:s16+$0xFFFFFFD0];
	[tilespmem:s10+$0x40] =	vst v19  }
0x111: {  	[tilespmem:s10+$0x200] =	vst v17;
	v17 =	vmul.f32 v30, v24;
	v19 =	vld [tilespmem:s16+$0x50]  }
0x112: {  	[tilespmem:s10+$0xD0] =	vst v20;
	v20 =	vmul.f32 v31, v51;
	v27 =	vld [tilespmem:s16+$0x1E0]  }
0x113: {  	v30 =	vld [tilespmem:s16+$0xD0];
	[tilespmem:s10+$0x160] =	vst v17;
	v17 =	vmul.f32 v18, v26  }
0x114: {  	[tilespmem:s10+$0xFFFFFE10] =	vst v20;
	v18 =	vld [tilespmem:s16+$0x150];
	v20 =	vmul.f32 v22, v28  }
0x115: {  	v22 =	vld [tilespmem:s16+$0xFFFFFE60];
	[tilespmem:s10+$0xFFFFFEA0] =	vst v17;
	v17 =	vmul.f32 v21, v23  }
0x116: {  	v21 =	vld [tilespmem:s16+$0xFFFFFEE0];
	[tilespmem:s10+$0xFFFFFF30] =	vst v20;
	v19 =	vmul.f32 v19, v29  }
0x117: {  	v20 =	vmul.f32 v27, v48;
	v27 =	vld [tilespmem:s16+$0xFFFFFF60];
	[tilespmem:s10+$0xFFFFFFC0] =	vst v17  }
0x118: {  	v17 =	vmul.f32 v30, v25;
	v30 =	vld [tilespmem:s16+$0xFFFFFFE0];
	[tilespmem:s10+$0x50] =	vst v19  }
0x119: {  	v19 =	vld [tilespmem:s16+$0x60]  }
0x11a: {  	[tilespmem:s10+$0x210] =	vst v20;
	v20 =	vld [tilespmem:s30+$0xFFFFFF60]  }
0x11b: {  	[tilespmem:s10+$0xE0] =	vst v17;
	v17 =	vmul.f32 v22, v51;
	v22 =	vld [tilespmem:s30+$0x80]  }
0x11c: {  	v18 =	vmul.f32 v18, v24;
	v31 =	vld [tilespmem:s16+$0x1F0]  }
0x11d: {  	v52 =	vld [tilespmem:s16+$0xE0]  }
0x11e: {  	[tilespmem:s10+$0x170] =	vst v18;
	v18 =	vmul.f32 v21, v26;
	v21 =	vld [tilespmem:s30+$0xFFFFFFF0]  }
0x11f: {  	[tilespmem:s10+$0xFFFFFE20] =	vst v17;
	v53 =	vld [tilespmem:s16+$0x160];
	v17 =	vmul.f32 v27, v28  }
0x120: {  	v27 =	vld [tilespmem:s16+$0xFFFFFE70];
	[tilespmem:s10+$0xFFFFFEB0] =	vst v18;
	v18 =	vmul.f32 v30, v23  }
0x121: {  	v41 =	vbroadcast v39, $0x0;
	v30 =	vld [tilespmem:s16+$0xFFFFFEF0];
	[tilespmem:s10+$0xFFFFFF40] =	vst v17;
	v17 =	vmul.f32 v19, v29  }
0x122: {  	v19 =	vld [tilespmem:s30+$0xFFFFFED0];
	[tilespmem:s10+$0xFFFFFFD0] =	vst v18;
	v31 =	vmul.f32 v31, v48  }
0x123: {  	v58 =	vmul.f32 v41, v57;
	v54 =	vld [tilespmem:s16+$0xFFFFFF70];
	[tilespmem:s10+$0x60] =	vst v17  }
0x124: {  	v55 =	vld [tilespmem:s16+$0xFFFFFFF0];
	[tilespmem:s10+$0x220] =	vst v31;
	v31 =	vmul.f32 v52, v25  }
0x125: {  	[tilespmem:s30+$0x1B0] =	vst v58;
	v56 =	vld [tilespmem:s16+$0x70];
	v34 =	vmul.f32 v53, v24  }
0x126: {  	v27 =	vmul.f32 v27, v51;
	[tilespmem:s10+$0xF0] =	vst v31;
	v31 =	vld [tilespmem:s23+$0x190]  }
0x127: {  	v18 =	vld [tilespmem:s30+$0x1A0];
	v38 =	vbroadcast v21, $0x0;
	[tilespmem:s10+$0x180] =	vst v34;
	v26 =	vmul.f32 v30, v26  }
0x128: {  	v30 =	vld [tilespmem:s23+$0xFFFFFE80];
	[tilespmem:s10+$0xFFFFFE30] =	vst v27;
	v27 =	vmul.f32 v54, v28  }
0x129: {  	v32 =	vmul.f32 v38, v60;
	v28 =	vld [tilespmem:s23+$0xFFFFFF00];
	[tilespmem:s10+$0xFFFFFEC0] =	vst v26;
	v23 =	vmul.f32 v55, v23  }
0x12a: {  	v17 =	vld [tilespmem:s30+$0x110];
	[tilespmem:s10+$0xFFFFFF50] =	vst v27;
	v26 =	vmul.f32 v56, v29;
	v27 =	vbroadcast v33, $0x0  }
0x12b: {  	v29 =	vld [tilespmem:s23+$0x0];
	[tilespmem:s10+$0xFFFFFFE0] =	vst v23;
	v23 =	vbroadcast v19, $0x0;
	v31 =	vmul.f32 v31, v41  }
0x12c: {  	v63 =	vld [tilespmem:s23+$0x100];
	v35 =	vbroadcast v20, $0x0;
	[tilespmem:s30+$0xFFFFFF70] =	vst v32;
	v62 =	vmul.f32 v27, v59  }
0x12d: {  	v48 =	vld [tilespmem:s23+$0xFFFFFF90];
	v30 =	vmul.f32 v23, v30;
	[tilespmem:s30+$0x1C0] =	vst v31  }
0x12e: {  	v28 =	vmul.f32 v35, v28;
	v31 =	vbroadcast v22, $0x0;
	[tilespmem:s30+$0xFFFFFDC0] =	vst v62;
	v45 =	vld [tilespmem:s23+$0x1A0]  }
0x12f: {  	v40 =	vbroadcast v17, $0x0;
	v42 =	vld [tilespmem:s23+$0xFFFFFE10];
	[tilespmem:s30+$0xFFFFFE50] =	vst v30  }
0x130: {  	v30 =	vbroadcast v18, $0x0;
	[tilespmem:s30+$0xFFFFFEE0] =	vst v28;
	v29 =	vmul.f32 v31, v29;
	v43 =	vld [tilespmem:s23+$0xFFFFFE90]  }
0x131: {  	[tilespmem:s10+$0x70] =	vst v26;
	v28 =	vmul.f32 v40, v61;
	v46 =	vld [tilespmem:s23+$0xFFFFFF10]  }
0x132: {  	v26 =	vld [tilespmem:s16+$0xF0];
	v47 =	vmul.f32 v30, v63;
	[tilespmem:s30+$0x0] =	vst v29  }
0x133: {  	[tilespmem:s30+$0x90] =	vst v28;
	v29 =	vld [tilespmem:s23+$0x10];
	v28 =	vmul.f32 v45, v41  }
0x134: {  	v50 =	vld [tilespmem:s23+$0x90];
	[tilespmem:s30+$0x120] =	vst v47;
	v49 =	vmul.f32 v42, v27  }
0x135: {  	v52 =	vld [tilespmem:s23+$0x110];
	v51 =	vmul.f32 v43, v23;
	[tilespmem:s30+$0x1D0] =	vst v28  }
0x136: {  	[tilespmem:s30+$0xFFFFFDD0] =	vst v49;
	v28 =	vmul.f32 v46, v35;
	v53 =	vld [tilespmem:s23+$0x1B0]  }
0x137: {  	v54 =	vmul.f32 v48, v38;
	v36 =	vld [tilespmem:s23+$0xFFFFFE20];
	[tilespmem:s30+$0xFFFFFE60] =	vst v51  }
0x138: {  	v55 =	vld [tilespmem:s23+$0xFFFFFEA0];
	[tilespmem:s30+$0xFFFFFEF0] =	vst v28;
	v28 =	vmul.f32 v29, v31  }
0x139: {  	[tilespmem:s30+$0xFFFFFF80] =	vst v54;
	v56 =	vmul.f32 v50, v40;
	v29 =	vld [tilespmem:s23+$0xFFFFFF20]  }
0x13a: {  	v57 =	vld [tilespmem:s23+$0xFFFFFFA0];
	[tilespmem:s30+$0x10] =	vst v28;
	v28 =	vmul.f32 v52, v30  }
0x13b: {  	[tilespmem:s30+$0xA0] =	vst v56;
	v58 =	vld [tilespmem:s23+$0x20];
	v59 =	vmul.f32 v53, v41  }
0x13c: {  	v61 =	vld [tilespmem:s23+$0xA0];
	v60 =	vmul.f32 v36, v27;
	[tilespmem:s30+$0x130] =	vst v28  }
0x13d: {  	v28 =	vmul.f32 v55, v23;
	v62 =	vld [tilespmem:s23+$0x120];
	[tilespmem:s30+$0x1E0] =	vst v59  }
0x13e: {  	[tilespmem:s30+$0xFFFFFDE0] =	vst v60;
	v29 =	vmul.f32 v29, v35;
	v32 =	vld [tilespmem:s23+$0x1C0]  }
0x13f: {  	v34 =	vld [tilespmem:s23+$0xFFFFFE30];
	[tilespmem:s30+$0xFFFFFE70] =	vst v28;
	v28 =	vmul.f32 v57, v38  }
0x140: {  	v63 =	vld [tilespmem:s23+$0xFFFFFEB0];
	[tilespmem:s30+$0xFFFFFF00] =	vst v29;
	v29 =	vmul.f32 v58, v31  }
0x141: {  	v46 =	vbroadcast v39, $0x1;
	v45 =	vld [tilespmem:s23+$0xFFFFFF30];
	[tilespmem:s30+$0xFFFFFF90] =	vst v28;
	v28 =	vmul.f32 v61, v40  }
0x142: {  	v47 =	vld [tilespmem:s23+$0xFFFFFFB0];
	[tilespmem:s30+$0x20] =	vst v29;
	v29 =	vmul.f32 v62, v30  }
0x143: {  	v48 =	vld [tilespmem:s23+$0x30];
	[tilespmem:s30+$0xB0] =	vst v28;
	v28 =	vmul.f32 v32, v46  }
0x144: {  	v27 =	vmul.f32 v34, v27;
	v49 =	vld [tilespmem:s23+$0xB0];
	[tilespmem:s30+$0x140] =	vst v29  }
0x145: {  	v23 =	vmul.f32 v63, v23;
	v29 =	vld [tilespmem:s23+$0x130];
	[tilespmem:s30+$0x1F0] =	vst v28  }
0x146: {  	[tilespmem:s30+$0xFFFFFDF0] =	vst v27;
	v27 =	vmul.f32 v45, v35;
	v28 =	vld [tilespmem:s23+$0x1D0]  }
0x147: {  	v50 =	vld [tilespmem:s23+$0xFFFFFE40];
	[tilespmem:s30+$0xFFFFFE80] =	vst v23;
	v23 =	vmul.f32 v47, v38  }
0x148: {  	v51 =	vld [tilespmem:s23+$0xFFFFFEC0];
	[tilespmem:s30+$0xFFFFFF10] =	vst v27;
	v27 =	vmul.f32 v48, v31  }
0x149: {  	v31 =	vld [tilespmem:s23+$0xFFFFFF40];
	[tilespmem:s30+$0xFFFFFFA0] =	vst v23;
	v32 =	vmul.f32 v49, v40  }
0x14a: {  	v23 =	vbroadcast v33, $0x1;
	v52 =	vld [tilespmem:s23+$0xFFFFFFC0];
	[tilespmem:s30+$0x30] =	vst v27;
	v27 =	vmul.f32 v29, v30  }
0x14b: {  	v19 =	vbroadcast v19, $0x1;
	v29 =	vld [tilespmem:s23+$0x40];
	[tilespmem:s30+$0xC0] =	vst v32;
	v28 =	vmul.f32 v28, v46  }
0x14c: {  	v20 =	vbroadcast v20, $0x1;
	v30 =	vmul.f32 v50, v23;
	v32 =	vld [tilespmem:s23+$0xC0];
	[tilespmem:s30+$0x150] =	vst v27  }
0x14d: {  	v21 =	vbroadcast v21, $0x1;
	v27 =	vmul.f32 v51, v19;
	v53 =	vld [tilespmem:s23+$0x140];
	[tilespmem:s30+$0x200] =	vst v28  }
0x14e: {  	v22 =	vbroadcast v22, $0x1;
	[tilespmem:s30+$0xFFFFFE00] =	vst v30;
	v28 =	vmul.f32 v31, v20;
	v30 =	vld [tilespmem:s23+$0x1E0]  }
0x14f: {  	v17 =	vbroadcast v17, $0x1;
	v31 =	vld [tilespmem:s23+$0xFFFFFE50];
	[tilespmem:s30+$0xFFFFFE90] =	vst v27;
	v27 =	vmul.f32 v52, v21  }
0x150: {  	v18 =	vbroadcast v18, $0x1;
	v54 =	vld [tilespmem:s23+$0xFFFFFED0];
	[tilespmem:s30+$0xFFFFFF20] =	vst v28;
	v28 =	vmul.f32 v29, v22  }
0x151: {  	v29 =	vld [tilespmem:s23+$0xFFFFFF50];
	[tilespmem:s30+$0xFFFFFFB0] =	vst v27;
	v27 =	vmul.f32 v32, v17  }
0x152: {  	v55 =	vld [tilespmem:s23+$0xFFFFFFD0];
	[tilespmem:s30+$0x40] =	vst v28;
	v28 =	vmul.f32 v53, v18  }
0x153: {  	v56 =	vld [tilespmem:s23+$0x50];
	[tilespmem:s30+$0xD0] =	vst v27;
	v27 =	vmul.f32 v30, v46  }
0x154: {  	v30 =	vmul.f32 v31, v23;
	v31 =	vld [tilespmem:s23+$0xD0];
	[tilespmem:s30+$0x160] =	vst v28  }
0x155: {  	v28 =	vmul.f32 v54, v19;
	v57 =	vld [tilespmem:s23+$0x150];
	[tilespmem:s30+$0x210] =	vst v27  }
0x156: {  	[tilespmem:s30+$0xFFFFFE10] =	vst v30;
	v27 =	vmul.f32 v29, v20;
	v29 =	vld [tilespmem:s23+$0x1F0]  }
0x157: {  	v30 =	vld [tilespmem:s23+$0xFFFFFE60];
	[tilespmem:s30+$0xFFFFFEA0] =	vst v28;
	v28 =	vmul.f32 v55, v21  }
0x158: {  	v58 =	vld [tilespmem:s23+$0xFFFFFEE0];
	[tilespmem:s30+$0xFFFFFF30] =	vst v27;
	v27 =	vmul.f32 v56, v22  }
0x159: {  	v59 =	vld [tilespmem:s23+$0xFFFFFF60];
	[tilespmem:s30+$0xFFFFFFC0] =	vst v28;
	v28 =	vmul.f32 v31, v17  }
0x15a: {  	v31 =	vld [tilespmem:s23+$0xFFFFFFE0];
	[tilespmem:s30+$0x50] =	vst v27;
	v27 =	vmul.f32 v57, v18  }
0x15b: {  	v60 =	vld [tilespmem:s23+$0x60];
	[tilespmem:s30+$0xE0] =	vst v28;
	v28 =	vmul.f32 v29, v46  }
0x15c: {  	v29 =	vmul.f32 v30, v23;
	v61 =	vld [tilespmem:s23+$0xE0];
	[tilespmem:s30+$0x170] =	vst v27  }
0x15d: {  	v27 =	vmul.f32 v58, v19;
	v62 =	vld [tilespmem:s23+$0x160];
	[tilespmem:s30+$0x220] =	vst v28  }
0x15e: {  	v63 =	vld [tilespmem:s16+$0x170];
	[tilespmem:s30+$0xFFFFFE20] =	vst v29;
	v28 =	vmul.f32 v59, v20  }
0x15f: {  	v30 =	vld [tilespmem:s23+$0xFFFFFE70];
	[tilespmem:s30+$0xFFFFFEB0] =	vst v27;
	v29 =	vmul.f32 v31, v21  }
0x160: {  	v31 =	vld [tilespmem:s23+$0xFFFFFEF0];
	[tilespmem:s30+$0xFFFFFF40] =	vst v28;
	v28 =	vmul.f32 v60, v22  }
0x161: {  	v27 =	vld [tilespmem:s23+$0xFFFFFF70];
	[tilespmem:s30+$0xFFFFFFD0] =	vst v29;
	v35 =	vmul.f32 v61, v17  }
0x162: {  	v29 =	vld [tilespmem:s23+$0xFFFFFFF0];
	[tilespmem:s30+$0x60] =	vst v28;
	v33 =	vmul.f32 v62, v18  }
0x163: {  	s28 =	simm.s32 $0x5CC0;
	s1 =	simm.s32 $0x780;
	v25 =	vmul.f32 v26, v25;
	s16 =	simm.s32 $0x8;
	v28 =	vmul.f32 v63, v24;
	v32 =	vld [tilespmem:s23+$0x70];
	[tilespmem:s30+$0xF0] =	vst v35  }
.LBB2_5:
0x164: {  	v26 =	vld [tilespmem:s28+$0x230];
	s16 =	sadd.s32 $0x8, s16;
	v23 =	vmul.f32 v30, v23;
	[tilespmem:s30+$0x180] =	vst v33  }
0x165: {  	s23 =	sadd.s32 $0x400, s23;
	v24 =	vld [tilespmem:s28+$0xFFFFFED0];
	p0 =	slt.u32 s16, $0x38;
	v19 =	vmul.f32 v31, v19;
	[tilespmem:s10+$0x100] =	vst v25  }
0x166: {  	v25 =	vld [tilespmem:s23+$0x180];
	[tilespmem:s30+$0xFFFFFE30] =	vst v23;
	v20 =	vmul.f32 v27, v20  }
0x167: {  	v23 =	vld [tilespmem:s28+$0xFFFFFF60];
	[tilespmem:s30+$0xFFFFFEC0] =	vst v19;
	v19 =	vmul.f32 v29, v21  }
0x168: {  	v21 =	vld [tilespmem:s28+$0xFFFFFFF0];
	[tilespmem:s30+$0xFFFFFF50] =	vst v20;
	v20 =	vmul.f32 v32, v22  }
0x169: {  	v22 =	vld [tilespmem:s28+$0x80];
	v33 =	vbroadcast v26, $0x0;
	[tilespmem:s30+$0xFFFFFFE0] =	vst v19  }
0x16a: {  	v27 =	vbroadcast v24, $0x0;
	v19 =	vbroadcast v24, $0x1;
	v24 =	vld [tilespmem:s28+$0x110];
	[tilespmem:s30+$0x70] =	vst v20  }
0x16b: {  	v34 =	vld [tilespmem:s28+$0x1A0];
	v25 =	vmul.f32 v33, v25;
	[tilespmem:s10+$0x190] =	vst v28;
	s10 =	smov.u32 s30;
	s30 =	smov.u32 s28  }
0x16c: {  	v35 =	vld [tilespmem:s28+$0xFFFFFE40];
	v30 =	vbroadcast v23, $0x0;
	v20 =	vbroadcast v23, $0x1  }
0x16d: {  	v36 =	vld [tilespmem:s23+$0xFFFFFE00];
	v28 =	vbroadcast v21, $0x0;
	v21 =	vbroadcast v21, $0x1;
	[tilespmem:s28+$0x1B0] =	vst v25  }
0x16e: {  	v29 =	vbroadcast v22, $0x0;
	v22 =	vbroadcast v22, $0x1;
	v25 =	vld [tilespmem:s23+$0x190]  }
0x16f: {  	v37 =	vld [tilespmem:s23+$0xFFFFFE80];
	v31 =	vbroadcast v24, $0x0;
	v38 =	vbroadcast v24, $0x1  }
0x170: {  	v39 =	vld [tilespmem:s23+$0xFFFFFF00];
	v32 =	vbroadcast v34, $0x0;
	v24 =	vbroadcast v34, $0x1  }
0x171: {  	v34 =	vbroadcast v35, $0x0;
	v23 =	vbroadcast v35, $0x1;
	v35 =	vld [tilespmem:s23+$0xFFFFFF80]  }
0x172: {  	v40 =	vld [tilespmem:s23+$0x0]  }
0x173: {  	v36 =	vmul.f32 v34, v36;
	v41 =	vld [tilespmem:s23+$0x80];
	v25 =	vmul.f32 v25, v33  }
0x174: {  	v37 =	vmul.f32 v27, v37;
	v42 =	vld [tilespmem:s23+$0x100]  }
0x175: {  	v39 =	vmul.f32 v30, v39;
	[tilespmem:s28+$0x1C0] =	vst v25;
	v25 =	vld [tilespmem:s1+$0xF0]  }
0x176: {  	[tilespmem:s28+$0xFFFFFDC0] =	vst v36;
	v35 =	vmul.f32 v28, v35;
	v36 =	vld [tilespmem:s23+$0x1A0]  }
0x177: {  	v43 =	vld [tilespmem:s23+$0xFFFFFE10];
	[tilespmem:s28+$0xFFFFFE50] =	vst v37;
	v37 =	vmul.f32 v29, v40  }
0x178: {  	v40 =	vld [tilespmem:s23+$0xFFFFFE90];
	[tilespmem:s28+$0xFFFFFEE0] =	vst v39;
	v39 =	vmul.f32 v31, v41  }
0x179: {  	v41 =	vld [tilespmem:s23+$0xFFFFFF10];
	[tilespmem:s28+$0xFFFFFF70] =	vst v35;
	v35 =	vmul.f32 v32, v42  }
0x17a: {  	v42 =	vld [tilespmem:s23+$0xFFFFFF90];
	[tilespmem:s28+$0x0] =	vst v37;
	v25 =	vmul.f32 v25, v17;
	v17 =	vmov v38  }
0x17b: {  	v37 =	vld [tilespmem:s23+$0x10];
	[tilespmem:s28+$0x90] =	vst v39;
	v36 =	vmul.f32 v36, v33  }
0x17c: {  	v38 =	vmul.f32 v43, v34;
	v39 =	vld [tilespmem:s23+$0x90];
	[tilespmem:s28+$0x120] =	vst v35  }
0x17d: {  	v35 =	vmul.f32 v40, v27;
	v40 =	vld [tilespmem:s23+$0x110];
	[tilespmem:s28+$0x1D0] =	vst v36  }
0x17e: {  	[tilespmem:s28+$0xFFFFFDD0] =	vst v38;
	v36 =	vmul.f32 v41, v30;
	v38 =	vld [tilespmem:s23+$0x1B0]  }
0x17f: {  	v41 =	vld [tilespmem:s23+$0xFFFFFE20];
	[tilespmem:s28+$0xFFFFFE60] =	vst v35;
	v35 =	vmul.f32 v42, v28  }
0x180: {  	v42 =	vld [tilespmem:s23+$0xFFFFFEA0];
	[tilespmem:s28+$0xFFFFFEF0] =	vst v36;
	v36 =	vmul.f32 v37, v29  }
0x181: {  	v37 =	vld [tilespmem:s23+$0xFFFFFF20];
	[tilespmem:s28+$0xFFFFFF80] =	vst v35;
	v35 =	vmul.f32 v39, v31  }
0x182: {  	v39 =	vld [tilespmem:s23+$0xFFFFFFA0];
	[tilespmem:s28+$0x10] =	vst v36;
	v36 =	vmul.f32 v40, v32  }
0x183: {  	v40 =	vld [tilespmem:s23+$0x20];
	[tilespmem:s28+$0xA0] =	vst v35;
	v33 =	vmul.f32 v38, v33  }
0x184: {  	v35 =	vmul.f32 v41, v34;
	v38 =	vld [tilespmem:s23+$0xA0];
	[tilespmem:s28+$0x130] =	vst v36  }
0x185: {  	v36 =	vmul.f32 v42, v27;
	v41 =	vld [tilespmem:s23+$0x120];
	[tilespmem:s28+$0x1E0] =	vst v33  }
0x186: {  	[tilespmem:s28+$0xFFFFFDE0] =	vst v35;
	v33 =	vmul.f32 v37, v30;
	v35 =	vld [tilespmem:s23+$0x1C0]  }
0x187: {  	v37 =	vld [tilespmem:s23+$0xFFFFFE30];
	[tilespmem:s28+$0xFFFFFE70] =	vst v36;
	v36 =	vmul.f32 v39, v28  }
0x188: {  	v39 =	vld [tilespmem:s23+$0xFFFFFEB0];
	[tilespmem:s28+$0xFFFFFF00] =	vst v33;
	v33 =	vmul.f32 v40, v29  }
0x189: {  	v26 =	vbroadcast v26, $0x1;
	v40 =	vld [tilespmem:s23+$0xFFFFFF30];
	[tilespmem:s28+$0xFFFFFF90] =	vst v36;
	v36 =	vmul.f32 v38, v31  }
0x18a: {  	v38 =	vld [tilespmem:s23+$0xFFFFFFB0];
	[tilespmem:s28+$0x20] =	vst v33;
	v33 =	vmul.f32 v41, v32  }
0x18b: {  	v41 =	vld [tilespmem:s23+$0x30];
	[tilespmem:s28+$0xB0] =	vst v36;
	v35 =	vmul.f32 v35, v26  }
0x18c: {  	v34 =	vmul.f32 v37, v34;
	v36 =	vld [tilespmem:s23+$0xB0];
	[tilespmem:s28+$0x140] =	vst v33  }
0x18d: {  	v27 =	vmul.f32 v39, v27;
	v33 =	vld [tilespmem:s23+$0x130];
	[tilespmem:s28+$0x1F0] =	vst v35  }
0x18e: {  	[tilespmem:s28+$0xFFFFFDF0] =	vst v34;
	v30 =	vmul.f32 v40, v30;
	v34 =	vld [tilespmem:s23+$0x1D0]  }
0x18f: {  	v35 =	vld [tilespmem:s23+$0xFFFFFE40];
	[tilespmem:s28+$0xFFFFFE80] =	vst v27;
	v27 =	vmul.f32 v38, v28  }
0x190: {  	v28 =	vld [tilespmem:s23+$0xFFFFFEC0];
	[tilespmem:s28+$0xFFFFFF10] =	vst v30;
	v29 =	vmul.f32 v41, v29  }
0x191: {  	v30 =	vld [tilespmem:s23+$0xFFFFFF40];
	[tilespmem:s28+$0xFFFFFFA0] =	vst v27;
	v27 =	vmul.f32 v36, v31  }
0x192: {  	v31 =	vld [tilespmem:s23+$0xFFFFFFC0];
	[tilespmem:s28+$0x30] =	vst v29;
	v29 =	vmul.f32 v33, v32  }
0x193: {  	v32 =	vld [tilespmem:s23+$0x40];
	[tilespmem:s28+$0xC0] =	vst v27;
	v27 =	vmul.f32 v34, v26  }
0x194: {  	v33 =	vmul.f32 v35, v23;
	v34 =	vld [tilespmem:s23+$0xC0];
	[tilespmem:s28+$0x150] =	vst v29  }
0x195: {  	v28 =	vmul.f32 v28, v19;
	v29 =	vld [tilespmem:s23+$0x140];
	[tilespmem:s28+$0x200] =	vst v27  }
0x196: {  	[tilespmem:s28+$0xFFFFFE00] =	vst v33;
	v27 =	vmul.f32 v30, v20;
	v30 =	vld [tilespmem:s23+$0x1E0]  }
0x197: {  	v33 =	vld [tilespmem:s23+$0xFFFFFE50];
	[tilespmem:s28+$0xFFFFFE90] =	vst v28;
	v28 =	vmul.f32 v31, v21  }
0x198: {  	v31 =	vld [tilespmem:s23+$0xFFFFFED0];
	[tilespmem:s28+$0xFFFFFF20] =	vst v27;
	v27 =	vmul.f32 v32, v22  }
0x199: {  	v32 =	vld [tilespmem:s23+$0xFFFFFF50];
	[tilespmem:s28+$0xFFFFFFB0] =	vst v28;
	v28 =	vmul.f32 v34, v17  }
0x19a: {  	v34 =	vld [tilespmem:s23+$0xFFFFFFD0];
	[tilespmem:s28+$0x40] =	vst v27;
	v27 =	vmul.f32 v29, v24  }
0x19b: {  	v29 =	vld [tilespmem:s23+$0x50];
	[tilespmem:s28+$0xD0] =	vst v28;
	v28 =	vmul.f32 v30, v26  }
0x19c: {  	v30 =	vmul.f32 v33, v23;
	v33 =	vld [tilespmem:s23+$0xD0];
	[tilespmem:s28+$0x160] =	vst v27  }
0x19d: {  	v27 =	vmul.f32 v31, v19;
	v31 =	vld [tilespmem:s23+$0x150];
	[tilespmem:s28+$0x210] =	vst v28  }
0x19e: {  	[tilespmem:s28+$0xFFFFFE10] =	vst v30;
	v28 =	vmul.f32 v32, v20;
	v30 =	vld [tilespmem:s23+$0x1F0]  }
0x19f: {  	v32 =	vld [tilespmem:s23+$0xFFFFFE60];
	[tilespmem:s28+$0xFFFFFEA0] =	vst v27;
	v27 =	vmul.f32 v34, v21  }
0x1a0: {  	v34 =	vld [tilespmem:s23+$0xFFFFFEE0];
	[tilespmem:s28+$0xFFFFFF30] =	vst v28;
	v28 =	vmul.f32 v29, v22  }
0x1a1: {  	v29 =	vld [tilespmem:s23+$0xFFFFFF60];
	[tilespmem:s28+$0xFFFFFFC0] =	vst v27;
	v27 =	vmul.f32 v33, v17  }
0x1a2: {  	v33 =	vld [tilespmem:s23+$0xFFFFFFE0];
	[tilespmem:s28+$0x50] =	vst v28;
	v28 =	vmul.f32 v31, v24  }
0x1a3: {  	v35 =	vld [tilespmem:s23+$0x60];
	[tilespmem:s28+$0xE0] =	vst v27;
	v26 =	vmul.f32 v30, v26  }
0x1a4: {  	v27 =	vmul.f32 v32, v23;
	v32 =	vld [tilespmem:s23+$0xE0];
	[tilespmem:s28+$0x170] =	vst v28  }
0x1a5: {  	v28 =	vmul.f32 v34, v19;
	v34 =	vld [tilespmem:s23+$0x160];
	[tilespmem:s28+$0x220] =	vst v26  }
0x1a6: {  	[tilespmem:s28+$0xFFFFFE20] =	vst v27;
	v26 =	vmul.f32 v29, v20;
	v36 =	vld [tilespmem:s1+$0x170];
	s1 =	smov.u32 s23  }
.Ltmp1:
0x1a7: {  	v30 =	vld [tilespmem:s23+$0xFFFFFE70];
	[tilespmem:s28+$0xFFFFFEB0] =	vst v28;
	v28 =	vmul.f32 v33, v21;
	(pc) =	sbr.rel @p0 .LBB2_5-.Ltmp1, $4  }
0x1a8: {  	v31 =	vld [tilespmem:s23+$0xFFFFFEF0];
	[tilespmem:s28+$0xFFFFFF40] =	vst v26;
	v26 =	vmul.f32 v35, v22  }
0x1a9: {  	v27 =	vld [tilespmem:s23+$0xFFFFFF70];
	[tilespmem:s28+$0xFFFFFFD0] =	vst v28;
	v28 =	vmul.f32 v32, v17  }
0x1aa: {  	v29 =	vld [tilespmem:s23+$0xFFFFFFF0];
	[tilespmem:s28+$0x60] =	vst v26;
	v33 =	vmul.f32 v34, v24  }
0x1ab: {  	s28 =	sadd.s32 $0x480, s28;
	v32 =	vld [tilespmem:s23+$0x70];
	[tilespmem:s30+$0xF0] =	vst v28;
	v28 =	vmul.f32 v36, v18;
	v18 =	vmov v24  }
0x1ac: {  	v23 =	vmul.f32 v30, v23;
	[tilespmem:s30+$0x180] =	vst v33  }
0x1ad: {  	[tilespmem:s10+$0x100] =	vst v25;
	v24 =	vld [tilespmem:s1+$0xF0]  }
0x1ae: {  	v19 =	vmul.f32 v31, v19;
	[tilespmem:s30+$0xFFFFFE30] =	vst v23;
	v23 =	vld [tilespmem:s1+$0x170]  }
0x1af: {  	[tilespmem:s10+$0x190] =	vst v28;
	v20 =	vmul.f32 v27, v20  }
0x1b0: {  	[tilespmem:s30+$0xFFFFFEC0] =	vst v19;
	v19 =	vmul.f32 v29, v21  }
0x1b1: {  	[tilespmem:s30+$0xFFFFFF50] =	vst v20;
	v20 =	vmul.f32 v32, v22  }
0x1b2: {  	[tilespmem:s30+$0xFFFFFFE0] =	vst v19;
	v17 =	vmul.f32 v24, v17  }
0x1b3: {  	[tilespmem:s30+$0x70] =	vst v20;
	v18 =	vmul.f32 v23, v18  }
0x1b4: {  	[tilespmem:s30+$0x100] =	vst v17  }
0x1b5: {  	s28 =	simm.s32 $0x100;
	[tilespmem:s30+$0x190] =	vst v18  }
0x1b6: {  	[spmem:s29] =	stream.indirect.scatter.add.f32 [tilespmem:s0], [sflag:$0x5], $0x90, s28, s15, $0xb8;
	[tilespmem:$0x1DD80] =	vst v63  }
0x1b7: {  	s10 =	sshll.u32 s31, $0x1;
	s19 =	rddreg [dreg:$0x13]  }
0x1b8: {  	s1 =	sadd.s32 s10, s19  }
0x1b9: {  	s16 =	sshll.u32 s1, $0x6  }
0x1ba: {  	_ =	swait.ge [sflag:s2], $0x2400;
	s16 =	sadd.s32 s14, s16  }
0x1bb: {  	[sflag:s2] =	ssyncset.done $0x0;
	s16 =	sshrl.u32 s16, $0x3  }
0x1bc: {  	[sflag:s2] =	ssyncadd.s32 $0xFFFFDC00;
	s23 =	sadd.s32 s4, s16  }
0x1bd: {  	[tilespmem:s3], [sflag:$0x1] =	stream.linear.gather [hbm4b:s23+s3], $0x40, $0x38;
	[tilespmem:$0x1DD80] =	vst v63  }
0x1be: {  	s1 =	sshll.u32 s1, $0x3;
	s16 =	sadd.s32 s5, s16  }
0x1bf: {  	[tilespmem:s11], [sflag:$0x1] =	stream.linear.gather [hbm4b:s16+s3], $0x40, $0x38;
	[tilespmem:$0x1DD80] =	vst v63  }
0x1c0: {  	s1 =	sadd.s32 s6, s1  }
0x1c1: {  	[tilespmem:s28], [sflag:$0x1] =	stream.linear.gather [hbm4b:s1+s3], $0x40, $0x38;
	[tilespmem:$0x1DD80] =	vst v63  }
0x1c2: {  	_ =	swait.ge [sflag:s26], $0x2000  }
0x1c3: {  	[sflag:s26] =	ssyncset.done $0x0  }
0x1c4: {  	[sflag:s26] =	ssyncadd.s32 $0xFFFFE000  }
0x1c5: {  	_ =	swait.ge [sflag:s26], $0x400  }
0x1c6: {  	[sflag:s26] =	ssyncset.done $0x0  }
0x1c7: {  	[sflag:s26] =	ssyncadd.s32 $0xFFFFFC00  }
0x1c8: {  	_ =	swait.ge [sflag:s26], $0x400  }
0x1c9: {  	[sflag:s26] =	ssyncset.done $0x0  }
0x1ca: {  	[sflag:s26] =	ssyncadd.s32 $0xFFFFFC00  }
0x1cb: {  	_ =	swait.ge [sflag:s13], $0x40  }
0x1cc: {  	[sflag:s13] =	ssyncset.done $0x0  }
0x1cd: {  	[sflag:s13] =	ssyncadd.s32 $0xFFFFFFC0  }
0x1ce: {  	_ =	swait.ge [sflag:s13], $0x40  }
0x1cf: {  	[sflag:s13] =	ssyncset.done $0x0  }
0x1d0: {  	[sflag:s13] =	ssyncadd.s32 $0xFFFFFFC0  }
0x1d1: {  	_ =	swait.ge [sflag:s13], $0x40  }
0x1d2: {  	[sflag:s13] =	ssyncset.done $0x0  }
0x1d3: {  	s23 =	simm.s32 $0x180;
	[sflag:s13] =	ssyncadd.s32 $0xFFFFFFC0  }
0x1d4: {  	[tilespmem:s23], [sflag:$0x3] =	stream.indirect.gather [hbm4b:s7+s15], $0x80, s3, s15, $0xb8;
	[tilespmem:$0x1DD80] =	vst v63  }
0x1d5: {  	_ = 	snop  }
0x1d6: {  	[tilespmem:s17], [sflag:$0x3] =	stream.indirect.gather [hbm4b:s8+s15], $0x10, s3, s15, $0xb8;
	[tilespmem:$0x1DD80] =	vst v63  }
0x1d7: {  	_ = 	snop  }
0x1d8: {  	[tilespmem:s18], [sflag:$0x3] =	stream.indirect.gather [hbm4b:s9+s15], $0x10, s11, s15, $0xb8;
	[tilespmem:$0x1DD80] =	vst v63  }
0x1d9: {  	v17 =	vld.idx.msk [tilespmem:v0+s24+$0x0], $0xffff  }
0x1da: {  	v18 =	vld.idx.msk [tilespmem:v0+s25+$0x0], $0xffff;
	_ =	sdelay $0x4  }
0x1db: {  	v17 =	vadd.f32 v18, v17;
	_ =	sdelay $0x1  }
0x1dc: {  	v18 =	vmul.f32 $2.000000030e-01, v17;
	_ =	sdelay $0x1  }
0x1dd: {  	v17 =	vmax.f32 v17, v18  }
0x1de: {  	v17 =	vmul.f32 $1.442695020e+00, v17;
	_ =	sdelay $0x1  }
0x1df: {  	(erf) = vpow2.f32 v17;
	_ =	sdelay $0x8  }
0x1e0: {  	v17 =	vpop (erf)  }
0x1e1: {  	[tilespmem:v2+s0+$0x0] =	vst.idx.msk $0xffff, v17  }
0x1e2: {  	v17 =	vld.idx.msk [tilespmem:v3+s24+$0x0], $0xffff  }
0x1e3: {  	v18 =	vld.idx.msk [tilespmem:v3+s25+$0x0], $0xffff;
	_ =	sdelay $0x4  }
0x1e4: {  	v17 =	vadd.f32 v18, v17;
	_ =	sdelay $0x1  }
0x1e5: {  	v18 =	vmul.f32 $2.000000030e-01, v17;
	_ =	sdelay $0x1  }
0x1e6: {  	v17 =	vmax.f32 v17, v18  }
0x1e7: {  	v17 =	vmul.f32 $1.442695020e+00, v17;
	_ =	sdelay $0x1  }
0x1e8: {  	(erf) = vpow2.f32 v17;
	_ =	sdelay $0x8  }
0x1e9: {  	v17 =	vpop (erf)  }
0x1ea: {  	[tilespmem:v4+s0+$0x0] =	vst.idx.msk $0xffff, v17  }
0x1eb: {  	v17 =	vld.idx.msk [tilespmem:v5+s24+$0x0], $0xffff  }
0x1ec: {  	v18 =	vld.idx.msk [tilespmem:v5+s25+$0x0], $0xffff;
	_ =	sdelay $0x4  }
0x1ed: {  	v17 =	vadd.f32 v18, v17;
	_ =	sdelay $0x1  }
0x1ee: {  	v18 =	vmul.f32 $2.000000030e-01, v17;
	_ =	sdelay $0x1  }
0x1ef: {  	v17 =	vmax.f32 v17, v18  }
0x1f0: {  	v17 =	vmul.f32 $1.442695020e+00, v17;
	_ =	sdelay $0x1  }
0x1f1: {  	(erf) = vpow2.f32 v17;
	_ =	sdelay $0x8  }
0x1f2: {  	v17 =	vpop (erf)  }
0x1f3: {  	[tilespmem:v6+s0+$0x0] =	vst.idx.msk $0xffff, v17  }
0x1f4: {  	v17 =	vld.idx.msk [tilespmem:v7+s24+$0x0], $0xffff  }
0x1f5: {  	v18 =	vld.idx.msk [tilespmem:v7+s25+$0x0], $0xffff;
	_ =	sdelay $0x4  }
0x1f6: {  	v17 =	vadd.f32 v18, v17;
	_ =	sdelay $0x1  }
0x1f7: {  	v18 =	vmul.f32 $2.000000030e-01, v17;
	_ =	sdelay $0x1  }
0x1f8: {  	v17 =	vmax.f32 v17, v18  }
0x1f9: {  	v17 =	vmul.f32 $1.442695020e+00, v17;
	_ =	sdelay $0x1  }
0x1fa: {  	(erf) = vpow2.f32 v17;
	_ =	sdelay $0x8  }
0x1fb: {  	v17 =	vpop (erf)  }
0x1fc: {  	[tilespmem:v8+s0+$0x0] =	vst.idx.msk $0xffff, v17  }
0x1fd: {  	v17 =	vld.idx.msk [tilespmem:v9+s24+$0x0], $0xffff  }
0x1fe: {  	v18 =	vld.idx.msk [tilespmem:v9+s25+$0x0], $0xffff;
	_ =	sdelay $0x4  }
0x1ff: {  	v17 =	vadd.f32 v18, v17;
	_ =	sdelay $0x1  }
0x200: {  	v18 =	vmul.f32 $2.000000030e-01, v17;
	_ =	sdelay $0x1  }
0x201: {  	v17 =	vmax.f32 v17, v18  }
0x202: {  	v17 =	vmul.f32 $1.442695020e+00, v17;
	_ =	sdelay $0x1  }
0x203: {  	(erf) = vpow2.f32 v17;
	_ =	sdelay $0x8  }
0x204: {  	v17 =	vpop (erf)  }
0x205: {  	[tilespmem:v10+s0+$0x0] =	vst.idx.msk $0xffff, v17  }
0x206: {  	v17 =	vld.idx.msk [tilespmem:v11+s24+$0x0], $0xffff  }
0x207: {  	v18 =	vld.idx.msk [tilespmem:v11+s25+$0x0], $0xffff;
	_ =	sdelay $0x4  }
0x208: {  	v17 =	vadd.f32 v18, v17;
	_ =	sdelay $0x1  }
0x209: {  	v18 =	vmul.f32 $2.000000030e-01, v17;
	_ =	sdelay $0x1  }
0x20a: {  	v17 =	vmax.f32 v17, v18  }
0x20b: {  	v17 =	vmul.f32 $1.442695020e+00, v17;
	_ =	sdelay $0x1  }
0x20c: {  	(erf) = vpow2.f32 v17;
	_ =	sdelay $0x8  }
0x20d: {  	v17 =	vpop (erf)  }
0x20e: {  	[tilespmem:v12+s0+$0x0] =	vst.idx.msk $0xffff, v17  }
0x20f: {  	v17 =	vld.idx.msk [tilespmem:v13+s24+$0x0], $0xffff  }
0x210: {  	v18 =	vld.idx.msk [tilespmem:v13+s25+$0x0], $0xffff;
	_ =	sdelay $0x4  }
0x211: {  	v17 =	vadd.f32 v18, v17;
	_ =	sdelay $0x1  }
0x212: {  	v18 =	vmul.f32 $2.000000030e-01, v17;
	_ =	sdelay $0x1  }
0x213: {  	v17 =	vmax.f32 v17, v18  }
0x214: {  	v17 =	vmul.f32 $1.442695020e+00, v17;
	_ =	sdelay $0x1  }
0x215: {  	(erf) = vpow2.f32 v17;
	_ =	sdelay $0x8  }
0x216: {  	v17 =	vpop (erf)  }
0x217: {  	[tilespmem:v14+s0+$0x0] =	vst.idx.msk $0xffff, v17  }
0x218: {  	v17 =	vld.idx.msk [tilespmem:v15+s24+$0x0], $0xffff  }
0x219: {  	v18 =	vld.idx.msk [tilespmem:v15+s25+$0x0], $0xffff;
	_ =	sdelay $0x4  }
0x21a: {  	v17 =	vadd.f32 v18, v17;
	_ =	sdelay $0x1  }
0x21b: {  	v18 =	vmul.f32 $2.000000030e-01, v17;
	_ =	sdelay $0x1  }
0x21c: {  	v17 =	vmax.f32 v17, v18  }
0x21d: {  	v17 =	vmul.f32 $1.442695020e+00, v17;
	_ =	sdelay $0x1  }
0x21e: {  	(erf) = vpow2.f32 v17;
	_ =	sdelay $0x8  }
0x21f: {  	v17 =	vpop (erf)  }
0x220: {  	s30 =	simm.s32 $0x53C0;
	[tilespmem:v16+s0+$0x0] =	vst.idx.msk $0xffff, v17  }
0x221: {  	v19 =	vld [tilespmem:s30+$0x230]  }
0x222: {  	s1 =	simm.s32 $0x2380;
	v20 =	vld [tilespmem:s30+$0xFFFFFED0]  }
0x223: {  	v21 =	vld [tilespmem:s1+$0x180]  }
0x224: {  	v22 =	vld [tilespmem:s30+$0xFFFFFF60]  }
0x225: {  	v23 =	vld [tilespmem:s30+$0xFFFFFFF0]  }
0x226: {  	v24 =	vld [tilespmem:s30+$0x80]  }
0x227: {  	v18 =	vld [tilespmem:s30+$0x110]  }
0x228: {  	v25 =	vld [tilespmem:s30+$0xFFFFFE40]  }
0x229: {  	v17 =	vld [tilespmem:s30+$0x1A0]  }
0x22a: {  	v27 =	vld [tilespmem:s1+$0xFFFFFE00]  }
0x22b: {  	v28 =	vld [tilespmem:s1+$0xFFFFFE80]  }
0x22c: {  	v29 =	vld [tilespmem:s1+$0xFFFFFF00];
	v26 =	vbroadcast v19, $0x0  }
0x22d: {  	v31 =	vld [tilespmem:s1+$0xFFFFFF80];
	v30 =	vbroadcast v25, $0x0  }
0x22e: {  	v36 =	vld [tilespmem:s1+$0x80];
	v51 =	vbroadcast v20, $0x0;
	v21 =	vmul.f32 v26, v21  }
0x22f: {  	v38 =	vld [tilespmem:s1+$0x100];
	v52 =	vbroadcast v22, $0x0;
	v27 =	vmul.f32 v30, v27  }
0x230: {  	v35 =	vbroadcast v23, $0x0;
	v28 =	vmul.f32 v51, v28;
	[tilespmem:s30+$0x1B0] =	vst v21;
	v21 =	vld [tilespmem:s1+$0x0]  }
0x231: {  	v29 =	vmul.f32 v52, v29;
	[tilespmem:s30+$0xFFFFFDC0] =	vst v27;
	v34 =	vld [tilespmem:s1+$0x190]  }
0x232: {  	s23 =	simm.s32 $0x5840;
	v27 =	vmul.f32 v35, v31;
	[tilespmem:s30+$0xFFFFFE50] =	vst v28;
	v28 =	vbroadcast v18, $0x0;
	v31 =	vld [tilespmem:s1+$0xFFFFFE10]  }
0x233: {  	v33 =	vld [tilespmem:s23+$0xFFFFFE40];
	v37 =	vbroadcast v24, $0x0;
	[tilespmem:s30+$0xFFFFFEE0] =	vst v29  }
0x234: {  	v40 =	vld [tilespmem:s1+$0xFFFFFF10];
	[tilespmem:s30+$0xFFFFFF70] =	vst v27;
	v27 =	vmul.f32 v28, v36  }
0x235: {  	v39 =	vld [tilespmem:s1+$0xFFFFFE90];
	v21 =	vmul.f32 v37, v21  }
0x236: {  	v29 =	vbroadcast v17, $0x0;
	v53 =	vld [tilespmem:s1+$0xFFFFFF90];
	[tilespmem:s30+$0x90] =	vst v27;
	v34 =	vmul.f32 v34, v26  }
0x237: {  	v27 =	vmul.f32 v31, v30;
	v31 =	vld [tilespmem:s1+$0x90];
	[tilespmem:s30+$0x0] =	vst v21  }
0x238: {  	v21 =	vmul.f32 v29, v38;
	[tilespmem:s30+$0x1C0] =	vst v34;
	v54 =	vld [tilespmem:s1+$0x10]  }
0x239: {  	[tilespmem:s30+$0xFFFFFDD0] =	vst v27;
	v27 =	vmul.f32 v40, v52;
	v55 =	vld [tilespmem:s1+$0x1A0]  }
0x23a: {  	[tilespmem:s30+$0x120] =	vst v21;
	v21 =	vmul.f32 v39, v51;
	v57 =	vld [tilespmem:s1+$0xFFFFFE20]  }
0x23b: {  	v39 =	vld [tilespmem:s23+$0x230];
	[tilespmem:s30+$0xFFFFFEF0] =	vst v27  }
0x23c: {  	v56 =	vld [tilespmem:s1+$0x110];
	[tilespmem:s30+$0xFFFFFE60] =	vst v21;
	v21 =	vmul.f32 v53, v35  }
0x23d: {  	v60 =	vld [tilespmem:s1+$0xFFFFFF20];
	v27 =	vmul.f32 v54, v37  }
0x23e: {  	v58 =	vld [tilespmem:s1+$0xFFFFFEA0];
	[tilespmem:s30+$0xFFFFFF80] =	vst v21;
	v21 =	vmul.f32 v31, v28  }
0x23f: {  	s16 =	simm.s32 $0x2780;
	v31 =	vld [tilespmem:s1+$0xFFFFFFA0];
	[tilespmem:s30+$0x10] =	vst v27  }
0x240: {  	[tilespmem:s30+$0xA0] =	vst v21;
	v21 =	vmul.f32 v57, v30;
	v57 =	vld [tilespmem:s16+$0x180]  }
0x241: {  	v59 =	vmul.f32 v55, v26;
	v61 =	vld [tilespmem:s1+$0x20]  }
0x242: {  	v27 =	vmul.f32 v56, v29;
	v63 =	vld [tilespmem:s1+$0xA0]  }
0x243: {  	[tilespmem:s30+$0x1D0] =	vst v59;
	v59 =	vld [tilespmem:s16+$0xFFFFFE00]  }
0x244: {  	v62 =	vld [tilespmem:s1+$0x1B0];
	[tilespmem:s30+$0x130] =	vst v27  }
0x245: {  	v27 =	vmul.f32 v58, v51;
	[tilespmem:s30+$0xFFFFFDE0] =	vst v21;
	v21 =	vmul.f32 v60, v52;
	v60 =	vld [tilespmem:s16+$0xFFFFFF80]  }
0x246: {  	v43 =	vld [tilespmem:s1+$0x120]  }
0x247: {  	v44 =	vld [tilespmem:s1+$0xFFFFFE30];
	[tilespmem:s30+$0xFFFFFE70] =	vst v27  }
0x248: {  	v27 =	vmul.f32 v31, v35;
	[tilespmem:s30+$0xFFFFFF00] =	vst v21;
	v31 =	vld [tilespmem:s1+$0xFFFFFEB0]  }
0x249: {  	v45 =	vld [tilespmem:s1+$0xFFFFFF30];
	v21 =	vmul.f32 v61, v37  }
0x24a: {  	[tilespmem:s30+$0xFFFFFF90] =	vst v27;
	v61 =	vld [tilespmem:s16+$0x80];
	v26 =	vmul.f32 v62, v26  }
0x24b: {  	v27 =	vmul.f32 v63, v28;
	v46 =	vld [tilespmem:s1+$0xFFFFFFB0];
	[tilespmem:s30+$0x20] =	vst v21  }
0x24c: {  	v21 =	vmul.f32 v43, v29;
	[tilespmem:s30+$0x1E0] =	vst v26;
	v26 =	vld [tilespmem:s1+$0x30]  }
0x24d: {  	[tilespmem:s30+$0xB0] =	vst v27;
	v27 =	vmul.f32 v44, v30;
	v47 =	vld [tilespmem:s1+$0x1C0]  }
0x24e: {  	v30 =	vld [tilespmem:s1+$0xB0];
	[tilespmem:s30+$0x140] =	vst v21;
	v21 =	vmul.f32 v31, v51  }
0x24f: {  	[tilespmem:s30+$0xFFFFFDF0] =	vst v27;
	v27 =	vmul.f32 v45, v52;
	v31 =	vld [tilespmem:s1+$0x130]  }
0x250: {  	v48 =	vbroadcast v19, $0x1;
	v19 =	vld [tilespmem:s1+$0xFFFFFE40];
	[tilespmem:s30+$0xFFFFFE80] =	vst v21;
	v21 =	vmul.f32 v46, v35  }
0x251: {  	[tilespmem:s30+$0xFFFFFF10] =	vst v27;
	v49 =	vld [tilespmem:s1+$0xFFFFFEC0];
	v26 =	vmul.f32 v26, v37  }
0x252: {  	v50 =	vld [tilespmem:s1+$0xFFFFFF40];
	[tilespmem:s30+$0xFFFFFFA0] =	vst v21;
	v27 =	vmul.f32 v47, v48  }
0x253: {  	v51 =	vbroadcast v25, $0x1;
	v21 =	vmul.f32 v30, v28;
	v25 =	vld [tilespmem:s1+$0xFFFFFFC0];
	[tilespmem:s30+$0x30] =	vst v26  }
0x254: {  	v26 =	vbroadcast v20, $0x1;
	v20 =	vmul.f32 v31, v29;
	[tilespmem:s30+$0x1F0] =	vst v27;
	v27 =	vld [tilespmem:s1+$0x40]  }
0x255: {  	v28 =	vbroadcast v22, $0x1;
	[tilespmem:s30+$0xC0] =	vst v21;
	v19 =	vmul.f32 v19, v51;
	v22 =	vld [tilespmem:s1+$0x1D0]  }
0x256: {  	v23 =	vbroadcast v23, $0x1;
	v21 =	vld [tilespmem:s1+$0xC0];
	[tilespmem:s30+$0x150] =	vst v20;
	v20 =	vmul.f32 v49, v26  }
0x257: {  	v29 =	vbroadcast v24, $0x1;
	[tilespmem:s30+$0xFFFFFE00] =	vst v19;
	v19 =	vmul.f32 v50, v28;
	v30 =	vld [tilespmem:s1+$0x140]  }
0x258: {  	v31 =	vld [tilespmem:s1+$0xFFFFFE50];
	[tilespmem:s30+$0xFFFFFE90] =	vst v20;
	v20 =	vmul.f32 v25, v23  }
0x259: {  	v25 =	vbroadcast v18, $0x1;
	[tilespmem:s30+$0xFFFFFF20] =	vst v19;
	v18 =	vld [tilespmem:s1+$0xFFFFFED0];
	v19 =	vmul.f32 v27, v29  }
0x25a: {  	v24 =	vbroadcast v17, $0x1;
	[tilespmem:s30+$0xFFFFFFB0] =	vst v20;
	v17 =	vmul.f32 v22, v48;
	v22 =	vld [tilespmem:s1+$0xFFFFFF50]  }
0x25b: {  	v20 =	vmul.f32 v21, v25;
	v21 =	vld [tilespmem:s1+$0xFFFFFFD0];
	[tilespmem:s30+$0x40] =	vst v19  }
0x25c: {  	[tilespmem:s30+$0x200] =	vst v17;
	v17 =	vmul.f32 v30, v24;
	v19 =	vld [tilespmem:s1+$0x50]  }
0x25d: {  	[tilespmem:s30+$0xD0] =	vst v20;
	v20 =	vmul.f32 v31, v51;
	v27 =	vld [tilespmem:s1+$0x1E0]  }
0x25e: {  	v30 =	vld [tilespmem:s1+$0xD0];
	[tilespmem:s30+$0x160] =	vst v17;
	v17 =	vmul.f32 v18, v26  }
0x25f: {  	[tilespmem:s30+$0xFFFFFE10] =	vst v20;
	v18 =	vld [tilespmem:s1+$0x150];
	v20 =	vmul.f32 v22, v28  }
0x260: {  	v22 =	vld [tilespmem:s1+$0xFFFFFE60];
	[tilespmem:s30+$0xFFFFFEA0] =	vst v17;
	v17 =	vmul.f32 v21, v23  }
0x261: {  	v21 =	vld [tilespmem:s1+$0xFFFFFEE0];
	[tilespmem:s30+$0xFFFFFF30] =	vst v20;
	v19 =	vmul.f32 v19, v29  }
0x262: {  	v20 =	vmul.f32 v27, v48;
	v27 =	vld [tilespmem:s1+$0xFFFFFF60];
	[tilespmem:s30+$0xFFFFFFC0] =	vst v17  }
0x263: {  	v17 =	vmul.f32 v30, v25;
	v30 =	vld [tilespmem:s1+$0xFFFFFFE0];
	[tilespmem:s30+$0x50] =	vst v19  }
0x264: {  	v19 =	vld [tilespmem:s1+$0x60]  }
0x265: {  	[tilespmem:s30+$0x210] =	vst v20;
	v20 =	vld [tilespmem:s23+$0xFFFFFF60]  }
0x266: {  	[tilespmem:s30+$0xE0] =	vst v17;
	v17 =	vmul.f32 v22, v51;
	v22 =	vld [tilespmem:s23+$0x80]  }
0x267: {  	v18 =	vmul.f32 v18, v24;
	v31 =	vld [tilespmem:s1+$0x1F0]  }
0x268: {  	v52 =	vld [tilespmem:s1+$0xE0]  }
0x269: {  	[tilespmem:s30+$0x170] =	vst v18;
	v18 =	vmul.f32 v21, v26;
	v21 =	vld [tilespmem:s23+$0xFFFFFFF0]  }
0x26a: {  	[tilespmem:s30+$0xFFFFFE20] =	vst v17;
	v53 =	vld [tilespmem:s1+$0x160];
	v17 =	vmul.f32 v27, v28  }
0x26b: {  	v27 =	vld [tilespmem:s1+$0xFFFFFE70];
	[tilespmem:s30+$0xFFFFFEB0] =	vst v18;
	v18 =	vmul.f32 v30, v23  }
0x26c: {  	v41 =	vbroadcast v39, $0x0;
	v30 =	vld [tilespmem:s1+$0xFFFFFEF0];
	[tilespmem:s30+$0xFFFFFF40] =	vst v17;
	v17 =	vmul.f32 v19, v29  }
0x26d: {  	v19 =	vld [tilespmem:s23+$0xFFFFFED0];
	[tilespmem:s30+$0xFFFFFFD0] =	vst v18;
	v31 =	vmul.f32 v31, v48  }
0x26e: {  	v58 =	vmul.f32 v41, v57;
	v54 =	vld [tilespmem:s1+$0xFFFFFF70];
	[tilespmem:s30+$0x60] =	vst v17  }
0x26f: {  	v55 =	vld [tilespmem:s1+$0xFFFFFFF0];
	[tilespmem:s30+$0x220] =	vst v31;
	v31 =	vmul.f32 v52, v25  }
0x270: {  	[tilespmem:s23+$0x1B0] =	vst v58;
	v56 =	vld [tilespmem:s1+$0x70];
	v34 =	vmul.f32 v53, v24  }
0x271: {  	v27 =	vmul.f32 v27, v51;
	[tilespmem:s30+$0xF0] =	vst v31;
	v31 =	vld [tilespmem:s16+$0x190]  }
0x272: {  	v18 =	vld [tilespmem:s23+$0x1A0];
	v38 =	vbroadcast v21, $0x0;
	[tilespmem:s30+$0x180] =	vst v34;
	v26 =	vmul.f32 v30, v26  }
0x273: {  	v30 =	vld [tilespmem:s16+$0xFFFFFE80];
	[tilespmem:s30+$0xFFFFFE30] =	vst v27;
	v27 =	vmul.f32 v54, v28  }
0x274: {  	v32 =	vmul.f32 v38, v60;
	v28 =	vld [tilespmem:s16+$0xFFFFFF00];
	[tilespmem:s30+$0xFFFFFEC0] =	vst v26;
	v23 =	vmul.f32 v55, v23  }
0x275: {  	v17 =	vld [tilespmem:s23+$0x110];
	[tilespmem:s30+$0xFFFFFF50] =	vst v27;
	v26 =	vmul.f32 v56, v29;
	v27 =	vbroadcast v33, $0x0  }
0x276: {  	v29 =	vld [tilespmem:s16+$0x0];
	[tilespmem:s30+$0xFFFFFFE0] =	vst v23;
	v23 =	vbroadcast v19, $0x0;
	v31 =	vmul.f32 v31, v41  }
0x277: {  	v63 =	vld [tilespmem:s16+$0x100];
	v35 =	vbroadcast v20, $0x0;
	[tilespmem:s23+$0xFFFFFF70] =	vst v32;
	v62 =	vmul.f32 v27, v59  }
0x278: {  	v48 =	vld [tilespmem:s16+$0xFFFFFF90];
	v30 =	vmul.f32 v23, v30;
	[tilespmem:s23+$0x1C0] =	vst v31  }
0x279: {  	v28 =	vmul.f32 v35, v28;
	v31 =	vbroadcast v22, $0x0;
	[tilespmem:s23+$0xFFFFFDC0] =	vst v62;
	v45 =	vld [tilespmem:s16+$0x1A0]  }
0x27a: {  	v40 =	vbroadcast v17, $0x0;
	v42 =	vld [tilespmem:s16+$0xFFFFFE10];
	[tilespmem:s23+$0xFFFFFE50] =	vst v30  }
0x27b: {  	v30 =	vbroadcast v18, $0x0;
	[tilespmem:s23+$0xFFFFFEE0] =	vst v28;
	v29 =	vmul.f32 v31, v29;
	v43 =	vld [tilespmem:s16+$0xFFFFFE90]  }
0x27c: {  	[tilespmem:s30+$0x70] =	vst v26;
	v28 =	vmul.f32 v40, v61;
	v46 =	vld [tilespmem:s16+$0xFFFFFF10]  }
0x27d: {  	v26 =	vld [tilespmem:s1+$0xF0];
	v47 =	vmul.f32 v30, v63;
	[tilespmem:s23+$0x0] =	vst v29  }
0x27e: {  	[tilespmem:s23+$0x90] =	vst v28;
	v29 =	vld [tilespmem:s16+$0x10];
	v28 =	vmul.f32 v45, v41  }
0x27f: {  	v50 =	vld [tilespmem:s16+$0x90];
	[tilespmem:s23+$0x120] =	vst v47;
	v49 =	vmul.f32 v42, v27  }
0x280: {  	v52 =	vld [tilespmem:s16+$0x110];
	v51 =	vmul.f32 v43, v23;
	[tilespmem:s23+$0x1D0] =	vst v28  }
0x281: {  	[tilespmem:s23+$0xFFFFFDD0] =	vst v49;
	v28 =	vmul.f32 v46, v35;
	v53 =	vld [tilespmem:s16+$0x1B0]  }
0x282: {  	v54 =	vmul.f32 v48, v38;
	v36 =	vld [tilespmem:s16+$0xFFFFFE20];
	[tilespmem:s23+$0xFFFFFE60] =	vst v51  }
0x283: {  	v55 =	vld [tilespmem:s16+$0xFFFFFEA0];
	[tilespmem:s23+$0xFFFFFEF0] =	vst v28;
	v28 =	vmul.f32 v29, v31  }
0x284: {  	[tilespmem:s23+$0xFFFFFF80] =	vst v54;
	v56 =	vmul.f32 v50, v40;
	v29 =	vld [tilespmem:s16+$0xFFFFFF20]  }
0x285: {  	v57 =	vld [tilespmem:s16+$0xFFFFFFA0];
	[tilespmem:s23+$0x10] =	vst v28;
	v28 =	vmul.f32 v52, v30  }
0x286: {  	[tilespmem:s23+$0xA0] =	vst v56;
	v58 =	vld [tilespmem:s16+$0x20];
	v59 =	vmul.f32 v53, v41  }
0x287: {  	v61 =	vld [tilespmem:s16+$0xA0];
	v60 =	vmul.f32 v36, v27;
	[tilespmem:s23+$0x130] =	vst v28  }
0x288: {  	v28 =	vmul.f32 v55, v23;
	v62 =	vld [tilespmem:s16+$0x120];
	[tilespmem:s23+$0x1E0] =	vst v59  }
0x289: {  	[tilespmem:s23+$0xFFFFFDE0] =	vst v60;
	v29 =	vmul.f32 v29, v35;
	v32 =	vld [tilespmem:s16+$0x1C0]  }
0x28a: {  	v34 =	vld [tilespmem:s16+$0xFFFFFE30];
	[tilespmem:s23+$0xFFFFFE70] =	vst v28;
	v28 =	vmul.f32 v57, v38  }
0x28b: {  	v63 =	vld [tilespmem:s16+$0xFFFFFEB0];
	[tilespmem:s23+$0xFFFFFF00] =	vst v29;
	v29 =	vmul.f32 v58, v31  }
0x28c: {  	v46 =	vbroadcast v39, $0x1;
	v45 =	vld [tilespmem:s16+$0xFFFFFF30];
	[tilespmem:s23+$0xFFFFFF90] =	vst v28;
	v28 =	vmul.f32 v61, v40  }
0x28d: {  	v47 =	vld [tilespmem:s16+$0xFFFFFFB0];
	[tilespmem:s23+$0x20] =	vst v29;
	v29 =	vmul.f32 v62, v30  }
0x28e: {  	v48 =	vld [tilespmem:s16+$0x30];
	[tilespmem:s23+$0xB0] =	vst v28;
	v28 =	vmul.f32 v32, v46  }
0x28f: {  	v27 =	vmul.f32 v34, v27;
	v49 =	vld [tilespmem:s16+$0xB0];
	[tilespmem:s23+$0x140] =	vst v29  }
0x290: {  	v23 =	vmul.f32 v63, v23;
	v29 =	vld [tilespmem:s16+$0x130];
	[tilespmem:s23+$0x1F0] =	vst v28  }
0x291: {  	[tilespmem:s23+$0xFFFFFDF0] =	vst v27;
	v27 =	vmul.f32 v45, v35;
	v28 =	vld [tilespmem:s16+$0x1D0]  }
0x292: {  	v50 =	vld [tilespmem:s16+$0xFFFFFE40];
	[tilespmem:s23+$0xFFFFFE80] =	vst v23;
	v23 =	vmul.f32 v47, v38  }
0x293: {  	v51 =	vld [tilespmem:s16+$0xFFFFFEC0];
	[tilespmem:s23+$0xFFFFFF10] =	vst v27;
	v27 =	vmul.f32 v48, v31  }
0x294: {  	v31 =	vld [tilespmem:s16+$0xFFFFFF40];
	[tilespmem:s23+$0xFFFFFFA0] =	vst v23;
	v32 =	vmul.f32 v49, v40  }
0x295: {  	v23 =	vbroadcast v33, $0x1;
	v52 =	vld [tilespmem:s16+$0xFFFFFFC0];
	[tilespmem:s23+$0x30] =	vst v27;
	v27 =	vmul.f32 v29, v30  }
0x296: {  	v19 =	vbroadcast v19, $0x1;
	v29 =	vld [tilespmem:s16+$0x40];
	[tilespmem:s23+$0xC0] =	vst v32;
	v28 =	vmul.f32 v28, v46  }
0x297: {  	v20 =	vbroadcast v20, $0x1;
	v30 =	vmul.f32 v50, v23;
	v32 =	vld [tilespmem:s16+$0xC0];
	[tilespmem:s23+$0x150] =	vst v27  }
0x298: {  	v21 =	vbroadcast v21, $0x1;
	v27 =	vmul.f32 v51, v19;
	v53 =	vld [tilespmem:s16+$0x140];
	[tilespmem:s23+$0x200] =	vst v28  }
0x299: {  	v22 =	vbroadcast v22, $0x1;
	[tilespmem:s23+$0xFFFFFE00] =	vst v30;
	v28 =	vmul.f32 v31, v20;
	v30 =	vld [tilespmem:s16+$0x1E0]  }
0x29a: {  	v17 =	vbroadcast v17, $0x1;
	v31 =	vld [tilespmem:s16+$0xFFFFFE50];
	[tilespmem:s23+$0xFFFFFE90] =	vst v27;
	v27 =	vmul.f32 v52, v21  }
0x29b: {  	v18 =	vbroadcast v18, $0x1;
	v54 =	vld [tilespmem:s16+$0xFFFFFED0];
	[tilespmem:s23+$0xFFFFFF20] =	vst v28;
	v28 =	vmul.f32 v29, v22  }
0x29c: {  	v29 =	vld [tilespmem:s16+$0xFFFFFF50];
	[tilespmem:s23+$0xFFFFFFB0] =	vst v27;
	v27 =	vmul.f32 v32, v17  }
0x29d: {  	v55 =	vld [tilespmem:s16+$0xFFFFFFD0];
	[tilespmem:s23+$0x40] =	vst v28;
	v28 =	vmul.f32 v53, v18  }
0x29e: {  	v56 =	vld [tilespmem:s16+$0x50];
	[tilespmem:s23+$0xD0] =	vst v27;
	v27 =	vmul.f32 v30, v46  }
0x29f: {  	v30 =	vmul.f32 v31, v23;
	v31 =	vld [tilespmem:s16+$0xD0];
	[tilespmem:s23+$0x160] =	vst v28  }
0x2a0: {  	v28 =	vmul.f32 v54, v19;
	v57 =	vld [tilespmem:s16+$0x150];
	[tilespmem:s23+$0x210] =	vst v27  }
0x2a1: {  	[tilespmem:s23+$0xFFFFFE10] =	vst v30;
	v27 =	vmul.f32 v29, v20;
	v29 =	vld [tilespmem:s16+$0x1F0]  }
0x2a2: {  	v30 =	vld [tilespmem:s16+$0xFFFFFE60];
	[tilespmem:s23+$0xFFFFFEA0] =	vst v28;
	v28 =	vmul.f32 v55, v21  }
0x2a3: {  	v58 =	vld [tilespmem:s16+$0xFFFFFEE0];
	[tilespmem:s23+$0xFFFFFF30] =	vst v27;
	v27 =	vmul.f32 v56, v22  }
0x2a4: {  	v59 =	vld [tilespmem:s16+$0xFFFFFF60];
	[tilespmem:s23+$0xFFFFFFC0] =	vst v28;
	v28 =	vmul.f32 v31, v17  }
0x2a5: {  	v31 =	vld [tilespmem:s16+$0xFFFFFFE0];
	[tilespmem:s23+$0x50] =	vst v27;
	v27 =	vmul.f32 v57, v18  }
0x2a6: {  	v60 =	vld [tilespmem:s16+$0x60];
	[tilespmem:s23+$0xE0] =	vst v28;
	v28 =	vmul.f32 v29, v46  }
0x2a7: {  	v29 =	vmul.f32 v30, v23;
	v61 =	vld [tilespmem:s16+$0xE0];
	[tilespmem:s23+$0x170] =	vst v27  }
0x2a8: {  	v27 =	vmul.f32 v58, v19;
	v62 =	vld [tilespmem:s16+$0x160];
	[tilespmem:s23+$0x220] =	vst v28  }
0x2a9: {  	v63 =	vld [tilespmem:s1+$0x170];
	[tilespmem:s23+$0xFFFFFE20] =	vst v29;
	v28 =	vmul.f32 v59, v20  }
0x2aa: {  	v30 =	vld [tilespmem:s16+$0xFFFFFE70];
	[tilespmem:s23+$0xFFFFFEB0] =	vst v27;
	v29 =	vmul.f32 v31, v21  }
0x2ab: {  	v31 =	vld [tilespmem:s16+$0xFFFFFEF0];
	[tilespmem:s23+$0xFFFFFF40] =	vst v28;
	v28 =	vmul.f32 v60, v22  }
0x2ac: {  	v27 =	vld [tilespmem:s16+$0xFFFFFF70];
	[tilespmem:s23+$0xFFFFFFD0] =	vst v29;
	v35 =	vmul.f32 v61, v17  }
0x2ad: {  	s12 =	smov.u32 s29;
	s29 =	simm.s32 $0x5CC0;
	v29 =	vld [tilespmem:s16+$0xFFFFFFF0];
	[tilespmem:s23+$0x60] =	vst v28;
	v33 =	vmul.f32 v62, v18  }
0x2ae: {  	s19 =	simm.s32 $0x100;
	s28 =	simm.s32 $0x8;
	v25 =	vmul.f32 v26, v25;
	s1 =	simm.s32 $0x2780;
	v28 =	vmul.f32 v63, v24;
	v32 =	vld [tilespmem:s16+$0x70];
	[tilespmem:s23+$0xF0] =	vst v35  }
.LBB2_7:
0x2af: {  	v26 =	vld [tilespmem:s29+$0x230];
	s28 =	sadd.s32 $0x8, s28;
	v23 =	vmul.f32 v30, v23;
	[tilespmem:s23+$0x180] =	vst v33  }
0x2b0: {  	s16 =	sadd.s32 $0x400, s16;
	v24 =	vld [tilespmem:s29+$0xFFFFFED0];
	p0 =	slt.u32 s28, $0x38;
	v19 =	vmul.f32 v31, v19;
	[tilespmem:s30+$0x100] =	vst v25  }
0x2b1: {  	v25 =	vld [tilespmem:s16+$0x180];
	[tilespmem:s23+$0xFFFFFE30] =	vst v23;
	v20 =	vmul.f32 v27, v20  }
0x2b2: {  	v23 =	vld [tilespmem:s29+$0xFFFFFF60];
	[tilespmem:s23+$0xFFFFFEC0] =	vst v19;
	v19 =	vmul.f32 v29, v21  }
0x2b3: {  	v21 =	vld [tilespmem:s29+$0xFFFFFFF0];
	[tilespmem:s23+$0xFFFFFF50] =	vst v20;
	v20 =	vmul.f32 v32, v22  }
0x2b4: {  	v22 =	vld [tilespmem:s29+$0x80];
	v33 =	vbroadcast v26, $0x0;
	[tilespmem:s23+$0xFFFFFFE0] =	vst v19  }
0x2b5: {  	v27 =	vbroadcast v24, $0x0;
	v19 =	vbroadcast v24, $0x1;
	v24 =	vld [tilespmem:s29+$0x110];
	[tilespmem:s23+$0x70] =	vst v20  }
0x2b6: {  	v34 =	vld [tilespmem:s29+$0x1A0];
	v25 =	vmul.f32 v33, v25;
	[tilespmem:s30+$0x190] =	vst v28;
	s30 =	smov.u32 s23;
	s23 =	smov.u32 s29  }
0x2b7: {  	v35 =	vld [tilespmem:s29+$0xFFFFFE40];
	v30 =	vbroadcast v23, $0x0;
	v20 =	vbroadcast v23, $0x1  }
0x2b8: {  	v36 =	vld [tilespmem:s16+$0xFFFFFE00];
	v28 =	vbroadcast v21, $0x0;
	v21 =	vbroadcast v21, $0x1;
	[tilespmem:s29+$0x1B0] =	vst v25  }
0x2b9: {  	v29 =	vbroadcast v22, $0x0;
	v22 =	vbroadcast v22, $0x1;
	v25 =	vld [tilespmem:s16+$0x190]  }
0x2ba: {  	v37 =	vld [tilespmem:s16+$0xFFFFFE80];
	v31 =	vbroadcast v24, $0x0;
	v38 =	vbroadcast v24, $0x1  }
0x2bb: {  	v39 =	vld [tilespmem:s16+$0xFFFFFF00];
	v32 =	vbroadcast v34, $0x0;
	v24 =	vbroadcast v34, $0x1  }
0x2bc: {  	v34 =	vbroadcast v35, $0x0;
	v23 =	vbroadcast v35, $0x1;
	v35 =	vld [tilespmem:s16+$0xFFFFFF80]  }
0x2bd: {  	v40 =	vld [tilespmem:s16+$0x0]  }
0x2be: {  	v36 =	vmul.f32 v34, v36;
	v41 =	vld [tilespmem:s16+$0x80];
	v25 =	vmul.f32 v25, v33  }
0x2bf: {  	v37 =	vmul.f32 v27, v37;
	v42 =	vld [tilespmem:s16+$0x100]  }
0x2c0: {  	v39 =	vmul.f32 v30, v39;
	[tilespmem:s29+$0x1C0] =	vst v25;
	v25 =	vld [tilespmem:s1+$0xF0]  }
0x2c1: {  	[tilespmem:s29+$0xFFFFFDC0] =	vst v36;
	v35 =	vmul.f32 v28, v35;
	v36 =	vld [tilespmem:s16+$0x1A0]  }
0x2c2: {  	v43 =	vld [tilespmem:s16+$0xFFFFFE10];
	[tilespmem:s29+$0xFFFFFE50] =	vst v37;
	v37 =	vmul.f32 v29, v40  }
0x2c3: {  	v40 =	vld [tilespmem:s16+$0xFFFFFE90];
	[tilespmem:s29+$0xFFFFFEE0] =	vst v39;
	v39 =	vmul.f32 v31, v41  }
0x2c4: {  	v41 =	vld [tilespmem:s16+$0xFFFFFF10];
	[tilespmem:s29+$0xFFFFFF70] =	vst v35;
	v35 =	vmul.f32 v32, v42  }
0x2c5: {  	v42 =	vld [tilespmem:s16+$0xFFFFFF90];
	[tilespmem:s29+$0x0] =	vst v37;
	v25 =	vmul.f32 v25, v17;
	v17 =	vmov v38  }
0x2c6: {  	v37 =	vld [tilespmem:s16+$0x10];
	[tilespmem:s29+$0x90] =	vst v39;
	v36 =	vmul.f32 v36, v33  }
0x2c7: {  	v38 =	vmul.f32 v43, v34;
	v39 =	vld [tilespmem:s16+$0x90];
	[tilespmem:s29+$0x120] =	vst v35  }
0x2c8: {  	v35 =	vmul.f32 v40, v27;
	v40 =	vld [tilespmem:s16+$0x110];
	[tilespmem:s29+$0x1D0] =	vst v36  }
0x2c9: {  	[tilespmem:s29+$0xFFFFFDD0] =	vst v38;
	v36 =	vmul.f32 v41, v30;
	v38 =	vld [tilespmem:s16+$0x1B0]  }
0x2ca: {  	v41 =	vld [tilespmem:s16+$0xFFFFFE20];
	[tilespmem:s29+$0xFFFFFE60] =	vst v35;
	v35 =	vmul.f32 v42, v28  }
0x2cb: {  	v42 =	vld [tilespmem:s16+$0xFFFFFEA0];
	[tilespmem:s29+$0xFFFFFEF0] =	vst v36;
	v36 =	vmul.f32 v37, v29  }
0x2cc: {  	v37 =	vld [tilespmem:s16+$0xFFFFFF20];
	[tilespmem:s29+$0xFFFFFF80] =	vst v35;
	v35 =	vmul.f32 v39, v31  }
0x2cd: {  	v39 =	vld [tilespmem:s16+$0xFFFFFFA0];
	[tilespmem:s29+$0x10] =	vst v36;
	v36 =	vmul.f32 v40, v32  }
0x2ce: {  	v40 =	vld [tilespmem:s16+$0x20];
	[tilespmem:s29+$0xA0] =	vst v35;
	v33 =	vmul.f32 v38, v33  }
0x2cf: {  	v35 =	vmul.f32 v41, v34;
	v38 =	vld [tilespmem:s16+$0xA0];
	[tilespmem:s29+$0x130] =	vst v36  }
0x2d0: {  	v36 =	vmul.f32 v42, v27;
	v41 =	vld [tilespmem:s16+$0x120];
	[tilespmem:s29+$0x1E0] =	vst v33  }
0x2d1: {  	[tilespmem:s29+$0xFFFFFDE0] =	vst v35;
	v33 =	vmul.f32 v37, v30;
	v35 =	vld [tilespmem:s16+$0x1C0]  }
0x2d2: {  	v37 =	vld [tilespmem:s16+$0xFFFFFE30];
	[tilespmem:s29+$0xFFFFFE70] =	vst v36;
	v36 =	vmul.f32 v39, v28  }
0x2d3: {  	v39 =	vld [tilespmem:s16+$0xFFFFFEB0];
	[tilespmem:s29+$0xFFFFFF00] =	vst v33;
	v33 =	vmul.f32 v40, v29  }
0x2d4: {  	v26 =	vbroadcast v26, $0x1;
	v40 =	vld [tilespmem:s16+$0xFFFFFF30];
	[tilespmem:s29+$0xFFFFFF90] =	vst v36;
	v36 =	vmul.f32 v38, v31  }
0x2d5: {  	v38 =	vld [tilespmem:s16+$0xFFFFFFB0];
	[tilespmem:s29+$0x20] =	vst v33;
	v33 =	vmul.f32 v41, v32  }
0x2d6: {  	v41 =	vld [tilespmem:s16+$0x30];
	[tilespmem:s29+$0xB0] =	vst v36;
	v35 =	vmul.f32 v35, v26  }
0x2d7: {  	v34 =	vmul.f32 v37, v34;
	v36 =	vld [tilespmem:s16+$0xB0];
	[tilespmem:s29+$0x140] =	vst v33  }
0x2d8: {  	v27 =	vmul.f32 v39, v27;
	v33 =	vld [tilespmem:s16+$0x130];
	[tilespmem:s29+$0x1F0] =	vst v35  }
0x2d9: {  	[tilespmem:s29+$0xFFFFFDF0] =	vst v34;
	v30 =	vmul.f32 v40, v30;
	v34 =	vld [tilespmem:s16+$0x1D0]  }
0x2da: {  	v35 =	vld [tilespmem:s16+$0xFFFFFE40];
	[tilespmem:s29+$0xFFFFFE80] =	vst v27;
	v27 =	vmul.f32 v38, v28  }
0x2db: {  	v28 =	vld [tilespmem:s16+$0xFFFFFEC0];
	[tilespmem:s29+$0xFFFFFF10] =	vst v30;
	v29 =	vmul.f32 v41, v29  }
0x2dc: {  	v30 =	vld [tilespmem:s16+$0xFFFFFF40];
	[tilespmem:s29+$0xFFFFFFA0] =	vst v27;
	v27 =	vmul.f32 v36, v31  }
0x2dd: {  	v31 =	vld [tilespmem:s16+$0xFFFFFFC0];
	[tilespmem:s29+$0x30] =	vst v29;
	v29 =	vmul.f32 v33, v32  }
0x2de: {  	v32 =	vld [tilespmem:s16+$0x40];
	[tilespmem:s29+$0xC0] =	vst v27;
	v27 =	vmul.f32 v34, v26  }
0x2df: {  	v33 =	vmul.f32 v35, v23;
	v34 =	vld [tilespmem:s16+$0xC0];
	[tilespmem:s29+$0x150] =	vst v29  }
0x2e0: {  	v28 =	vmul.f32 v28, v19;
	v29 =	vld [tilespmem:s16+$0x140];
	[tilespmem:s29+$0x200] =	vst v27  }
0x2e1: {  	[tilespmem:s29+$0xFFFFFE00] =	vst v33;
	v27 =	vmul.f32 v30, v20;
	v30 =	vld [tilespmem:s16+$0x1E0]  }
0x2e2: {  	v33 =	vld [tilespmem:s16+$0xFFFFFE50];
	[tilespmem:s29+$0xFFFFFE90] =	vst v28;
	v28 =	vmul.f32 v31, v21  }
0x2e3: {  	v31 =	vld [tilespmem:s16+$0xFFFFFED0];
	[tilespmem:s29+$0xFFFFFF20] =	vst v27;
	v27 =	vmul.f32 v32, v22  }
0x2e4: {  	v32 =	vld [tilespmem:s16+$0xFFFFFF50];
	[tilespmem:s29+$0xFFFFFFB0] =	vst v28;
	v28 =	vmul.f32 v34, v17  }
0x2e5: {  	v34 =	vld [tilespmem:s16+$0xFFFFFFD0];
	[tilespmem:s29+$0x40] =	vst v27;
	v27 =	vmul.f32 v29, v24  }
0x2e6: {  	v29 =	vld [tilespmem:s16+$0x50];
	[tilespmem:s29+$0xD0] =	vst v28;
	v28 =	vmul.f32 v30, v26  }
0x2e7: {  	v30 =	vmul.f32 v33, v23;
	v33 =	vld [tilespmem:s16+$0xD0];
	[tilespmem:s29+$0x160] =	vst v27  }
0x2e8: {  	v27 =	vmul.f32 v31, v19;
	v31 =	vld [tilespmem:s16+$0x150];
	[tilespmem:s29+$0x210] =	vst v28  }
0x2e9: {  	[tilespmem:s29+$0xFFFFFE10] =	vst v30;
	v28 =	vmul.f32 v32, v20;
	v30 =	vld [tilespmem:s16+$0x1F0]  }
0x2ea: {  	v32 =	vld [tilespmem:s16+$0xFFFFFE60];
	[tilespmem:s29+$0xFFFFFEA0] =	vst v27;
	v27 =	vmul.f32 v34, v21  }
0x2eb: {  	v34 =	vld [tilespmem:s16+$0xFFFFFEE0];
	[tilespmem:s29+$0xFFFFFF30] =	vst v28;
	v28 =	vmul.f32 v29, v22  }
0x2ec: {  	v29 =	vld [tilespmem:s16+$0xFFFFFF60];
	[tilespmem:s29+$0xFFFFFFC0] =	vst v27;
	v27 =	vmul.f32 v33, v17  }
0x2ed: {  	v33 =	vld [tilespmem:s16+$0xFFFFFFE0];
	[tilespmem:s29+$0x50] =	vst v28;
	v28 =	vmul.f32 v31, v24  }
0x2ee: {  	v35 =	vld [tilespmem:s16+$0x60];
	[tilespmem:s29+$0xE0] =	vst v27;
	v26 =	vmul.f32 v30, v26  }
0x2ef: {  	v27 =	vmul.f32 v32, v23;
	v32 =	vld [tilespmem:s16+$0xE0];
	[tilespmem:s29+$0x170] =	vst v28  }
0x2f0: {  	v28 =	vmul.f32 v34, v19;
	v34 =	vld [tilespmem:s16+$0x160];
	[tilespmem:s29+$0x220] =	vst v26  }
0x2f1: {  	[tilespmem:s29+$0xFFFFFE20] =	vst v27;
	v26 =	vmul.f32 v29, v20;
	v36 =	vld [tilespmem:s1+$0x170];
	s1 =	smov.u32 s16  }
.Ltmp2:
0x2f2: {  	v30 =	vld [tilespmem:s16+$0xFFFFFE70];
	[tilespmem:s29+$0xFFFFFEB0] =	vst v28;
	v28 =	vmul.f32 v33, v21;
	(pc) =	sbr.rel @p0 .LBB2_7-.Ltmp2, $4  }
0x2f3: {  	v31 =	vld [tilespmem:s16+$0xFFFFFEF0];
	[tilespmem:s29+$0xFFFFFF40] =	vst v26;
	v26 =	vmul.f32 v35, v22  }
0x2f4: {  	v27 =	vld [tilespmem:s16+$0xFFFFFF70];
	[tilespmem:s29+$0xFFFFFFD0] =	vst v28;
	v28 =	vmul.f32 v32, v17  }
0x2f5: {  	v29 =	vld [tilespmem:s16+$0xFFFFFFF0];
	[tilespmem:s29+$0x60] =	vst v26;
	v33 =	vmul.f32 v34, v24  }
0x2f6: {  	s29 =	sadd.s32 $0x480, s29;
	v32 =	vld [tilespmem:s16+$0x70];
	[tilespmem:s23+$0xF0] =	vst v28;
	v28 =	vmul.f32 v36, v18;
	v18 =	vmov v24  }
0x2f7: {  	[tilespmem:s23+$0x180] =	vst v33  }
0x2f8: {  	v23 =	vmul.f32 v30, v23;
	[tilespmem:s30+$0x100] =	vst v25;
	v24 =	vld [tilespmem:s1+$0xF0]  }
0x2f9: {  	v19 =	vmul.f32 v31, v19;
	v62 =	vld [tilespmem:s1+$0x170];
	[tilespmem:s30+$0x190] =	vst v28  }
0x2fa: {  	[tilespmem:s23+$0xFFFFFE30] =	vst v23;
	v20 =	vmul.f32 v27, v20  }
0x2fb: {  	[tilespmem:s23+$0xFFFFFEC0] =	vst v19;
	v19 =	vmul.f32 v29, v21  }
0x2fc: {  	[tilespmem:s23+$0xFFFFFF50] =	vst v20;
	v63 =	vmul.f32 v32, v22  }
0x2fd: {  	[tilespmem:s23+$0xFFFFFFE0] =	vst v19;
	v17 =	vmul.f32 v24, v17  }
0x2fe: {  	[tilespmem:s23+$0x70] =	vst v63;
	v18 =	vmul.f32 v62, v18  }
0x2ff: {  	[tilespmem:s23+$0x100] =	vst v17  }
0x300: {  	[tilespmem:s23+$0x190] =	vst v18  }
0x301: {  	[spmem:s12] =	stream.indirect.scatter.add.f32 [tilespmem:s0], [sflag:$0x5], $0x90, s20, s15, $0xb8;
	[tilespmem:$0x1DD80] =	vst v63  }
0x302: {  	s30 =	rddreg [dreg:$0x14]  }
0x303: {  	s1 =	sadd.s32 s10, s30  }
0x304: {  	s10 =	sshll.u32 s1, $0x6  }
0x305: {  	_ =	swait.ge [sflag:s2], $0x2400;
	s10 =	sadd.s32 s14, s10  }
0x306: {  	s31 =	sadd.s32 $0x1, s31;
	[sflag:s2] =	ssyncset.done $0x0;
	s10 =	sshrl.u32 s10, $0x3  }
0x307: {  	p0 =	sne.s32 s31, $0x9D;
	[sflag:s2] =	ssyncadd.s32 $0xFFFFDC00;
	s16 =	sadd.s32 s4, s10  }
0x308: {  	[tilespmem:s15], [sflag:$0x2] =	stream.linear.gather [hbm4b:s16+s3], $0x40, $0x38;
	[tilespmem:$0x1DD80] =	vst v63  }
.Ltmp3:
0x309: {  	_ = 	snop;
	(pc) =	sbr.rel @p0 .LBB2_4-.Ltmp3, $4  }
0x30a: {  	s23 =	simm.s32 $0xC0;
	s1 =	sshll.u32 s1, $0x3;
	s10 =	sadd.s32 s5, s10  }
0x30b: {  	[tilespmem:s23], [sflag:$0x2] =	stream.linear.gather [hbm4b:s10+s3], $0x40, $0x38;
	[tilespmem:$0x1DD80] =	vst v63  }
0x30c: {  	s29 =	smov.u32 s12;
	s1 =	sadd.s32 s6, s1  }
0x30d: {  	[tilespmem:s20], [sflag:$0x2] =	stream.linear.gather [hbm4b:s1+s3], $0x40, $0x38;
	[tilespmem:$0x1DD80] =	vst v63  }
0x30e: {  	_ =	swait.ge [sflag:s21], $0x2000  }
0x30f: {  	[sflag:s21] =	ssyncset.done $0x0  }
0x310: {  	[sflag:s21] =	ssyncadd.s32 $0xFFFFE000  }
0x311: {  	_ =	swait.ge [sflag:s21], $0x400  }
0x312: {  	[sflag:s21] =	ssyncset.done $0x0  }
0x313: {  	[sflag:s21] =	ssyncadd.s32 $0xFFFFFC00  }
0x314: {  	_ =	swait.ge [sflag:s21], $0x400  }
0x315: {  	[sflag:s21] =	ssyncset.done $0x0  }
0x316: {  	[sflag:s21] =	ssyncadd.s32 $0xFFFFFC00  }
0x317: {  	_ =	swait.ge [sflag:s22], $0x40  }
0x318: {  	[sflag:s22] =	ssyncset.done $0x0  }
0x319: {  	[sflag:s22] =	ssyncadd.s32 $0xFFFFFFC0  }
0x31a: {  	_ =	swait.ge [sflag:s22], $0x40  }
0x31b: {  	[sflag:s22] =	ssyncset.done $0x0  }
0x31c: {  	[sflag:s22] =	ssyncadd.s32 $0xFFFFFFC0  }
0x31d: {  	_ =	swait.ge [sflag:s22], $0x40  }
0x31e: {  	[sflag:s22] =	ssyncset.done $0x0  }
0x31f: {  	[sflag:s22] =	ssyncadd.s32 $0xFFFFFFC0  }
0x320: {  	s1 =	stileid.u32;
	[bflag:$0x0] =	sbarrier.arrive $0xFFFF  }
0x321: {  	s1 =	sshll.u32 s1, $0x6;
	s16 =	rddreg [dreg:$0x3]  }
0x322: {  	s1 =	sor.u32 $0x1C05, s1;
	s12 =	rddreg [dreg:$0x15];
	s10 =	sshrl.u32 s16, $0x3  }
0x323: {  	[hbm:s12], [sflag:s1] =	dma.local [spmem:s10], $0x2D00  }
0x324: {  	_ =	swait.ge [sflag:s2], $0x2D00  }
0x325: {  	s30 =	rddreg [dreg:$0x17]  }
0x326: {  	s31 =	rddreg [dreg:$0x16];
	s10 =	sadd.s32 $0x1, s30  }
0x327: {  	p0 =	sne.s32 s10, s31  }
.Ltmp4:
0x328: {  	_ = 	snop;
	(pc) =	sbr.rel @p0 .LBB2_1-.Ltmp4, $3  }
0x329: {  	_ =	sdelay $0x1  }
0x32a: {  	[sflag:s2] =	ssyncset.done $0x0  }
0x32b: {  	[sflag:s2] =	ssyncadd.s32 $0xFFFFD300  }
0x32c: {  	_ =	sfence.sel $0x180000  }
0x32d: {  	[bflag:$0x0] =	sbarrier.arrive $0xFFFF  }
0x32e: {  	_ =	strace $0x90000047  }
0x32f: {  	s0 =	stileid.u32;
	[bflag:$0x2] =	sbarrier.arrive $0xFFFF  }
0x330: {  	p0 =	sne.s32 s0, $0x0;
	s0 =	rddreg [dreg:$0x2]  }
0x331: {  	s0 =	sadd.s32 @!p0 $0x100000, s0  }
0x332: {  	[sflag:s0] =	ssyncadd.tile.s32 @!p0 $0x1;
	_ =	shalt  }
.Lfunc_end2:
_tile_overlayer_lowered:
.L_overlay_start_2:
0x333: {  	(tag) =	ssettag $0x2  }
0x334: {  	s0 =	rddreg [dreg:$0x0];
	s2 =	stileid.u32  }
0x335: {  	s1 =	rddreg [dreg:$0x1];
	p0 =	sne.s32 s2, $0x0  }
0x336: {  	s3 =	rddreg [dreg:$0x2];
	[bflag:$0x3] =	sbarrier.arrive $0xFFFF;
	s2 =	simm.s32 @!p0 $0x1C05  }
0x337: {  	[timem:s3], [sflag:s2] =	dma.local @!p0 [hbm:s0], s1  }
0x338: {  	s0 =	simm.s32 @!p0 $0x5  }
0x339: {  	_ =	swait.ge @!p0 [sflag:s0], s1  }
0x33a: {  	s1 =	ssub.s32 @!p0 $0x0, s1;
	[sflag:s0] =	ssyncset.done @!p0 $0x0  }
0x33b: {  	[sflag:s0] =	ssyncadd.s32 @!p0 s1  }
0x33c: {  	[bflag:$0x3] =	sbarrier.arrive $0xFFFF  }
0x33d: {  	_ =	shalt  }

</sc_bundles>
